<compile_context>
chip_gen: v7x
topology: tpu7x:2x2x1
jax: 0.10.2.dev20260603
libtpu: 0.0.44.dev20260713+nightly
codegen_flags: <defaults>
</compile_context>

<pallas_src>
import functools

import jax
import jax.numpy as jnp
from jax import lax
from jax.experimental import pallas as pl
from jax.experimental.pallas import tpu as pltpu
from jax.experimental.pallas import tpu_sc as plsc

N = 10000
NPAD = 10240
E = 320000
NW = 32
WN = 125
WL = 80
K1 = 5000
K2 = 2500
NPOOL2 = 5120


def _mesh():
    return plsc.VectorSubcoreMesh(core_axis_name="c", subcore_axis_name="s")


_SC_PARAMS = pltpu.CompilerParams(use_tc_tiling_on_sc=False)
_SC_PARAMS_NL = pltpu.CompilerParams(use_tc_tiling_on_sc=False,
                                     needs_layout_passes=False)


@functools.partial(
    pl.kernel,
    out_type=jax.ShapeDtypeStruct((2, NPAD), jnp.float32),
    mesh=_mesh(),
    compiler_params=_SC_PARAMS,
    scratch_types=[
        pltpu.VMEM((WN, WL), jnp.int32),
        pltpu.VMEM((WL,), jnp.float32),
        pltpu.VMEM((NPAD // 16,), jnp.float32),
        pltpu.VMEM_SHARED((NPAD,), jnp.float32),
    ],
)
def _sc_hist(idx_hbm, out_hbm, idx_v, ones_v, z_v, acc_sh):
    c = lax.axis_index("c")
    s = lax.axis_index("s")
    wid = s * 2 + c
    sl = NPAD // 16

    def zbody(i, carry):
        z_v[pl.ds(i * 16, 16)] = jnp.zeros((16,), jnp.float32)
        return carry

    lax.fori_loop(0, sl // 16, zbody, 0)
    for u in range(WL // 16):
        ones_v[pl.ds(u * 16, 16)] = jnp.ones((16,), jnp.float32)
    pltpu.sync_copy(z_v, acc_sh.at[pl.ds(s * sl, sl)])
    plsc.subcore_barrier()

    pltpu.sync_copy(idx_hbm.at[wid], idx_v)

    def body(w, carry):
        pltpu.sync_copy(ones_v, acc_sh.at[idx_v.at[w]], add=True)
        return carry

    lax.fori_loop(0, WN, body, 0)
    plsc.subcore_barrier()
    pltpu.sync_copy(acc_sh.at[pl.ds(s * sl, sl)], out_hbm.at[c, pl.ds(s * sl, sl)])


def _make_msgpass(d_feat, wn, wl):
    @functools.partial(
        pl.kernel,
        out_type=jax.ShapeDtypeStruct((2, NPAD, d_feat), jnp.float32),
        mesh=_mesh(),
        compiler_params=_SC_PARAMS,
        scratch_types=[
            pltpu.VMEM((wn, wl), jnp.int32),
            pltpu.VMEM((wn, wl), jnp.int32),
            pltpu.VMEM((80, d_feat), jnp.float32),
            [pltpu.VMEM((wl, d_feat), jnp.float32) for _ in range(4)],
            pltpu.VMEM_SHARED((NPAD, d_feat), jnp.float32),
            [pltpu.SemaphoreType.DMA for _ in range(4)],
        ],
    )
    def msgpass(y_hbm, src_hbm, dst_hbm, out_hbm, sidx_v, didx_v, zb_v,
                rbufs, acc_sh, sems):
        c = lax.axis_index("c")
        s = lax.axis_index("s")
        wid = s * 2 + c
        rows = NPAD // 16

        def zbody(i, carry):
            for u in range(d_feat // 16):
                zb_v[i, pl.ds(u * 16, 16)] = jnp.zeros((16,), jnp.float32)
            return carry

        lax.fori_loop(0, 80, zbody, 0)
        for t in range(rows // 80):
            pltpu.sync_copy(zb_v, acc_sh.at[pl.ds(s * rows + t * 80, 80)])
        plsc.subcore_barrier()

        pltpu.sync_copy(src_hbm.at[wid], sidx_v)
        pltpu.sync_copy(dst_hbm.at[wid], didx_v)

        nbuf = 4
        dummy = y_hbm.at[pl.ds(0, wl)]
        for b in range(nbuf - 1):
            pltpu.async_copy(y_hbm.at[sidx_v.at[b]], rbufs[b], sems[b])

        def body(k, carry):
            w0 = nbuf * k
            for u in range(nbuf):
                w = w0 + u
                pltpu.make_async_copy(dummy, rbufs[u], sems[u]).wait()
                nxt = w + nbuf - 1
                bn = (u + nbuf - 1) % nbuf

                @pl.when(nxt < wn)
                def _():
                    pltpu.async_copy(y_hbm.at[sidx_v.at[nxt]], rbufs[bn],
                                     sems[bn])

                pltpu.sync_copy(rbufs[u], acc_sh.at[didx_v.at[w]], add=True)
            return carry

        lax.fori_loop(0, wn // nbuf, body, 0)
        for u in range(wn % nbuf):
            w = (wn // nbuf) * nbuf + u
            pltpu.make_async_copy(dummy, rbufs[w % nbuf], sems[w % nbuf]).wait()
            pltpu.sync_copy(rbufs[w % nbuf], acc_sh.at[didx_v.at[w]], add=True)

        plsc.subcore_barrier()
        pltpu.sync_copy(acc_sh.at[pl.ds(s * rows, rows)],
                        out_hbm.at[c, pl.ds(s * rows, rows)])

    return msgpass


_msgpass64_c1 = _make_msgpass(64, WN, WL)
_msgpass64_c2 = _msgpass64_c1


@functools.partial(
    pl.kernel,
    out_type=(
        jax.ShapeDtypeStruct((NPAD, 128), jnp.float32),
        jax.ShapeDtypeStruct((NW, WN, WL), jnp.int32),
        jax.ShapeDtypeStruct((NW, WN, WL), jnp.int32),
        jax.ShapeDtypeStruct((2, NPAD), jnp.float32),
    ),
    mesh=_mesh(),
    compiler_params=_SC_PARAMS_NL,
    scratch_types=[
        pltpu.VMEM((NPAD,), jnp.int32),
        pltpu.VMEM((64,), jnp.int32),
        pltpu.VMEM((64, 128), jnp.float32),
        pltpu.VMEM((WN, WL), jnp.int32),
        pltpu.VMEM((WN, WL), jnp.int32),
        pltpu.VMEM((WN, WL), jnp.int32),
        pltpu.VMEM((WN, WL), jnp.int32),
        pltpu.VMEM((WN, WL), jnp.float32),
        pltpu.VMEM((NPAD // 16,), jnp.float32),
        pltpu.VMEM_SHARED((NPAD,), jnp.float32),
        pltpu.SemaphoreType.DMA,
    ],
)
def _sc_pool1(hs_hbm, rank_hbm, src_hbm, dst_hbm,
              h1_hbm, gs_hbm, gd_hbm, deg2_hbm,
              rank_v, rkw_v, rowbuf_v, sidx_v, didx_v, gsv, gdv, ksv, z_v,
              deg_sh, sem):
    c = lax.axis_index("c")
    s = lax.axis_index("s")
    wid = s * 2 + c
    sl = NPAD // 16

    def zbody(i, carry):
        z_v[pl.ds(i * 16, 16)] = jnp.zeros((16,), jnp.float32)
        return carry

    lax.fori_loop(0, sl // 16, zbody, 0)
    pltpu.sync_copy(z_v, deg_sh.at[pl.ds(s * sl, sl)])
    plsc.subcore_barrier()

    pltpu.sync_copy(rank_hbm, rank_v)
    for w in range(5):
        for u in range(4):
            rkw_v[pl.ds(u * 16, 16)] = rank_v[pl.ds(wid * 320 + w * 64 + u * 16, 16)]
        pltpu.async_copy(hs_hbm.at[pl.ds(wid * 320 + w * 64, 64)], rowbuf_v,
                         sem).wait()
        pltpu.sync_copy(rowbuf_v, h1_hbm.at[rkw_v])

    pltpu.sync_copy(src_hbm.at[wid], sidx_v)
    pltpu.sync_copy(dst_hbm.at[wid], didx_v)

    def body(w, carry):
        for u in range(WL // 16):
            s16 = sidx_v[w, pl.ds(u * 16, 16)]
            d16 = didx_v[w, pl.ds(u * 16, 16)]
            gs16 = plsc.load_gather(rank_v, [s16])
            gd16 = plsc.load_gather(rank_v, [d16])
            ks16 = jnp.where(gs16 < K1, 1.0, 0.0).astype(jnp.float32)
            gsv[w, pl.ds(u * 16, 16)] = gs16
            gdv[w, pl.ds(u * 16, 16)] = gd16
            ksv[w, pl.ds(u * 16, 16)] = ks16
        pltpu.sync_copy(ksv.at[w], deg_sh.at[gdv.at[w]], add=True)
        return carry

    lax.fori_loop(0, WN, body, 0)
    pltpu.sync_copy(gsv, gs_hbm.at[wid])
    pltpu.sync_copy(gdv, gd_hbm.at[wid])
    plsc.subcore_barrier()
    pltpu.sync_copy(deg_sh.at[pl.ds(s * sl, sl)], deg2_hbm.at[c, pl.ds(s * sl, sl)])


@functools.partial(
    pl.kernel,
    out_type=jax.ShapeDtypeStruct((NPOOL2, 64), jnp.float32),
    mesh=_mesh(),
    compiler_params=_SC_PARAMS,
    scratch_types=[
        pltpu.VMEM((5, 32), jnp.int32),
        pltpu.VMEM((32, 64), jnp.float32),
        pltpu.SemaphoreType.DMA,
    ],
)
def _sc_scatter2(q_hbm, rankw_hbm, out_hbm, rkw_v, rowbuf_v, sem):
    c = lax.axis_index("c")
    s = lax.axis_index("s")
    wid = s * 2 + c
    pltpu.sync_copy(rankw_hbm.at[wid], rkw_v)
    for w in range(5):
        pltpu.async_copy(q_hbm.at[pl.ds(wid * 160 + w * 32, 32)], rowbuf_v,
                         sem).wait()
        pltpu.sync_copy(rowbuf_v, out_hbm.at[rkw_v.at[w]])


def _conv1_pre_body(x_ref, w_ref, deg_ref, y_ref, dinv_ref):
    deg = deg_ref[0, :] + deg_ref[1, :] + 1.0
    dinv = lax.rsqrt(deg)
    xw = jnp.dot(x_ref[...], w_ref[...], preferred_element_type=jnp.float32)
    y_ref[...] = xw * dinv[:, None]
    dinv_ref[...] = dinv


def _conv1_pre(xpad, W1p, deg_parts):
    bm = 2048
    return pl.pallas_call(
        _conv1_pre_body,
        out_shape=(
            jax.ShapeDtypeStruct((NPAD, 128), jnp.float32),
            jax.ShapeDtypeStruct((NPAD,), jnp.float32),
        ),
        grid=(NPAD // bm,),
        in_specs=[
            pl.BlockSpec((bm, 128), lambda i: (i, 0)),
            pl.BlockSpec((128, 128), lambda i: (0, 0)),
            pl.BlockSpec((2, bm), lambda i: (0, i)),
        ],
        out_specs=(
            pl.BlockSpec((bm, 128), lambda i: (i, 0)),
            pl.BlockSpec((bm,), lambda i: (i,)),
        ),
    )(xpad, W1p, deg_parts)


def _conv1_post_body(lo_ref, hi_ref, y_ref, dinv_ref, b_ref, p_ref, pn_ref,
                     hs_ref, s_ref):
    bm = hs_ref.shape[0]
    i = pl.program_id(0)
    dinv = dinv_ref[...][:, None]
    b = b_ref[...]
    h_lo = jnp.maximum((lo_ref[0] + lo_ref[1] + y_ref[:, :64]) * dinv + b[:, :64], 0.0)
    h_hi = jnp.maximum((hi_ref[0] + hi_ref[1] + y_ref[:, 64:]) * dinv + b[:, 64:], 0.0)
    pr = p_ref[...] * pn_ref[0, 0]
    raw = (jnp.dot(h_lo, pr[:64, :], preferred_element_type=jnp.float32)
           + jnp.dot(h_hi, pr[64:, :], preferred_element_type=jnp.float32))
    row = i * bm + lax.broadcasted_iota(jnp.int32, (bm, 1), 0)
    s1 = jnp.where(row < N, jnp.tanh(raw), -2.0)
    hs_ref[:, :64] = h_lo * s1
    hs_ref[:, 64:] = h_hi * s1
    s_ref[...] = s1[:, 0]


def _conv1_post(acc_lo, acc_hi, y1, dinv1, b1p, p1c, p1norm_inv):
    bm = 2048
    return pl.pallas_call(
        _conv1_post_body,
        out_shape=(
            jax.ShapeDtypeStruct((NPAD, 128), jnp.float32),
            jax.ShapeDtypeStruct((NPAD,), jnp.float32),
        ),
        grid=(NPAD // bm,),
        in_specs=[
            pl.BlockSpec((2, bm, 64), lambda i: (0, i, 0)),
            pl.BlockSpec((2, bm, 64), lambda i: (0, i, 0)),
            pl.BlockSpec((bm, 128), lambda i: (i, 0)),
            pl.BlockSpec((bm,), lambda i: (i,)),
            pl.BlockSpec((1, 128), lambda i: (0, 0)),
            pl.BlockSpec((128, 1), lambda i: (0, 0)),
            pl.BlockSpec((1, 1), lambda i: (0, 0), memory_space=pltpu.SMEM),
        ],
        out_specs=(
            pl.BlockSpec((bm, 128), lambda i: (i, 0)),
            pl.BlockSpec((bm,), lambda i: (i,)),
        ),
    )(acc_lo, acc_hi, y1, dinv1, b1p, p1c, p1norm_inv)


def _cast_body(a_ref, o_ref):
    o_ref[...] = a_ref[...].astype(jnp.int32)


def _make_rank(n, b):
    def body(si_ref, sj_ref, o1_ref):
        i = pl.program_id(0)
        j = pl.program_id(1)

        @pl.when(j == 0)
        def _():
            o1_ref[...] = jnp.zeros_like(o1_ref)

        @pl.when(j > i)
        def _():
            sic = si_ref[0, :][:, None]
            sjr = sj_ref[0, :][None, :]
            o1_ref[...] += jnp.sum(jnp.where(sjr > sic, 1.0, 0.0), axis=1)

        @pl.when(j < i)
        def _():
            sic = si_ref[0, :][:, None]
            sjr = sj_ref[0, :][None, :]
            o1_ref[...] += jnp.sum(jnp.where(sjr >= sic, 1.0, 0.0), axis=1)

        @pl.when(j == i)
        def _():
            si = si_ref[0, :]
            sic = si[:, None]
            sjr = si[None, :]
            il = lax.broadcasted_iota(jnp.int32, (b, b), 0)
            jl = lax.broadcasted_iota(jnp.int32, (b, b), 1)
            contrib = (sjr > sic) | ((sjr == sic) & (jl < il))
            o1_ref[...] += jnp.sum(jnp.where(contrib, 1.0, 0.0), axis=1)

    def rank(s):
        s2d = s.reshape(1, n)
        o1 = pl.pallas_call(
            body,
            out_shape=jax.ShapeDtypeStruct((n,), jnp.float32),
            grid=(n // b, n // b),
            in_specs=[
                pl.BlockSpec((1, b), lambda i, j: (0, i)),
                pl.BlockSpec((1, b), lambda i, j: (0, j)),
            ],
            out_specs=pl.BlockSpec((b,), lambda i, j: (i,)),
        )(s2d, s2d)
        return pl.pallas_call(
            _cast_body,
            out_shape=jax.ShapeDtypeStruct((n,), jnp.int32),
        )(o1)

    return rank


_rank1 = _make_rank(NPAD, 1024)
_rank2 = _make_rank(NPOOL2, 1024)


def _conv2_pre_body(h1_ref, w_ref, deg_ref, z_ref, dinv_ref):
    bm = z_ref.shape[0]
    i = pl.program_id(0)
    deg = deg_ref[0, :] + deg_ref[1, :] + 1.0
    dinv = lax.rsqrt(deg)
    xw = jnp.dot(h1_ref[...], w_ref[...], preferred_element_type=jnp.float32)
    row = i * bm + lax.broadcasted_iota(jnp.int32, (bm, 1), 0)
    z_ref[...] = jnp.where(row < K1, xw * dinv[:, None], 0.0)
    dinv_ref[...] = dinv


def _conv2_pre(h1full, W2p, deg2_parts):
    bm = 1024
    return pl.pallas_call(
        _conv2_pre_body,
        out_shape=(
            jax.ShapeDtypeStruct((NPAD, 64), jnp.float32),
            jax.ShapeDtypeStruct((NPAD,), jnp.float32),
        ),
        grid=(NPAD // bm,),
        in_specs=[
            pl.BlockSpec((bm, 128), lambda i: (i, 0)),
            pl.BlockSpec((128, 64), lambda i: (0, 0)),
            pl.BlockSpec((2, bm), lambda i: (0, i)),
        ],
        out_specs=(
            pl.BlockSpec((bm, 64), lambda i: (i, 0)),
            pl.BlockSpec((bm,), lambda i: (i,)),
        ),
    )(h1full, W2p, deg2_parts)


def _conv2_post_body(acc_ref, z_ref, dinv_ref, b_ref, p_ref, pn_ref,
                     q_ref, s_ref):
    bm = q_ref.shape[0]
    i = pl.program_id(0)
    dinv = dinv_ref[...][:, None]
    h2 = jnp.maximum((acc_ref[0] + acc_ref[1] + z_ref[...]) * dinv + b_ref[...], 0.0)
    pr = p_ref[...] * pn_ref[0, 0]
    raw = jnp.dot(h2, pr, preferred_element_type=jnp.float32)
    row = i * bm + lax.broadcasted_iota(jnp.int32, (bm, 1), 0)
    s2 = jnp.where(row < K1, jnp.tanh(raw), -2.0)
    v = h2 * s2
    col = lax.broadcasted_iota(jnp.int32, (bm, 64), 1)
    cmask = col < H2_COLS
    m = jnp.max(jnp.where(cmask, v, -1e30), axis=1, keepdims=True)
    e = jnp.where(cmask, jnp.exp(v - m), 0.0)
    q_ref[...] = (v - m) - jnp.log(jnp.sum(e, axis=1, keepdims=True))
    s_ref[...] = s2[:, 0]


H2_COLS = 62


def _conv2_post(acc2, z2, dinv2, b2p, p2c, p2norm_inv):
    bm = 1024
    return pl.pallas_call(
        _conv2_post_body,
        out_shape=(
            jax.ShapeDtypeStruct((NPOOL2, 64), jnp.float32),
            jax.ShapeDtypeStruct((NPOOL2,), jnp.float32),
        ),
        grid=(NPOOL2 // bm,),
        in_specs=[
            pl.BlockSpec((2, bm, 64), lambda i: (0, i, 0)),
            pl.BlockSpec((bm, 64), lambda i: (i, 0)),
            pl.BlockSpec((bm,), lambda i: (i,)),
            pl.BlockSpec((1, 64), lambda i: (0, 0)),
            pl.BlockSpec((64, 1), lambda i: (0, 0)),
            pl.BlockSpec((1, 1), lambda i: (0, 0), memory_space=pltpu.SMEM),
        ],
        out_specs=(
            pl.BlockSpec((bm, 64), lambda i: (i, 0)),
            pl.BlockSpec((bm,), lambda i: (i,)),
        ),
    )(acc2, z2, dinv2, b2p, p2c, p2norm_inv)


def kernel(x, edge_index, W1, b1, p1, W2, b2, p2):
    f32 = jnp.float32
    src, dst = edge_index[0], edge_index[1]
    src_r = src.reshape(NW, WN, WL)
    dst_r = dst.reshape(NW, WN, WL)

    src_c1 = src_r
    dst_c1 = dst_r

    deg1_parts = _sc_hist(dst_r)
    xpad = jnp.pad(x, ((0, NPAD - N), (0, 0)))
    W1p = jnp.pad(W1, ((0, 0), (0, 128 - W1.shape[1])))
    y1, dinv1 = _conv1_pre(xpad, W1p, deg1_parts)
    acc_lo = _msgpass64_c1(y1[:, :64], src_c1, dst_c1)
    acc_hi = _msgpass64_c1(y1[:, 64:], src_c1, dst_c1)

    b1p = jnp.pad(b1, (0, 128 - b1.shape[0])).reshape(1, 128)
    p1c = jnp.pad(p1, (0, 128 - p1.shape[0])).reshape(128, 1)
    p1n = (1.0 / jnp.linalg.norm(p1)).reshape(1, 1)
    hs, s1 = _conv1_post(acc_lo, acc_hi, y1, dinv1, b1p, p1c, p1n)

    rank1 = _rank1(s1)
    h1full, gs_r, gd_r, deg2_parts = _sc_pool1(hs, rank1, src_r, dst_r)

    W2p = jnp.pad(W2, ((0, 2), (0, 64 - W2.shape[1])))
    z2, dinv2 = _conv2_pre(h1full, W2p, deg2_parts)
    acc2 = _msgpass64_c2(z2, gs_r, gd_r)

    b2p = jnp.pad(b2, (0, 64 - b2.shape[0])).reshape(1, 64)
    p2c = jnp.pad(p2, (0, 64 - p2.shape[0])).reshape(64, 1)
    p2n = (1.0 / jnp.linalg.norm(p2)).reshape(1, 1)
    q, s2 = _conv2_post(acc2[:, :NPOOL2], z2[:NPOOL2], dinv2[:NPOOL2],
                        b2p, p2c, p2n)

    rank2 = _rank2(s2)
    rankw2 = rank2.reshape(NW, 5, 32)
    out_full = _sc_scatter2(q, rankw2)
    return out_full[:K2, :H2_COLS]

# --- scband reference (transcript-rebuilt; emitter-appended) ---
"""Pipeline reference for scband-net4-41944650612848 (READ-ONLY COPY).

The authoritative reference and input builder live on the scoring server;
editing this copy changes nothing except your own understanding.
"""

import jax, jax.numpy as jnp
import numpy as np

N_NODES = 10000
N_EDGES = 320000
D_FEAT = 128
H1 = 126
H2 = 62
RATIO = 0.5


def _gcn_conv(x, src, dst, ew, W, b):
    # PyG GCNConv: add self-loops (weight 1), symmetric normalization, linear, scatter-add, bias
    N = x.shape[0]
    xw = x @ W
    loop = jnp.arange(N, dtype=src.dtype)
    s = jnp.concatenate([src, loop])
    d = jnp.concatenate([dst, loop])
    w = jnp.concatenate([ew, jnp.ones((N,), x.dtype)])
    deg = jnp.zeros((N,), x.dtype).at[d].add(w)
    dinv = jnp.where(deg > 0, jax.lax.rsqrt(jnp.where(deg > 0, deg, 1.0)), 0.0)
    norm = dinv[s] * w * dinv[d]
    out = jnp.zeros_like(xw).at[d].add(norm[:, None] * xw[s])
    return out + b


def _topk_pool(x, src, dst, ew, p, ratio):
    # PyG TopKPooling: score = tanh(x @ p / ||p||), keep top ceil(ratio*N) nodes,
    # gate kept features by score, relabel edges; dropped edges get weight 0
    N = x.shape[0]
    k = int(np.ceil(ratio * N))
    score = jnp.tanh((x @ p) / jnp.linalg.norm(p))
    vals, perm = jax.lax.top_k(score, k)
    x_new = x[perm] * vals[:, None]
    mask = jnp.zeros((N,), bool).at[perm].set(True)
    new_id = jnp.zeros((N,), jnp.int32).at[perm].set(jnp.arange(k, dtype=jnp.int32))
    valid = mask[src] & mask[dst]
    new_src = jnp.where(valid, new_id[src], 0)
    new_dst = jnp.where(valid, new_id[dst], 0)
    new_ew = ew * valid.astype(x.dtype)
    return x_new, new_src, new_dst, new_ew


def setup_inputs(seed: int = 0) -> dict:
    key = jax.random.key(seed)
    ks = jax.random.split(key, 8)
    x = jax.random.normal(ks[0], (N_NODES, D_FEAT), jnp.float32)
    edge_index = jax.random.randint(ks[1], (2, N_EDGES), 0, N_NODES, dtype=jnp.int32)
    W1 = jax.random.normal(ks[2], (D_FEAT, H1), jnp.float32) * (1.0 / np.sqrt(D_FEAT))
    b1 = jnp.zeros((H1,), jnp.float32)
    p1 = jax.random.normal(ks[3], (H1,), jnp.float32) * 0.1
    W2 = jax.random.normal(ks[4], (H1, H2), jnp.float32) * (1.0 / np.sqrt(H1))
    b2 = jnp.zeros((H2,), jnp.float32)
    p2 = jax.random.normal(ks[5], (H2,), jnp.float32) * 0.1
    return {"x": x, "edge_index": edge_index, "W1": W1, "b1": b1, "p1": p1, "W2": W2, "b2": b2, "p2": p2}


def reference(x, edge_index, W1, b1, p1, W2, b2, p2):
    src, dst = edge_index[0], edge_index[1]
    ew = jnp.ones((src.shape[0],), x.dtype)
    h = jax.nn.relu(_gcn_conv(x, src, dst, ew, W1, b1))
    h, src, dst, ew = _topk_pool(h, src, dst, ew, p1, RATIO)
    h = jax.nn.relu(_gcn_conv(h, src, dst, ew, W2, b2))
    h, src, dst, ew = _topk_pool(h, src, dst, ew, p2, RATIO)
    return jax.nn.log_softmax(h, axis=1)

if __name__ == "__main__":
    import jax
    _d = setup_inputs()
    print(jax.jit(kernel)(*tuple(_d.values())))

</pallas_src>

<mosaic_0001>
#map = affine_map<(d0, d1) -> (0, 0, 0)>
#map1 = affine_map<(d0, d1) -> (0, 0)>
module attributes {stable_mosaic.version = 14 : i64} {
  func.func @_sc_hist(%arg0: i32, %arg1: i32, %arg2: memref<32x125x80xi32, #tpu.memory_space<hbm>>, %arg3: memref<2x10240xf32, #tpu.memory_space<hbm>>, %arg4: memref<125x80xi32, #tpu.memory_space<vmem>>, %arg5: memref<80xf32, #tpu.memory_space<vmem>>, %arg6: memref<640xf32, #tpu.memory_space<vmem>>, %arg7: memref<10240xf32, #tpu.memory_space<vmem_shared>>) attributes {dimension_semantics = [#tpu.dimension_semantics<core_parallel>, #tpu.dimension_semantics<subcore_parallel>], iteration_bounds = array<i64: 2, 16>, scalar_prefetch = 0 : i64, scratch_operands = 4 : i64, tpu.core_type = #tpu.core_type<sc_vector_subcore>, window_params = [{transform_indices = #map}, {transform_indices = #map1}]} {
    %mul3A = arith.constant 2 : i32
    %mul3A_0 = arith.muli %arg1, %mul3A : i32
    %add3A = arith.addi %mul3A_0, %arg0 : i32
    %scan3A = arith.constant 0 : i32
    %scan3A_1 = arith.constant 0 : i32
    %scan3A_2 = arith.constant 40 : i32
    %scan3A_3 = arith.addi %scan3A_1, %scan3A_2 : i32
    %scan3A_4 = arith.constant 1 : i32
    scf.for %scan3A_47 = %scan3A_1 to %scan3A_3 step %scan3A_4  : i32 {
      %broadcast_in_dim3A_48 = arith.constant 0.000000e+00 : f32
      %broadcast_in_dim3A_49 = vector.broadcast %broadcast_in_dim3A_48 : f32 to vector<16xf32>
      %mul3A_50 = arith.constant 16 : i32
      %mul3A_51 = arith.muli %scan3A_47, %mul3A_50 : i32
      %swap3A_52 = arith.index_cast %mul3A_51 : i32 to index
      %swap3A_53 = tpu.vector_load %arg6[%swap3A_52] {strides = array<i32>} : memref<640xf32, #tpu.memory_space<vmem>>, vector<16xf32>,
      %swap3A_54 = vector.shape_cast %swap3A_53 : vector<16xf32> to vector<16xf32>
      %swap3A_55 = vector.shape_cast %broadcast_in_dim3A_49 : vector<16xf32> to vector<16xf32>
      tpu.vector_store %arg6[%swap3A_52], %swap3A_55 {strides = array<i32>} : memref<640xf32, #tpu.memory_space<vmem>>, vector<16xf32>,
    }
    %scan3A_5 = arith.constant 40 : i32
    %broadcast_in_dim3A = arith.constant 1.000000e+00 : f32
    %broadcast_in_dim3A_6 = vector.broadcast %broadcast_in_dim3A : f32 to vector<16xf32>
    %swap3A = arith.constant 0 : index
    %swap3A_7 = tpu.vector_load %arg5[%swap3A] {strides = array<i32>} : memref<80xf32, #tpu.memory_space<vmem>>, vector<16xf32>,
    %swap3A_8 = vector.shape_cast %swap3A_7 : vector<16xf32> to vector<16xf32>
    %swap3A_9 = vector.shape_cast %broadcast_in_dim3A_6 : vector<16xf32> to vector<16xf32>
    tpu.vector_store %arg5[%swap3A], %swap3A_9 {strides = array<i32>} : memref<80xf32, #tpu.memory_space<vmem>>, vector<16xf32>,
    %broadcast_in_dim3A_10 = arith.constant 1.000000e+00 : f32
    %broadcast_in_dim3A_11 = vector.broadcast %broadcast_in_dim3A_10 : f32 to vector<16xf32>
    %swap3A_12 = arith.constant 16 : index
    %swap3A_13 = tpu.vector_load %arg5[%swap3A_12] {strides = array<i32>} : memref<80xf32, #tpu.memory_space<vmem>>, vector<16xf32>,
    %swap3A_14 = vector.shape_cast %swap3A_13 : vector<16xf32> to vector<16xf32>
    %swap3A_15 = vector.shape_cast %broadcast_in_dim3A_11 : vector<16xf32> to vector<16xf32>
    tpu.vector_store %arg5[%swap3A_12], %swap3A_15 {strides = array<i32>} : memref<80xf32, #tpu.memory_space<vmem>>, vector<16xf32>,
    %broadcast_in_dim3A_16 = arith.constant 1.000000e+00 : f32
    %broadcast_in_dim3A_17 = vector.broadcast %broadcast_in_dim3A_16 : f32 to vector<16xf32>
    %swap3A_18 = arith.constant 32 : index
    %swap3A_19 = tpu.vector_load %arg5[%swap3A_18] {strides = array<i32>} : memref<80xf32, #tpu.memory_space<vmem>>, vector<16xf32>,
    %swap3A_20 = vector.shape_cast %swap3A_19 : vector<16xf32> to vector<16xf32>
    %swap3A_21 = vector.shape_cast %broadcast_in_dim3A_17 : vector<16xf32> to vector<16xf32>
    tpu.vector_store %arg5[%swap3A_18], %swap3A_21 {strides = array<i32>} : memref<80xf32, #tpu.memory_space<vmem>>, vector<16xf32>,
    %broadcast_in_dim3A_22 = arith.constant 1.000000e+00 : f32
    %broadcast_in_dim3A_23 = vector.broadcast %broadcast_in_dim3A_22 : f32 to vector<16xf32>
    %swap3A_24 = arith.constant 48 : index
    %swap3A_25 = tpu.vector_load %arg5[%swap3A_24] {strides = array<i32>} : memref<80xf32, #tpu.memory_space<vmem>>, vector<16xf32>,
    %swap3A_26 = vector.shape_cast %swap3A_25 : vector<16xf32> to vector<16xf32>
    %swap3A_27 = vector.shape_cast %broadcast_in_dim3A_23 : vector<16xf32> to vector<16xf32>
    tpu.vector_store %arg5[%swap3A_24], %swap3A_27 {strides = array<i32>} : memref<80xf32, #tpu.memory_space<vmem>>, vector<16xf32>,
    %broadcast_in_dim3A_28 = arith.constant 1.000000e+00 : f32
    %broadcast_in_dim3A_29 = vector.broadcast %broadcast_in_dim3A_28 : f32 to vector<16xf32>
    %swap3A_30 = arith.constant 64 : index
    %swap3A_31 = tpu.vector_load %arg5[%swap3A_30] {strides = array<i32>} : memref<80xf32, #tpu.memory_space<vmem>>, vector<16xf32>,
    %swap3A_32 = vector.shape_cast %swap3A_31 : vector<16xf32> to vector<16xf32>
    %swap3A_33 = vector.shape_cast %broadcast_in_dim3A_29 : vector<16xf32> to vector<16xf32>
    tpu.vector_store %arg5[%swap3A_30], %swap3A_33 {strides = array<i32>} : memref<80xf32, #tpu.memory_space<vmem>>, vector<16xf32>,
    %mul3A_34 = arith.constant 640 : i32
    %mul3A_35 = arith.muli %arg1, %mul3A_34 : i32
    "tpu.region"() ({
      %run_scoped3A = tpu.sem_alloc : memref<!tpu.dma_semaphore, #tpu.memory_space<semaphore_mem>>
      %dma_start3A = tpu.memref_slice %arg7[%mul3A_35] : memref<10240xf32, #tpu.memory_space<vmem_shared>> -> memref<640xf32, #tpu.memory_space<vmem_shared>>
      %dma_start3A_47 = tpu.memref_slice %arg7[%mul3A_35] : memref<10240xf32, #tpu.memory_space<vmem_shared>> -> memref<640xf32, #tpu.memory_space<vmem_shared>>
      tpu.enqueue_dma source(%arg6 : memref<640xf32, #tpu.memory_space<vmem>>) target(%dma_start3A_47 : memref<640xf32, #tpu.memory_space<vmem_shared>>) target_semaphore(%run_scoped3A : memref<!tpu.dma_semaphore, #tpu.memory_space<semaphore_mem>>)
      %dma_wait3A = tpu.memref_slice %arg7[%mul3A_35] : memref<10240xf32, #tpu.memory_space<vmem_shared>> -> memref<640xf32, #tpu.memory_space<vmem_shared>>
      %dma_wait3A_48 = tpu.memref_slice %arg7[%mul3A_35] : memref<10240xf32, #tpu.memory_space<vmem_shared>> -> memref<640xf32, #tpu.memory_space<vmem_shared>>
      tpu.wait_dma2 semaphore(%run_scoped3A : memref<!tpu.dma_semaphore, #tpu.memory_space<semaphore_mem>>) src(%arg6 : memref<640xf32, #tpu.memory_space<vmem>>) dst(%dma_wait3A_48 : memref<640xf32, #tpu.memory_space<vmem_shared>>)
      tpu.yield
    }) : () -> ()
    %barrier3A = arith.constant 0 : index
    tpu.barrier barrier_id(%barrier3A)
    "tpu.region"() ({
      %run_scoped3A = tpu.sem_alloc : memref<!tpu.dma_semaphore, #tpu.memory_space<semaphore_mem>>
      %dma_start3A = arith.constant 0 : i32
      %dma_start3A_47 = arith.constant 0 : i32
      %dma_start3A_48 = tpu.memref_slice %arg2[%add3A, %dma_start3A, %dma_start3A_47] : memref<32x125x80xi32, #tpu.memory_space<hbm>> -> memref<1x125x80xi32, #tpu.memory_space<hbm>>
      %dma_start3A_49 = tpu.memref_squeeze %dma_start3A_48 : memref<1x125x80xi32, #tpu.memory_space<hbm>> -> memref<125x80xi32, #tpu.memory_space<hbm>>
      %dma_start3A_50 = arith.constant 0 : i32
      %dma_start3A_51 = arith.constant 0 : i32
      %dma_start3A_52 = tpu.memref_slice %arg2[%add3A, %dma_start3A_50, %dma_start3A_51] : memref<32x125x80xi32, #tpu.memory_space<hbm>> -> memref<1x125x80xi32, #tpu.memory_space<hbm>>
      %dma_start3A_53 = tpu.memref_squeeze %dma_start3A_52 : memref<1x125x80xi32, #tpu.memory_space<hbm>> -> memref<125x80xi32, #tpu.memory_space<hbm>>
      tpu.enqueue_dma source(%dma_start3A_53 : memref<125x80xi32, #tpu.memory_space<hbm>>) target(%arg4 : memref<125x80xi32, #tpu.memory_space<vmem>>) target_semaphore(%run_scoped3A : memref<!tpu.dma_semaphore, #tpu.memory_space<semaphore_mem>>)
      %dma_wait3A = arith.constant 0 : i32
      %dma_wait3A_54 = arith.constant 0 : i32
      %dma_wait3A_55 = tpu.memref_slice %arg2[%add3A, %dma_wait3A, %dma_wait3A_54] : memref<32x125x80xi32, #tpu.memory_space<hbm>> -> memref<1x125x80xi32, #tpu.memory_space<hbm>>
      %dma_wait3A_56 = tpu.memref_squeeze %dma_wait3A_55 : memref<1x125x80xi32, #tpu.memory_space<hbm>> -> memref<125x80xi32, #tpu.memory_space<hbm>>
      %dma_wait3A_57 = arith.constant 0 : i32
      %dma_wait3A_58 = arith.constant 0 : i32
      %dma_wait3A_59 = tpu.memref_slice %arg2[%add3A, %dma_wait3A_57, %dma_wait3A_58] : memref<32x125x80xi32, #tpu.memory_space<hbm>> -> memref<1x125x80xi32, #tpu.memory_space<hbm>>
      %dma_wait3A_60 = tpu.memref_squeeze %dma_wait3A_59 : memref<1x125x80xi32, #tpu.memory_space<hbm>> -> memref<125x80xi32, #tpu.memory_space<hbm>>
      tpu.wait_dma2 semaphore(%run_scoped3A : memref<!tpu.dma_semaphore, #tpu.memory_space<semaphore_mem>>) src(%dma_wait3A_60 : memref<125x80xi32, #tpu.memory_space<hbm>>) dst(%arg4 : memref<125x80xi32, #tpu.memory_space<vmem>>)
      tpu.yield
    }) : () -> ()
    %scan3A_36 = arith.constant 0 : i32
    %scan3A_37 = arith.constant 0 : i32
    %scan3A_38 = arith.constant 125 : i32
    %scan3A_39 = arith.addi %scan3A_37, %scan3A_38 : i32
    %scan3A_40 = arith.constant 1 : i32
    scf.for %scan3A_47 = %scan3A_37 to %scan3A_39 step %scan3A_40  : i32 {
      "tpu.region"() ({
        %run_scoped3A = tpu.sem_alloc : memref<!tpu.dma_semaphore, #tpu.memory_space<semaphore_mem>>
        %dma_start3A = arith.constant 0 : i32
        %dma_start3A_48 = tpu.memref_slice %arg4[%scan3A_47, %dma_start3A] : memref<125x80xi32, #tpu.memory_space<vmem>> -> memref<1x80xi32, #tpu.memory_space<vmem>>
        %dma_start3A_49 = tpu.memref_squeeze %dma_start3A_48 : memref<1x80xi32, #tpu.memory_space<vmem>> -> memref<80xi32, #tpu.memory_space<vmem>>
        %dma_start3A_50 = arith.constant 0 : i32
        %dma_start3A_51 = tpu.memref_slice %arg7[%dma_start3A_50] : memref<10240xf32, #tpu.memory_space<vmem_shared>> -> memref<10240xf32, #tpu.memory_space<vmem_shared>>
        tpu.enqueue_indirect_dma source(%arg5 : memref<80xf32, #tpu.memory_space<vmem>>) target(%dma_start3A_51 : memref<10240xf32, #tpu.memory_space<vmem_shared>>) offsets(%dma_start3A_49 : memref<80xi32, #tpu.memory_space<vmem>>) semaphore(%run_scoped3A : memref<!tpu.dma_semaphore, #tpu.memory_space<semaphore_mem>>) {add = true}
        %dma_wait3A = arith.constant 0 : i32
        %dma_wait3A_52 = tpu.memref_slice %arg4[%scan3A_47, %dma_wait3A] : memref<125x80xi32, #tpu.memory_space<vmem>> -> memref<1x80xi32, #tpu.memory_space<vmem>>
        %dma_wait3A_53 = tpu.memref_squeeze %dma_wait3A_52 : memref<1x80xi32, #tpu.memory_space<vmem>> -> memref<80xi32, #tpu.memory_space<vmem>>
        %dma_wait3A_54 = arith.constant 0 : i32
        %dma_wait3A_55 = tpu.memref_slice %arg7[%dma_wait3A_54] : memref<10240xf32, #tpu.memory_space<vmem_shared>> -> memref<10240xf32, #tpu.memory_space<vmem_shared>>
        tpu.wait_indirect_dma semaphore(%run_scoped3A : memref<!tpu.dma_semaphore, #tpu.memory_space<semaphore_mem>>) src(%arg5 : memref<80xf32, #tpu.memory_space<vmem>>) dst(%dma_wait3A_55 : memref<10240xf32, #tpu.memory_space<vmem_shared>>)
        tpu.yield
      }) : () -> ()
    }
    %scan3A_41 = arith.constant 125 : i32
    %barrier3A_42 = arith.constant 0 : index
    tpu.barrier barrier_id(%barrier3A_42)
    %mul3A_43 = arith.constant 640 : i32
    %mul3A_44 = arith.muli %arg1, %mul3A_43 : i32
    %mul3A_45 = arith.constant 640 : i32
    %mul3A_46 = arith.muli %arg1, %mul3A_45 : i32
    "tpu.region"() ({
      %run_scoped3A = tpu.sem_alloc : memref<!tpu.dma_semaphore, #tpu.memory_space<semaphore_mem>>
      %dma_start3A = tpu.memref_slice %arg3[%arg0, %mul3A_46] : memref<2x10240xf32, #tpu.memory_space<hbm>> -> memref<1x640xf32, #tpu.memory_space<hbm>>
      %dma_start3A_47 = tpu.memref_squeeze %dma_start3A : memref<1x640xf32, #tpu.memory_space<hbm>> -> memref<640xf32, #tpu.memory_space<hbm>>
      %dma_start3A_48 = tpu.memref_slice %arg7[%mul3A_44] : memref<10240xf32, #tpu.memory_space<vmem_shared>> -> memref<640xf32, #tpu.memory_space<vmem_shared>>
      tpu.enqueue_dma source(%dma_start3A_48 : memref<640xf32, #tpu.memory_space<vmem_shared>>) target(%dma_start3A_47 : memref<640xf32, #tpu.memory_space<hbm>>) target_semaphore(%run_scoped3A : memref<!tpu.dma_semaphore, #tpu.memory_space<semaphore_mem>>)
      %dma_wait3A = tpu.memref_slice %arg3[%arg0, %mul3A_46] : memref<2x10240xf32, #tpu.memory_space<hbm>> -> memref<1x640xf32, #tpu.memory_space<hbm>>
      %dma_wait3A_49 = tpu.memref_squeeze %dma_wait3A : memref<1x640xf32, #tpu.memory_space<hbm>> -> memref<640xf32, #tpu.memory_space<hbm>>
      %dma_wait3A_50 = tpu.memref_slice %arg7[%mul3A_44] : memref<10240xf32, #tpu.memory_space<vmem_shared>> -> memref<640xf32, #tpu.memory_space<vmem_shared>>
      tpu.wait_dma2 semaphore(%run_scoped3A : memref<!tpu.dma_semaphore, #tpu.memory_space<semaphore_mem>>) src(%dma_wait3A_50 : memref<640xf32, #tpu.memory_space<vmem_shared>>) dst(%dma_wait3A_49 : memref<640xf32, #tpu.memory_space<hbm>>)
      tpu.yield
    }) : () -> ()
    return
  }
}

#map = affine_map<(d0, d1) -> (0, 0)>
#map1 = affine_map<(d0, d1) -> (0)>
#map2 = affine_map<(d0, d1) -> (0, 0, 0)>
module attributes {stable_mosaic.version = 14 : i64} {
  func.func @_sc_pool1(%arg0: i32, %arg1: i32, %arg2: memref<10240x128xf32, #tpu.memory_space<hbm>>, %arg3: memref<10240xi32, #tpu.memory_space<hbm>>, %arg4: memref<32x125x80xi32, #tpu.memory_space<hbm>>, %arg5: memref<32x125x80xi32, #tpu.memory_space<hbm>>, %arg6: memref<10240x128xf32, #tpu.memory_space<hbm>>, %arg7: memref<32x125x80xi32, #tpu.memory_space<hbm>>, %arg8: memref<32x125x80xi32, #tpu.memory_space<hbm>>, %arg9: memref<2x10240xf32, #tpu.memory_space<hbm>>, %arg10: memref<10240xi32, #tpu.memory_space<vmem>>, %arg11: memref<64xi32, #tpu.memory_space<vmem>>, %arg12: memref<64x128xf32, #tpu.memory_space<vmem>>, %arg13: memref<125x80xi32, #tpu.memory_space<vmem>>, %arg14: memref<125x80xi32, #tpu.memory_space<vmem>>, %arg15: memref<125x80xi32, #tpu.memory_space<vmem>>, %arg16: memref<125x80xi32, #tpu.memory_space<vmem>>, %arg17: memref<125x80xf32, #tpu.memory_space<vmem>>, %arg18: memref<640xf32, #tpu.memory_space<vmem>>, %arg19: memref<10240xf32, #tpu.memory_space<vmem_shared>>, %arg20: memref<!tpu.dma_semaphore, #tpu.memory_space<semaphore_mem>>) attributes {dimension_semantics = [#tpu.dimension_semantics<core_parallel>, #tpu.dimension_semantics<subcore_parallel>], iteration_bounds = array<i64: 2, 16>, scalar_prefetch = 0 : i64, scratch_operands = 11 : i64, tpu.core_type = #tpu.core_type<sc_vector_subcore>, window_params = [{transform_indices = #map}, {transform_indices = #map1}, {transform_indices = #map2}, {transform_indices = #map2}, {transform_indices = #map}, {transform_indices = #map2}, {transform_indices = #map2}, {transform_indices = #map}]} {
    %mul3A = arith.constant 2 : i32
    %mul3A_0 = arith.muli %arg1, %mul3A : i32
    %add3A = arith.addi %mul3A_0, %arg0 : i32
    %scan3A = arith.constant 0 : i32
    %scan3A_1 = arith.constant 0 : i32
    %scan3A_2 = arith.constant 40 : i32
    %scan3A_3 = arith.addi %scan3A_1, %scan3A_2 : i32
    %scan3A_4 = arith.constant 1 : i32
    scf.for %scan3A_275 = %scan3A_1 to %scan3A_3 step %scan3A_4  : i32 {
      %broadcast_in_dim3A = arith.constant 0.000000e+00 : f32
      %broadcast_in_dim3A_276 = vector.broadcast %broadcast_in_dim3A : f32 to vector<16xf32>
      %mul3A_277 = arith.constant 16 : i32
      %mul3A_278 = arith.muli %scan3A_275, %mul3A_277 : i32
      %swap3A_279 = arith.index_cast %mul3A_278 : i32 to index
      %swap3A_280 = tpu.vector_load %arg18[%swap3A_279] {strides = array<i32>} : memref<640xf32, #tpu.memory_space<vmem>>, vector<16xf32>,
      %swap3A_281 = vector.shape_cast %swap3A_280 : vector<16xf32> to vector<16xf32>
      %swap3A_282 = vector.shape_cast %broadcast_in_dim3A_276 : vector<16xf32> to vector<16xf32>
      tpu.vector_store %arg18[%swap3A_279], %swap3A_282 {strides = array<i32>} : memref<640xf32, #tpu.memory_space<vmem>>, vector<16xf32>,
    }
    %scan3A_5 = arith.constant 40 : i32
    %mul3A_6 = arith.constant 640 : i32
    %mul3A_7 = arith.muli %arg1, %mul3A_6 : i32
    "tpu.region"() ({
      %run_scoped3A = tpu.sem_alloc : memref<!tpu.dma_semaphore, #tpu.memory_space<semaphore_mem>>
      %dma_start3A_275 = tpu.memref_slice %arg19[%mul3A_7] : memref<10240xf32, #tpu.memory_space<vmem_shared>> -> memref<640xf32, #tpu.memory_space<vmem_shared>>
      %dma_start3A_276 = tpu.memref_slice %arg19[%mul3A_7] : memref<10240xf32, #tpu.memory_space<vmem_shared>> -> memref<640xf32, #tpu.memory_space<vmem_shared>>
      tpu.enqueue_dma source(%arg18 : memref<640xf32, #tpu.memory_space<vmem>>) target(%dma_start3A_276 : memref<640xf32, #tpu.memory_space<vmem_shared>>) target_semaphore(%run_scoped3A : memref<!tpu.dma_semaphore, #tpu.memory_space<semaphore_mem>>)
      %dma_wait3A_277 = tpu.memref_slice %arg19[%mul3A_7] : memref<10240xf32, #tpu.memory_space<vmem_shared>> -> memref<640xf32, #tpu.memory_space<vmem_shared>>
      %dma_wait3A_278 = tpu.memref_slice %arg19[%mul3A_7] : memref<10240xf32, #tpu.memory_space<vmem_shared>> -> memref<640xf32, #tpu.memory_space<vmem_shared>>
      tpu.wait_dma2 semaphore(%run_scoped3A : memref<!tpu.dma_semaphore, #tpu.memory_space<semaphore_mem>>) src(%arg18 : memref<640xf32, #tpu.memory_space<vmem>>) dst(%dma_wait3A_278 : memref<640xf32, #tpu.memory_space<vmem_shared>>)
      tpu.yield
    }) : () -> ()
    %barrier3A = arith.constant 0 : index
    tpu.barrier barrier_id(%barrier3A)
    "tpu.region"() ({
      %run_scoped3A = tpu.sem_alloc : memref<!tpu.dma_semaphore, #tpu.memory_space<semaphore_mem>>
      tpu.enqueue_dma source(%arg3 : memref<10240xi32, #tpu.memory_space<hbm>>) target(%arg10 : memref<10240xi32, #tpu.memory_space<vmem>>) target_semaphore(%run_scoped3A : memref<!tpu.dma_semaphore, #tpu.memory_space<semaphore_mem>>)
      tpu.wait_dma2 semaphore(%run_scoped3A : memref<!tpu.dma_semaphore, #tpu.memory_space<semaphore_mem>>) src(%arg3 : memref<10240xi32, #tpu.memory_space<hbm>>) dst(%arg10 : memref<10240xi32, #tpu.memory_space<vmem>>)
      tpu.yield
    }) : () -> ()
    %mul3A_8 = arith.constant 320 : i32
    %mul3A_9 = arith.muli %add3A, %mul3A_8 : i32
    %add3A_10 = arith.constant 0 : i32
    %add3A_11 = arith.addi %mul3A_9, %add3A_10 : i32
    %add3A_12 = arith.constant 0 : i32
    %add3A_13 = arith.addi %add3A_11, %add3A_12 : i32
    %get3A = arith.index_cast %add3A_13 : i32 to index
    %get3A_14 = tpu.vector_load %arg10[%get3A] {strides = array<i32>} : memref<10240xi32, #tpu.memory_space<vmem>>, vector<16xi32>,
    %swap3A = arith.constant 0 : index
    %swap3A_15 = tpu.vector_load %arg11[%swap3A] {strides = array<i32>} : memref<64xi32, #tpu.memory_space<vmem>>, vector<16xi32>,
    tpu.vector_store %arg11[%swap3A], %get3A_14 {strides = array<i32>} : memref<64xi32, #tpu.memory_space<vmem>>, vector<16xi32>,
    %mul3A_16 = arith.constant 320 : i32
    %mul3A_17 = arith.muli %add3A, %mul3A_16 : i32
    %add3A_18 = arith.constant 0 : i32
    %add3A_19 = arith.addi %mul3A_17, %add3A_18 : i32
    %add3A_20 = arith.constant 16 : i32
    %add3A_21 = arith.addi %add3A_19, %add3A_20 : i32
    %get3A_22 = arith.index_cast %add3A_21 : i32 to index
    %get3A_23 = tpu.vector_load %arg10[%get3A_22] {strides = array<i32>} : memref<10240xi32, #tpu.memory_space<vmem>>, vector<16xi32>,
    %swap3A_24 = arith.constant 16 : index
    %swap3A_25 = tpu.vector_load %arg11[%swap3A_24] {strides = array<i32>} : memref<64xi32, #tpu.memory_space<vmem>>, vector<16xi32>,
    tpu.vector_store %arg11[%swap3A_24], %get3A_23 {strides = array<i32>} : memref<64xi32, #tpu.memory_space<vmem>>, vector<16xi32>,
    %mul3A_26 = arith.constant 320 : i32
    %mul3A_27 = arith.muli %add3A, %mul3A_26 : i32
    %add3A_28 = arith.constant 0 : i32
    %add3A_29 = arith.addi %mul3A_27, %add3A_28 : i32
    %add3A_30 = arith.constant 32 : i32
    %add3A_31 = arith.addi %add3A_29, %add3A_30 : i32
    %get3A_32 = arith.index_cast %add3A_31 : i32 to index
    %get3A_33 = tpu.vector_load %arg10[%get3A_32] {strides = array<i32>} : memref<10240xi32, #tpu.memory_space<vmem>>, vector<16xi32>,
    %swap3A_34 = arith.constant 32 : index
    %swap3A_35 = tpu.vector_load %arg11[%swap3A_34] {strides = array<i32>} : memref<64xi32, #tpu.memory_space<vmem>>, vector<16xi32>,
    tpu.vector_store %arg11[%swap3A_34], %get3A_33 {strides = array<i32>} : memref<64xi32, #tpu.memory_space<vmem>>, vector<16xi32>,
    %mul3A_36 = arith.constant 320 : i32
    %mul3A_37 = arith.muli %add3A, %mul3A_36 : i32
    %add3A_38 = arith.constant 0 : i32
    %add3A_39 = arith.addi %mul3A_37, %add3A_38 : i32
    %add3A_40 = arith.constant 48 : i32
    %add3A_41 = arith.addi %add3A_39, %add3A_40 : i32
    %get3A_42 = arith.index_cast %add3A_41 : i32 to index
    %get3A_43 = tpu.vector_load %arg10[%get3A_42] {strides = array<i32>} : memref<10240xi32, #tpu.memory_space<vmem>>, vector<16xi32>,
    %swap3A_44 = arith.constant 48 : index
    %swap3A_45 = tpu.vector_load %arg11[%swap3A_44] {strides = array<i32>} : memref<64xi32, #tpu.memory_space<vmem>>, vector<16xi32>,
    tpu.vector_store %arg11[%swap3A_44], %get3A_43 {strides = array<i32>} : memref<64xi32, #tpu.memory_space<vmem>>, vector<16xi32>,
    %mul3A_46 = arith.constant 320 : i32
    %mul3A_47 = arith.muli %add3A, %mul3A_46 : i32
    %add3A_48 = arith.constant 0 : i32
    %add3A_49 = arith.addi %mul3A_47, %add3A_48 : i32
    %dma_start3A = arith.constant 0 : i32
    %dma_start3A_50 = tpu.memref_slice %arg2[%add3A_49, %dma_start3A] : memref<10240x128xf32, #tpu.memory_space<hbm>> -> memref<64x128xf32, #tpu.memory_space<hbm>>
    %dma_start3A_51 = arith.constant 0 : i32
    %dma_start3A_52 = tpu.memref_slice %arg2[%add3A_49, %dma_start3A_51] : memref<10240x128xf32, #tpu.memory_space<hbm>> -> memref<64x128xf32, #tpu.memory_space<hbm>>
    tpu.enqueue_dma source(%dma_start3A_52 : memref<64x128xf32, #tpu.memory_space<hbm>>) target(%arg12 : memref<64x128xf32, #tpu.memory_space<vmem>>) target_semaphore(%arg20 : memref<!tpu.dma_semaphore, #tpu.memory_space<semaphore_mem>>)
    %dma_wait3A = arith.constant 0 : i32
    %dma_wait3A_53 = tpu.memref_slice %arg2[%add3A_49, %dma_wait3A] : memref<10240x128xf32, #tpu.memory_space<hbm>> -> memref<64x128xf32, #tpu.memory_space<hbm>>
    %dma_wait3A_54 = arith.constant 0 : i32
    %dma_wait3A_55 = tpu.memref_slice %arg2[%add3A_49, %dma_wait3A_54] : memref<10240x128xf32, #tpu.memory_space<hbm>> -> memref<64x128xf32, #tpu.memory_space<hbm>>
    tpu.wait_dma2 semaphore(%arg20 : memref<!tpu.dma_semaphore, #tpu.memory_space<semaphore_mem>>) src(%dma_wait3A_55 : memref<64x128xf32, #tpu.memory_space<hbm>>) dst(%arg12 : memref<64x128xf32, #tpu.memory_space<vmem>>)
    "tpu.region"() ({
      %run_scoped3A = tpu.sem_alloc : memref<!tpu.dma_semaphore, #tpu.memory_space<semaphore_mem>>
      %dma_start3A_275 = arith.constant 0 : i32
      %dma_start3A_276 = arith.constant 0 : i32
      %dma_start3A_277 = tpu.memref_slice %arg6[%dma_start3A_275, %dma_start3A_276] : memref<10240x128xf32, #tpu.memory_space<hbm>> -> memref<10240x128xf32, #tpu.memory_space<hbm>>
      tpu.enqueue_indirect_dma source(%arg12 : memref<64x128xf32, #tpu.memory_space<vmem>>) target(%dma_start3A_277 : memref<10240x128xf32, #tpu.memory_space<hbm>>) offsets(%arg11 : memref<64xi32, #tpu.memory_space<vmem>>) semaphore(%run_scoped3A : memref<!tpu.dma_semaphore, #tpu.memory_space<semaphore_mem>>)
      %dma_wait3A_278 = arith.constant 0 : i32
      %dma_wait3A_279 = arith.constant 0 : i32
      %dma_wait3A_280 = tpu.memref_slice %arg6[%dma_wait3A_278, %dma_wait3A_279] : memref<10240x128xf32, #tpu.memory_space<hbm>> -> memref<10240x128xf32, #tpu.memory_space<hbm>>
      tpu.wait_indirect_dma semaphore(%run_scoped3A : memref<!tpu.dma_semaphore, #tpu.memory_space<semaphore_mem>>) src(%arg12 : memref<64x128xf32, #tpu.memory_space<vmem>>) dst(%dma_wait3A_280 : memref<10240x128xf32, #tpu.memory_space<hbm>>)
      tpu.yield
    }) : () -> ()
    %mul3A_56 = arith.constant 320 : i32
    %mul3A_57 = arith.muli %add3A, %mul3A_56 : i32
    %add3A_58 = arith.constant 64 : i32
    %add3A_59 = arith.addi %mul3A_57, %add3A_58 : i32
    %add3A_60 = arith.constant 0 : i32
    %add3A_61 = arith.addi %add3A_59, %add3A_60 : i32
    %get3A_62 = arith.index_cast %add3A_61 : i32 to index
    %get3A_63 = tpu.vector_load %arg10[%get3A_62] {strides = array<i32>} : memref<10240xi32, #tpu.memory_space<vmem>>, vector<16xi32>,
    %swap3A_64 = arith.constant 0 : index
    %swap3A_65 = tpu.vector_load %arg11[%swap3A_64] {strides = array<i32>} : memref<64xi32, #tpu.memory_space<vmem>>, vector<16xi32>,
    tpu.vector_store %arg11[%swap3A_64], %get3A_63 {strides = array<i32>} : memref<64xi32, #tpu.memory_space<vmem>>, vector<16xi32>,
    %mul3A_66 = arith.constant 320 : i32
    %mul3A_67 = arith.muli %add3A, %mul3A_66 : i32
    %add3A_68 = arith.constant 64 : i32
    %add3A_69 = arith.addi %mul3A_67, %add3A_68 : i32
    %add3A_70 = arith.constant 16 : i32
    %add3A_71 = arith.addi %add3A_69, %add3A_70 : i32
    %get3A_72 = arith.index_cast %add3A_71 : i32 to index
    %get3A_73 = tpu.vector_load %arg10[%get3A_72] {strides = array<i32>} : memref<10240xi32, #tpu.memory_space<vmem>>, vector<16xi32>,
    %swap3A_74 = arith.constant 16 : index
    %swap3A_75 = tpu.vector_load %arg11[%swap3A_74] {strides = array<i32>} : memref<64xi32, #tpu.memory_space<vmem>>, vector<16xi32>,
    tpu.vector_store %arg11[%swap3A_74], %get3A_73 {strides = array<i32>} : memref<64xi32, #tpu.memory_space<vmem>>, vector<16xi32>,
    %mul3A_76 = arith.constant 320 : i32
    %mul3A_77 = arith.muli %add3A, %mul3A_76 : i32
    %add3A_78 = arith.constant 64 : i32
    %add3A_79 = arith.addi %mul3A_77, %add3A_78 : i32
    %add3A_80 = arith.constant 32 : i32
    %add3A_81 = arith.addi %add3A_79, %add3A_80 : i32
    %get3A_82 = arith.index_cast %add3A_81 : i32 to index
    %get3A_83 = tpu.vector_load %arg10[%get3A_82] {strides = array<i32>} : memref<10240xi32, #tpu.memory_space<vmem>>, vector<16xi32>,
    %swap3A_84 = arith.constant 32 : index
    %swap3A_85 = tpu.vector_load %arg11[%swap3A_84] {strides = array<i32>} : memref<64xi32, #tpu.memory_space<vmem>>, vector<16xi32>,
    tpu.vector_store %arg11[%swap3A_84], %get3A_83 {strides = array<i32>} : memref<64xi32, #tpu.memory_space<vmem>>, vector<16xi32>,
    %mul3A_86 = arith.constant 320 : i32
    %mul3A_87 = arith.muli %add3A, %mul3A_86 : i32
    %add3A_88 = arith.constant 64 : i32
    %add3A_89 = arith.addi %mul3A_87, %add3A_88 : i32
    %add3A_90 = arith.constant 48 : i32
    %add3A_91 = arith.addi %add3A_89, %add3A_90 : i32
    %get3A_92 = arith.index_cast %add3A_91 : i32 to index
    %get3A_93 = tpu.vector_load %arg10[%get3A_92] {strides = array<i32>} : memref<10240xi32, #tpu.memory_space<vmem>>, vector<16xi32>,
    %swap3A_94 = arith.constant 48 : index
    %swap3A_95 = tpu.vector_load %arg11[%swap3A_94] {strides = array<i32>} : memref<64xi32, #tpu.memory_space<vmem>>, vector<16xi32>,
    tpu.vector_store %arg11[%swap3A_94], %get3A_93 {strides = array<i32>} : memref<64xi32, #tpu.memory_space<vmem>>, vector<16xi32>,
    %mul3A_96 = arith.constant 320 : i32
    %mul3A_97 = arith.muli %add3A, %mul3A_96 : i32
    %add3A_98 = arith.constant 64 : i32
    %add3A_99 = arith.addi %mul3A_97, %add3A_98 : i32
    %dma_start3A_100 = arith.constant 0 : i32
    %dma_start3A_101 = tpu.memref_slice %arg2[%add3A_99, %dma_start3A_100] : memref<10240x128xf32, #tpu.memory_space<hbm>> -> memref<64x128xf32, #tpu.memory_space<hbm>>
    %dma_start3A_102 = arith.constant 0 : i32
    %dma_start3A_103 = tpu.memref_slice %arg2[%add3A_99, %dma_start3A_102] : memref<10240x128xf32, #tpu.memory_space<hbm>> -> memref<64x128xf32, #tpu.memory_space<hbm>>
    tpu.enqueue_dma source(%dma_start3A_103 : memref<64x128xf32, #tpu.memory_space<hbm>>) target(%arg12 : memref<64x128xf32, #tpu.memory_space<vmem>>) target_semaphore(%arg20 : memref<!tpu.dma_semaphore, #tpu.memory_space<semaphore_mem>>)
    %dma_wait3A_104 = arith.constant 0 : i32
    %dma_wait3A_105 = tpu.memref_slice %arg2[%add3A_99, %dma_wait3A_104] : memref<10240x128xf32, #tpu.memory_space<hbm>> -> memref<64x128xf32, #tpu.memory_space<hbm>>
    %dma_wait3A_106 = arith.constant 0 : i32
    %dma_wait3A_107 = tpu.memref_slice %arg2[%add3A_99, %dma_wait3A_106] : memref<10240x128xf32, #tpu.memory_space<hbm>> -> memref<64x128xf32, #tpu.memory_space<hbm>>
    tpu.wait_dma2 semaphore(%arg20 : memref<!tpu.dma_semaphore, #tpu.memory_space<semaphore_mem>>) src(%dma_wait3A_107 : memref<64x128xf32, #tpu.memory_space<hbm>>) dst(%arg12 : memref<64x128xf32, #tpu.memory_space<vmem>>)
    "tpu.region"() ({
      %run_scoped3A = tpu.sem_alloc : memref<!tpu.dma_semaphore, #tpu.memory_space<semaphore_mem>>
      %dma_start3A_275 = arith.constant 0 : i32
      %dma_start3A_276 = arith.constant 0 : i32
      %dma_start3A_277 = tpu.memref_slice %arg6[%dma_start3A_275, %dma_start3A_276] : memref<10240x128xf32, #tpu.memory_space<hbm>> -> memref<10240x128xf32, #tpu.memory_space<hbm>>
      tpu.enqueue_indirect_dma source(%arg12 : memref<64x128xf32, #tpu.memory_space<vmem>>) target(%dma_start3A_277 : memref<10240x128xf32, #tpu.memory_space<hbm>>) offsets(%arg11 : memref<64xi32, #tpu.memory_space<vmem>>) semaphore(%run_scoped3A : memref<!tpu.dma_semaphore, #tpu.memory_space<semaphore_mem>>)
      %dma_wait3A_278 = arith.constant 0 : i32
      %dma_wait3A_279 = arith.constant 0 : i32
      %dma_wait3A_280 = tpu.memref_slice %arg6[%dma_wait3A_278, %dma_wait3A_279] : memref<10240x128xf32, #tpu.memory_space<hbm>> -> memref<10240x128xf32, #tpu.memory_space<hbm>>
      tpu.wait_indirect_dma semaphore(%run_scoped3A : memref<!tpu.dma_semaphore, #tpu.memory_space<semaphore_mem>>) src(%arg12 : memref<64x128xf32, #tpu.memory_space<vmem>>) dst(%dma_wait3A_280 : memref<10240x128xf32, #tpu.memory_space<hbm>>)
      tpu.yield
    }) : () -> ()
    %mul3A_108 = arith.constant 320 : i32
    %mul3A_109 = arith.muli %add3A, %mul3A_108 : i32
    %add3A_110 = arith.constant 128 : i32
    %add3A_111 = arith.addi %mul3A_109, %add3A_110 : i32
    %add3A_112 = arith.constant 0 : i32
    %add3A_113 = arith.addi %add3A_111, %add3A_112 : i32
    %get3A_114 = arith.index_cast %add3A_113 : i32 to index
    %get3A_115 = tpu.vector_load %arg10[%get3A_114] {strides = array<i32>} : memref<10240xi32, #tpu.memory_space<vmem>>, vector<16xi32>,
    %swap3A_116 = arith.constant 0 : index
    %swap3A_117 = tpu.vector_load %arg11[%swap3A_116] {strides = array<i32>} : memref<64xi32, #tpu.memory_space<vmem>>, vector<16xi32>,
    tpu.vector_store %arg11[%swap3A_116], %get3A_115 {strides = array<i32>} : memref<64xi32, #tpu.memory_space<vmem>>, vector<16xi32>,
    %mul3A_118 = arith.constant 320 : i32
    %mul3A_119 = arith.muli %add3A, %mul3A_118 : i32
    %add3A_120 = arith.constant 128 : i32
    %add3A_121 = arith.addi %mul3A_119, %add3A_120 : i32
    %add3A_122 = arith.constant 16 : i32
    %add3A_123 = arith.addi %add3A_121, %add3A_122 : i32
    %get3A_124 = arith.index_cast %add3A_123 : i32 to index
    %get3A_125 = tpu.vector_load %arg10[%get3A_124] {strides = array<i32>} : memref<10240xi32, #tpu.memory_space<vmem>>, vector<16xi32>,
    %swap3A_126 = arith.constant 16 : index
    %swap3A_127 = tpu.vector_load %arg11[%swap3A_126] {strides = array<i32>} : memref<64xi32, #tpu.memory_space<vmem>>, vector<16xi32>,
    tpu.vector_store %arg11[%swap3A_126], %get3A_125 {strides = array<i32>} : memref<64xi32, #tpu.memory_space<vmem>>, vector<16xi32>,
    %mul3A_128 = arith.constant 320 : i32
    %mul3A_129 = arith.muli %add3A, %mul3A_128 : i32
    %add3A_130 = arith.constant 128 : i32
    %add3A_131 = arith.addi %mul3A_129, %add3A_130 : i32
    %add3A_132 = arith.constant 32 : i32
    %add3A_133 = arith.addi %add3A_131, %add3A_132 : i32
    %get3A_134 = arith.index_cast %add3A_133 : i32 to index
    %get3A_135 = tpu.vector_load %arg10[%get3A_134] {strides = array<i32>} : memref<10240xi32, #tpu.memory_space<vmem>>, vector<16xi32>,
    %swap3A_136 = arith.constant 32 : index
    %swap3A_137 = tpu.vector_load %arg11[%swap3A_136] {strides = array<i32>} : memref<64xi32, #tpu.memory_space<vmem>>, vector<16xi32>,
    tpu.vector_store %arg11[%swap3A_136], %get3A_135 {strides = array<i32>} : memref<64xi32, #tpu.memory_space<vmem>>, vector<16xi32>,
    %mul3A_138 = arith.constant 320 : i32
    %mul3A_139 = arith.muli %add3A, %mul3A_138 : i32
    %add3A_140 = arith.constant 128 : i32
    %add3A_141 = arith.addi %mul3A_139, %add3A_140 : i32
    %add3A_142 = arith.constant 48 : i32
    %add3A_143 = arith.addi %add3A_141, %add3A_142 : i32
    %get3A_144 = arith.index_cast %add3A_143 : i32 to index
    %get3A_145 = tpu.vector_load %arg10[%get3A_144] {strides = array<i32>} : memref<10240xi32, #tpu.memory_space<vmem>>, vector<16xi32>,
    %swap3A_146 = arith.constant 48 : index
    %swap3A_147 = tpu.vector_load %arg11[%swap3A_146] {strides = array<i32>} : memref<64xi32, #tpu.memory_space<vmem>>, vector<16xi32>,
    tpu.vector_store %arg11[%swap3A_146], %get3A_145 {strides = array<i32>} : memref<64xi32, #tpu.memory_space<vmem>>, vector<16xi32>,
    %mul3A_148 = arith.constant 320 : i32
    %mul3A_149 = arith.muli %add3A, %mul3A_148 : i32
    %add3A_150 = arith.constant 128 : i32
    %add3A_151 = arith.addi %mul3A_149, %add3A_150 : i32
    %dma_start3A_152 = arith.constant 0 : i32
    %dma_start3A_153 = tpu.memref_slice %arg2[%add3A_151, %dma_start3A_152] : memref<10240x128xf32, #tpu.memory_space<hbm>> -> memref<64x128xf32, #tpu.memory_space<hbm>>
    %dma_start3A_154 = arith.constant 0 : i32
    %dma_start3A_155 = tpu.memref_slice %arg2[%add3A_151, %dma_start3A_154] : memref<10240x128xf32, #tpu.memory_space<hbm>> -> memref<64x128xf32, #tpu.memory_space<hbm>>
    tpu.enqueue_dma source(%dma_start3A_155 : memref<64x128xf32, #tpu.memory_space<hbm>>) target(%arg12 : memref<64x128xf32, #tpu.memory_space<vmem>>) target_semaphore(%arg20 : memref<!tpu.dma_semaphore, #tpu.memory_space<semaphore_mem>>)
    %dma_wait3A_156 = arith.constant 0 : i32
    %dma_wait3A_157 = tpu.memref_slice %arg2[%add3A_151, %dma_wait3A_156] : memref<10240x128xf32, #tpu.memory_space<hbm>> -> memref<64x128xf32, #tpu.memory_space<hbm>>
    %dma_wait3A_158 = arith.constant 0 : i32
    %dma_wait3A_159 = tpu.memref_slice %arg2[%add3A_151, %dma_wait3A_158] : memref<10240x128xf32, #tpu.memory_space<hbm>> -> memref<64x128xf32, #tpu.memory_space<hbm>>
    tpu.wait_dma2 semaphore(%arg20 : memref<!tpu.dma_semaphore, #tpu.memory_space<semaphore_mem>>) src(%dma_wait3A_159 : memref<64x128xf32, #tpu.memory_space<hbm>>) dst(%arg12 : memref<64x128xf32, #tpu.memory_space<vmem>>)
    "tpu.region"() ({
      %run_scoped3A = tpu.sem_alloc : memref<!tpu.dma_semaphore, #tpu.memory_space<semaphore_mem>>
      %dma_start3A_275 = arith.constant 0 : i32
      %dma_start3A_276 = arith.constant 0 : i32
      %dma_start3A_277 = tpu.memref_slice %arg6[%dma_start3A_275, %dma_start3A_276] : memref<10240x128xf32, #tpu.memory_space<hbm>> -> memref<10240x128xf32, #tpu.memory_space<hbm>>
      tpu.enqueue_indirect_dma source(%arg12 : memref<64x128xf32, #tpu.memory_space<vmem>>) target(%dma_start3A_277 : memref<10240x128xf32, #tpu.memory_space<hbm>>) offsets(%arg11 : memref<64xi32, #tpu.memory_space<vmem>>) semaphore(%run_scoped3A : memref<!tpu.dma_semaphore, #tpu.memory_space<semaphore_mem>>)
      %dma_wait3A_278 = arith.constant 0 : i32
      %dma_wait3A_279 = arith.constant 0 : i32
      %dma_wait3A_280 = tpu.memref_slice %arg6[%dma_wait3A_278, %dma_wait3A_279] : memref<10240x128xf32, #tpu.memory_space<hbm>> -> memref<10240x128xf32, #tpu.memory_space<hbm>>
      tpu.wait_indirect_dma semaphore(%run_scoped3A : memref<!tpu.dma_semaphore, #tpu.memory_space<semaphore_mem>>) src(%arg12 : memref<64x128xf32, #tpu.memory_space<vmem>>) dst(%dma_wait3A_280 : memref<10240x128xf32, #tpu.memory_space<hbm>>)
      tpu.yield
    }) : () -> ()
    %mul3A_160 = arith.constant 320 : i32
    %mul3A_161 = arith.muli %add3A, %mul3A_160 : i32
    %add3A_162 = arith.constant 192 : i32
    %add3A_163 = arith.addi %mul3A_161, %add3A_162 : i32
    %add3A_164 = arith.constant 0 : i32
    %add3A_165 = arith.addi %add3A_163, %add3A_164 : i32
    %get3A_166 = arith.index_cast %add3A_165 : i32 to index
    %get3A_167 = tpu.vector_load %arg10[%get3A_166] {strides = array<i32>} : memref<10240xi32, #tpu.memory_space<vmem>>, vector<16xi32>,
    %swap3A_168 = arith.constant 0 : index
    %swap3A_169 = tpu.vector_load %arg11[%swap3A_168] {strides = array<i32>} : memref<64xi32, #tpu.memory_space<vmem>>, vector<16xi32>,
    tpu.vector_store %arg11[%swap3A_168], %get3A_167 {strides = array<i32>} : memref<64xi32, #tpu.memory_space<vmem>>, vector<16xi32>,
    %mul3A_170 = arith.constant 320 : i32
    %mul3A_171 = arith.muli %add3A, %mul3A_170 : i32
    %add3A_172 = arith.constant 192 : i32
    %add3A_173 = arith.addi %mul3A_171, %add3A_172 : i32
    %add3A_174 = arith.constant 16 : i32
    %add3A_175 = arith.addi %add3A_173, %add3A_174 : i32
    %get3A_176 = arith.index_cast %add3A_175 : i32 to index
    %get3A_177 = tpu.vector_load %arg10[%get3A_176] {strides = array<i32>} : memref<10240xi32, #tpu.memory_space<vmem>>, vector<16xi32>,
    %swap3A_178 = arith.constant 16 : index
    %swap3A_179 = tpu.vector_load %arg11[%swap3A_178] {strides = array<i32>} : memref<64xi32, #tpu.memory_space<vmem>>, vector<16xi32>,
    tpu.vector_store %arg11[%swap3A_178], %get3A_177 {strides = array<i32>} : memref<64xi32, #tpu.memory_space<vmem>>, vector<16xi32>,
    %mul3A_180 = arith.constant 320 : i32
    %mul3A_181 = arith.muli %add3A, %mul3A_180 : i32
    %add3A_182 = arith.constant 192 : i32
    %add3A_183 = arith.addi %mul3A_181, %add3A_182 : i32
    %add3A_184 = arith.constant 32 : i32
    %add3A_185 = arith.addi %add3A_183, %add3A_184 : i32
    %get3A_186 = arith.index_cast %add3A_185 : i32 to index
    %get3A_187 = tpu.vector_load %arg10[%get3A_186] {strides = array<i32>} : memref<10240xi32, #tpu.memory_space<vmem>>, vector<16xi32>,
    %swap3A_188 = arith.constant 32 : index
    %swap3A_189 = tpu.vector_load %arg11[%swap3A_188] {strides = array<i32>} : memref<64xi32, #tpu.memory_space<vmem>>, vector<16xi32>,
    tpu.vector_store %arg11[%swap3A_188], %get3A_187 {strides = array<i32>} : memref<64xi32, #tpu.memory_space<vmem>>, vector<16xi32>,
    %mul3A_190 = arith.constant 320 : i32
    %mul3A_191 = arith.muli %add3A, %mul3A_190 : i32
    %add3A_192 = arith.constant 192 : i32
    %add3A_193 = arith.addi %mul3A_191, %add3A_192 : i32
    %add3A_194 = arith.constant 48 : i32
    %add3A_195 = arith.addi %add3A_193, %add3A_194 : i32
    %get3A_196 = arith.index_cast %add3A_195 : i32 to index
    %get3A_197 = tpu.vector_load %arg10[%get3A_196] {strides = array<i32>} : memref<10240xi32, #tpu.memory_space<vmem>>, vector<16xi32>,
    %swap3A_198 = arith.constant 48 : index
    %swap3A_199 = tpu.vector_load %arg11[%swap3A_198] {strides = array<i32>} : memref<64xi32, #tpu.memory_space<vmem>>, vector<16xi32>,
    tpu.vector_store %arg11[%swap3A_198], %get3A_197 {strides = array<i32>} : memref<64xi32, #tpu.memory_space<vmem>>, vector<16xi32>,
    %mul3A_200 = arith.constant 320 : i32
    %mul3A_201 = arith.muli %add3A, %mul3A_200 : i32
    %add3A_202 = arith.constant 192 : i32
    %add3A_203 = arith.addi %mul3A_201, %add3A_202 : i32
    %dma_start3A_204 = arith.constant 0 : i32
    %dma_start3A_205 = tpu.memref_slice %arg2[%add3A_203, %dma_start3A_204] : memref<10240x128xf32, #tpu.memory_space<hbm>> -> memref<64x128xf32, #tpu.memory_space<hbm>>
    %dma_start3A_206 = arith.constant 0 : i32
    %dma_start3A_207 = tpu.memref_slice %arg2[%add3A_203, %dma_start3A_206] : memref<10240x128xf32, #tpu.memory_space<hbm>> -> memref<64x128xf32, #tpu.memory_space<hbm>>
    tpu.enqueue_dma source(%dma_start3A_207 : memref<64x128xf32, #tpu.memory_space<hbm>>) target(%arg12 : memref<64x128xf32, #tpu.memory_space<vmem>>) target_semaphore(%arg20 : memref<!tpu.dma_semaphore, #tpu.memory_space<semaphore_mem>>)
    %dma_wait3A_208 = arith.constant 0 : i32
    %dma_wait3A_209 = tpu.memref_slice %arg2[%add3A_203, %dma_wait3A_208] : memref<10240x128xf32, #tpu.memory_space<hbm>> -> memref<64x128xf32, #tpu.memory_space<hbm>>
    %dma_wait3A_210 = arith.constant 0 : i32
    %dma_wait3A_211 = tpu.memref_slice %arg2[%add3A_203, %dma_wait3A_210] : memref<10240x128xf32, #tpu.memory_space<hbm>> -> memref<64x128xf32, #tpu.memory_space<hbm>>
    tpu.wait_dma2 semaphore(%arg20 : memref<!tpu.dma_semaphore, #tpu.memory_space<semaphore_mem>>) src(%dma_wait3A_211 : memref<64x128xf32, #tpu.memory_space<hbm>>) dst(%arg12 : memref<64x128xf32, #tpu.memory_space<vmem>>)
    "tpu.region"() ({
      %run_scoped3A = tpu.sem_alloc : memref<!tpu.dma_semaphore, #tpu.memory_space<semaphore_mem>>
      %dma_start3A_275 = arith.constant 0 : i32
      %dma_start3A_276 = arith.constant 0 : i32
      %dma_start3A_277 = tpu.memref_slice %arg6[%dma_start3A_275, %dma_start3A_276] : memref<10240x128xf32, #tpu.memory_space<hbm>> -> memref<10240x128xf32, #tpu.memory_space<hbm>>
      tpu.enqueue_indirect_dma source(%arg12 : memref<64x128xf32, #tpu.memory_space<vmem>>) target(%dma_start3A_277 : memref<10240x128xf32, #tpu.memory_space<hbm>>) offsets(%arg11 : memref<64xi32, #tpu.memory_space<vmem>>) semaphore(%run_scoped3A : memref<!tpu.dma_semaphore, #tpu.memory_space<semaphore_mem>>)
      %dma_wait3A_278 = arith.constant 0 : i32
      %dma_wait3A_279 = arith.constant 0 : i32
      %dma_wait3A_280 = tpu.memref_slice %arg6[%dma_wait3A_278, %dma_wait3A_279] : memref<10240x128xf32, #tpu.memory_space<hbm>> -> memref<10240x128xf32, #tpu.memory_space<hbm>>
      tpu.wait_indirect_dma semaphore(%run_scoped3A : memref<!tpu.dma_semaphore, #tpu.memory_space<semaphore_mem>>) src(%arg12 : memref<64x128xf32, #tpu.memory_space<vmem>>) dst(%dma_wait3A_280 : memref<10240x128xf32, #tpu.memory_space<hbm>>)
      tpu.yield
    }) : () -> ()
    %mul3A_212 = arith.constant 320 : i32
    %mul3A_213 = arith.muli %add3A, %mul3A_212 : i32
    %add3A_214 = arith.constant 256 : i32
    %add3A_215 = arith.addi %mul3A_213, %add3A_214 : i32
    %add3A_216 = arith.constant 0 : i32
    %add3A_217 = arith.addi %add3A_215, %add3A_216 : i32
    %get3A_218 = arith.index_cast %add3A_217 : i32 to index
    %get3A_219 = tpu.vector_load %arg10[%get3A_218] {strides = array<i32>} : memref<10240xi32, #tpu.memory_space<vmem>>, vector<16xi32>,
    %swap3A_220 = arith.constant 0 : index
    %swap3A_221 = tpu.vector_load %arg11[%swap3A_220] {strides = array<i32>} : memref<64xi32, #tpu.memory_space<vmem>>, vector<16xi32>,
    tpu.vector_store %arg11[%swap3A_220], %get3A_219 {strides = array<i32>} : memref<64xi32, #tpu.memory_space<vmem>>, vector<16xi32>,
    %mul3A_222 = arith.constant 320 : i32
    %mul3A_223 = arith.muli %add3A, %mul3A_222 : i32
    %add3A_224 = arith.constant 256 : i32
    %add3A_225 = arith.addi %mul3A_223, %add3A_224 : i32
    %add3A_226 = arith.constant 16 : i32
    %add3A_227 = arith.addi %add3A_225, %add3A_226 : i32
    %get3A_228 = arith.index_cast %add3A_227 : i32 to index
    %get3A_229 = tpu.vector_load %arg10[%get3A_228] {strides = array<i32>} : memref<10240xi32, #tpu.memory_space<vmem>>, vector<16xi32>,
    %swap3A_230 = arith.constant 16 : index
    %swap3A_231 = tpu.vector_load %arg11[%swap3A_230] {strides = array<i32>} : memref<64xi32, #tpu.memory_space<vmem>>, vector<16xi32>,
    tpu.vector_store %arg11[%swap3A_230], %get3A_229 {strides = array<i32>} : memref<64xi32, #tpu.memory_space<vmem>>, vector<16xi32>,
    %mul3A_232 = arith.constant 320 : i32
    %mul3A_233 = arith.muli %add3A, %mul3A_232 : i32
    %add3A_234 = arith.constant 256 : i32
    %add3A_235 = arith.addi %mul3A_233, %add3A_234 : i32
    %add3A_236 = arith.constant 32 : i32
    %add3A_237 = arith.addi %add3A_235, %add3A_236 : i32
    %get3A_238 = arith.index_cast %add3A_237 : i32 to index
    %get3A_239 = tpu.vector_load %arg10[%get3A_238] {strides = array<i32>} : memref<10240xi32, #tpu.memory_space<vmem>>, vector<16xi32>,
    %swap3A_240 = arith.constant 32 : index
    %swap3A_241 = tpu.vector_load %arg11[%swap3A_240] {strides = array<i32>} : memref<64xi32, #tpu.memory_space<vmem>>, vector<16xi32>,
    tpu.vector_store %arg11[%swap3A_240], %get3A_239 {strides = array<i32>} : memref<64xi32, #tpu.memory_space<vmem>>, vector<16xi32>,
    %mul3A_242 = arith.constant 320 : i32
    %mul3A_243 = arith.muli %add3A, %mul3A_242 : i32
    %add3A_244 = arith.constant 256 : i32
    %add3A_245 = arith.addi %mul3A_243, %add3A_244 : i32
    %add3A_246 = arith.constant 48 : i32
    %add3A_247 = arith.addi %add3A_245, %add3A_246 : i32
    %get3A_248 = arith.index_cast %add3A_247 : i32 to index
    %get3A_249 = tpu.vector_load %arg10[%get3A_248] {strides = array<i32>} : memref<10240xi32, #tpu.memory_space<vmem>>, vector<16xi32>,
    %swap3A_250 = arith.constant 48 : index
    %swap3A_251 = tpu.vector_load %arg11[%swap3A_250] {strides = array<i32>} : memref<64xi32, #tpu.memory_space<vmem>>, vector<16xi32>,
    tpu.vector_store %arg11[%swap3A_250], %get3A_249 {strides = array<i32>} : memref<64xi32, #tpu.memory_space<vmem>>, vector<16xi32>,
    %mul3A_252 = arith.constant 320 : i32
    %mul3A_253 = arith.muli %add3A, %mul3A_252 : i32
    %add3A_254 = arith.constant 256 : i32
    %add3A_255 = arith.addi %mul3A_253, %add3A_254 : i32
    %dma_start3A_256 = arith.constant 0 : i32
    %dma_start3A_257 = tpu.memref_slice %arg2[%add3A_255, %dma_start3A_256] : memref<10240x128xf32, #tpu.memory_space<hbm>> -> memref<64x128xf32, #tpu.memory_space<hbm>>
    %dma_start3A_258 = arith.constant 0 : i32
    %dma_start3A_259 = tpu.memref_slice %arg2[%add3A_255, %dma_start3A_258] : memref<10240x128xf32, #tpu.memory_space<hbm>> -> memref<64x128xf32, #tpu.memory_space<hbm>>
    tpu.enqueue_dma source(%dma_start3A_259 : memref<64x128xf32, #tpu.memory_space<hbm>>) target(%arg12 : memref<64x128xf32, #tpu.memory_space<vmem>>) target_semaphore(%arg20 : memref<!tpu.dma_semaphore, #tpu.memory_space<semaphore_mem>>)
    %dma_wait3A_260 = arith.constant 0 : i32
    %dma_wait3A_261 = tpu.memref_slice %arg2[%add3A_255, %dma_wait3A_260] : memref<10240x128xf32, #tpu.memory_space<hbm>> -> memref<64x128xf32, #tpu.memory_space<hbm>>
    %dma_wait3A_262 = arith.constant 0 : i32
    %dma_wait3A_263 = tpu.memref_slice %arg2[%add3A_255, %dma_wait3A_262] : memref<10240x128xf32, #tpu.memory_space<hbm>> -> memref<64x128xf32, #tpu.memory_space<hbm>>
    tpu.wait_dma2 semaphore(%arg20 : memref<!tpu.dma_semaphore, #tpu.memory_space<semaphore_mem>>) src(%dma_wait3A_263 : memref<64x128xf32, #tpu.memory_space<hbm>>) dst(%arg12 : memref<64x128xf32, #tpu.memory_space<vmem>>)
    "tpu.region"() ({
      %run_scoped3A = tpu.sem_alloc : memref<!tpu.dma_semaphore, #tpu.memory_space<semaphore_mem>>
      %dma_start3A_275 = arith.constant 0 : i32
      %dma_start3A_276 = arith.constant 0 : i32
      %dma_start3A_277 = tpu.memref_slice %arg6[%dma_start3A_275, %dma_start3A_276] : memref<10240x128xf32, #tpu.memory_space<hbm>> -> memref<10240x128xf32, #tpu.memory_space<hbm>>
      tpu.enqueue_indirect_dma source(%arg12 : memref<64x128xf32, #tpu.memory_space<vmem>>) target(%dma_start3A_277 : memref<10240x128xf32, #tpu.memory_space<hbm>>) offsets(%arg11 : memref<64xi32, #tpu.memory_space<vmem>>) semaphore(%run_scoped3A : memref<!tpu.dma_semaphore, #tpu.memory_space<semaphore_mem>>)
      %dma_wait3A_278 = arith.constant 0 : i32
      %dma_wait3A_279 = arith.constant 0 : i32
      %dma_wait3A_280 = tpu.memref_slice %arg6[%dma_wait3A_278, %dma_wait3A_279] : memref<10240x128xf32, #tpu.memory_space<hbm>> -> memref<10240x128xf32, #tpu.memory_space<hbm>>
      tpu.wait_indirect_dma semaphore(%run_scoped3A : memref<!tpu.dma_semaphore, #tpu.memory_space<semaphore_mem>>) src(%arg12 : memref<64x128xf32, #tpu.memory_space<vmem>>) dst(%dma_wait3A_280 : memref<10240x128xf32, #tpu.memory_space<hbm>>)
      tpu.yield
    }) : () -> ()
    "tpu.region"() ({
      %run_scoped3A = tpu.sem_alloc : memref<!tpu.dma_semaphore, #tpu.memory_space<semaphore_mem>>
      %dma_start3A_275 = arith.constant 0 : i32
      %dma_start3A_276 = arith.constant 0 : i32
      %dma_start3A_277 = tpu.memref_slice %arg4[%add3A, %dma_start3A_275, %dma_start3A_276] : memref<32x125x80xi32, #tpu.memory_space<hbm>> -> memref<1x125x80xi32, #tpu.memory_space<hbm>>
      %dma_start3A_278 = tpu.memref_squeeze %dma_start3A_277 : memref<1x125x80xi32, #tpu.memory_space<hbm>> -> memref<125x80xi32, #tpu.memory_space<hbm>>
      %dma_start3A_279 = arith.constant 0 : i32
      %dma_start3A_280 = arith.constant 0 : i32
      %dma_start3A_281 = tpu.memref_slice %arg4[%add3A, %dma_start3A_279, %dma_start3A_280] : memref<32x125x80xi32, #tpu.memory_space<hbm>> -> memref<1x125x80xi32, #tpu.memory_space<hbm>>
      %dma_start3A_282 = tpu.memref_squeeze %dma_start3A_281 : memref<1x125x80xi32, #tpu.memory_space<hbm>> -> memref<125x80xi32, #tpu.memory_space<hbm>>
      tpu.enqueue_dma source(%dma_start3A_282 : memref<125x80xi32, #tpu.memory_space<hbm>>) target(%arg13 : memref<125x80xi32, #tpu.memory_space<vmem>>) target_semaphore(%run_scoped3A : memref<!tpu.dma_semaphore, #tpu.memory_space<semaphore_mem>>)
      %dma_wait3A_283 = arith.constant 0 : i32
      %dma_wait3A_284 = arith.constant 0 : i32
      %dma_wait3A_285 = tpu.memref_slice %arg4[%add3A, %dma_wait3A_283, %dma_wait3A_284] : memref<32x125x80xi32, #tpu.memory_space<hbm>> -> memref<1x125x80xi32, #tpu.memory_space<hbm>>
      %dma_wait3A_286 = tpu.memref_squeeze %dma_wait3A_285 : memref<1x125x80xi32, #tpu.memory_space<hbm>> -> memref<125x80xi32, #tpu.memory_space<hbm>>
      %dma_wait3A_287 = arith.constant 0 : i32
      %dma_wait3A_288 = arith.constant 0 : i32
      %dma_wait3A_289 = tpu.memref_slice %arg4[%add3A, %dma_wait3A_287, %dma_wait3A_288] : memref<32x125x80xi32, #tpu.memory_space<hbm>> -> memref<1x125x80xi32, #tpu.memory_space<hbm>>
      %dma_wait3A_290 = tpu.memref_squeeze %dma_wait3A_289 : memref<1x125x80xi32, #tpu.memory_space<hbm>> -> memref<125x80xi32, #tpu.memory_space<hbm>>
      tpu.wait_dma2 semaphore(%run_scoped3A : memref<!tpu.dma_semaphore, #tpu.memory_space<semaphore_mem>>) src(%dma_wait3A_290 : memref<125x80xi32, #tpu.memory_space<hbm>>) dst(%arg13 : memref<125x80xi32, #tpu.memory_space<vmem>>)
      tpu.yield
    }) : () -> ()
    "tpu.region"() ({
      %run_scoped3A = tpu.sem_alloc : memref<!tpu.dma_semaphore, #tpu.memory_space<semaphore_mem>>
      %dma_start3A_275 = arith.constant 0 : i32
      %dma_start3A_276 = arith.constant 0 : i32
      %dma_start3A_277 = tpu.memref_slice %arg5[%add3A, %dma_start3A_275, %dma_start3A_276] : memref<32x125x80xi32, #tpu.memory_space<hbm>> -> memref<1x125x80xi32, #tpu.memory_space<hbm>>
      %dma_start3A_278 = tpu.memref_squeeze %dma_start3A_277 : memref<1x125x80xi32, #tpu.memory_space<hbm>> -> memref<125x80xi32, #tpu.memory_space<hbm>>
      %dma_start3A_279 = arith.constant 0 : i32
      %dma_start3A_280 = arith.constant 0 : i32
      %dma_start3A_281 = tpu.memref_slice %arg5[%add3A, %dma_start3A_279, %dma_start3A_280] : memref<32x125x80xi32, #tpu.memory_space<hbm>> -> memref<1x125x80xi32, #tpu.memory_space<hbm>>
      %dma_start3A_282 = tpu.memref_squeeze %dma_start3A_281 : memref<1x125x80xi32, #tpu.memory_space<hbm>> -> memref<125x80xi32, #tpu.memory_space<hbm>>
      tpu.enqueue_dma source(%dma_start3A_282 : memref<125x80xi32, #tpu.memory_space<hbm>>) target(%arg14 : memref<125x80xi32, #tpu.memory_space<vmem>>) target_semaphore(%run_scoped3A : memref<!tpu.dma_semaphore, #tpu.memory_space<semaphore_mem>>)
      %dma_wait3A_283 = arith.constant 0 : i32
      %dma_wait3A_284 = arith.constant 0 : i32
      %dma_wait3A_285 = tpu.memref_slice %arg5[%add3A, %dma_wait3A_283, %dma_wait3A_284] : memref<32x125x80xi32, #tpu.memory_space<hbm>> -> memref<1x125x80xi32, #tpu.memory_space<hbm>>
      %dma_wait3A_286 = tpu.memref_squeeze %dma_wait3A_285 : memref<1x125x80xi32, #tpu.memory_space<hbm>> -> memref<125x80xi32, #tpu.memory_space<hbm>>
      %dma_wait3A_287 = arith.constant 0 : i32
      %dma_wait3A_288 = arith.constant 0 : i32
      %dma_wait3A_289 = tpu.memref_slice %arg5[%add3A, %dma_wait3A_287, %dma_wait3A_288] : memref<32x125x80xi32, #tpu.memory_space<hbm>> -> memref<1x125x80xi32, #tpu.memory_space<hbm>>
      %dma_wait3A_290 = tpu.memref_squeeze %dma_wait3A_289 : memref<1x125x80xi32, #tpu.memory_space<hbm>> -> memref<125x80xi32, #tpu.memory_space<hbm>>
      tpu.wait_dma2 semaphore(%run_scoped3A : memref<!tpu.dma_semaphore, #tpu.memory_space<semaphore_mem>>) src(%dma_wait3A_290 : memref<125x80xi32, #tpu.memory_space<hbm>>) dst(%arg14 : memref<125x80xi32, #tpu.memory_space<vmem>>)
      tpu.yield
    }) : () -> ()
    %scan3A_264 = arith.constant 0 : i32
    %scan3A_265 = arith.constant 0 : i32
    %scan3A_266 = arith.constant 125 : i32
    %scan3A_267 = arith.addi %scan3A_265, %scan3A_266 : i32
    %scan3A_268 = arith.constant 1 : i32
    scf.for %scan3A_275 = %scan3A_265 to %scan3A_267 step %scan3A_268  : i32 {
      %get3A_276 = arith.index_cast %scan3A_275 : i32 to index
      %get3A_277 = arith.constant 0 : index
      %get3A_278 = tpu.vector_load %arg13[%get3A_276, %get3A_277] {strides = array<i32>} : memref<125x80xi32, #tpu.memory_space<vmem>>, vector<16xi32>,
      %get3A_279 = arith.index_cast %scan3A_275 : i32 to index
      %get3A_280 = arith.constant 0 : index
      %get3A_281 = tpu.vector_load %arg14[%get3A_279, %get3A_280] {strides = array<i32>} : memref<125x80xi32, #tpu.memory_space<vmem>>, vector<16xi32>,
      %gather3A = tpu.vector_load_idx %arg10[%get3A_278] : memref<10240xi32, #tpu.memory_space<vmem>>[vector<16xi32>], vector<16xi32>,
      %gather3A_282 = tpu.vector_load_idx %arg10[%get3A_281] : memref<10240xi32, #tpu.memory_space<vmem>>[vector<16xi32>], vector<16xi32>,
      %lt3A = arith.constant 5000 : i32
      %lt3A_283 = vector.broadcast %lt3A : i32 to vector<16xi32>
      %lt3A_284 = arith.cmpi slt, %gather3A, %lt3A_283 : vector<16xi32>
      %jit3A = arith.constant 1.000000e+00 : f32
      %jit3A_285 = arith.constant 0.000000e+00 : f32
      %broadcast_in_dim3A = vector.broadcast %jit3A : f32 to vector<16xf32>
      %broadcast_in_dim3A_286 = vector.broadcast %jit3A_285 : f32 to vector<16xf32>
      %select_n3A = arith.select %lt3A_284, %broadcast_in_dim3A, %broadcast_in_dim3A_286 : vector<16xi1>, vector<16xf32>
      %swap3A_287 = arith.index_cast %scan3A_275 : i32 to index
      %swap3A_288 = arith.constant 0 : index
      %swap3A_289 = tpu.vector_load %arg15[%swap3A_287, %swap3A_288] {strides = array<i32>} : memref<125x80xi32, #tpu.memory_space<vmem>>, vector<16xi32>,
      tpu.vector_store %arg15[%swap3A_287, %swap3A_288], %gather3A {strides = array<i32>} : memref<125x80xi32, #tpu.memory_space<vmem>>, vector<16xi32>,
      %swap3A_290 = arith.index_cast %scan3A_275 : i32 to index
      %swap3A_291 = arith.constant 0 : index
      %swap3A_292 = tpu.vector_load %arg16[%swap3A_290, %swap3A_291] {strides = array<i32>} : memref<125x80xi32, #tpu.memory_space<vmem>>, vector<16xi32>,
      tpu.vector_store %arg16[%swap3A_290, %swap3A_291], %gather3A_282 {strides = array<i32>} : memref<125x80xi32, #tpu.memory_space<vmem>>, vector<16xi32>,
      %swap3A_293 = arith.index_cast %scan3A_275 : i32 to index
      %swap3A_294 = arith.constant 0 : index
      %swap3A_295 = tpu.vector_load %arg17[%swap3A_293, %swap3A_294] {strides = array<i32>} : memref<125x80xf32, #tpu.memory_space<vmem>>, vector<16xf32>,
      tpu.vector_store %arg17[%swap3A_293, %swap3A_294], %select_n3A {strides = array<i32>} : memref<125x80xf32, #tpu.memory_space<vmem>>, vector<16xf32>,
      %get3A_296 = arith.index_cast %scan3A_275 : i32 to index
      %get3A_297 = arith.constant 16 : index
      %get3A_298 = tpu.vector_load %arg13[%get3A_296, %get3A_297] {strides = array<i32>} : memref<125x80xi32, #tpu.memory_space<vmem>>, vector<16xi32>,
      %get3A_299 = arith.index_cast %scan3A_275 : i32 to index
      %get3A_300 = arith.constant 16 : index
      %get3A_301 = tpu.vector_load %arg14[%get3A_299, %get3A_300] {strides = array<i32>} : memref<125x80xi32, #tpu.memory_space<vmem>>, vector<16xi32>,
      %gather3A_302 = tpu.vector_load_idx %arg10[%get3A_298] : memref<10240xi32, #tpu.memory_space<vmem>>[vector<16xi32>], vector<16xi32>,
      %gather3A_303 = tpu.vector_load_idx %arg10[%get3A_301] : memref<10240xi32, #tpu.memory_space<vmem>>[vector<16xi32>], vector<16xi32>,
      %lt3A_304 = arith.constant 5000 : i32
      %lt3A_305 = vector.broadcast %lt3A_304 : i32 to vector<16xi32>
      %lt3A_306 = arith.cmpi slt, %gather3A_302, %lt3A_305 : vector<16xi32>
      %jit3A_307 = arith.constant 1.000000e+00 : f32
      %jit3A_308 = arith.constant 0.000000e+00 : f32
      %broadcast_in_dim3A_309 = vector.broadcast %jit3A_307 : f32 to vector<16xf32>
      %broadcast_in_dim3A_310 = vector.broadcast %jit3A_308 : f32 to vector<16xf32>
      %select_n3A_311 = arith.select %lt3A_306, %broadcast_in_dim3A_309, %broadcast_in_dim3A_310 : vector<16xi1>, vector<16xf32>
      %swap3A_312 = arith.index_cast %scan3A_275 : i32 to index
      %swap3A_313 = arith.constant 16 : index
      %swap3A_314 = tpu.vector_load %arg15[%swap3A_312, %swap3A_313] {strides = array<i32>} : memref<125x80xi32, #tpu.memory_space<vmem>>, vector<16xi32>,
      tpu.vector_store %arg15[%swap3A_312, %swap3A_313], %gather3A_302 {strides = array<i32>} : memref<125x80xi32, #tpu.memory_space<vmem>>, vector<16xi32>,
      %swap3A_315 = arith.index_cast %scan3A_275 : i32 to index
      %swap3A_316 = arith.constant 16 : index
      %swap3A_317 = tpu.vector_load %arg16[%swap3A_315, %swap3A_316] {strides = array<i32>} : memref<125x80xi32, #tpu.memory_space<vmem>>, vector<16xi32>,
      tpu.vector_store %arg16[%swap3A_315, %swap3A_316], %gather3A_303 {strides = array<i32>} : memref<125x80xi32, #tpu.memory_space<vmem>>, vector<16xi32>,
      %swap3A_318 = arith.index_cast %scan3A_275 : i32 to index
      %swap3A_319 = arith.constant 16 : index
      %swap3A_320 = tpu.vector_load %arg17[%swap3A_318, %swap3A_319] {strides = array<i32>} : memref<125x80xf32, #tpu.memory_space<vmem>>, vector<16xf32>,
      tpu.vector_store %arg17[%swap3A_318, %swap3A_319], %select_n3A_311 {strides = array<i32>} : memref<125x80xf32, #tpu.memory_space<vmem>>, vector<16xf32>,
      %get3A_321 = arith.index_cast %scan3A_275 : i32 to index
      %get3A_322 = arith.constant 32 : index
      %get3A_323 = tpu.vector_load %arg13[%get3A_321, %get3A_322] {strides = array<i32>} : memref<125x80xi32, #tpu.memory_space<vmem>>, vector<16xi32>,
      %get3A_324 = arith.index_cast %scan3A_275 : i32 to index
      %get3A_325 = arith.constant 32 : index
      %get3A_326 = tpu.vector_load %arg14[%get3A_324, %get3A_325] {strides = array<i32>} : memref<125x80xi32, #tpu.memory_space<vmem>>, vector<16xi32>,
      %gather3A_327 = tpu.vector_load_idx %arg10[%get3A_323] : memref<10240xi32, #tpu.memory_space<vmem>>[vector<16xi32>], vector<16xi32>,
      %gather3A_328 = tpu.vector_load_idx %arg10[%get3A_326] : memref<10240xi32, #tpu.memory_space<vmem>>[vector<16xi32>], vector<16xi32>,
      %lt3A_329 = arith.constant 5000 : i32
      %lt3A_330 = vector.broadcast %lt3A_329 : i32 to vector<16xi32>
      %lt3A_331 = arith.cmpi slt, %gather3A_327, %lt3A_330 : vector<16xi32>
      %jit3A_332 = arith.constant 1.000000e+00 : f32
      %jit3A_333 = arith.constant 0.000000e+00 : f32
      %broadcast_in_dim3A_334 = vector.broadcast %jit3A_332 : f32 to vector<16xf32>
      %broadcast_in_dim3A_335 = vector.broadcast %jit3A_333 : f32 to vector<16xf32>
      %select_n3A_336 = arith.select %lt3A_331, %broadcast_in_dim3A_334, %broadcast_in_dim3A_335 : vector<16xi1>, vector<16xf32>
      %swap3A_337 = arith.index_cast %scan3A_275 : i32 to index
      %swap3A_338 = arith.constant 32 : index
      %swap3A_339 = tpu.vector_load %arg15[%swap3A_337, %swap3A_338] {strides = array<i32>} : memref<125x80xi32, #tpu.memory_space<vmem>>, vector<16xi32>,
      tpu.vector_store %arg15[%swap3A_337, %swap3A_338], %gather3A_327 {strides = array<i32>} : memref<125x80xi32, #tpu.memory_space<vmem>>, vector<16xi32>,
      %swap3A_340 = arith.index_cast %scan3A_275 : i32 to index
      %swap3A_341 = arith.constant 32 : index
      %swap3A_342 = tpu.vector_load %arg16[%swap3A_340, %swap3A_341] {strides = array<i32>} : memref<125x80xi32, #tpu.memory_space<vmem>>, vector<16xi32>,
      tpu.vector_store %arg16[%swap3A_340, %swap3A_341], %gather3A_328 {strides = array<i32>} : memref<125x80xi32, #tpu.memory_space<vmem>>, vector<16xi32>,
      %swap3A_343 = arith.index_cast %scan3A_275 : i32 to index
      %swap3A_344 = arith.constant 32 : index
      %swap3A_345 = tpu.vector_load %arg17[%swap3A_343, %swap3A_344] {strides = array<i32>} : memref<125x80xf32, #tpu.memory_space<vmem>>, vector<16xf32>,
      tpu.vector_store %arg17[%swap3A_343, %swap3A_344], %select_n3A_336 {strides = array<i32>} : memref<125x80xf32, #tpu.memory_space<vmem>>, vector<16xf32>,
      %get3A_346 = arith.index_cast %scan3A_275 : i32 to index
      %get3A_347 = arith.constant 48 : index
      %get3A_348 = tpu.vector_load %arg13[%get3A_346, %get3A_347] {strides = array<i32>} : memref<125x80xi32, #tpu.memory_space<vmem>>, vector<16xi32>,
      %get3A_349 = arith.index_cast %scan3A_275 : i32 to index
      %get3A_350 = arith.constant 48 : index
      %get3A_351 = tpu.vector_load %arg14[%get3A_349, %get3A_350] {strides = array<i32>} : memref<125x80xi32, #tpu.memory_space<vmem>>, vector<16xi32>,
      %gather3A_352 = tpu.vector_load_idx %arg10[%get3A_348] : memref<10240xi32, #tpu.memory_space<vmem>>[vector<16xi32>], vector<16xi32>,
      %gather3A_353 = tpu.vector_load_idx %arg10[%get3A_351] : memref<10240xi32, #tpu.memory_space<vmem>>[vector<16xi32>], vector<16xi32>,
      %lt3A_354 = arith.constant 5000 : i32
      %lt3A_355 = vector.broadcast %lt3A_354 : i32 to vector<16xi32>
      %lt3A_356 = arith.cmpi slt, %gather3A_352, %lt3A_355 : vector<16xi32>
      %jit3A_357 = arith.constant 1.000000e+00 : f32
      %jit3A_358 = arith.constant 0.000000e+00 : f32
      %broadcast_in_dim3A_359 = vector.broadcast %jit3A_357 : f32 to vector<16xf32>
      %broadcast_in_dim3A_360 = vector.broadcast %jit3A_358 : f32 to vector<16xf32>
      %select_n3A_361 = arith.select %lt3A_356, %broadcast_in_dim3A_359, %broadcast_in_dim3A_360 : vector<16xi1>, vector<16xf32>
      %swap3A_362 = arith.index_cast %scan3A_275 : i32 to index
      %swap3A_363 = arith.constant 48 : index
      %swap3A_364 = tpu.vector_load %arg15[%swap3A_362, %swap3A_363] {strides = array<i32>} : memref<125x80xi32, #tpu.memory_space<vmem>>, vector<16xi32>,
      tpu.vector_store %arg15[%swap3A_362, %swap3A_363], %gather3A_352 {strides = array<i32>} : memref<125x80xi32, #tpu.memory_space<vmem>>, vector<16xi32>,
      %swap3A_365 = arith.index_cast %scan3A_275 : i32 to index
      %swap3A_366 = arith.constant 48 : index
      %swap3A_367 = tpu.vector_load %arg16[%swap3A_365, %swap3A_366] {strides = array<i32>} : memref<125x80xi32, #tpu.memory_space<vmem>>, vector<16xi32>,
      tpu.vector_store %arg16[%swap3A_365, %swap3A_366], %gather3A_353 {strides = array<i32>} : memref<125x80xi32, #tpu.memory_space<vmem>>, vector<16xi32>,
      %swap3A_368 = arith.index_cast %scan3A_275 : i32 to index
      %swap3A_369 = arith.constant 48 : index
      %swap3A_370 = tpu.vector_load %arg17[%swap3A_368, %swap3A_369] {strides = array<i32>} : memref<125x80xf32, #tpu.memory_space<vmem>>, vector<16xf32>,
      tpu.vector_store %arg17[%swap3A_368, %swap3A_369], %select_n3A_361 {strides = array<i32>} : memref<125x80xf32, #tpu.memory_space<vmem>>, vector<16xf32>,
      %get3A_371 = arith.index_cast %scan3A_275 : i32 to index
      %get3A_372 = arith.constant 64 : index
      %get3A_373 = tpu.vector_load %arg13[%get3A_371, %get3A_372] {strides = array<i32>} : memref<125x80xi32, #tpu.memory_space<vmem>>, vector<16xi32>,
      %get3A_374 = arith.index_cast %scan3A_275 : i32 to index
      %get3A_375 = arith.constant 64 : index
      %get3A_376 = tpu.vector_load %arg14[%get3A_374, %get3A_375] {strides = array<i32>} : memref<125x80xi32, #tpu.memory_space<vmem>>, vector<16xi32>,
      %gather3A_377 = tpu.vector_load_idx %arg10[%get3A_373] : memref<10240xi32, #tpu.memory_space<vmem>>[vector<16xi32>], vector<16xi32>,
      %gather3A_378 = tpu.vector_load_idx %arg10[%get3A_376] : memref<10240xi32, #tpu.memory_space<vmem>>[vector<16xi32>], vector<16xi32>,
      %lt3A_379 = arith.constant 5000 : i32
      %lt3A_380 = vector.broadcast %lt3A_379 : i32 to vector<16xi32>
      %lt3A_381 = arith.cmpi slt, %gather3A_377, %lt3A_380 : vector<16xi32>
      %jit3A_382 = arith.constant 1.000000e+00 : f32
      %jit3A_383 = arith.constant 0.000000e+00 : f32
      %broadcast_in_dim3A_384 = vector.broadcast %jit3A_382 : f32 to vector<16xf32>
      %broadcast_in_dim3A_385 = vector.broadcast %jit3A_383 : f32 to vector<16xf32>
      %select_n3A_386 = arith.select %lt3A_381, %broadcast_in_dim3A_384, %broadcast_in_dim3A_385 : vector<16xi1>, vector<16xf32>
      %swap3A_387 = arith.index_cast %scan3A_275 : i32 to index
      %swap3A_388 = arith.constant 64 : index
      %swap3A_389 = tpu.vector_load %arg15[%swap3A_387, %swap3A_388] {strides = array<i32>} : memref<125x80xi32, #tpu.memory_space<vmem>>, vector<16xi32>,
      tpu.vector_store %arg15[%swap3A_387, %swap3A_388], %gather3A_377 {strides = array<i32>} : memref<125x80xi32, #tpu.memory_space<vmem>>, vector<16xi32>,
      %swap3A_390 = arith.index_cast %scan3A_275 : i32 to index
      %swap3A_391 = arith.constant 64 : index
      %swap3A_392 = tpu.vector_load %arg16[%swap3A_390, %swap3A_391] {strides = array<i32>} : memref<125x80xi32, #tpu.memory_space<vmem>>, vector<16xi32>,
      tpu.vector_store %arg16[%swap3A_390, %swap3A_391], %gather3A_378 {strides = array<i32>} : memref<125x80xi32, #tpu.memory_space<vmem>>, vector<16xi32>,
      %swap3A_393 = arith.index_cast %scan3A_275 : i32 to index
      %swap3A_394 = arith.constant 64 : index
      %swap3A_395 = tpu.vector_load %arg17[%swap3A_393, %swap3A_394] {strides = array<i32>} : memref<125x80xf32, #tpu.memory_space<vmem>>, vector<16xf32>,
      tpu.vector_store %arg17[%swap3A_393, %swap3A_394], %select_n3A_386 {strides = array<i32>} : memref<125x80xf32, #tpu.memory_space<vmem>>, vector<16xf32>,
      "tpu.region"() ({
        %run_scoped3A = tpu.sem_alloc : memref<!tpu.dma_semaphore, #tpu.memory_space<semaphore_mem>>
        %dma_start3A_396 = arith.constant 0 : i32
        %dma_start3A_397 = tpu.memref_slice %arg17[%scan3A_275, %dma_start3A_396] : memref<125x80xf32, #tpu.memory_space<vmem>> -> memref<1x80xf32, #tpu.memory_space<vmem>>
        %dma_start3A_398 = tpu.memref_squeeze %dma_start3A_397 : memref<1x80xf32, #tpu.memory_space<vmem>> -> memref<80xf32, #tpu.memory_space<vmem>>
        %dma_start3A_399 = arith.constant 0 : i32
        %dma_start3A_400 = tpu.memref_slice %arg16[%scan3A_275, %dma_start3A_399] : memref<125x80xi32, #tpu.memory_space<vmem>> -> memref<1x80xi32, #tpu.memory_space<vmem>>
        %dma_start3A_401 = tpu.memref_squeeze %dma_start3A_400 : memref<1x80xi32, #tpu.memory_space<vmem>> -> memref<80xi32, #tpu.memory_space<vmem>>
        %dma_start3A_402 = arith.constant 0 : i32
        %dma_start3A_403 = tpu.memref_slice %arg19[%dma_start3A_402] : memref<10240xf32, #tpu.memory_space<vmem_shared>> -> memref<10240xf32, #tpu.memory_space<vmem_shared>>
        tpu.enqueue_indirect_dma source(%dma_start3A_398 : memref<80xf32, #tpu.memory_space<vmem>>) target(%dma_start3A_403 : memref<10240xf32, #tpu.memory_space<vmem_shared>>) offsets(%dma_start3A_401 : memref<80xi32, #tpu.memory_space<vmem>>) semaphore(%run_scoped3A : memref<!tpu.dma_semaphore, #tpu.memory_space<semaphore_mem>>) {add = true}
        %dma_wait3A_404 = arith.constant 0 : i32
        %dma_wait3A_405 = tpu.memref_slice %arg17[%scan3A_275, %dma_wait3A_404] : memref<125x80xf32, #tpu.memory_space<vmem>> -> memref<1x80xf32, #tpu.memory_space<vmem>>
        %dma_wait3A_406 = tpu.memref_squeeze %dma_wait3A_405 : memref<1x80xf32, #tpu.memory_space<vmem>> -> memref<80xf32, #tpu.memory_space<vmem>>
        %dma_wait3A_407 = arith.constant 0 : i32
        %dma_wait3A_408 = tpu.memref_slice %arg16[%scan3A_275, %dma_wait3A_407] : memref<125x80xi32, #tpu.memory_space<vmem>> -> memref<1x80xi32, #tpu.memory_space<vmem>>
        %dma_wait3A_409 = tpu.memref_squeeze %dma_wait3A_408 : memref<1x80xi32, #tpu.memory_space<vmem>> -> memref<80xi32, #tpu.memory_space<vmem>>
        %dma_wait3A_410 = arith.constant 0 : i32
        %dma_wait3A_411 = tpu.memref_slice %arg19[%dma_wait3A_410] : memref<10240xf32, #tpu.memory_space<vmem_shared>> -> memref<10240xf32, #tpu.memory_space<vmem_shared>>
        tpu.wait_indirect_dma semaphore(%run_scoped3A : memref<!tpu.dma_semaphore, #tpu.memory_space<semaphore_mem>>) src(%dma_wait3A_406 : memref<80xf32, #tpu.memory_space<vmem>>) dst(%dma_wait3A_411 : memref<10240xf32, #tpu.memory_space<vmem_shared>>)
        tpu.yield
      }) : () -> ()
    }
    %scan3A_269 = arith.constant 125 : i32
    "tpu.region"() ({
      %run_scoped3A = tpu.sem_alloc : memref<!tpu.dma_semaphore, #tpu.memory_space<semaphore_mem>>
      %dma_start3A_275 = arith.constant 0 : i32
      %dma_start3A_276 = arith.constant 0 : i32
      %dma_start3A_277 = tpu.memref_slice %arg7[%add3A, %dma_start3A_275, %dma_start3A_276] : memref<32x125x80xi32, #tpu.memory_space<hbm>> -> memref<1x125x80xi32, #tpu.memory_space<hbm>>
      %dma_start3A_278 = tpu.memref_squeeze %dma_start3A_277 : memref<1x125x80xi32, #tpu.memory_space<hbm>> -> memref<125x80xi32, #tpu.memory_space<hbm>>
      %dma_start3A_279 = arith.constant 0 : i32
      %dma_start3A_280 = arith.constant 0 : i32
      %dma_start3A_281 = tpu.memref_slice %arg7[%add3A, %dma_start3A_279, %dma_start3A_280] : memref<32x125x80xi32, #tpu.memory_space<hbm>> -> memref<1x125x80xi32, #tpu.memory_space<hbm>>
      %dma_start3A_282 = tpu.memref_squeeze %dma_start3A_281 : memref<1x125x80xi32, #tpu.memory_space<hbm>> -> memref<125x80xi32, #tpu.memory_space<hbm>>
      tpu.enqueue_dma source(%arg15 : memref<125x80xi32, #tpu.memory_space<vmem>>) target(%dma_start3A_282 : memref<125x80xi32, #tpu.memory_space<hbm>>) target_semaphore(%run_scoped3A : memref<!tpu.dma_semaphore, #tpu.memory_space<semaphore_mem>>)
      %dma_wait3A_283 = arith.constant 0 : i32
      %dma_wait3A_284 = arith.constant 0 : i32
      %dma_wait3A_285 = tpu.memref_slice %arg7[%add3A, %dma_wait3A_283, %dma_wait3A_284] : memref<32x125x80xi32, #tpu.memory_space<hbm>> -> memref<1x125x80xi32, #tpu.memory_space<hbm>>
      %dma_wait3A_286 = tpu.memref_squeeze %dma_wait3A_285 : memref<1x125x80xi32, #tpu.memory_space<hbm>> -> memref<125x80xi32, #tpu.memory_space<hbm>>
      %dma_wait3A_287 = arith.constant 0 : i32
      %dma_wait3A_288 = arith.constant 0 : i32
      %dma_wait3A_289 = tpu.memref_slice %arg7[%add3A, %dma_wait3A_287, %dma_wait3A_288] : memref<32x125x80xi32, #tpu.memory_space<hbm>> -> memref<1x125x80xi32, #tpu.memory_space<hbm>>
      %dma_wait3A_290 = tpu.memref_squeeze %dma_wait3A_289 : memref<1x125x80xi32, #tpu.memory_space<hbm>> -> memref<125x80xi32, #tpu.memory_space<hbm>>
      tpu.wait_dma2 semaphore(%run_scoped3A : memref<!tpu.dma_semaphore, #tpu.memory_space<semaphore_mem>>) src(%arg15 : memref<125x80xi32, #tpu.memory_space<vmem>>) dst(%dma_wait3A_290 : memref<125x80xi32, #tpu.memory_space<hbm>>)
      tpu.yield
    }) : () -> ()
    "tpu.region"() ({
      %run_scoped3A = tpu.sem_alloc : memref<!tpu.dma_semaphore, #tpu.memory_space<semaphore_mem>>
      %dma_start3A_275 = arith.constant 0 : i32
      %dma_start3A_276 = arith.constant 0 : i32
      %dma_start3A_277 = tpu.memref_slice %arg8[%add3A, %dma_start3A_275, %dma_start3A_276] : memref<32x125x80xi32, #tpu.memory_space<hbm>> -> memref<1x125x80xi32, #tpu.memory_space<hbm>>
      %dma_start3A_278 = tpu.memref_squeeze %dma_start3A_277 : memref<1x125x80xi32, #tpu.memory_space<hbm>> -> memref<125x80xi32, #tpu.memory_space<hbm>>
      %dma_start3A_279 = arith.constant 0 : i32
      %dma_start3A_280 = arith.constant 0 : i32
      %dma_start3A_281 = tpu.memref_slice %arg8[%add3A, %dma_start3A_279, %dma_start3A_280] : memref<32x125x80xi32, #tpu.memory_space<hbm>> -> memref<1x125x80xi32, #tpu.memory_space<hbm>>
      %dma_start3A_282 = tpu.memref_squeeze %dma_start3A_281 : memref<1x125x80xi32, #tpu.memory_space<hbm>> -> memref<125x80xi32, #tpu.memory_space<hbm>>
      tpu.enqueue_dma source(%arg16 : memref<125x80xi32, #tpu.memory_space<vmem>>) target(%dma_start3A_282 : memref<125x80xi32, #tpu.memory_space<hbm>>) target_semaphore(%run_scoped3A : memref<!tpu.dma_semaphore, #tpu.memory_space<semaphore_mem>>)
      %dma_wait3A_283 = arith.constant 0 : i32
      %dma_wait3A_284 = arith.constant 0 : i32
      %dma_wait3A_285 = tpu.memref_slice %arg8[%add3A, %dma_wait3A_283, %dma_wait3A_284] : memref<32x125x80xi32, #tpu.memory_space<hbm>> -> memref<1x125x80xi32, #tpu.memory_space<hbm>>
      %dma_wait3A_286 = tpu.memref_squeeze %dma_wait3A_285 : memref<1x125x80xi32, #tpu.memory_space<hbm>> -> memref<125x80xi32, #tpu.memory_space<hbm>>
      %dma_wait3A_287 = arith.constant 0 : i32
      %dma_wait3A_288 = arith.constant 0 : i32
      %dma_wait3A_289 = tpu.memref_slice %arg8[%add3A, %dma_wait3A_287, %dma_wait3A_288] : memref<32x125x80xi32, #tpu.memory_space<hbm>> -> memref<1x125x80xi32, #tpu.memory_space<hbm>>
      %dma_wait3A_290 = tpu.memref_squeeze %dma_wait3A_289 : memref<1x125x80xi32, #tpu.memory_space<hbm>> -> memref<125x80xi32, #tpu.memory_space<hbm>>
      tpu.wait_dma2 semaphore(%run_scoped3A : memref<!tpu.dma_semaphore, #tpu.memory_space<semaphore_mem>>) src(%arg16 : memref<125x80xi32, #tpu.memory_space<vmem>>) dst(%dma_wait3A_290 : memref<125x80xi32, #tpu.memory_space<hbm>>)
      tpu.yield
    }) : () -> ()
    %barrier3A_270 = arith.constant 0 : index
    tpu.barrier barrier_id(%barrier3A_270)
    %mul3A_271 = arith.constant 640 : i32
    %mul3A_272 = arith.muli %arg1, %mul3A_271 : i32
    %mul3A_273 = arith.constant 640 : i32
    %mul3A_274 = arith.muli %arg1, %mul3A_273 : i32
    "tpu.region"() ({
      %run_scoped3A = tpu.sem_alloc : memref<!tpu.dma_semaphore, #tpu.memory_space<semaphore_mem>>
      %dma_start3A_275 = tpu.memref_slice %arg9[%arg0, %mul3A_274] : memref<2x10240xf32, #tpu.memory_space<hbm>> -> memref<1x640xf32, #tpu.memory_space<hbm>>
      %dma_start3A_276 = tpu.memref_squeeze %dma_start3A_275 : memref<1x640xf32, #tpu.memory_space<hbm>> -> memref<640xf32, #tpu.memory_space<hbm>>
      %dma_start3A_277 = tpu.memref_slice %arg19[%mul3A_272] : memref<10240xf32, #tpu.memory_space<vmem_shared>> -> memref<640xf32, #tpu.memory_space<vmem_shared>>
      tpu.enqueue_dma source(%dma_start3A_277 : memref<640xf32, #tpu.memory_space<vmem_shared>>) target(%dma_start3A_276 : memref<640xf32, #tpu.memory_space<hbm>>) target_semaphore(%run_scoped3A : memref<!tpu.dma_semaphore, #tpu.memory_space<semaphore_mem>>)
      %dma_wait3A_278 = tpu.memref_slice %arg9[%arg0, %mul3A_274] : memref<2x10240xf32, #tpu.memory_space<hbm>> -> memref<1x640xf32, #tpu.memory_space<hbm>>
      %dma_wait3A_279 = tpu.memref_squeeze %dma_wait3A_278 : memref<1x640xf32, #tpu.memory_space<hbm>> -> memref<640xf32, #tpu.memory_space<hbm>>
      %dma_wait3A_280 = tpu.memref_slice %arg19[%mul3A_272] : memref<10240xf32, #tpu.memory_space<vmem_shared>> -> memref<640xf32, #tpu.memory_space<vmem_shared>>
      tpu.wait_dma2 semaphore(%run_scoped3A : memref<!tpu.dma_semaphore, #tpu.memory_space<semaphore_mem>>) src(%dma_wait3A_280 : memref<640xf32, #tpu.memory_space<vmem_shared>>) dst(%dma_wait3A_279 : memref<640xf32, #tpu.memory_space<hbm>>)
      tpu.yield
    }) : () -> ()
    return
  }
}

#map = affine_map<(d0, d1) -> (0, 0)>
#map1 = affine_map<(d0, d1) -> (0, 0, 0)>
module attributes {stable_mosaic.version = 14 : i64} {
  func.func @msgpass(%arg0: i32, %arg1: i32, %arg2: memref<10240x64xf32, #tpu.memory_space<hbm>>, %arg3: memref<32x125x80xi32, #tpu.memory_space<hbm>>, %arg4: memref<32x125x80xi32, #tpu.memory_space<hbm>>, %arg5: memref<2x10240x64xf32, #tpu.memory_space<hbm>>, %arg6: memref<125x80xi32, #tpu.memory_space<vmem>>, %arg7: memref<125x80xi32, #tpu.memory_space<vmem>>, %arg8: memref<80x64xf32, #tpu.memory_space<vmem>>, %arg9: memref<80x64xf32, #tpu.memory_space<vmem>>, %arg10: memref<80x64xf32, #tpu.memory_space<vmem>>, %arg11: memref<80x64xf32, #tpu.memory_space<vmem>>, %arg12: memref<80x64xf32, #tpu.memory_space<vmem>>, %arg13: memref<10240x64xf32, #tpu.memory_space<vmem_shared>>, %arg14: memref<!tpu.dma_semaphore, #tpu.memory_space<semaphore_mem>>, %arg15: memref<!tpu.dma_semaphore, #tpu.memory_space<semaphore_mem>>, %arg16: memref<!tpu.dma_semaphore, #tpu.memory_space<semaphore_mem>>, %arg17: memref<!tpu.dma_semaphore, #tpu.memory_space<semaphore_mem>>) attributes {dimension_semantics = [#tpu.dimension_semantics<core_parallel>, #tpu.dimension_semantics<subcore_parallel>], iteration_bounds = array<i64: 2, 16>, scalar_prefetch = 0 : i64, scratch_operands = 12 : i64, tpu.core_type = #tpu.core_type<sc_vector_subcore>, window_params = [{transform_indices = #map}, {transform_indices = #map1}, {transform_indices = #map1}, {transform_indices = #map1}]} {
    %mul3A = arith.constant 2 : i32
    %mul3A_0 = arith.muli %arg1, %mul3A : i32
    %add3A = arith.addi %mul3A_0, %arg0 : i32
    %scan3A = arith.constant 0 : i32
    %scan3A_1 = arith.constant 0 : i32
    %scan3A_2 = arith.constant 80 : i32
    %scan3A_3 = arith.addi %scan3A_1, %scan3A_2 : i32
    %scan3A_4 = arith.constant 1 : i32
    scf.for %scan3A_74 = %scan3A_1 to %scan3A_3 step %scan3A_4  : i32 {
      %broadcast_in_dim3A = arith.constant 0.000000e+00 : f32
      %broadcast_in_dim3A_75 = vector.broadcast %broadcast_in_dim3A : f32 to vector<16xf32>
      %swap3A = arith.index_cast %scan3A_74 : i32 to index
      %swap3A_76 = arith.constant 0 : index
      %swap3A_77 = tpu.vector_load %arg8[%swap3A, %swap3A_76] {strides = array<i32>} : memref<80x64xf32, #tpu.memory_space<vmem>>, vector<1x16xf32>,
      %swap3A_78 = vector.shape_cast %swap3A_77 : vector<1x16xf32> to vector<16xf32>
      %swap3A_79 = vector.shape_cast %broadcast_in_dim3A_75 : vector<16xf32> to vector<1x16xf32>
      tpu.vector_store %arg8[%swap3A, %swap3A_76], %swap3A_79 {strides = array<i32>} : memref<80x64xf32, #tpu.memory_space<vmem>>, vector<1x16xf32>,
      %broadcast_in_dim3A_80 = arith.constant 0.000000e+00 : f32
      %broadcast_in_dim3A_81 = vector.broadcast %broadcast_in_dim3A_80 : f32 to vector<16xf32>
      %swap3A_82 = arith.index_cast %scan3A_74 : i32 to index
      %swap3A_83 = arith.constant 16 : index
      %swap3A_84 = tpu.vector_load %arg8[%swap3A_82, %swap3A_83] {strides = array<i32>} : memref<80x64xf32, #tpu.memory_space<vmem>>, vector<1x16xf32>,
      %swap3A_85 = vector.shape_cast %swap3A_84 : vector<1x16xf32> to vector<16xf32>
      %swap3A_86 = vector.shape_cast %broadcast_in_dim3A_81 : vector<16xf32> to vector<1x16xf32>
      tpu.vector_store %arg8[%swap3A_82, %swap3A_83], %swap3A_86 {strides = array<i32>} : memref<80x64xf32, #tpu.memory_space<vmem>>, vector<1x16xf32>,
      %broadcast_in_dim3A_87 = arith.constant 0.000000e+00 : f32
      %broadcast_in_dim3A_88 = vector.broadcast %broadcast_in_dim3A_87 : f32 to vector<16xf32>
      %swap3A_89 = arith.index_cast %scan3A_74 : i32 to index
      %swap3A_90 = arith.constant 32 : index
      %swap3A_91 = tpu.vector_load %arg8[%swap3A_89, %swap3A_90] {strides = array<i32>} : memref<80x64xf32, #tpu.memory_space<vmem>>, vector<1x16xf32>,
      %swap3A_92 = vector.shape_cast %swap3A_91 : vector<1x16xf32> to vector<16xf32>
      %swap3A_93 = vector.shape_cast %broadcast_in_dim3A_88 : vector<16xf32> to vector<1x16xf32>
      tpu.vector_store %arg8[%swap3A_89, %swap3A_90], %swap3A_93 {strides = array<i32>} : memref<80x64xf32, #tpu.memory_space<vmem>>, vector<1x16xf32>,
      %broadcast_in_dim3A_94 = arith.constant 0.000000e+00 : f32
      %broadcast_in_dim3A_95 = vector.broadcast %broadcast_in_dim3A_94 : f32 to vector<16xf32>
      %swap3A_96 = arith.index_cast %scan3A_74 : i32 to index
      %swap3A_97 = arith.constant 48 : index
      %swap3A_98 = tpu.vector_load %arg8[%swap3A_96, %swap3A_97] {strides = array<i32>} : memref<80x64xf32, #tpu.memory_space<vmem>>, vector<1x16xf32>,
      %swap3A_99 = vector.shape_cast %swap3A_98 : vector<1x16xf32> to vector<16xf32>
      %swap3A_100 = vector.shape_cast %broadcast_in_dim3A_95 : vector<16xf32> to vector<1x16xf32>
      tpu.vector_store %arg8[%swap3A_96, %swap3A_97], %swap3A_100 {strides = array<i32>} : memref<80x64xf32, #tpu.memory_space<vmem>>, vector<1x16xf32>,
    }
    %scan3A_5 = arith.constant 80 : i32
    %mul3A_6 = arith.constant 640 : i32
    %mul3A_7 = arith.muli %arg1, %mul3A_6 : i32
    %add3A_8 = arith.constant 0 : i32
    %add3A_9 = arith.addi %mul3A_7, %add3A_8 : i32
    "tpu.region"() ({
      %run_scoped3A_74 = tpu.sem_alloc : memref<!tpu.dma_semaphore, #tpu.memory_space<semaphore_mem>>
      %dma_start3A_75 = arith.constant 0 : i32
      %dma_start3A_76 = tpu.memref_slice %arg13[%add3A_9, %dma_start3A_75] : memref<10240x64xf32, #tpu.memory_space<vmem_shared>> -> memref<80x64xf32, #tpu.memory_space<vmem_shared>>
      %dma_start3A_77 = arith.constant 0 : i32
      %dma_start3A_78 = tpu.memref_slice %arg13[%add3A_9, %dma_start3A_77] : memref<10240x64xf32, #tpu.memory_space<vmem_shared>> -> memref<80x64xf32, #tpu.memory_space<vmem_shared>>
      tpu.enqueue_dma source(%arg8 : memref<80x64xf32, #tpu.memory_space<vmem>>) target(%dma_start3A_78 : memref<80x64xf32, #tpu.memory_space<vmem_shared>>) target_semaphore(%run_scoped3A_74 : memref<!tpu.dma_semaphore, #tpu.memory_space<semaphore_mem>>)
      %dma_wait3A_79 = arith.constant 0 : i32
      %dma_wait3A_80 = tpu.memref_slice %arg13[%add3A_9, %dma_wait3A_79] : memref<10240x64xf32, #tpu.memory_space<vmem_shared>> -> memref<80x64xf32, #tpu.memory_space<vmem_shared>>
      %dma_wait3A_81 = arith.constant 0 : i32
      %dma_wait3A_82 = tpu.memref_slice %arg13[%add3A_9, %dma_wait3A_81] : memref<10240x64xf32, #tpu.memory_space<vmem_shared>> -> memref<80x64xf32, #tpu.memory_space<vmem_shared>>
      tpu.wait_dma2 semaphore(%run_scoped3A_74 : memref<!tpu.dma_semaphore, #tpu.memory_space<semaphore_mem>>) src(%arg8 : memref<80x64xf32, #tpu.memory_space<vmem>>) dst(%dma_wait3A_82 : memref<80x64xf32, #tpu.memory_space<vmem_shared>>)
      tpu.yield
    }) : () -> ()
    %mul3A_10 = arith.constant 640 : i32
    %mul3A_11 = arith.muli %arg1, %mul3A_10 : i32
    %add3A_12 = arith.constant 80 : i32
    %add3A_13 = arith.addi %mul3A_11, %add3A_12 : i32
    "tpu.region"() ({
      %run_scoped3A_74 = tpu.sem_alloc : memref<!tpu.dma_semaphore, #tpu.memory_space<semaphore_mem>>
      %dma_start3A_75 = arith.constant 0 : i32
      %dma_start3A_76 = tpu.memref_slice %arg13[%add3A_13, %dma_start3A_75] : memref<10240x64xf32, #tpu.memory_space<vmem_shared>> -> memref<80x64xf32, #tpu.memory_space<vmem_shared>>
      %dma_start3A_77 = arith.constant 0 : i32
      %dma_start3A_78 = tpu.memref_slice %arg13[%add3A_13, %dma_start3A_77] : memref<10240x64xf32, #tpu.memory_space<vmem_shared>> -> memref<80x64xf32, #tpu.memory_space<vmem_shared>>
      tpu.enqueue_dma source(%arg8 : memref<80x64xf32, #tpu.memory_space<vmem>>) target(%dma_start3A_78 : memref<80x64xf32, #tpu.memory_space<vmem_shared>>) target_semaphore(%run_scoped3A_74 : memref<!tpu.dma_semaphore, #tpu.memory_space<semaphore_mem>>)
      %dma_wait3A_79 = arith.constant 0 : i32
      %dma_wait3A_80 = tpu.memref_slice %arg13[%add3A_13, %dma_wait3A_79] : memref<10240x64xf32, #tpu.memory_space<vmem_shared>> -> memref<80x64xf32, #tpu.memory_space<vmem_shared>>
      %dma_wait3A_81 = arith.constant 0 : i32
      %dma_wait3A_82 = tpu.memref_slice %arg13[%add3A_13, %dma_wait3A_81] : memref<10240x64xf32, #tpu.memory_space<vmem_shared>> -> memref<80x64xf32, #tpu.memory_space<vmem_shared>>
      tpu.wait_dma2 semaphore(%run_scoped3A_74 : memref<!tpu.dma_semaphore, #tpu.memory_space<semaphore_mem>>) src(%arg8 : memref<80x64xf32, #tpu.memory_space<vmem>>) dst(%dma_wait3A_82 : memref<80x64xf32, #tpu.memory_space<vmem_shared>>)
      tpu.yield
    }) : () -> ()
    %mul3A_14 = arith.constant 640 : i32
    %mul3A_15 = arith.muli %arg1, %mul3A_14 : i32
    %add3A_16 = arith.constant 160 : i32
    %add3A_17 = arith.addi %mul3A_15, %add3A_16 : i32
    "tpu.region"() ({
      %run_scoped3A_74 = tpu.sem_alloc : memref<!tpu.dma_semaphore, #tpu.memory_space<semaphore_mem>>
      %dma_start3A_75 = arith.constant 0 : i32
      %dma_start3A_76 = tpu.memref_slice %arg13[%add3A_17, %dma_start3A_75] : memref<10240x64xf32, #tpu.memory_space<vmem_shared>> -> memref<80x64xf32, #tpu.memory_space<vmem_shared>>
      %dma_start3A_77 = arith.constant 0 : i32
      %dma_start3A_78 = tpu.memref_slice %arg13[%add3A_17, %dma_start3A_77] : memref<10240x64xf32, #tpu.memory_space<vmem_shared>> -> memref<80x64xf32, #tpu.memory_space<vmem_shared>>
      tpu.enqueue_dma source(%arg8 : memref<80x64xf32, #tpu.memory_space<vmem>>) target(%dma_start3A_78 : memref<80x64xf32, #tpu.memory_space<vmem_shared>>) target_semaphore(%run_scoped3A_74 : memref<!tpu.dma_semaphore, #tpu.memory_space<semaphore_mem>>)
      %dma_wait3A_79 = arith.constant 0 : i32
      %dma_wait3A_80 = tpu.memref_slice %arg13[%add3A_17, %dma_wait3A_79] : memref<10240x64xf32, #tpu.memory_space<vmem_shared>> -> memref<80x64xf32, #tpu.memory_space<vmem_shared>>
      %dma_wait3A_81 = arith.constant 0 : i32
      %dma_wait3A_82 = tpu.memref_slice %arg13[%add3A_17, %dma_wait3A_81] : memref<10240x64xf32, #tpu.memory_space<vmem_shared>> -> memref<80x64xf32, #tpu.memory_space<vmem_shared>>
      tpu.wait_dma2 semaphore(%run_scoped3A_74 : memref<!tpu.dma_semaphore, #tpu.memory_space<semaphore_mem>>) src(%arg8 : memref<80x64xf32, #tpu.memory_space<vmem>>) dst(%dma_wait3A_82 : memref<80x64xf32, #tpu.memory_space<vmem_shared>>)
      tpu.yield
    }) : () -> ()
    %mul3A_18 = arith.constant 640 : i32
    %mul3A_19 = arith.muli %arg1, %mul3A_18 : i32
    %add3A_20 = arith.constant 240 : i32
    %add3A_21 = arith.addi %mul3A_19, %add3A_20 : i32
    "tpu.region"() ({
      %run_scoped3A_74 = tpu.sem_alloc : memref<!tpu.dma_semaphore, #tpu.memory_space<semaphore_mem>>
      %dma_start3A_75 = arith.constant 0 : i32
      %dma_start3A_76 = tpu.memref_slice %arg13[%add3A_21, %dma_start3A_75] : memref<10240x64xf32, #tpu.memory_space<vmem_shared>> -> memref<80x64xf32, #tpu.memory_space<vmem_shared>>
      %dma_start3A_77 = arith.constant 0 : i32
      %dma_start3A_78 = tpu.memref_slice %arg13[%add3A_21, %dma_start3A_77] : memref<10240x64xf32, #tpu.memory_space<vmem_shared>> -> memref<80x64xf32, #tpu.memory_space<vmem_shared>>
      tpu.enqueue_dma source(%arg8 : memref<80x64xf32, #tpu.memory_space<vmem>>) target(%dma_start3A_78 : memref<80x64xf32, #tpu.memory_space<vmem_shared>>) target_semaphore(%run_scoped3A_74 : memref<!tpu.dma_semaphore, #tpu.memory_space<semaphore_mem>>)
      %dma_wait3A_79 = arith.constant 0 : i32
      %dma_wait3A_80 = tpu.memref_slice %arg13[%add3A_21, %dma_wait3A_79] : memref<10240x64xf32, #tpu.memory_space<vmem_shared>> -> memref<80x64xf32, #tpu.memory_space<vmem_shared>>
      %dma_wait3A_81 = arith.constant 0 : i32
      %dma_wait3A_82 = tpu.memref_slice %arg13[%add3A_21, %dma_wait3A_81] : memref<10240x64xf32, #tpu.memory_space<vmem_shared>> -> memref<80x64xf32, #tpu.memory_space<vmem_shared>>
      tpu.wait_dma2 semaphore(%run_scoped3A_74 : memref<!tpu.dma_semaphore, #tpu.memory_space<semaphore_mem>>) src(%arg8 : memref<80x64xf32, #tpu.memory_space<vmem>>) dst(%dma_wait3A_82 : memref<80x64xf32, #tpu.memory_space<vmem_shared>>)
      tpu.yield
    }) : () -> ()
    %mul3A_22 = arith.constant 640 : i32
    %mul3A_23 = arith.muli %arg1, %mul3A_22 : i32
    %add3A_24 = arith.constant 320 : i32
    %add3A_25 = arith.addi %mul3A_23, %add3A_24 : i32
    "tpu.region"() ({
      %run_scoped3A_74 = tpu.sem_alloc : memref<!tpu.dma_semaphore, #tpu.memory_space<semaphore_mem>>
      %dma_start3A_75 = arith.constant 0 : i32
      %dma_start3A_76 = tpu.memref_slice %arg13[%add3A_25, %dma_start3A_75] : memref<10240x64xf32, #tpu.memory_space<vmem_shared>> -> memref<80x64xf32, #tpu.memory_space<vmem_shared>>
      %dma_start3A_77 = arith.constant 0 : i32
      %dma_start3A_78 = tpu.memref_slice %arg13[%add3A_25, %dma_start3A_77] : memref<10240x64xf32, #tpu.memory_space<vmem_shared>> -> memref<80x64xf32, #tpu.memory_space<vmem_shared>>
      tpu.enqueue_dma source(%arg8 : memref<80x64xf32, #tpu.memory_space<vmem>>) target(%dma_start3A_78 : memref<80x64xf32, #tpu.memory_space<vmem_shared>>) target_semaphore(%run_scoped3A_74 : memref<!tpu.dma_semaphore, #tpu.memory_space<semaphore_mem>>)
      %dma_wait3A_79 = arith.constant 0 : i32
      %dma_wait3A_80 = tpu.memref_slice %arg13[%add3A_25, %dma_wait3A_79] : memref<10240x64xf32, #tpu.memory_space<vmem_shared>> -> memref<80x64xf32, #tpu.memory_space<vmem_shared>>
      %dma_wait3A_81 = arith.constant 0 : i32
      %dma_wait3A_82 = tpu.memref_slice %arg13[%add3A_25, %dma_wait3A_81] : memref<10240x64xf32, #tpu.memory_space<vmem_shared>> -> memref<80x64xf32, #tpu.memory_space<vmem_shared>>
      tpu.wait_dma2 semaphore(%run_scoped3A_74 : memref<!tpu.dma_semaphore, #tpu.memory_space<semaphore_mem>>) src(%arg8 : memref<80x64xf32, #tpu.memory_space<vmem>>) dst(%dma_wait3A_82 : memref<80x64xf32, #tpu.memory_space<vmem_shared>>)
      tpu.yield
    }) : () -> ()
    %mul3A_26 = arith.constant 640 : i32
    %mul3A_27 = arith.muli %arg1, %mul3A_26 : i32
    %add3A_28 = arith.constant 400 : i32
    %add3A_29 = arith.addi %mul3A_27, %add3A_28 : i32
    "tpu.region"() ({
      %run_scoped3A_74 = tpu.sem_alloc : memref<!tpu.dma_semaphore, #tpu.memory_space<semaphore_mem>>
      %dma_start3A_75 = arith.constant 0 : i32
      %dma_start3A_76 = tpu.memref_slice %arg13[%add3A_29, %dma_start3A_75] : memref<10240x64xf32, #tpu.memory_space<vmem_shared>> -> memref<80x64xf32, #tpu.memory_space<vmem_shared>>
      %dma_start3A_77 = arith.constant 0 : i32
      %dma_start3A_78 = tpu.memref_slice %arg13[%add3A_29, %dma_start3A_77] : memref<10240x64xf32, #tpu.memory_space<vmem_shared>> -> memref<80x64xf32, #tpu.memory_space<vmem_shared>>
      tpu.enqueue_dma source(%arg8 : memref<80x64xf32, #tpu.memory_space<vmem>>) target(%dma_start3A_78 : memref<80x64xf32, #tpu.memory_space<vmem_shared>>) target_semaphore(%run_scoped3A_74 : memref<!tpu.dma_semaphore, #tpu.memory_space<semaphore_mem>>)
      %dma_wait3A_79 = arith.constant 0 : i32
      %dma_wait3A_80 = tpu.memref_slice %arg13[%add3A_29, %dma_wait3A_79] : memref<10240x64xf32, #tpu.memory_space<vmem_shared>> -> memref<80x64xf32, #tpu.memory_space<vmem_shared>>
      %dma_wait3A_81 = arith.constant 0 : i32
      %dma_wait3A_82 = tpu.memref_slice %arg13[%add3A_29, %dma_wait3A_81] : memref<10240x64xf32, #tpu.memory_space<vmem_shared>> -> memref<80x64xf32, #tpu.memory_space<vmem_shared>>
      tpu.wait_dma2 semaphore(%run_scoped3A_74 : memref<!tpu.dma_semaphore, #tpu.memory_space<semaphore_mem>>) src(%arg8 : memref<80x64xf32, #tpu.memory_space<vmem>>) dst(%dma_wait3A_82 : memref<80x64xf32, #tpu.memory_space<vmem_shared>>)
      tpu.yield
    }) : () -> ()
    %mul3A_30 = arith.constant 640 : i32
    %mul3A_31 = arith.muli %arg1, %mul3A_30 : i32
    %add3A_32 = arith.constant 480 : i32
    %add3A_33 = arith.addi %mul3A_31, %add3A_32 : i32
    "tpu.region"() ({
      %run_scoped3A_74 = tpu.sem_alloc : memref<!tpu.dma_semaphore, #tpu.memory_space<semaphore_mem>>
      %dma_start3A_75 = arith.constant 0 : i32
      %dma_start3A_76 = tpu.memref_slice %arg13[%add3A_33, %dma_start3A_75] : memref<10240x64xf32, #tpu.memory_space<vmem_shared>> -> memref<80x64xf32, #tpu.memory_space<vmem_shared>>
      %dma_start3A_77 = arith.constant 0 : i32
      %dma_start3A_78 = tpu.memref_slice %arg13[%add3A_33, %dma_start3A_77] : memref<10240x64xf32, #tpu.memory_space<vmem_shared>> -> memref<80x64xf32, #tpu.memory_space<vmem_shared>>
      tpu.enqueue_dma source(%arg8 : memref<80x64xf32, #tpu.memory_space<vmem>>) target(%dma_start3A_78 : memref<80x64xf32, #tpu.memory_space<vmem_shared>>) target_semaphore(%run_scoped3A_74 : memref<!tpu.dma_semaphore, #tpu.memory_space<semaphore_mem>>)
      %dma_wait3A_79 = arith.constant 0 : i32
      %dma_wait3A_80 = tpu.memref_slice %arg13[%add3A_33, %dma_wait3A_79] : memref<10240x64xf32, #tpu.memory_space<vmem_shared>> -> memref<80x64xf32, #tpu.memory_space<vmem_shared>>
      %dma_wait3A_81 = arith.constant 0 : i32
      %dma_wait3A_82 = tpu.memref_slice %arg13[%add3A_33, %dma_wait3A_81] : memref<10240x64xf32, #tpu.memory_space<vmem_shared>> -> memref<80x64xf32, #tpu.memory_space<vmem_shared>>
      tpu.wait_dma2 semaphore(%run_scoped3A_74 : memref<!tpu.dma_semaphore, #tpu.memory_space<semaphore_mem>>) src(%arg8 : memref<80x64xf32, #tpu.memory_space<vmem>>) dst(%dma_wait3A_82 : memref<80x64xf32, #tpu.memory_space<vmem_shared>>)
      tpu.yield
    }) : () -> ()
    %mul3A_34 = arith.constant 640 : i32
    %mul3A_35 = arith.muli %arg1, %mul3A_34 : i32
    %add3A_36 = arith.constant 560 : i32
    %add3A_37 = arith.addi %mul3A_35, %add3A_36 : i32
    "tpu.region"() ({
      %run_scoped3A_74 = tpu.sem_alloc : memref<!tpu.dma_semaphore, #tpu.memory_space<semaphore_mem>>
      %dma_start3A_75 = arith.constant 0 : i32
      %dma_start3A_76 = tpu.memref_slice %arg13[%add3A_37, %dma_start3A_75] : memref<10240x64xf32, #tpu.memory_space<vmem_shared>> -> memref<80x64xf32, #tpu.memory_space<vmem_shared>>
      %dma_start3A_77 = arith.constant 0 : i32
      %dma_start3A_78 = tpu.memref_slice %arg13[%add3A_37, %dma_start3A_77] : memref<10240x64xf32, #tpu.memory_space<vmem_shared>> -> memref<80x64xf32, #tpu.memory_space<vmem_shared>>
      tpu.enqueue_dma source(%arg8 : memref<80x64xf32, #tpu.memory_space<vmem>>) target(%dma_start3A_78 : memref<80x64xf32, #tpu.memory_space<vmem_shared>>) target_semaphore(%run_scoped3A_74 : memref<!tpu.dma_semaphore, #tpu.memory_space<semaphore_mem>>)
      %dma_wait3A_79 = arith.constant 0 : i32
      %dma_wait3A_80 = tpu.memref_slice %arg13[%add3A_37, %dma_wait3A_79] : memref<10240x64xf32, #tpu.memory_space<vmem_shared>> -> memref<80x64xf32, #tpu.memory_space<vmem_shared>>
      %dma_wait3A_81 = arith.constant 0 : i32
      %dma_wait3A_82 = tpu.memref_slice %arg13[%add3A_37, %dma_wait3A_81] : memref<10240x64xf32, #tpu.memory_space<vmem_shared>> -> memref<80x64xf32, #tpu.memory_space<vmem_shared>>
      tpu.wait_dma2 semaphore(%run_scoped3A_74 : memref<!tpu.dma_semaphore, #tpu.memory_space<semaphore_mem>>) src(%arg8 : memref<80x64xf32, #tpu.memory_space<vmem>>) dst(%dma_wait3A_82 : memref<80x64xf32, #tpu.memory_space<vmem_shared>>)
      tpu.yield
    }) : () -> ()
    %barrier3A = arith.constant 0 : index
    tpu.barrier barrier_id(%barrier3A)
    "tpu.region"() ({
      %run_scoped3A_74 = tpu.sem_alloc : memref<!tpu.dma_semaphore, #tpu.memory_space<semaphore_mem>>
      %dma_start3A_75 = arith.constant 0 : i32
      %dma_start3A_76 = arith.constant 0 : i32
      %dma_start3A_77 = tpu.memref_slice %arg3[%add3A, %dma_start3A_75, %dma_start3A_76] : memref<32x125x80xi32, #tpu.memory_space<hbm>> -> memref<1x125x80xi32, #tpu.memory_space<hbm>>
      %dma_start3A_78 = tpu.memref_squeeze %dma_start3A_77 : memref<1x125x80xi32, #tpu.memory_space<hbm>> -> memref<125x80xi32, #tpu.memory_space<hbm>>
      %dma_start3A_79 = arith.constant 0 : i32
      %dma_start3A_80 = arith.constant 0 : i32
      %dma_start3A_81 = tpu.memref_slice %arg3[%add3A, %dma_start3A_79, %dma_start3A_80] : memref<32x125x80xi32, #tpu.memory_space<hbm>> -> memref<1x125x80xi32, #tpu.memory_space<hbm>>
      %dma_start3A_82 = tpu.memref_squeeze %dma_start3A_81 : memref<1x125x80xi32, #tpu.memory_space<hbm>> -> memref<125x80xi32, #tpu.memory_space<hbm>>
      tpu.enqueue_dma source(%dma_start3A_82 : memref<125x80xi32, #tpu.memory_space<hbm>>) target(%arg6 : memref<125x80xi32, #tpu.memory_space<vmem>>) target_semaphore(%run_scoped3A_74 : memref<!tpu.dma_semaphore, #tpu.memory_space<semaphore_mem>>)
      %dma_wait3A_83 = arith.constant 0 : i32
      %dma_wait3A_84 = arith.constant 0 : i32
      %dma_wait3A_85 = tpu.memref_slice %arg3[%add3A, %dma_wait3A_83, %dma_wait3A_84] : memref<32x125x80xi32, #tpu.memory_space<hbm>> -> memref<1x125x80xi32, #tpu.memory_space<hbm>>
      %dma_wait3A_86 = tpu.memref_squeeze %dma_wait3A_85 : memref<1x125x80xi32, #tpu.memory_space<hbm>> -> memref<125x80xi32, #tpu.memory_space<hbm>>
      %dma_wait3A_87 = arith.constant 0 : i32
      %dma_wait3A_88 = arith.constant 0 : i32
      %dma_wait3A_89 = tpu.memref_slice %arg3[%add3A, %dma_wait3A_87, %dma_wait3A_88] : memref<32x125x80xi32, #tpu.memory_space<hbm>> -> memref<1x125x80xi32, #tpu.memory_space<hbm>>
      %dma_wait3A_90 = tpu.memref_squeeze %dma_wait3A_89 : memref<1x125x80xi32, #tpu.memory_space<hbm>> -> memref<125x80xi32, #tpu.memory_space<hbm>>
      tpu.wait_dma2 semaphore(%run_scoped3A_74 : memref<!tpu.dma_semaphore, #tpu.memory_space<semaphore_mem>>) src(%dma_wait3A_90 : memref<125x80xi32, #tpu.memory_space<hbm>>) dst(%arg6 : memref<125x80xi32, #tpu.memory_space<vmem>>)
      tpu.yield
    }) : () -> ()
    "tpu.region"() ({
      %run_scoped3A_74 = tpu.sem_alloc : memref<!tpu.dma_semaphore, #tpu.memory_space<semaphore_mem>>
      %dma_start3A_75 = arith.constant 0 : i32
      %dma_start3A_76 = arith.constant 0 : i32
      %dma_start3A_77 = tpu.memref_slice %arg4[%add3A, %dma_start3A_75, %dma_start3A_76] : memref<32x125x80xi32, #tpu.memory_space<hbm>> -> memref<1x125x80xi32, #tpu.memory_space<hbm>>
      %dma_start3A_78 = tpu.memref_squeeze %dma_start3A_77 : memref<1x125x80xi32, #tpu.memory_space<hbm>> -> memref<125x80xi32, #tpu.memory_space<hbm>>
      %dma_start3A_79 = arith.constant 0 : i32
      %dma_start3A_80 = arith.constant 0 : i32
      %dma_start3A_81 = tpu.memref_slice %arg4[%add3A, %dma_start3A_79, %dma_start3A_80] : memref<32x125x80xi32, #tpu.memory_space<hbm>> -> memref<1x125x80xi32, #tpu.memory_space<hbm>>
      %dma_start3A_82 = tpu.memref_squeeze %dma_start3A_81 : memref<1x125x80xi32, #tpu.memory_space<hbm>> -> memref<125x80xi32, #tpu.memory_space<hbm>>
      tpu.enqueue_dma source(%dma_start3A_82 : memref<125x80xi32, #tpu.memory_space<hbm>>) target(%arg7 : memref<125x80xi32, #tpu.memory_space<vmem>>) target_semaphore(%run_scoped3A_74 : memref<!tpu.dma_semaphore, #tpu.memory_space<semaphore_mem>>)
      %dma_wait3A_83 = arith.constant 0 : i32
      %dma_wait3A_84 = arith.constant 0 : i32
      %dma_wait3A_85 = tpu.memref_slice %arg4[%add3A, %dma_wait3A_83, %dma_wait3A_84] : memref<32x125x80xi32, #tpu.memory_space<hbm>> -> memref<1x125x80xi32, #tpu.memory_space<hbm>>
      %dma_wait3A_86 = tpu.memref_squeeze %dma_wait3A_85 : memref<1x125x80xi32, #tpu.memory_space<hbm>> -> memref<125x80xi32, #tpu.memory_space<hbm>>
      %dma_wait3A_87 = arith.constant 0 : i32
      %dma_wait3A_88 = arith.constant 0 : i32
      %dma_wait3A_89 = tpu.memref_slice %arg4[%add3A, %dma_wait3A_87, %dma_wait3A_88] : memref<32x125x80xi32, #tpu.memory_space<hbm>> -> memref<1x125x80xi32, #tpu.memory_space<hbm>>
      %dma_wait3A_90 = tpu.memref_squeeze %dma_wait3A_89 : memref<1x125x80xi32, #tpu.memory_space<hbm>> -> memref<125x80xi32, #tpu.memory_space<hbm>>
      tpu.wait_dma2 semaphore(%run_scoped3A_74 : memref<!tpu.dma_semaphore, #tpu.memory_space<semaphore_mem>>) src(%dma_wait3A_90 : memref<125x80xi32, #tpu.memory_space<hbm>>) dst(%arg7 : memref<125x80xi32, #tpu.memory_space<vmem>>)
      tpu.yield
    }) : () -> ()
    %dma_start3A = arith.constant 0 : i32
    %dma_start3A_38 = arith.constant 0 : i32
    %dma_start3A_39 = tpu.memref_slice %arg6[%dma_start3A, %dma_start3A_38] : memref<125x80xi32, #tpu.memory_space<vmem>> -> memref<1x80xi32, #tpu.memory_space<vmem>>
    %dma_start3A_40 = tpu.memref_squeeze %dma_start3A_39 : memref<1x80xi32, #tpu.memory_space<vmem>> -> memref<80xi32, #tpu.memory_space<vmem>>
    %dma_start3A_41 = arith.constant 0 : i32
    %dma_start3A_42 = arith.constant 0 : i32
    %dma_start3A_43 = tpu.memref_slice %arg2[%dma_start3A_41, %dma_start3A_42] : memref<10240x64xf32, #tpu.memory_space<hbm>> -> memref<10240x64xf32, #tpu.memory_space<hbm>>
    tpu.enqueue_indirect_dma source(%dma_start3A_43 : memref<10240x64xf32, #tpu.memory_space<hbm>>) target(%arg9 : memref<80x64xf32, #tpu.memory_space<vmem>>) offsets(%dma_start3A_40 : memref<80xi32, #tpu.memory_space<vmem>>) semaphore(%arg14 : memref<!tpu.dma_semaphore, #tpu.memory_space<semaphore_mem>>)
    %dma_start3A_44 = arith.constant 1 : i32
    %dma_start3A_45 = arith.constant 0 : i32
    %dma_start3A_46 = tpu.memref_slice %arg6[%dma_start3A_44, %dma_start3A_45] : memref<125x80xi32, #tpu.memory_space<vmem>> -> memref<1x80xi32, #tpu.memory_space<vmem>>
    %dma_start3A_47 = tpu.memref_squeeze %dma_start3A_46 : memref<1x80xi32, #tpu.memory_space<vmem>> -> memref<80xi32, #tpu.memory_space<vmem>>
    %dma_start3A_48 = arith.constant 0 : i32
    %dma_start3A_49 = arith.constant 0 : i32
    %dma_start3A_50 = tpu.memref_slice %arg2[%dma_start3A_48, %dma_start3A_49] : memref<10240x64xf32, #tpu.memory_space<hbm>> -> memref<10240x64xf32, #tpu.memory_space<hbm>>
    tpu.enqueue_indirect_dma source(%dma_start3A_50 : memref<10240x64xf32, #tpu.memory_space<hbm>>) target(%arg10 : memref<80x64xf32, #tpu.memory_space<vmem>>) offsets(%dma_start3A_47 : memref<80xi32, #tpu.memory_space<vmem>>) semaphore(%arg15 : memref<!tpu.dma_semaphore, #tpu.memory_space<semaphore_mem>>)
    %dma_start3A_51 = arith.constant 2 : i32
    %dma_start3A_52 = arith.constant 0 : i32
    %dma_start3A_53 = tpu.memref_slice %arg6[%dma_start3A_51, %dma_start3A_52] : memref<125x80xi32, #tpu.memory_space<vmem>> -> memref<1x80xi32, #tpu.memory_space<vmem>>
    %dma_start3A_54 = tpu.memref_squeeze %dma_start3A_53 : memref<1x80xi32, #tpu.memory_space<vmem>> -> memref<80xi32, #tpu.memory_space<vmem>>
    %dma_start3A_55 = arith.constant 0 : i32
    %dma_start3A_56 = arith.constant 0 : i32
    %dma_start3A_57 = tpu.memref_slice %arg2[%dma_start3A_55, %dma_start3A_56] : memref<10240x64xf32, #tpu.memory_space<hbm>> -> memref<10240x64xf32, #tpu.memory_space<hbm>>
    tpu.enqueue_indirect_dma source(%dma_start3A_57 : memref<10240x64xf32, #tpu.memory_space<hbm>>) target(%arg11 : memref<80x64xf32, #tpu.memory_space<vmem>>) offsets(%dma_start3A_54 : memref<80xi32, #tpu.memory_space<vmem>>) semaphore(%arg16 : memref<!tpu.dma_semaphore, #tpu.memory_space<semaphore_mem>>)
    %scan3A_58 = arith.constant 0 : i32
    %scan3A_59 = arith.constant 0 : i32
    %scan3A_60 = arith.constant 31 : i32
    %scan3A_61 = arith.addi %scan3A_59, %scan3A_60 : i32
    %scan3A_62 = arith.constant 1 : i32
    scf.for %scan3A_74 = %scan3A_59 to %scan3A_61 step %scan3A_62  : i32 {
      %mul3A_75 = arith.constant 4 : i32
      %mul3A_76 = arith.muli %mul3A_75, %scan3A_74 : i32
      %add3A_77 = arith.constant 0 : i32
      %add3A_78 = arith.addi %mul3A_76, %add3A_77 : i32
      %dma_wait3A_79 = arith.constant 0 : i32
      %dma_wait3A_80 = arith.constant 0 : i32
      %dma_wait3A_81 = tpu.memref_slice %arg2[%dma_wait3A_79, %dma_wait3A_80] : memref<10240x64xf32, #tpu.memory_space<hbm>> -> memref<80x64xf32, #tpu.memory_space<hbm>>
      %dma_wait3A_82 = arith.constant 0 : i32
      %dma_wait3A_83 = arith.constant 0 : i32
      %dma_wait3A_84 = tpu.memref_slice %arg2[%dma_wait3A_82, %dma_wait3A_83] : memref<10240x64xf32, #tpu.memory_space<hbm>> -> memref<80x64xf32, #tpu.memory_space<hbm>>
      tpu.wait_dma2 semaphore(%arg14 : memref<!tpu.dma_semaphore, #tpu.memory_space<semaphore_mem>>) src(%dma_wait3A_84 : memref<80x64xf32, #tpu.memory_space<hbm>>) dst(%arg9 : memref<80x64xf32, #tpu.memory_space<vmem>>)
      %add3A_85 = arith.constant 4 : i32
      %add3A_86 = arith.addi %add3A_78, %add3A_85 : i32
      %sub3A = arith.constant 1 : i32
      %sub3A_87 = arith.subi %add3A_86, %sub3A : i32
      %lt3A = arith.constant 125 : i32
      %lt3A_88 = arith.cmpi slt, %sub3A_87, %lt3A : i32
      %convert_element_type3A = arith.extui %lt3A_88 : i1 to i32
      %cond3A = arith.constant 0 : i32
      %cond3A_89 = arith.cmpi ne, %convert_element_type3A, %cond3A : i32
      scf.if %cond3A_89 {
        %dma_start3A_141 = arith.constant 0 : i32
        %dma_start3A_142 = tpu.memref_slice %arg6[%sub3A_87, %dma_start3A_141] : memref<125x80xi32, #tpu.memory_space<vmem>> -> memref<1x80xi32, #tpu.memory_space<vmem>>
        %dma_start3A_143 = tpu.memref_squeeze %dma_start3A_142 : memref<1x80xi32, #tpu.memory_space<vmem>> -> memref<80xi32, #tpu.memory_space<vmem>>
        %dma_start3A_144 = arith.constant 0 : i32
        %dma_start3A_145 = arith.constant 0 : i32
        %dma_start3A_146 = tpu.memref_slice %arg2[%dma_start3A_144, %dma_start3A_145] : memref<10240x64xf32, #tpu.memory_space<hbm>> -> memref<10240x64xf32, #tpu.memory_space<hbm>>
        tpu.enqueue_indirect_dma source(%dma_start3A_146 : memref<10240x64xf32, #tpu.memory_space<hbm>>) target(%arg12 : memref<80x64xf32, #tpu.memory_space<vmem>>) offsets(%dma_start3A_143 : memref<80xi32, #tpu.memory_space<vmem>>) semaphore(%arg17 : memref<!tpu.dma_semaphore, #tpu.memory_space<semaphore_mem>>)
      } else {
      }
      "tpu.region"() ({
        %run_scoped3A_141 = tpu.sem_alloc : memref<!tpu.dma_semaphore, #tpu.memory_space<semaphore_mem>>
        %dma_start3A_142 = arith.constant 0 : i32
        %dma_start3A_143 = tpu.memref_slice %arg7[%add3A_78, %dma_start3A_142] : memref<125x80xi32, #tpu.memory_space<vmem>> -> memref<1x80xi32, #tpu.memory_space<vmem>>
        %dma_start3A_144 = tpu.memref_squeeze %dma_start3A_143 : memref<1x80xi32, #tpu.memory_space<vmem>> -> memref<80xi32, #tpu.memory_space<vmem>>
        %dma_start3A_145 = arith.constant 0 : i32
        %dma_start3A_146 = arith.constant 0 : i32
        %dma_start3A_147 = tpu.memref_slice %arg13[%dma_start3A_145, %dma_start3A_146] : memref<10240x64xf32, #tpu.memory_space<vmem_shared>> -> memref<10240x64xf32, #tpu.memory_space<vmem_shared>>
        tpu.enqueue_indirect_dma source(%arg9 : memref<80x64xf32, #tpu.memory_space<vmem>>) target(%dma_start3A_147 : memref<10240x64xf32, #tpu.memory_space<vmem_shared>>) offsets(%dma_start3A_144 : memref<80xi32, #tpu.memory_space<vmem>>) semaphore(%run_scoped3A_141 : memref<!tpu.dma_semaphore, #tpu.memory_space<semaphore_mem>>) {add = true}
        %dma_wait3A_148 = arith.constant 0 : i32
        %dma_wait3A_149 = tpu.memref_slice %arg7[%add3A_78, %dma_wait3A_148] : memref<125x80xi32, #tpu.memory_space<vmem>> -> memref<1x80xi32, #tpu.memory_space<vmem>>
        %dma_wait3A_150 = tpu.memref_squeeze %dma_wait3A_149 : memref<1x80xi32, #tpu.memory_space<vmem>> -> memref<80xi32, #tpu.memory_space<vmem>>
        %dma_wait3A_151 = arith.constant 0 : i32
        %dma_wait3A_152 = arith.constant 0 : i32
        %dma_wait3A_153 = tpu.memref_slice %arg13[%dma_wait3A_151, %dma_wait3A_152] : memref<10240x64xf32, #tpu.memory_space<vmem_shared>> -> memref<10240x64xf32, #tpu.memory_space<vmem_shared>>
        tpu.wait_indirect_dma semaphore(%run_scoped3A_141 : memref<!tpu.dma_semaphore, #tpu.memory_space<semaphore_mem>>) src(%arg9 : memref<80x64xf32, #tpu.memory_space<vmem>>) dst(%dma_wait3A_153 : memref<10240x64xf32, #tpu.memory_space<vmem_shared>>)
        tpu.yield
      }) : () -> ()
      %add3A_90 = arith.constant 1 : i32
      %add3A_91 = arith.addi %mul3A_76, %add3A_90 : i32
      %dma_wait3A_92 = arith.constant 0 : i32
      %dma_wait3A_93 = arith.constant 0 : i32
      %dma_wait3A_94 = tpu.memref_slice %arg2[%dma_wait3A_92, %dma_wait3A_93] : memref<10240x64xf32, #tpu.memory_space<hbm>> -> memref<80x64xf32, #tpu.memory_space<hbm>>
      %dma_wait3A_95 = arith.constant 0 : i32
      %dma_wait3A_96 = arith.constant 0 : i32
      %dma_wait3A_97 = tpu.memref_slice %arg2[%dma_wait3A_95, %dma_wait3A_96] : memref<10240x64xf32, #tpu.memory_space<hbm>> -> memref<80x64xf32, #tpu.memory_space<hbm>>
      tpu.wait_dma2 semaphore(%arg15 : memref<!tpu.dma_semaphore, #tpu.memory_space<semaphore_mem>>) src(%dma_wait3A_97 : memref<80x64xf32, #tpu.memory_space<hbm>>) dst(%arg10 : memref<80x64xf32, #tpu.memory_space<vmem>>)
      %add3A_98 = arith.constant 4 : i32
      %add3A_99 = arith.addi %add3A_91, %add3A_98 : i32
      %sub3A_100 = arith.constant 1 : i32
      %sub3A_101 = arith.subi %add3A_99, %sub3A_100 : i32
      %lt3A_102 = arith.constant 125 : i32
      %lt3A_103 = arith.cmpi slt, %sub3A_101, %lt3A_102 : i32
      %convert_element_type3A_104 = arith.extui %lt3A_103 : i1 to i32
      %cond3A_105 = arith.constant 0 : i32
      %cond3A_106 = arith.cmpi ne, %convert_element_type3A_104, %cond3A_105 : i32
      scf.if %cond3A_106 {
        %dma_start3A_141 = arith.constant 0 : i32
        %dma_start3A_142 = tpu.memref_slice %arg6[%sub3A_101, %dma_start3A_141] : memref<125x80xi32, #tpu.memory_space<vmem>> -> memref<1x80xi32, #tpu.memory_space<vmem>>
        %dma_start3A_143 = tpu.memref_squeeze %dma_start3A_142 : memref<1x80xi32, #tpu.memory_space<vmem>> -> memref<80xi32, #tpu.memory_space<vmem>>
        %dma_start3A_144 = arith.constant 0 : i32
        %dma_start3A_145 = arith.constant 0 : i32
        %dma_start3A_146 = tpu.memref_slice %arg2[%dma_start3A_144, %dma_start3A_145] : memref<10240x64xf32, #tpu.memory_space<hbm>> -> memref<10240x64xf32, #tpu.memory_space<hbm>>
        tpu.enqueue_indirect_dma source(%dma_start3A_146 : memref<10240x64xf32, #tpu.memory_space<hbm>>) target(%arg9 : memref<80x64xf32, #tpu.memory_space<vmem>>) offsets(%dma_start3A_143 : memref<80xi32, #tpu.memory_space<vmem>>) semaphore(%arg14 : memref<!tpu.dma_semaphore, #tpu.memory_space<semaphore_mem>>)
      } else {
      }
      "tpu.region"() ({
        %run_scoped3A_141 = tpu.sem_alloc : memref<!tpu.dma_semaphore, #tpu.memory_space<semaphore_mem>>
        %dma_start3A_142 = arith.constant 0 : i32
        %dma_start3A_143 = tpu.memref_slice %arg7[%add3A_91, %dma_start3A_142] : memref<125x80xi32, #tpu.memory_space<vmem>> -> memref<1x80xi32, #tpu.memory_space<vmem>>
        %dma_start3A_144 = tpu.memref_squeeze %dma_start3A_143 : memref<1x80xi32, #tpu.memory_space<vmem>> -> memref<80xi32, #tpu.memory_space<vmem>>
        %dma_start3A_145 = arith.constant 0 : i32
        %dma_start3A_146 = arith.constant 0 : i32
        %dma_start3A_147 = tpu.memref_slice %arg13[%dma_start3A_145, %dma_start3A_146] : memref<10240x64xf32, #tpu.memory_space<vmem_shared>> -> memref<10240x64xf32, #tpu.memory_space<vmem_shared>>
        tpu.enqueue_indirect_dma source(%arg10 : memref<80x64xf32, #tpu.memory_space<vmem>>) target(%dma_start3A_147 : memref<10240x64xf32, #tpu.memory_space<vmem_shared>>) offsets(%dma_start3A_144 : memref<80xi32, #tpu.memory_space<vmem>>) semaphore(%run_scoped3A_141 : memref<!tpu.dma_semaphore, #tpu.memory_space<semaphore_mem>>) {add = true}
        %dma_wait3A_148 = arith.constant 0 : i32
        %dma_wait3A_149 = tpu.memref_slice %arg7[%add3A_91, %dma_wait3A_148] : memref<125x80xi32, #tpu.memory_space<vmem>> -> memref<1x80xi32, #tpu.memory_space<vmem>>
        %dma_wait3A_150 = tpu.memref_squeeze %dma_wait3A_149 : memref<1x80xi32, #tpu.memory_space<vmem>> -> memref<80xi32, #tpu.memory_space<vmem>>
        %dma_wait3A_151 = arith.constant 0 : i32
        %dma_wait3A_152 = arith.constant 0 : i32
        %dma_wait3A_153 = tpu.memref_slice %arg13[%dma_wait3A_151, %dma_wait3A_152] : memref<10240x64xf32, #tpu.memory_space<vmem_shared>> -> memref<10240x64xf32, #tpu.memory_space<vmem_shared>>
        tpu.wait_indirect_dma semaphore(%run_scoped3A_141 : memref<!tpu.dma_semaphore, #tpu.memory_space<semaphore_mem>>) src(%arg10 : memref<80x64xf32, #tpu.memory_space<vmem>>) dst(%dma_wait3A_153 : memref<10240x64xf32, #tpu.memory_space<vmem_shared>>)
        tpu.yield
      }) : () -> ()
      %add3A_107 = arith.constant 2 : i32
      %add3A_108 = arith.addi %mul3A_76, %add3A_107 : i32
      %dma_wait3A_109 = arith.constant 0 : i32
      %dma_wait3A_110 = arith.constant 0 : i32
      %dma_wait3A_111 = tpu.memref_slice %arg2[%dma_wait3A_109, %dma_wait3A_110] : memref<10240x64xf32, #tpu.memory_space<hbm>> -> memref<80x64xf32, #tpu.memory_space<hbm>>
      %dma_wait3A_112 = arith.constant 0 : i32
      %dma_wait3A_113 = arith.constant 0 : i32
      %dma_wait3A_114 = tpu.memref_slice %arg2[%dma_wait3A_112, %dma_wait3A_113] : memref<10240x64xf32, #tpu.memory_space<hbm>> -> memref<80x64xf32, #tpu.memory_space<hbm>>
      tpu.wait_dma2 semaphore(%arg16 : memref<!tpu.dma_semaphore, #tpu.memory_space<semaphore_mem>>) src(%dma_wait3A_114 : memref<80x64xf32, #tpu.memory_space<hbm>>) dst(%arg11 : memref<80x64xf32, #tpu.memory_space<vmem>>)
      %add3A_115 = arith.constant 4 : i32
      %add3A_116 = arith.addi %add3A_108, %add3A_115 : i32
      %sub3A_117 = arith.constant 1 : i32
      %sub3A_118 = arith.subi %add3A_116, %sub3A_117 : i32
      %lt3A_119 = arith.constant 125 : i32
      %lt3A_120 = arith.cmpi slt, %sub3A_118, %lt3A_119 : i32
      %convert_element_type3A_121 = arith.extui %lt3A_120 : i1 to i32
      %cond3A_122 = arith.constant 0 : i32
      %cond3A_123 = arith.cmpi ne, %convert_element_type3A_121, %cond3A_122 : i32
      scf.if %cond3A_123 {
        %dma_start3A_141 = arith.constant 0 : i32
        %dma_start3A_142 = tpu.memref_slice %arg6[%sub3A_118, %dma_start3A_141] : memref<125x80xi32, #tpu.memory_space<vmem>> -> memref<1x80xi32, #tpu.memory_space<vmem>>
        %dma_start3A_143 = tpu.memref_squeeze %dma_start3A_142 : memref<1x80xi32, #tpu.memory_space<vmem>> -> memref<80xi32, #tpu.memory_space<vmem>>
        %dma_start3A_144 = arith.constant 0 : i32
        %dma_start3A_145 = arith.constant 0 : i32
        %dma_start3A_146 = tpu.memref_slice %arg2[%dma_start3A_144, %dma_start3A_145] : memref<10240x64xf32, #tpu.memory_space<hbm>> -> memref<10240x64xf32, #tpu.memory_space<hbm>>
        tpu.enqueue_indirect_dma source(%dma_start3A_146 : memref<10240x64xf32, #tpu.memory_space<hbm>>) target(%arg10 : memref<80x64xf32, #tpu.memory_space<vmem>>) offsets(%dma_start3A_143 : memref<80xi32, #tpu.memory_space<vmem>>) semaphore(%arg15 : memref<!tpu.dma_semaphore, #tpu.memory_space<semaphore_mem>>)
      } else {
      }
      "tpu.region"() ({
        %run_scoped3A_141 = tpu.sem_alloc : memref<!tpu.dma_semaphore, #tpu.memory_space<semaphore_mem>>
        %dma_start3A_142 = arith.constant 0 : i32
        %dma_start3A_143 = tpu.memref_slice %arg7[%add3A_108, %dma_start3A_142] : memref<125x80xi32, #tpu.memory_space<vmem>> -> memref<1x80xi32, #tpu.memory_space<vmem>>
        %dma_start3A_144 = tpu.memref_squeeze %dma_start3A_143 : memref<1x80xi32, #tpu.memory_space<vmem>> -> memref<80xi32, #tpu.memory_space<vmem>>
        %dma_start3A_145 = arith.constant 0 : i32
        %dma_start3A_146 = arith.constant 0 : i32
        %dma_start3A_147 = tpu.memref_slice %arg13[%dma_start3A_145, %dma_start3A_146] : memref<10240x64xf32, #tpu.memory_space<vmem_shared>> -> memref<10240x64xf32, #tpu.memory_space<vmem_shared>>
        tpu.enqueue_indirect_dma source(%arg11 : memref<80x64xf32, #tpu.memory_space<vmem>>) target(%dma_start3A_147 : memref<10240x64xf32, #tpu.memory_space<vmem_shared>>) offsets(%dma_start3A_144 : memref<80xi32, #tpu.memory_space<vmem>>) semaphore(%run_scoped3A_141 : memref<!tpu.dma_semaphore, #tpu.memory_space<semaphore_mem>>) {add = true}
        %dma_wait3A_148 = arith.constant 0 : i32
        %dma_wait3A_149 = tpu.memref_slice %arg7[%add3A_108, %dma_wait3A_148] : memref<125x80xi32, #tpu.memory_space<vmem>> -> memref<1x80xi32, #tpu.memory_space<vmem>>
        %dma_wait3A_150 = tpu.memref_squeeze %dma_wait3A_149 : memref<1x80xi32, #tpu.memory_space<vmem>> -> memref<80xi32, #tpu.memory_space<vmem>>
        %dma_wait3A_151 = arith.constant 0 : i32
        %dma_wait3A_152 = arith.constant 0 : i32
        %dma_wait3A_153 = tpu.memref_slice %arg13[%dma_wait3A_151, %dma_wait3A_152] : memref<10240x64xf32, #tpu.memory_space<vmem_shared>> -> memref<10240x64xf32, #tpu.memory_space<vmem_shared>>
        tpu.wait_indirect_dma semaphore(%run_scoped3A_141 : memref<!tpu.dma_semaphore, #tpu.memory_space<semaphore_mem>>) src(%arg11 : memref<80x64xf32, #tpu.memory_space<vmem>>) dst(%dma_wait3A_153 : memref<10240x64xf32, #tpu.memory_space<vmem_shared>>)
        tpu.yield
      }) : () -> ()
      %add3A_124 = arith.constant 3 : i32
      %add3A_125 = arith.addi %mul3A_76, %add3A_124 : i32
      %dma_wait3A_126 = arith.constant 0 : i32
      %dma_wait3A_127 = arith.constant 0 : i32
      %dma_wait3A_128 = tpu.memref_slice %arg2[%dma_wait3A_126, %dma_wait3A_127] : memref<10240x64xf32, #tpu.memory_space<hbm>> -> memref<80x64xf32, #tpu.memory_space<hbm>>
      %dma_wait3A_129 = arith.constant 0 : i32
      %dma_wait3A_130 = arith.constant 0 : i32
      %dma_wait3A_131 = tpu.memref_slice %arg2[%dma_wait3A_129, %dma_wait3A_130] : memref<10240x64xf32, #tpu.memory_space<hbm>> -> memref<80x64xf32, #tpu.memory_space<hbm>>
      tpu.wait_dma2 semaphore(%arg17 : memref<!tpu.dma_semaphore, #tpu.memory_space<semaphore_mem>>) src(%dma_wait3A_131 : memref<80x64xf32, #tpu.memory_space<hbm>>) dst(%arg12 : memref<80x64xf32, #tpu.memory_space<vmem>>)
      %add3A_132 = arith.constant 4 : i32
      %add3A_133 = arith.addi %add3A_125, %add3A_132 : i32
      %sub3A_134 = arith.constant 1 : i32
      %sub3A_135 = arith.subi %add3A_133, %sub3A_134 : i32
      %lt3A_136 = arith.constant 125 : i32
      %lt3A_137 = arith.cmpi slt, %sub3A_135, %lt3A_136 : i32
      %convert_element_type3A_138 = arith.extui %lt3A_137 : i1 to i32
      %cond3A_139 = arith.constant 0 : i32
      %cond3A_140 = arith.cmpi ne, %convert_element_type3A_138, %cond3A_139 : i32
      scf.if %cond3A_140 {
        %dma_start3A_141 = arith.constant 0 : i32
        %dma_start3A_142 = tpu.memref_slice %arg6[%sub3A_135, %dma_start3A_141] : memref<125x80xi32, #tpu.memory_space<vmem>> -> memref<1x80xi32, #tpu.memory_space<vmem>>
        %dma_start3A_143 = tpu.memref_squeeze %dma_start3A_142 : memref<1x80xi32, #tpu.memory_space<vmem>> -> memref<80xi32, #tpu.memory_space<vmem>>
        %dma_start3A_144 = arith.constant 0 : i32
        %dma_start3A_145 = arith.constant 0 : i32
        %dma_start3A_146 = tpu.memref_slice %arg2[%dma_start3A_144, %dma_start3A_145] : memref<10240x64xf32, #tpu.memory_space<hbm>> -> memref<10240x64xf32, #tpu.memory_space<hbm>>
        tpu.enqueue_indirect_dma source(%dma_start3A_146 : memref<10240x64xf32, #tpu.memory_space<hbm>>) target(%arg11 : memref<80x64xf32, #tpu.memory_space<vmem>>) offsets(%dma_start3A_143 : memref<80xi32, #tpu.memory_space<vmem>>) semaphore(%arg16 : memref<!tpu.dma_semaphore, #tpu.memory_space<semaphore_mem>>)
      } else {
      }
      "tpu.region"() ({
        %run_scoped3A_141 = tpu.sem_alloc : memref<!tpu.dma_semaphore, #tpu.memory_space<semaphore_mem>>
        %dma_start3A_142 = arith.constant 0 : i32
        %dma_start3A_143 = tpu.memref_slice %arg7[%add3A_125, %dma_start3A_142] : memref<125x80xi32, #tpu.memory_space<vmem>> -> memref<1x80xi32, #tpu.memory_space<vmem>>
        %dma_start3A_144 = tpu.memref_squeeze %dma_start3A_143 : memref<1x80xi32, #tpu.memory_space<vmem>> -> memref<80xi32, #tpu.memory_space<vmem>>
        %dma_start3A_145 = arith.constant 0 : i32
        %dma_start3A_146 = arith.constant 0 : i32
        %dma_start3A_147 = tpu.memref_slice %arg13[%dma_start3A_145, %dma_start3A_146] : memref<10240x64xf32, #tpu.memory_space<vmem_shared>> -> memref<10240x64xf32, #tpu.memory_space<vmem_shared>>
        tpu.enqueue_indirect_dma source(%arg12 : memref<80x64xf32, #tpu.memory_space<vmem>>) target(%dma_start3A_147 : memref<10240x64xf32, #tpu.memory_space<vmem_shared>>) offsets(%dma_start3A_144 : memref<80xi32, #tpu.memory_space<vmem>>) semaphore(%run_scoped3A_141 : memref<!tpu.dma_semaphore, #tpu.memory_space<semaphore_mem>>) {add = true}
        %dma_wait3A_148 = arith.constant 0 : i32
        %dma_wait3A_149 = tpu.memref_slice %arg7[%add3A_125, %dma_wait3A_148] : memref<125x80xi32, #tpu.memory_space<vmem>> -> memref<1x80xi32, #tpu.memory_space<vmem>>
        %dma_wait3A_150 = tpu.memref_squeeze %dma_wait3A_149 : memref<1x80xi32, #tpu.memory_space<vmem>> -> memref<80xi32, #tpu.memory_space<vmem>>
        %dma_wait3A_151 = arith.constant 0 : i32
        %dma_wait3A_152 = arith.constant 0 : i32
        %dma_wait3A_153 = tpu.memref_slice %arg13[%dma_wait3A_151, %dma_wait3A_152] : memref<10240x64xf32, #tpu.memory_space<vmem_shared>> -> memref<10240x64xf32, #tpu.memory_space<vmem_shared>>
        tpu.wait_indirect_dma semaphore(%run_scoped3A_141 : memref<!tpu.dma_semaphore, #tpu.memory_space<semaphore_mem>>) src(%arg12 : memref<80x64xf32, #tpu.memory_space<vmem>>) dst(%dma_wait3A_153 : memref<10240x64xf32, #tpu.memory_space<vmem_shared>>)
        tpu.yield
      }) : () -> ()
    }
    %scan3A_63 = arith.constant 31 : i32
    %dma_wait3A = arith.constant 0 : i32
    %dma_wait3A_64 = arith.constant 0 : i32
    %dma_wait3A_65 = tpu.memref_slice %arg2[%dma_wait3A, %dma_wait3A_64] : memref<10240x64xf32, #tpu.memory_space<hbm>> -> memref<80x64xf32, #tpu.memory_space<hbm>>
    %dma_wait3A_66 = arith.constant 0 : i32
    %dma_wait3A_67 = arith.constant 0 : i32
    %dma_wait3A_68 = tpu.memref_slice %arg2[%dma_wait3A_66, %dma_wait3A_67] : memref<10240x64xf32, #tpu.memory_space<hbm>> -> memref<80x64xf32, #tpu.memory_space<hbm>>
    tpu.wait_dma2 semaphore(%arg14 : memref<!tpu.dma_semaphore, #tpu.memory_space<semaphore_mem>>) src(%dma_wait3A_68 : memref<80x64xf32, #tpu.memory_space<hbm>>) dst(%arg9 : memref<80x64xf32, #tpu.memory_space<vmem>>)
    %run_scoped3A = arith.constant 124 : i32
    "tpu.region"() ({
      %run_scoped3A_74 = tpu.sem_alloc : memref<!tpu.dma_semaphore, #tpu.memory_space<semaphore_mem>>
      %dma_start3A_75 = arith.constant 0 : i32
      %dma_start3A_76 = tpu.memref_slice %arg7[%run_scoped3A, %dma_start3A_75] : memref<125x80xi32, #tpu.memory_space<vmem>> -> memref<1x80xi32, #tpu.memory_space<vmem>>
      %dma_start3A_77 = tpu.memref_squeeze %dma_start3A_76 : memref<1x80xi32, #tpu.memory_space<vmem>> -> memref<80xi32, #tpu.memory_space<vmem>>
      %dma_start3A_78 = arith.constant 0 : i32
      %dma_start3A_79 = arith.constant 0 : i32
      %dma_start3A_80 = tpu.memref_slice %arg13[%dma_start3A_78, %dma_start3A_79] : memref<10240x64xf32, #tpu.memory_space<vmem_shared>> -> memref<10240x64xf32, #tpu.memory_space<vmem_shared>>
      tpu.enqueue_indirect_dma source(%arg9 : memref<80x64xf32, #tpu.memory_space<vmem>>) target(%dma_start3A_80 : memref<10240x64xf32, #tpu.memory_space<vmem_shared>>) offsets(%dma_start3A_77 : memref<80xi32, #tpu.memory_space<vmem>>) semaphore(%run_scoped3A_74 : memref<!tpu.dma_semaphore, #tpu.memory_space<semaphore_mem>>) {add = true}
      %dma_wait3A_81 = arith.constant 0 : i32
      %dma_wait3A_82 = tpu.memref_slice %arg7[%run_scoped3A, %dma_wait3A_81] : memref<125x80xi32, #tpu.memory_space<vmem>> -> memref<1x80xi32, #tpu.memory_space<vmem>>
      %dma_wait3A_83 = tpu.memref_squeeze %dma_wait3A_82 : memref<1x80xi32, #tpu.memory_space<vmem>> -> memref<80xi32, #tpu.memory_space<vmem>>
      %dma_wait3A_84 = arith.constant 0 : i32
      %dma_wait3A_85 = arith.constant 0 : i32
      %dma_wait3A_86 = tpu.memref_slice %arg13[%dma_wait3A_84, %dma_wait3A_85] : memref<10240x64xf32, #tpu.memory_space<vmem_shared>> -> memref<10240x64xf32, #tpu.memory_space<vmem_shared>>
      tpu.wait_indirect_dma semaphore(%run_scoped3A_74 : memref<!tpu.dma_semaphore, #tpu.memory_space<semaphore_mem>>) src(%arg9 : memref<80x64xf32, #tpu.memory_space<vmem>>) dst(%dma_wait3A_86 : memref<10240x64xf32, #tpu.memory_space<vmem_shared>>)
      tpu.yield
    }) : () -> ()
    %barrier3A_69 = arith.constant 0 : index
    tpu.barrier barrier_id(%barrier3A_69)
    %mul3A_70 = arith.constant 640 : i32
    %mul3A_71 = arith.muli %arg1, %mul3A_70 : i32
    %mul3A_72 = arith.constant 640 : i32
    %mul3A_73 = arith.muli %arg1, %mul3A_72 : i32
    "tpu.region"() ({
      %run_scoped3A_74 = tpu.sem_alloc : memref<!tpu.dma_semaphore, #tpu.memory_space<semaphore_mem>>
      %dma_start3A_75 = arith.constant 0 : i32
      %dma_start3A_76 = tpu.memref_slice %arg5[%arg0, %mul3A_73, %dma_start3A_75] : memref<2x10240x64xf32, #tpu.memory_space<hbm>> -> memref<1x640x64xf32, #tpu.memory_space<hbm>>
      %dma_start3A_77 = tpu.memref_squeeze %dma_start3A_76 : memref<1x640x64xf32, #tpu.memory_space<hbm>> -> memref<640x64xf32, #tpu.memory_space<hbm>>
      %dma_start3A_78 = arith.constant 0 : i32
      %dma_start3A_79 = tpu.memref_slice %arg13[%mul3A_71, %dma_start3A_78] : memref<10240x64xf32, #tpu.memory_space<vmem_shared>> -> memref<640x64xf32, #tpu.memory_space<vmem_shared>>
      tpu.enqueue_dma source(%dma_start3A_79 : memref<640x64xf32, #tpu.memory_space<vmem_shared>>) target(%dma_start3A_77 : memref<640x64xf32, #tpu.memory_space<hbm>>) target_semaphore(%run_scoped3A_74 : memref<!tpu.dma_semaphore, #tpu.memory_space<semaphore_mem>>)
      %dma_wait3A_80 = arith.constant 0 : i32
      %dma_wait3A_81 = tpu.memref_slice %arg5[%arg0, %mul3A_73, %dma_wait3A_80] : memref<2x10240x64xf32, #tpu.memory_space<hbm>> -> memref<1x640x64xf32, #tpu.memory_space<hbm>>
      %dma_wait3A_82 = tpu.memref_squeeze %dma_wait3A_81 : memref<1x640x64xf32, #tpu.memory_space<hbm>> -> memref<640x64xf32, #tpu.memory_space<hbm>>
      %dma_wait3A_83 = arith.constant 0 : i32
      %dma_wait3A_84 = tpu.memref_slice %arg13[%mul3A_71, %dma_wait3A_83] : memref<10240x64xf32, #tpu.memory_space<vmem_shared>> -> memref<640x64xf32, #tpu.memory_space<vmem_shared>>
      tpu.wait_dma2 semaphore(%run_scoped3A_74 : memref<!tpu.dma_semaphore, #tpu.memory_space<semaphore_mem>>) src(%dma_wait3A_84 : memref<640x64xf32, #tpu.memory_space<vmem_shared>>) dst(%dma_wait3A_82 : memref<640x64xf32, #tpu.memory_space<hbm>>)
      tpu.yield
    }) : () -> ()
    return
  }
}

#map = affine_map<(d0, d1) -> (0, 0)>
#map1 = affine_map<(d0, d1) -> (0, 0, 0)>
module attributes {stable_mosaic.version = 14 : i64} {
  func.func @msgpass(%arg0: i32, %arg1: i32, %arg2: memref<10240x64xf32, #tpu.memory_space<hbm>>, %arg3: memref<32x125x80xi32, #tpu.memory_space<hbm>>, %arg4: memref<32x125x80xi32, #tpu.memory_space<hbm>>, %arg5: memref<2x10240x64xf32, #tpu.memory_space<hbm>>, %arg6: memref<125x80xi32, #tpu.memory_space<vmem>>, %arg7: memref<125x80xi32, #tpu.memory_space<vmem>>, %arg8: memref<80x64xf32, #tpu.memory_space<vmem>>, %arg9: memref<80x64xf32, #tpu.memory_space<vmem>>, %arg10: memref<80x64xf32, #tpu.memory_space<vmem>>, %arg11: memref<80x64xf32, #tpu.memory_space<vmem>>, %arg12: memref<80x64xf32, #tpu.memory_space<vmem>>, %arg13: memref<10240x64xf32, #tpu.memory_space<vmem_shared>>, %arg14: memref<!tpu.dma_semaphore, #tpu.memory_space<semaphore_mem>>, %arg15: memref<!tpu.dma_semaphore, #tpu.memory_space<semaphore_mem>>, %arg16: memref<!tpu.dma_semaphore, #tpu.memory_space<semaphore_mem>>, %arg17: memref<!tpu.dma_semaphore, #tpu.memory_space<semaphore_mem>>) attributes {dimension_semantics = [#tpu.dimension_semantics<core_parallel>, #tpu.dimension_semantics<subcore_parallel>], iteration_bounds = array<i64: 2, 16>, scalar_prefetch = 0 : i64, scratch_operands = 12 : i64, tpu.core_type = #tpu.core_type<sc_vector_subcore>, window_params = [{transform_indices = #map}, {transform_indices = #map1}, {transform_indices = #map1}, {transform_indices = #map1}]} {
    %mul3A = arith.constant 2 : i32
    %mul3A_0 = arith.muli %arg1, %mul3A : i32
    %add3A = arith.addi %mul3A_0, %arg0 : i32
    %scan3A = arith.constant 0 : i32
    %scan3A_1 = arith.constant 0 : i32
    %scan3A_2 = arith.constant 80 : i32
    %scan3A_3 = arith.addi %scan3A_1, %scan3A_2 : i32
    %scan3A_4 = arith.constant 1 : i32
    scf.for %scan3A_74 = %scan3A_1 to %scan3A_3 step %scan3A_4  : i32 {
      %broadcast_in_dim3A = arith.constant 0.000000e+00 : f32
      %broadcast_in_dim3A_75 = vector.broadcast %broadcast_in_dim3A : f32 to vector<16xf32>
      %swap3A = arith.index_cast %scan3A_74 : i32 to index
      %swap3A_76 = arith.constant 0 : index
      %swap3A_77 = tpu.vector_load %arg8[%swap3A, %swap3A_76] {strides = array<i32>} : memref<80x64xf32, #tpu.memory_space<vmem>>, vector<1x16xf32>,
      %swap3A_78 = vector.shape_cast %swap3A_77 : vector<1x16xf32> to vector<16xf32>
      %swap3A_79 = vector.shape_cast %broadcast_in_dim3A_75 : vector<16xf32> to vector<1x16xf32>
      tpu.vector_store %arg8[%swap3A, %swap3A_76], %swap3A_79 {strides = array<i32>} : memref<80x64xf32, #tpu.memory_space<vmem>>, vector<1x16xf32>,
      %broadcast_in_dim3A_80 = arith.constant 0.000000e+00 : f32
      %broadcast_in_dim3A_81 = vector.broadcast %broadcast_in_dim3A_80 : f32 to vector<16xf32>
      %swap3A_82 = arith.index_cast %scan3A_74 : i32 to index
      %swap3A_83 = arith.constant 16 : index
      %swap3A_84 = tpu.vector_load %arg8[%swap3A_82, %swap3A_83] {strides = array<i32>} : memref<80x64xf32, #tpu.memory_space<vmem>>, vector<1x16xf32>,
      %swap3A_85 = vector.shape_cast %swap3A_84 : vector<1x16xf32> to vector<16xf32>
      %swap3A_86 = vector.shape_cast %broadcast_in_dim3A_81 : vector<16xf32> to vector<1x16xf32>
      tpu.vector_store %arg8[%swap3A_82, %swap3A_83], %swap3A_86 {strides = array<i32>} : memref<80x64xf32, #tpu.memory_space<vmem>>, vector<1x16xf32>,
      %broadcast_in_dim3A_87 = arith.constant 0.000000e+00 : f32
      %broadcast_in_dim3A_88 = vector.broadcast %broadcast_in_dim3A_87 : f32 to vector<16xf32>
      %swap3A_89 = arith.index_cast %scan3A_74 : i32 to index
      %swap3A_90 = arith.constant 32 : index
      %swap3A_91 = tpu.vector_load %arg8[%swap3A_89, %swap3A_90] {strides = array<i32>} : memref<80x64xf32, #tpu.memory_space<vmem>>, vector<1x16xf32>,
      %swap3A_92 = vector.shape_cast %swap3A_91 : vector<1x16xf32> to vector<16xf32>
      %swap3A_93 = vector.shape_cast %broadcast_in_dim3A_88 : vector<16xf32> to vector<1x16xf32>
      tpu.vector_store %arg8[%swap3A_89, %swap3A_90], %swap3A_93 {strides = array<i32>} : memref<80x64xf32, #tpu.memory_space<vmem>>, vector<1x16xf32>,
      %broadcast_in_dim3A_94 = arith.constant 0.000000e+00 : f32
      %broadcast_in_dim3A_95 = vector.broadcast %broadcast_in_dim3A_94 : f32 to vector<16xf32>
      %swap3A_96 = arith.index_cast %scan3A_74 : i32 to index
      %swap3A_97 = arith.constant 48 : index
      %swap3A_98 = tpu.vector_load %arg8[%swap3A_96, %swap3A_97] {strides = array<i32>} : memref<80x64xf32, #tpu.memory_space<vmem>>, vector<1x16xf32>,
      %swap3A_99 = vector.shape_cast %swap3A_98 : vector<1x16xf32> to vector<16xf32>
      %swap3A_100 = vector.shape_cast %broadcast_in_dim3A_95 : vector<16xf32> to vector<1x16xf32>
      tpu.vector_store %arg8[%swap3A_96, %swap3A_97], %swap3A_100 {strides = array<i32>} : memref<80x64xf32, #tpu.memory_space<vmem>>, vector<1x16xf32>,
    }
    %scan3A_5 = arith.constant 80 : i32
    %mul3A_6 = arith.constant 640 : i32
    %mul3A_7 = arith.muli %arg1, %mul3A_6 : i32
    %add3A_8 = arith.constant 0 : i32
    %add3A_9 = arith.addi %mul3A_7, %add3A_8 : i32
    "tpu.region"() ({
      %run_scoped3A_74 = tpu.sem_alloc : memref<!tpu.dma_semaphore, #tpu.memory_space<semaphore_mem>>
      %dma_start3A_75 = arith.constant 0 : i32
      %dma_start3A_76 = tpu.memref_slice %arg13[%add3A_9, %dma_start3A_75] : memref<10240x64xf32, #tpu.memory_space<vmem_shared>> -> memref<80x64xf32, #tpu.memory_space<vmem_shared>>
      %dma_start3A_77 = arith.constant 0 : i32
      %dma_start3A_78 = tpu.memref_slice %arg13[%add3A_9, %dma_start3A_77] : memref<10240x64xf32, #tpu.memory_space<vmem_shared>> -> memref<80x64xf32, #tpu.memory_space<vmem_shared>>
      tpu.enqueue_dma source(%arg8 : memref<80x64xf32, #tpu.memory_space<vmem>>) target(%dma_start3A_78 : memref<80x64xf32, #tpu.memory_space<vmem_shared>>) target_semaphore(%run_scoped3A_74 : memref<!tpu.dma_semaphore, #tpu.memory_space<semaphore_mem>>)
      %dma_wait3A_79 = arith.constant 0 : i32
      %dma_wait3A_80 = tpu.memref_slice %arg13[%add3A_9, %dma_wait3A_79] : memref<10240x64xf32, #tpu.memory_space<vmem_shared>> -> memref<80x64xf32, #tpu.memory_space<vmem_shared>>
      %dma_wait3A_81 = arith.constant 0 : i32
      %dma_wait3A_82 = tpu.memref_slice %arg13[%add3A_9, %dma_wait3A_81] : memref<10240x64xf32, #tpu.memory_space<vmem_shared>> -> memref<80x64xf32, #tpu.memory_space<vmem_shared>>
      tpu.wait_dma2 semaphore(%run_scoped3A_74 : memref<!tpu.dma_semaphore, #tpu.memory_space<semaphore_mem>>) src(%arg8 : memref<80x64xf32, #tpu.memory_space<vmem>>) dst(%dma_wait3A_82 : memref<80x64xf32, #tpu.memory_space<vmem_shared>>)
      tpu.yield
    }) : () -> ()
    %mul3A_10 = arith.constant 640 : i32
    %mul3A_11 = arith.muli %arg1, %mul3A_10 : i32
    %add3A_12 = arith.constant 80 : i32
    %add3A_13 = arith.addi %mul3A_11, %add3A_12 : i32
    "tpu.region"() ({
      %run_scoped3A_74 = tpu.sem_alloc : memref<!tpu.dma_semaphore, #tpu.memory_space<semaphore_mem>>
      %dma_start3A_75 = arith.constant 0 : i32
      %dma_start3A_76 = tpu.memref_slice %arg13[%add3A_13, %dma_start3A_75] : memref<10240x64xf32, #tpu.memory_space<vmem_shared>> -> memref<80x64xf32, #tpu.memory_space<vmem_shared>>
      %dma_start3A_77 = arith.constant 0 : i32
      %dma_start3A_78 = tpu.memref_slice %arg13[%add3A_13, %dma_start3A_77] : memref<10240x64xf32, #tpu.memory_space<vmem_shared>> -> memref<80x64xf32, #tpu.memory_space<vmem_shared>>
      tpu.enqueue_dma source(%arg8 : memref<80x64xf32, #tpu.memory_space<vmem>>) target(%dma_start3A_78 : memref<80x64xf32, #tpu.memory_space<vmem_shared>>) target_semaphore(%run_scoped3A_74 : memref<!tpu.dma_semaphore, #tpu.memory_space<semaphore_mem>>)
      %dma_wait3A_79 = arith.constant 0 : i32
      %dma_wait3A_80 = tpu.memref_slice %arg13[%add3A_13, %dma_wait3A_79] : memref<10240x64xf32, #tpu.memory_space<vmem_shared>> -> memref<80x64xf32, #tpu.memory_space<vmem_shared>>
      %dma_wait3A_81 = arith.constant 0 : i32
      %dma_wait3A_82 = tpu.memref_slice %arg13[%add3A_13, %dma_wait3A_81] : memref<10240x64xf32, #tpu.memory_space<vmem_shared>> -> memref<80x64xf32, #tpu.memory_space<vmem_shared>>
      tpu.wait_dma2 semaphore(%run_scoped3A_74 : memref<!tpu.dma_semaphore, #tpu.memory_space<semaphore_mem>>) src(%arg8 : memref<80x64xf32, #tpu.memory_space<vmem>>) dst(%dma_wait3A_82 : memref<80x64xf32, #tpu.memory_space<vmem_shared>>)
      tpu.yield
    }) : () -> ()
    %mul3A_14 = arith.constant 640 : i32
    %mul3A_15 = arith.muli %arg1, %mul3A_14 : i32
    %add3A_16 = arith.constant 160 : i32
    %add3A_17 = arith.addi %mul3A_15, %add3A_16 : i32
    "tpu.region"() ({
      %run_scoped3A_74 = tpu.sem_alloc : memref<!tpu.dma_semaphore, #tpu.memory_space<semaphore_mem>>
      %dma_start3A_75 = arith.constant 0 : i32
      %dma_start3A_76 = tpu.memref_slice %arg13[%add3A_17, %dma_start3A_75] : memref<10240x64xf32, #tpu.memory_space<vmem_shared>> -> memref<80x64xf32, #tpu.memory_space<vmem_shared>>
      %dma_start3A_77 = arith.constant 0 : i32
      %dma_start3A_78 = tpu.memref_slice %arg13[%add3A_17, %dma_start3A_77] : memref<10240x64xf32, #tpu.memory_space<vmem_shared>> -> memref<80x64xf32, #tpu.memory_space<vmem_shared>>
      tpu.enqueue_dma source(%arg8 : memref<80x64xf32, #tpu.memory_space<vmem>>) target(%dma_start3A_78 : memref<80x64xf32, #tpu.memory_space<vmem_shared>>) target_semaphore(%run_scoped3A_74 : memref<!tpu.dma_semaphore, #tpu.memory_space<semaphore_mem>>)
      %dma_wait3A_79 = arith.constant 0 : i32
      %dma_wait3A_80 = tpu.memref_slice %arg13[%add3A_17, %dma_wait3A_79] : memref<10240x64xf32, #tpu.memory_space<vmem_shared>> -> memref<80x64xf32, #tpu.memory_space<vmem_shared>>
      %dma_wait3A_81 = arith.constant 0 : i32
      %dma_wait3A_82 = tpu.memref_slice %arg13[%add3A_17, %dma_wait3A_81] : memref<10240x64xf32, #tpu.memory_space<vmem_shared>> -> memref<80x64xf32, #tpu.memory_space<vmem_shared>>
      tpu.wait_dma2 semaphore(%run_scoped3A_74 : memref<!tpu.dma_semaphore, #tpu.memory_space<semaphore_mem>>) src(%arg8 : memref<80x64xf32, #tpu.memory_space<vmem>>) dst(%dma_wait3A_82 : memref<80x64xf32, #tpu.memory_space<vmem_shared>>)
      tpu.yield
    }) : () -> ()
    %mul3A_18 = arith.constant 640 : i32
    %mul3A_19 = arith.muli %arg1, %mul3A_18 : i32
    %add3A_20 = arith.constant 240 : i32
    %add3A_21 = arith.addi %mul3A_19, %add3A_20 : i32
    "tpu.region"() ({
      %run_scoped3A_74 = tpu.sem_alloc : memref<!tpu.dma_semaphore, #tpu.memory_space<semaphore_mem>>
      %dma_start3A_75 = arith.constant 0 : i32
      %dma_start3A_76 = tpu.memref_slice %arg13[%add3A_21, %dma_start3A_75] : memref<10240x64xf32, #tpu.memory_space<vmem_shared>> -> memref<80x64xf32, #tpu.memory_space<vmem_shared>>
      %dma_start3A_77 = arith.constant 0 : i32
      %dma_start3A_78 = tpu.memref_slice %arg13[%add3A_21, %dma_start3A_77] : memref<10240x64xf32, #tpu.memory_space<vmem_shared>> -> memref<80x64xf32, #tpu.memory_space<vmem_shared>>
      tpu.enqueue_dma source(%arg8 : memref<80x64xf32, #tpu.memory_space<vmem>>) target(%dma_start3A_78 : memref<80x64xf32, #tpu.memory_space<vmem_shared>>) target_semaphore(%run_scoped3A_74 : memref<!tpu.dma_semaphore, #tpu.memory_space<semaphore_mem>>)
      %dma_wait3A_79 = arith.constant 0 : i32
      %dma_wait3A_80 = tpu.memref_slice %arg13[%add3A_21, %dma_wait3A_79] : memref<10240x64xf32, #tpu.memory_space<vmem_shared>> -> memref<80x64xf32, #tpu.memory_space<vmem_shared>>
      %dma_wait3A_81 = arith.constant 0 : i32
      %dma_wait3A_82 = tpu.memref_slice %arg13[%add3A_21, %dma_wait3A_81] : memref<10240x64xf32, #tpu.memory_space<vmem_shared>> -> memref<80x64xf32, #tpu.memory_space<vmem_shared>>
      tpu.wait_dma2 semaphore(%run_scoped3A_74 : memref<!tpu.dma_semaphore, #tpu.memory_space<semaphore_mem>>) src(%arg8 : memref<80x64xf32, #tpu.memory_space<vmem>>) dst(%dma_wait3A_82 : memref<80x64xf32, #tpu.memory_space<vmem_shared>>)
      tpu.yield
    }) : () -> ()
    %mul3A_22 = arith.constant 640 : i32
    %mul3A_23 = arith.muli %arg1, %mul3A_22 : i32
    %add3A_24 = arith.constant 320 : i32
    %add3A_25 = arith.addi %mul3A_23, %add3A_24 : i32
    "tpu.region"() ({
      %run_scoped3A_74 = tpu.sem_alloc : memref<!tpu.dma_semaphore, #tpu.memory_space<semaphore_mem>>
      %dma_start3A_75 = arith.constant 0 : i32
      %dma_start3A_76 = tpu.memref_slice %arg13[%add3A_25, %dma_start3A_75] : memref<10240x64xf32, #tpu.memory_space<vmem_shared>> -> memref<80x64xf32, #tpu.memory_space<vmem_shared>>
      %dma_start3A_77 = arith.constant 0 : i32
      %dma_start3A_78 = tpu.memref_slice %arg13[%add3A_25, %dma_start3A_77] : memref<10240x64xf32, #tpu.memory_space<vmem_shared>> -> memref<80x64xf32, #tpu.memory_space<vmem_shared>>
      tpu.enqueue_dma source(%arg8 : memref<80x64xf32, #tpu.memory_space<vmem>>) target(%dma_start3A_78 : memref<80x64xf32, #tpu.memory_space<vmem_shared>>) target_semaphore(%run_scoped3A_74 : memref<!tpu.dma_semaphore, #tpu.memory_space<semaphore_mem>>)
      %dma_wait3A_79 = arith.constant 0 : i32
      %dma_wait3A_80 = tpu.memref_slice %arg13[%add3A_25, %dma_wait3A_79] : memref<10240x64xf32, #tpu.memory_space<vmem_shared>> -> memref<80x64xf32, #tpu.memory_space<vmem_shared>>
      %dma_wait3A_81 = arith.constant 0 : i32
      %dma_wait3A_82 = tpu.memref_slice %arg13[%add3A_25, %dma_wait3A_81] : memref<10240x64xf32, #tpu.memory_space<vmem_shared>> -> memref<80x64xf32, #tpu.memory_space<vmem_shared>>
      tpu.wait_dma2 semaphore(%run_scoped3A_74 : memref<!tpu.dma_semaphore, #tpu.memory_space<semaphore_mem>>) src(%arg8 : memref<80x64xf32, #tpu.memory_space<vmem>>) dst(%dma_wait3A_82 : memref<80x64xf32, #tpu.memory_space<vmem_shared>>)
      tpu.yield
    }) : () -> ()
    %mul3A_26 = arith.constant 640 : i32
    %mul3A_27 = arith.muli %arg1, %mul3A_26 : i32
    %add3A_28 = arith.constant 400 : i32
    %add3A_29 = arith.addi %mul3A_27, %add3A_28 : i32
    "tpu.region"() ({
      %run_scoped3A_74 = tpu.sem_alloc : memref<!tpu.dma_semaphore, #tpu.memory_space<semaphore_mem>>
      %dma_start3A_75 = arith.constant 0 : i32
      %dma_start3A_76 = tpu.memref_slice %arg13[%add3A_29, %dma_start3A_75] : memref<10240x64xf32, #tpu.memory_space<vmem_shared>> -> memref<80x64xf32, #tpu.memory_space<vmem_shared>>
      %dma_start3A_77 = arith.constant 0 : i32
      %dma_start3A_78 = tpu.memref_slice %arg13[%add3A_29, %dma_start3A_77] : memref<10240x64xf32, #tpu.memory_space<vmem_shared>> -> memref<80x64xf32, #tpu.memory_space<vmem_shared>>
      tpu.enqueue_dma source(%arg8 : memref<80x64xf32, #tpu.memory_space<vmem>>) target(%dma_start3A_78 : memref<80x64xf32, #tpu.memory_space<vmem_shared>>) target_semaphore(%run_scoped3A_74 : memref<!tpu.dma_semaphore, #tpu.memory_space<semaphore_mem>>)
      %dma_wait3A_79 = arith.constant 0 : i32
      %dma_wait3A_80 = tpu.memref_slice %arg13[%add3A_29, %dma_wait3A_79] : memref<10240x64xf32, #tpu.memory_space<vmem_shared>> -> memref<80x64xf32, #tpu.memory_space<vmem_shared>>
      %dma_wait3A_81 = arith.constant 0 : i32
      %dma_wait3A_82 = tpu.memref_slice %arg13[%add3A_29, %dma_wait3A_81] : memref<10240x64xf32, #tpu.memory_space<vmem_shared>> -> memref<80x64xf32, #tpu.memory_space<vmem_shared>>
      tpu.wait_dma2 semaphore(%run_scoped3A_74 : memref<!tpu.dma_semaphore, #tpu.memory_space<semaphore_mem>>) src(%arg8 : memref<80x64xf32, #tpu.memory_space<vmem>>) dst(%dma_wait3A_82 : memref<80x64xf32, #tpu.memory_space<vmem_shared>>)
      tpu.yield
    }) : () -> ()
    %mul3A_30 = arith.constant 640 : i32
    %mul3A_31 = arith.muli %arg1, %mul3A_30 : i32
    %add3A_32 = arith.constant 480 : i32
    %add3A_33 = arith.addi %mul3A_31, %add3A_32 : i32
    "tpu.region"() ({
      %run_scoped3A_74 = tpu.sem_alloc : memref<!tpu.dma_semaphore, #tpu.memory_space<semaphore_mem>>
      %dma_start3A_75 = arith.constant 0 : i32
      %dma_start3A_76 = tpu.memref_slice %arg13[%add3A_33, %dma_start3A_75] : memref<10240x64xf32, #tpu.memory_space<vmem_shared>> -> memref<80x64xf32, #tpu.memory_space<vmem_shared>>
      %dma_start3A_77 = arith.constant 0 : i32
      %dma_start3A_78 = tpu.memref_slice %arg13[%add3A_33, %dma_start3A_77] : memref<10240x64xf32, #tpu.memory_space<vmem_shared>> -> memref<80x64xf32, #tpu.memory_space<vmem_shared>>
      tpu.enqueue_dma source(%arg8 : memref<80x64xf32, #tpu.memory_space<vmem>>) target(%dma_start3A_78 : memref<80x64xf32, #tpu.memory_space<vmem_shared>>) target_semaphore(%run_scoped3A_74 : memref<!tpu.dma_semaphore, #tpu.memory_space<semaphore_mem>>)
      %dma_wait3A_79 = arith.constant 0 : i32
      %dma_wait3A_80 = tpu.memref_slice %arg13[%add3A_33, %dma_wait3A_79] : memref<10240x64xf32, #tpu.memory_space<vmem_shared>> -> memref<80x64xf32, #tpu.memory_space<vmem_shared>>
      %dma_wait3A_81 = arith.constant 0 : i32
      %dma_wait3A_82 = tpu.memref_slice %arg13[%add3A_33, %dma_wait3A_81] : memref<10240x64xf32, #tpu.memory_space<vmem_shared>> -> memref<80x64xf32, #tpu.memory_space<vmem_shared>>
      tpu.wait_dma2 semaphore(%run_scoped3A_74 : memref<!tpu.dma_semaphore, #tpu.memory_space<semaphore_mem>>) src(%arg8 : memref<80x64xf32, #tpu.memory_space<vmem>>) dst(%dma_wait3A_82 : memref<80x64xf32, #tpu.memory_space<vmem_shared>>)
      tpu.yield
    }) : () -> ()
    %mul3A_34 = arith.constant 640 : i32
    %mul3A_35 = arith.muli %arg1, %mul3A_34 : i32
    %add3A_36 = arith.constant 560 : i32
    %add3A_37 = arith.addi %mul3A_35, %add3A_36 : i32
    "tpu.region"() ({
      %run_scoped3A_74 = tpu.sem_alloc : memref<!tpu.dma_semaphore, #tpu.memory_space<semaphore_mem>>
      %dma_start3A_75 = arith.constant 0 : i32
      %dma_start3A_76 = tpu.memref_slice %arg13[%add3A_37, %dma_start3A_75] : memref<10240x64xf32, #tpu.memory_space<vmem_shared>> -> memref<80x64xf32, #tpu.memory_space<vmem_shared>>
      %dma_start3A_77 = arith.constant 0 : i32
      %dma_start3A_78 = tpu.memref_slice %arg13[%add3A_37, %dma_start3A_77] : memref<10240x64xf32, #tpu.memory_space<vmem_shared>> -> memref<80x64xf32, #tpu.memory_space<vmem_shared>>
      tpu.enqueue_dma source(%arg8 : memref<80x64xf32, #tpu.memory_space<vmem>>) target(%dma_start3A_78 : memref<80x64xf32, #tpu.memory_space<vmem_shared>>) target_semaphore(%run_scoped3A_74 : memref<!tpu.dma_semaphore, #tpu.memory_space<semaphore_mem>>)
      %dma_wait3A_79 = arith.constant 0 : i32
      %dma_wait3A_80 = tpu.memref_slice %arg13[%add3A_37, %dma_wait3A_79] : memref<10240x64xf32, #tpu.memory_space<vmem_shared>> -> memref<80x64xf32, #tpu.memory_space<vmem_shared>>
      %dma_wait3A_81 = arith.constant 0 : i32
      %dma_wait3A_82 = tpu.memref_slice %arg13[%add3A_37, %dma_wait3A_81] : memref<10240x64xf32, #tpu.memory_space<vmem_shared>> -> memref<80x64xf32, #tpu.memory_space<vmem_shared>>
      tpu.wait_dma2 semaphore(%run_scoped3A_74 : memref<!tpu.dma_semaphore, #tpu.memory_space<semaphore_mem>>) src(%arg8 : memref<80x64xf32, #tpu.memory_space<vmem>>) dst(%dma_wait3A_82 : memref<80x64xf32, #tpu.memory_space<vmem_shared>>)
      tpu.yield
    }) : () -> ()
    %barrier3A = arith.constant 0 : index
    tpu.barrier barrier_id(%barrier3A)
    "tpu.region"() ({
      %run_scoped3A_74 = tpu.sem_alloc : memref<!tpu.dma_semaphore, #tpu.memory_space<semaphore_mem>>
      %dma_start3A_75 = arith.constant 0 : i32
      %dma_start3A_76 = arith.constant 0 : i32
      %dma_start3A_77 = tpu.memref_slice %arg3[%add3A, %dma_start3A_75, %dma_start3A_76] : memref<32x125x80xi32, #tpu.memory_space<hbm>> -> memref<1x125x80xi32, #tpu.memory_space<hbm>>
      %dma_start3A_78 = tpu.memref_squeeze %dma_start3A_77 : memref<1x125x80xi32, #tpu.memory_space<hbm>> -> memref<125x80xi32, #tpu.memory_space<hbm>>
      %dma_start3A_79 = arith.constant 0 : i32
      %dma_start3A_80 = arith.constant 0 : i32
      %dma_start3A_81 = tpu.memref_slice %arg3[%add3A, %dma_start3A_79, %dma_start3A_80] : memref<32x125x80xi32, #tpu.memory_space<hbm>> -> memref<1x125x80xi32, #tpu.memory_space<hbm>>
      %dma_start3A_82 = tpu.memref_squeeze %dma_start3A_81 : memref<1x125x80xi32, #tpu.memory_space<hbm>> -> memref<125x80xi32, #tpu.memory_space<hbm>>
      tpu.enqueue_dma source(%dma_start3A_82 : memref<125x80xi32, #tpu.memory_space<hbm>>) target(%arg6 : memref<125x80xi32, #tpu.memory_space<vmem>>) target_semaphore(%run_scoped3A_74 : memref<!tpu.dma_semaphore, #tpu.memory_space<semaphore_mem>>)
      %dma_wait3A_83 = arith.constant 0 : i32
      %dma_wait3A_84 = arith.constant 0 : i32
      %dma_wait3A_85 = tpu.memref_slice %arg3[%add3A, %dma_wait3A_83, %dma_wait3A_84] : memref<32x125x80xi32, #tpu.memory_space<hbm>> -> memref<1x125x80xi32, #tpu.memory_space<hbm>>
      %dma_wait3A_86 = tpu.memref_squeeze %dma_wait3A_85 : memref<1x125x80xi32, #tpu.memory_space<hbm>> -> memref<125x80xi32, #tpu.memory_space<hbm>>
      %dma_wait3A_87 = arith.constant 0 : i32
      %dma_wait3A_88 = arith.constant 0 : i32
      %dma_wait3A_89 = tpu.memref_slice %arg3[%add3A, %dma_wait3A_87, %dma_wait3A_88] : memref<32x125x80xi32, #tpu.memory_space<hbm>> -> memref<1x125x80xi32, #tpu.memory_space<hbm>>
      %dma_wait3A_90 = tpu.memref_squeeze %dma_wait3A_89 : memref<1x125x80xi32, #tpu.memory_space<hbm>> -> memref<125x80xi32, #tpu.memory_space<hbm>>
      tpu.wait_dma2 semaphore(%run_scoped3A_74 : memref<!tpu.dma_semaphore, #tpu.memory_space<semaphore_mem>>) src(%dma_wait3A_90 : memref<125x80xi32, #tpu.memory_space<hbm>>) dst(%arg6 : memref<125x80xi32, #tpu.memory_space<vmem>>)
      tpu.yield
    }) : () -> ()
    "tpu.region"() ({
      %run_scoped3A_74 = tpu.sem_alloc : memref<!tpu.dma_semaphore, #tpu.memory_space<semaphore_mem>>
      %dma_start3A_75 = arith.constant 0 : i32
      %dma_start3A_76 = arith.constant 0 : i32
      %dma_start3A_77 = tpu.memref_slice %arg4[%add3A, %dma_start3A_75, %dma_start3A_76] : memref<32x125x80xi32, #tpu.memory_space<hbm>> -> memref<1x125x80xi32, #tpu.memory_space<hbm>>
      %dma_start3A_78 = tpu.memref_squeeze %dma_start3A_77 : memref<1x125x80xi32, #tpu.memory_space<hbm>> -> memref<125x80xi32, #tpu.memory_space<hbm>>
      %dma_start3A_79 = arith.constant 0 : i32
      %dma_start3A_80 = arith.constant 0 : i32
      %dma_start3A_81 = tpu.memref_slice %arg4[%add3A, %dma_start3A_79, %dma_start3A_80] : memref<32x125x80xi32, #tpu.memory_space<hbm>> -> memref<1x125x80xi32, #tpu.memory_space<hbm>>
      %dma_start3A_82 = tpu.memref_squeeze %dma_start3A_81 : memref<1x125x80xi32, #tpu.memory_space<hbm>> -> memref<125x80xi32, #tpu.memory_space<hbm>>
      tpu.enqueue_dma source(%dma_start3A_82 : memref<125x80xi32, #tpu.memory_space<hbm>>) target(%arg7 : memref<125x80xi32, #tpu.memory_space<vmem>>) target_semaphore(%run_scoped3A_74 : memref<!tpu.dma_semaphore, #tpu.memory_space<semaphore_mem>>)
      %dma_wait3A_83 = arith.constant 0 : i32
      %dma_wait3A_84 = arith.constant 0 : i32
      %dma_wait3A_85 = tpu.memref_slice %arg4[%add3A, %dma_wait3A_83, %dma_wait3A_84] : memref<32x125x80xi32, #tpu.memory_space<hbm>> -> memref<1x125x80xi32, #tpu.memory_space<hbm>>
      %dma_wait3A_86 = tpu.memref_squeeze %dma_wait3A_85 : memref<1x125x80xi32, #tpu.memory_space<hbm>> -> memref<125x80xi32, #tpu.memory_space<hbm>>
      %dma_wait3A_87 = arith.constant 0 : i32
      %dma_wait3A_88 = arith.constant 0 : i32
      %dma_wait3A_89 = tpu.memref_slice %arg4[%add3A, %dma_wait3A_87, %dma_wait3A_88] : memref<32x125x80xi32, #tpu.memory_space<hbm>> -> memref<1x125x80xi32, #tpu.memory_space<hbm>>
      %dma_wait3A_90 = tpu.memref_squeeze %dma_wait3A_89 : memref<1x125x80xi32, #tpu.memory_space<hbm>> -> memref<125x80xi32, #tpu.memory_space<hbm>>
      tpu.wait_dma2 semaphore(%run_scoped3A_74 : memref<!tpu.dma_semaphore, #tpu.memory_space<semaphore_mem>>) src(%dma_wait3A_90 : memref<125x80xi32, #tpu.memory_space<hbm>>) dst(%arg7 : memref<125x80xi32, #tpu.memory_space<vmem>>)
      tpu.yield
    }) : () -> ()
    %dma_start3A = arith.constant 0 : i32
    %dma_start3A_38 = arith.constant 0 : i32
    %dma_start3A_39 = tpu.memref_slice %arg6[%dma_start3A, %dma_start3A_38] : memref<125x80xi32, #tpu.memory_space<vmem>> -> memref<1x80xi32, #tpu.memory_space<vmem>>
    %dma_start3A_40 = tpu.memref_squeeze %dma_start3A_39 : memref<1x80xi32, #tpu.memory_space<vmem>> -> memref<80xi32, #tpu.memory_space<vmem>>
    %dma_start3A_41 = arith.constant 0 : i32
    %dma_start3A_42 = arith.constant 0 : i32
    %dma_start3A_43 = tpu.memref_slice %arg2[%dma_start3A_41, %dma_start3A_42] : memref<10240x64xf32, #tpu.memory_space<hbm>> -> memref<10240x64xf32, #tpu.memory_space<hbm>>
    tpu.enqueue_indirect_dma source(%dma_start3A_43 : memref<10240x64xf32, #tpu.memory_space<hbm>>) target(%arg9 : memref<80x64xf32, #tpu.memory_space<vmem>>) offsets(%dma_start3A_40 : memref<80xi32, #tpu.memory_space<vmem>>) semaphore(%arg14 : memref<!tpu.dma_semaphore, #tpu.memory_space<semaphore_mem>>)
    %dma_start3A_44 = arith.constant 1 : i32
    %dma_start3A_45 = arith.constant 0 : i32
    %dma_start3A_46 = tpu.memref_slice %arg6[%dma_start3A_44, %dma_start3A_45] : memref<125x80xi32, #tpu.memory_space<vmem>> -> memref<1x80xi32, #tpu.memory_space<vmem>>
    %dma_start3A_47 = tpu.memref_squeeze %dma_start3A_46 : memref<1x80xi32, #tpu.memory_space<vmem>> -> memref<80xi32, #tpu.memory_space<vmem>>
    %dma_start3A_48 = arith.constant 0 : i32
    %dma_start3A_49 = arith.constant 0 : i32
    %dma_start3A_50 = tpu.memref_slice %arg2[%dma_start3A_48, %dma_start3A_49] : memref<10240x64xf32, #tpu.memory_space<hbm>> -> memref<10240x64xf32, #tpu.memory_space<hbm>>
    tpu.enqueue_indirect_dma source(%dma_start3A_50 : memref<10240x64xf32, #tpu.memory_space<hbm>>) target(%arg10 : memref<80x64xf32, #tpu.memory_space<vmem>>) offsets(%dma_start3A_47 : memref<80xi32, #tpu.memory_space<vmem>>) semaphore(%arg15 : memref<!tpu.dma_semaphore, #tpu.memory_space<semaphore_mem>>)
    %dma_start3A_51 = arith.constant 2 : i32
    %dma_start3A_52 = arith.constant 0 : i32
    %dma_start3A_53 = tpu.memref_slice %arg6[%dma_start3A_51, %dma_start3A_52] : memref<125x80xi32, #tpu.memory_space<vmem>> -> memref<1x80xi32, #tpu.memory_space<vmem>>
    %dma_start3A_54 = tpu.memref_squeeze %dma_start3A_53 : memref<1x80xi32, #tpu.memory_space<vmem>> -> memref<80xi32, #tpu.memory_space<vmem>>
    %dma_start3A_55 = arith.constant 0 : i32
    %dma_start3A_56 = arith.constant 0 : i32
    %dma_start3A_57 = tpu.memref_slice %arg2[%dma_start3A_55, %dma_start3A_56] : memref<10240x64xf32, #tpu.memory_space<hbm>> -> memref<10240x64xf32, #tpu.memory_space<hbm>>
    tpu.enqueue_indirect_dma source(%dma_start3A_57 : memref<10240x64xf32, #tpu.memory_space<hbm>>) target(%arg11 : memref<80x64xf32, #tpu.memory_space<vmem>>) offsets(%dma_start3A_54 : memref<80xi32, #tpu.memory_space<vmem>>) semaphore(%arg16 : memref<!tpu.dma_semaphore, #tpu.memory_space<semaphore_mem>>)
    %scan3A_58 = arith.constant 0 : i32
    %scan3A_59 = arith.constant 0 : i32
    %scan3A_60 = arith.constant 31 : i32
    %scan3A_61 = arith.addi %scan3A_59, %scan3A_60 : i32
    %scan3A_62 = arith.constant 1 : i32
    scf.for %scan3A_74 = %scan3A_59 to %scan3A_61 step %scan3A_62  : i32 {
      %mul3A_75 = arith.constant 4 : i32
      %mul3A_76 = arith.muli %mul3A_75, %scan3A_74 : i32
      %add3A_77 = arith.constant 0 : i32
      %add3A_78 = arith.addi %mul3A_76, %add3A_77 : i32
      %dma_wait3A_79 = arith.constant 0 : i32
      %dma_wait3A_80 = arith.constant 0 : i32
      %dma_wait3A_81 = tpu.memref_slice %arg2[%dma_wait3A_79, %dma_wait3A_80] : memref<10240x64xf32, #tpu.memory_space<hbm>> -> memref<80x64xf32, #tpu.memory_space<hbm>>
      %dma_wait3A_82 = arith.constant 0 : i32
      %dma_wait3A_83 = arith.constant 0 : i32
      %dma_wait3A_84 = tpu.memref_slice %arg2[%dma_wait3A_82, %dma_wait3A_83] : memref<10240x64xf32, #tpu.memory_space<hbm>> -> memref<80x64xf32, #tpu.memory_space<hbm>>
      tpu.wait_dma2 semaphore(%arg14 : memref<!tpu.dma_semaphore, #tpu.memory_space<semaphore_mem>>) src(%dma_wait3A_84 : memref<80x64xf32, #tpu.memory_space<hbm>>) dst(%arg9 : memref<80x64xf32, #tpu.memory_space<vmem>>)
      %add3A_85 = arith.constant 4 : i32
      %add3A_86 = arith.addi %add3A_78, %add3A_85 : i32
      %sub3A = arith.constant 1 : i32
      %sub3A_87 = arith.subi %add3A_86, %sub3A : i32
      %lt3A = arith.constant 125 : i32
      %lt3A_88 = arith.cmpi slt, %sub3A_87, %lt3A : i32
      %convert_element_type3A = arith.extui %lt3A_88 : i1 to i32
      %cond3A = arith.constant 0 : i32
      %cond3A_89 = arith.cmpi ne, %convert_element_type3A, %cond3A : i32
      scf.if %cond3A_89 {
        %dma_start3A_141 = arith.constant 0 : i32
        %dma_start3A_142 = tpu.memref_slice %arg6[%sub3A_87, %dma_start3A_141] : memref<125x80xi32, #tpu.memory_space<vmem>> -> memref<1x80xi32, #tpu.memory_space<vmem>>
        %dma_start3A_143 = tpu.memref_squeeze %dma_start3A_142 : memref<1x80xi32, #tpu.memory_space<vmem>> -> memref<80xi32, #tpu.memory_space<vmem>>
        %dma_start3A_144 = arith.constant 0 : i32
        %dma_start3A_145 = arith.constant 0 : i32
        %dma_start3A_146 = tpu.memref_slice %arg2[%dma_start3A_144, %dma_start3A_145] : memref<10240x64xf32, #tpu.memory_space<hbm>> -> memref<10240x64xf32, #tpu.memory_space<hbm>>
        tpu.enqueue_indirect_dma source(%dma_start3A_146 : memref<10240x64xf32, #tpu.memory_space<hbm>>) target(%arg12 : memref<80x64xf32, #tpu.memory_space<vmem>>) offsets(%dma_start3A_143 : memref<80xi32, #tpu.memory_space<vmem>>) semaphore(%arg17 : memref<!tpu.dma_semaphore, #tpu.memory_space<semaphore_mem>>)
      } else {
      }
      "tpu.region"() ({
        %run_scoped3A_141 = tpu.sem_alloc : memref<!tpu.dma_semaphore, #tpu.memory_space<semaphore_mem>>
        %dma_start3A_142 = arith.constant 0 : i32
        %dma_start3A_143 = tpu.memref_slice %arg7[%add3A_78, %dma_start3A_142] : memref<125x80xi32, #tpu.memory_space<vmem>> -> memref<1x80xi32, #tpu.memory_space<vmem>>
        %dma_start3A_144 = tpu.memref_squeeze %dma_start3A_143 : memref<1x80xi32, #tpu.memory_space<vmem>> -> memref<80xi32, #tpu.memory_space<vmem>>
        %dma_start3A_145 = arith.constant 0 : i32
        %dma_start3A_146 = arith.constant 0 : i32
        %dma_start3A_147 = tpu.memref_slice %arg13[%dma_start3A_145, %dma_start3A_146] : memref<10240x64xf32, #tpu.memory_space<vmem_shared>> -> memref<10240x64xf32, #tpu.memory_space<vmem_shared>>
        tpu.enqueue_indirect_dma source(%arg9 : memref<80x64xf32, #tpu.memory_space<vmem>>) target(%dma_start3A_147 : memref<10240x64xf32, #tpu.memory_space<vmem_shared>>) offsets(%dma_start3A_144 : memref<80xi32, #tpu.memory_space<vmem>>) semaphore(%run_scoped3A_141 : memref<!tpu.dma_semaphore, #tpu.memory_space<semaphore_mem>>) {add = true}
        %dma_wait3A_148 = arith.constant 0 : i32
        %dma_wait3A_149 = tpu.memref_slice %arg7[%add3A_78, %dma_wait3A_148] : memref<125x80xi32, #tpu.memory_space<vmem>> -> memref<1x80xi32, #tpu.memory_space<vmem>>
        %dma_wait3A_150 = tpu.memref_squeeze %dma_wait3A_149 : memref<1x80xi32, #tpu.memory_space<vmem>> -> memref<80xi32, #tpu.memory_space<vmem>>
        %dma_wait3A_151 = arith.constant 0 : i32
        %dma_wait3A_152 = arith.constant 0 : i32
        %dma_wait3A_153 = tpu.memref_slice %arg13[%dma_wait3A_151, %dma_wait3A_152] : memref<10240x64xf32, #tpu.memory_space<vmem_shared>> -> memref<10240x64xf32, #tpu.memory_space<vmem_shared>>
        tpu.wait_indirect_dma semaphore(%run_scoped3A_141 : memref<!tpu.dma_semaphore, #tpu.memory_space<semaphore_mem>>) src(%arg9 : memref<80x64xf32, #tpu.memory_space<vmem>>) dst(%dma_wait3A_153 : memref<10240x64xf32, #tpu.memory_space<vmem_shared>>)
        tpu.yield
      }) : () -> ()
      %add3A_90 = arith.constant 1 : i32
      %add3A_91 = arith.addi %mul3A_76, %add3A_90 : i32
      %dma_wait3A_92 = arith.constant 0 : i32
      %dma_wait3A_93 = arith.constant 0 : i32
      %dma_wait3A_94 = tpu.memref_slice %arg2[%dma_wait3A_92, %dma_wait3A_93] : memref<10240x64xf32, #tpu.memory_space<hbm>> -> memref<80x64xf32, #tpu.memory_space<hbm>>
      %dma_wait3A_95 = arith.constant 0 : i32
      %dma_wait3A_96 = arith.constant 0 : i32
      %dma_wait3A_97 = tpu.memref_slice %arg2[%dma_wait3A_95, %dma_wait3A_96] : memref<10240x64xf32, #tpu.memory_space<hbm>> -> memref<80x64xf32, #tpu.memory_space<hbm>>
      tpu.wait_dma2 semaphore(%arg15 : memref<!tpu.dma_semaphore, #tpu.memory_space<semaphore_mem>>) src(%dma_wait3A_97 : memref<80x64xf32, #tpu.memory_space<hbm>>) dst(%arg10 : memref<80x64xf32, #tpu.memory_space<vmem>>)
      %add3A_98 = arith.constant 4 : i32
      %add3A_99 = arith.addi %add3A_91, %add3A_98 : i32
      %sub3A_100 = arith.constant 1 : i32
      %sub3A_101 = arith.subi %add3A_99, %sub3A_100 : i32
      %lt3A_102 = arith.constant 125 : i32
      %lt3A_103 = arith.cmpi slt, %sub3A_101, %lt3A_102 : i32
      %convert_element_type3A_104 = arith.extui %lt3A_103 : i1 to i32
      %cond3A_105 = arith.constant 0 : i32
      %cond3A_106 = arith.cmpi ne, %convert_element_type3A_104, %cond3A_105 : i32
      scf.if %cond3A_106 {
        %dma_start3A_141 = arith.constant 0 : i32
        %dma_start3A_142 = tpu.memref_slice %arg6[%sub3A_101, %dma_start3A_141] : memref<125x80xi32, #tpu.memory_space<vmem>> -> memref<1x80xi32, #tpu.memory_space<vmem>>
        %dma_start3A_143 = tpu.memref_squeeze %dma_start3A_142 : memref<1x80xi32, #tpu.memory_space<vmem>> -> memref<80xi32, #tpu.memory_space<vmem>>
        %dma_start3A_144 = arith.constant 0 : i32
        %dma_start3A_145 = arith.constant 0 : i32
        %dma_start3A_146 = tpu.memref_slice %arg2[%dma_start3A_144, %dma_start3A_145] : memref<10240x64xf32, #tpu.memory_space<hbm>> -> memref<10240x64xf32, #tpu.memory_space<hbm>>
        tpu.enqueue_indirect_dma source(%dma_start3A_146 : memref<10240x64xf32, #tpu.memory_space<hbm>>) target(%arg9 : memref<80x64xf32, #tpu.memory_space<vmem>>) offsets(%dma_start3A_143 : memref<80xi32, #tpu.memory_space<vmem>>) semaphore(%arg14 : memref<!tpu.dma_semaphore, #tpu.memory_space<semaphore_mem>>)
      } else {
      }
      "tpu.region"() ({
        %run_scoped3A_141 = tpu.sem_alloc : memref<!tpu.dma_semaphore, #tpu.memory_space<semaphore_mem>>
        %dma_start3A_142 = arith.constant 0 : i32
        %dma_start3A_143 = tpu.memref_slice %arg7[%add3A_91, %dma_start3A_142] : memref<125x80xi32, #tpu.memory_space<vmem>> -> memref<1x80xi32, #tpu.memory_space<vmem>>
        %dma_start3A_144 = tpu.memref_squeeze %dma_start3A_143 : memref<1x80xi32, #tpu.memory_space<vmem>> -> memref<80xi32, #tpu.memory_space<vmem>>
        %dma_start3A_145 = arith.constant 0 : i32
        %dma_start3A_146 = arith.constant 0 : i32
        %dma_start3A_147 = tpu.memref_slice %arg13[%dma_start3A_145, %dma_start3A_146] : memref<10240x64xf32, #tpu.memory_space<vmem_shared>> -> memref<10240x64xf32, #tpu.memory_space<vmem_shared>>
        tpu.enqueue_indirect_dma source(%arg10 : memref<80x64xf32, #tpu.memory_space<vmem>>) target(%dma_start3A_147 : memref<10240x64xf32, #tpu.memory_space<vmem_shared>>) offsets(%dma_start3A_144 : memref<80xi32, #tpu.memory_space<vmem>>) semaphore(%run_scoped3A_141 : memref<!tpu.dma_semaphore, #tpu.memory_space<semaphore_mem>>) {add = true}
        %dma_wait3A_148 = arith.constant 0 : i32
        %dma_wait3A_149 = tpu.memref_slice %arg7[%add3A_91, %dma_wait3A_148] : memref<125x80xi32, #tpu.memory_space<vmem>> -> memref<1x80xi32, #tpu.memory_space<vmem>>
        %dma_wait3A_150 = tpu.memref_squeeze %dma_wait3A_149 : memref<1x80xi32, #tpu.memory_space<vmem>> -> memref<80xi32, #tpu.memory_space<vmem>>
        %dma_wait3A_151 = arith.constant 0 : i32
        %dma_wait3A_152 = arith.constant 0 : i32
        %dma_wait3A_153 = tpu.memref_slice %arg13[%dma_wait3A_151, %dma_wait3A_152] : memref<10240x64xf32, #tpu.memory_space<vmem_shared>> -> memref<10240x64xf32, #tpu.memory_space<vmem_shared>>
        tpu.wait_indirect_dma semaphore(%run_scoped3A_141 : memref<!tpu.dma_semaphore, #tpu.memory_space<semaphore_mem>>) src(%arg10 : memref<80x64xf32, #tpu.memory_space<vmem>>) dst(%dma_wait3A_153 : memref<10240x64xf32, #tpu.memory_space<vmem_shared>>)
        tpu.yield
      }) : () -> ()
      %add3A_107 = arith.constant 2 : i32
      %add3A_108 = arith.addi %mul3A_76, %add3A_107 : i32
      %dma_wait3A_109 = arith.constant 0 : i32
      %dma_wait3A_110 = arith.constant 0 : i32
      %dma_wait3A_111 = tpu.memref_slice %arg2[%dma_wait3A_109, %dma_wait3A_110] : memref<10240x64xf32, #tpu.memory_space<hbm>> -> memref<80x64xf32, #tpu.memory_space<hbm>>
      %dma_wait3A_112 = arith.constant 0 : i32
      %dma_wait3A_113 = arith.constant 0 : i32
      %dma_wait3A_114 = tpu.memref_slice %arg2[%dma_wait3A_112, %dma_wait3A_113] : memref<10240x64xf32, #tpu.memory_space<hbm>> -> memref<80x64xf32, #tpu.memory_space<hbm>>
      tpu.wait_dma2 semaphore(%arg16 : memref<!tpu.dma_semaphore, #tpu.memory_space<semaphore_mem>>) src(%dma_wait3A_114 : memref<80x64xf32, #tpu.memory_space<hbm>>) dst(%arg11 : memref<80x64xf32, #tpu.memory_space<vmem>>)
      %add3A_115 = arith.constant 4 : i32
      %add3A_116 = arith.addi %add3A_108, %add3A_115 : i32
      %sub3A_117 = arith.constant 1 : i32
      %sub3A_118 = arith.subi %add3A_116, %sub3A_117 : i32
      %lt3A_119 = arith.constant 125 : i32
      %lt3A_120 = arith.cmpi slt, %sub3A_118, %lt3A_119 : i32
      %convert_element_type3A_121 = arith.extui %lt3A_120 : i1 to i32
      %cond3A_122 = arith.constant 0 : i32
      %cond3A_123 = arith.cmpi ne, %convert_element_type3A_121, %cond3A_122 : i32
      scf.if %cond3A_123 {
        %dma_start3A_141 = arith.constant 0 : i32
        %dma_start3A_142 = tpu.memref_slice %arg6[%sub3A_118, %dma_start3A_141] : memref<125x80xi32, #tpu.memory_space<vmem>> -> memref<1x80xi32, #tpu.memory_space<vmem>>
        %dma_start3A_143 = tpu.memref_squeeze %dma_start3A_142 : memref<1x80xi32, #tpu.memory_space<vmem>> -> memref<80xi32, #tpu.memory_space<vmem>>
        %dma_start3A_144 = arith.constant 0 : i32
        %dma_start3A_145 = arith.constant 0 : i32
        %dma_start3A_146 = tpu.memref_slice %arg2[%dma_start3A_144, %dma_start3A_145] : memref<10240x64xf32, #tpu.memory_space<hbm>> -> memref<10240x64xf32, #tpu.memory_space<hbm>>
        tpu.enqueue_indirect_dma source(%dma_start3A_146 : memref<10240x64xf32, #tpu.memory_space<hbm>>) target(%arg10 : memref<80x64xf32, #tpu.memory_space<vmem>>) offsets(%dma_start3A_143 : memref<80xi32, #tpu.memory_space<vmem>>) semaphore(%arg15 : memref<!tpu.dma_semaphore, #tpu.memory_space<semaphore_mem>>)
      } else {
      }
      "tpu.region"() ({
        %run_scoped3A_141 = tpu.sem_alloc : memref<!tpu.dma_semaphore, #tpu.memory_space<semaphore_mem>>
        %dma_start3A_142 = arith.constant 0 : i32
        %dma_start3A_143 = tpu.memref_slice %arg7[%add3A_108, %dma_start3A_142] : memref<125x80xi32, #tpu.memory_space<vmem>> -> memref<1x80xi32, #tpu.memory_space<vmem>>
        %dma_start3A_144 = tpu.memref_squeeze %dma_start3A_143 : memref<1x80xi32, #tpu.memory_space<vmem>> -> memref<80xi32, #tpu.memory_space<vmem>>
        %dma_start3A_145 = arith.constant 0 : i32
        %dma_start3A_146 = arith.constant 0 : i32
        %dma_start3A_147 = tpu.memref_slice %arg13[%dma_start3A_145, %dma_start3A_146] : memref<10240x64xf32, #tpu.memory_space<vmem_shared>> -> memref<10240x64xf32, #tpu.memory_space<vmem_shared>>
        tpu.enqueue_indirect_dma source(%arg11 : memref<80x64xf32, #tpu.memory_space<vmem>>) target(%dma_start3A_147 : memref<10240x64xf32, #tpu.memory_space<vmem_shared>>) offsets(%dma_start3A_144 : memref<80xi32, #tpu.memory_space<vmem>>) semaphore(%run_scoped3A_141 : memref<!tpu.dma_semaphore, #tpu.memory_space<semaphore_mem>>) {add = true}
        %dma_wait3A_148 = arith.constant 0 : i32
        %dma_wait3A_149 = tpu.memref_slice %arg7[%add3A_108, %dma_wait3A_148] : memref<125x80xi32, #tpu.memory_space<vmem>> -> memref<1x80xi32, #tpu.memory_space<vmem>>
        %dma_wait3A_150 = tpu.memref_squeeze %dma_wait3A_149 : memref<1x80xi32, #tpu.memory_space<vmem>> -> memref<80xi32, #tpu.memory_space<vmem>>
        %dma_wait3A_151 = arith.constant 0 : i32
        %dma_wait3A_152 = arith.constant 0 : i32
        %dma_wait3A_153 = tpu.memref_slice %arg13[%dma_wait3A_151, %dma_wait3A_152] : memref<10240x64xf32, #tpu.memory_space<vmem_shared>> -> memref<10240x64xf32, #tpu.memory_space<vmem_shared>>
        tpu.wait_indirect_dma semaphore(%run_scoped3A_141 : memref<!tpu.dma_semaphore, #tpu.memory_space<semaphore_mem>>) src(%arg11 : memref<80x64xf32, #tpu.memory_space<vmem>>) dst(%dma_wait3A_153 : memref<10240x64xf32, #tpu.memory_space<vmem_shared>>)
        tpu.yield
      }) : () -> ()
      %add3A_124 = arith.constant 3 : i32
      %add3A_125 = arith.addi %mul3A_76, %add3A_124 : i32
      %dma_wait3A_126 = arith.constant 0 : i32
      %dma_wait3A_127 = arith.constant 0 : i32
      %dma_wait3A_128 = tpu.memref_slice %arg2[%dma_wait3A_126, %dma_wait3A_127] : memref<10240x64xf32, #tpu.memory_space<hbm>> -> memref<80x64xf32, #tpu.memory_space<hbm>>
      %dma_wait3A_129 = arith.constant 0 : i32
      %dma_wait3A_130 = arith.constant 0 : i32
      %dma_wait3A_131 = tpu.memref_slice %arg2[%dma_wait3A_129, %dma_wait3A_130] : memref<10240x64xf32, #tpu.memory_space<hbm>> -> memref<80x64xf32, #tpu.memory_space<hbm>>
      tpu.wait_dma2 semaphore(%arg17 : memref<!tpu.dma_semaphore, #tpu.memory_space<semaphore_mem>>) src(%dma_wait3A_131 : memref<80x64xf32, #tpu.memory_space<hbm>>) dst(%arg12 : memref<80x64xf32, #tpu.memory_space<vmem>>)
      %add3A_132 = arith.constant 4 : i32
      %add3A_133 = arith.addi %add3A_125, %add3A_132 : i32
      %sub3A_134 = arith.constant 1 : i32
      %sub3A_135 = arith.subi %add3A_133, %sub3A_134 : i32
      %lt3A_136 = arith.constant 125 : i32
      %lt3A_137 = arith.cmpi slt, %sub3A_135, %lt3A_136 : i32
      %convert_element_type3A_138 = arith.extui %lt3A_137 : i1 to i32
      %cond3A_139 = arith.constant 0 : i32
      %cond3A_140 = arith.cmpi ne, %convert_element_type3A_138, %cond3A_139 : i32
      scf.if %cond3A_140 {
        %dma_start3A_141 = arith.constant 0 : i32
        %dma_start3A_142 = tpu.memref_slice %arg6[%sub3A_135, %dma_start3A_141] : memref<125x80xi32, #tpu.memory_space<vmem>> -> memref<1x80xi32, #tpu.memory_space<vmem>>
        %dma_start3A_143 = tpu.memref_squeeze %dma_start3A_142 : memref<1x80xi32, #tpu.memory_space<vmem>> -> memref<80xi32, #tpu.memory_space<vmem>>
        %dma_start3A_144 = arith.constant 0 : i32
        %dma_start3A_145 = arith.constant 0 : i32
        %dma_start3A_146 = tpu.memref_slice %arg2[%dma_start3A_144, %dma_start3A_145] : memref<10240x64xf32, #tpu.memory_space<hbm>> -> memref<10240x64xf32, #tpu.memory_space<hbm>>
        tpu.enqueue_indirect_dma source(%dma_start3A_146 : memref<10240x64xf32, #tpu.memory_space<hbm>>) target(%arg11 : memref<80x64xf32, #tpu.memory_space<vmem>>) offsets(%dma_start3A_143 : memref<80xi32, #tpu.memory_space<vmem>>) semaphore(%arg16 : memref<!tpu.dma_semaphore, #tpu.memory_space<semaphore_mem>>)
      } else {
      }
      "tpu.region"() ({
        %run_scoped3A_141 = tpu.sem_alloc : memref<!tpu.dma_semaphore, #tpu.memory_space<semaphore_mem>>
        %dma_start3A_142 = arith.constant 0 : i32
        %dma_start3A_143 = tpu.memref_slice %arg7[%add3A_125, %dma_start3A_142] : memref<125x80xi32, #tpu.memory_space<vmem>> -> memref<1x80xi32, #tpu.memory_space<vmem>>
        %dma_start3A_144 = tpu.memref_squeeze %dma_start3A_143 : memref<1x80xi32, #tpu.memory_space<vmem>> -> memref<80xi32, #tpu.memory_space<vmem>>
        %dma_start3A_145 = arith.constant 0 : i32
        %dma_start3A_146 = arith.constant 0 : i32
        %dma_start3A_147 = tpu.memref_slice %arg13[%dma_start3A_145, %dma_start3A_146] : memref<10240x64xf32, #tpu.memory_space<vmem_shared>> -> memref<10240x64xf32, #tpu.memory_space<vmem_shared>>
        tpu.enqueue_indirect_dma source(%arg12 : memref<80x64xf32, #tpu.memory_space<vmem>>) target(%dma_start3A_147 : memref<10240x64xf32, #tpu.memory_space<vmem_shared>>) offsets(%dma_start3A_144 : memref<80xi32, #tpu.memory_space<vmem>>) semaphore(%run_scoped3A_141 : memref<!tpu.dma_semaphore, #tpu.memory_space<semaphore_mem>>) {add = true}
        %dma_wait3A_148 = arith.constant 0 : i32
        %dma_wait3A_149 = tpu.memref_slice %arg7[%add3A_125, %dma_wait3A_148] : memref<125x80xi32, #tpu.memory_space<vmem>> -> memref<1x80xi32, #tpu.memory_space<vmem>>
        %dma_wait3A_150 = tpu.memref_squeeze %dma_wait3A_149 : memref<1x80xi32, #tpu.memory_space<vmem>> -> memref<80xi32, #tpu.memory_space<vmem>>
        %dma_wait3A_151 = arith.constant 0 : i32
        %dma_wait3A_152 = arith.constant 0 : i32
        %dma_wait3A_153 = tpu.memref_slice %arg13[%dma_wait3A_151, %dma_wait3A_152] : memref<10240x64xf32, #tpu.memory_space<vmem_shared>> -> memref<10240x64xf32, #tpu.memory_space<vmem_shared>>
        tpu.wait_indirect_dma semaphore(%run_scoped3A_141 : memref<!tpu.dma_semaphore, #tpu.memory_space<semaphore_mem>>) src(%arg12 : memref<80x64xf32, #tpu.memory_space<vmem>>) dst(%dma_wait3A_153 : memref<10240x64xf32, #tpu.memory_space<vmem_shared>>)
        tpu.yield
      }) : () -> ()
    }
    %scan3A_63 = arith.constant 31 : i32
    %dma_wait3A = arith.constant 0 : i32
    %dma_wait3A_64 = arith.constant 0 : i32
    %dma_wait3A_65 = tpu.memref_slice %arg2[%dma_wait3A, %dma_wait3A_64] : memref<10240x64xf32, #tpu.memory_space<hbm>> -> memref<80x64xf32, #tpu.memory_space<hbm>>
    %dma_wait3A_66 = arith.constant 0 : i32
    %dma_wait3A_67 = arith.constant 0 : i32
    %dma_wait3A_68 = tpu.memref_slice %arg2[%dma_wait3A_66, %dma_wait3A_67] : memref<10240x64xf32, #tpu.memory_space<hbm>> -> memref<80x64xf32, #tpu.memory_space<hbm>>
    tpu.wait_dma2 semaphore(%arg14 : memref<!tpu.dma_semaphore, #tpu.memory_space<semaphore_mem>>) src(%dma_wait3A_68 : memref<80x64xf32, #tpu.memory_space<hbm>>) dst(%arg9 : memref<80x64xf32, #tpu.memory_space<vmem>>)
    %run_scoped3A = arith.constant 124 : i32
    "tpu.region"() ({
      %run_scoped3A_74 = tpu.sem_alloc : memref<!tpu.dma_semaphore, #tpu.memory_space<semaphore_mem>>
      %dma_start3A_75 = arith.constant 0 : i32
      %dma_start3A_76 = tpu.memref_slice %arg7[%run_scoped3A, %dma_start3A_75] : memref<125x80xi32, #tpu.memory_space<vmem>> -> memref<1x80xi32, #tpu.memory_space<vmem>>
      %dma_start3A_77 = tpu.memref_squeeze %dma_start3A_76 : memref<1x80xi32, #tpu.memory_space<vmem>> -> memref<80xi32, #tpu.memory_space<vmem>>
      %dma_start3A_78 = arith.constant 0 : i32
      %dma_start3A_79 = arith.constant 0 : i32
      %dma_start3A_80 = tpu.memref_slice %arg13[%dma_start3A_78, %dma_start3A_79] : memref<10240x64xf32, #tpu.memory_space<vmem_shared>> -> memref<10240x64xf32, #tpu.memory_space<vmem_shared>>
      tpu.enqueue_indirect_dma source(%arg9 : memref<80x64xf32, #tpu.memory_space<vmem>>) target(%dma_start3A_80 : memref<10240x64xf32, #tpu.memory_space<vmem_shared>>) offsets(%dma_start3A_77 : memref<80xi32, #tpu.memory_space<vmem>>) semaphore(%run_scoped3A_74 : memref<!tpu.dma_semaphore, #tpu.memory_space<semaphore_mem>>) {add = true}
      %dma_wait3A_81 = arith.constant 0 : i32
      %dma_wait3A_82 = tpu.memref_slice %arg7[%run_scoped3A, %dma_wait3A_81] : memref<125x80xi32, #tpu.memory_space<vmem>> -> memref<1x80xi32, #tpu.memory_space<vmem>>
      %dma_wait3A_83 = tpu.memref_squeeze %dma_wait3A_82 : memref<1x80xi32, #tpu.memory_space<vmem>> -> memref<80xi32, #tpu.memory_space<vmem>>
      %dma_wait3A_84 = arith.constant 0 : i32
      %dma_wait3A_85 = arith.constant 0 : i32
      %dma_wait3A_86 = tpu.memref_slice %arg13[%dma_wait3A_84, %dma_wait3A_85] : memref<10240x64xf32, #tpu.memory_space<vmem_shared>> -> memref<10240x64xf32, #tpu.memory_space<vmem_shared>>
      tpu.wait_indirect_dma semaphore(%run_scoped3A_74 : memref<!tpu.dma_semaphore, #tpu.memory_space<semaphore_mem>>) src(%arg9 : memref<80x64xf32, #tpu.memory_space<vmem>>) dst(%dma_wait3A_86 : memref<10240x64xf32, #tpu.memory_space<vmem_shared>>)
      tpu.yield
    }) : () -> ()
    %barrier3A_69 = arith.constant 0 : index
    tpu.barrier barrier_id(%barrier3A_69)
    %mul3A_70 = arith.constant 640 : i32
    %mul3A_71 = arith.muli %arg1, %mul3A_70 : i32
    %mul3A_72 = arith.constant 640 : i32
    %mul3A_73 = arith.muli %arg1, %mul3A_72 : i32
    "tpu.region"() ({
      %run_scoped3A_74 = tpu.sem_alloc : memref<!tpu.dma_semaphore, #tpu.memory_space<semaphore_mem>>
      %dma_start3A_75 = arith.constant 0 : i32
      %dma_start3A_76 = tpu.memref_slice %arg5[%arg0, %mul3A_73, %dma_start3A_75] : memref<2x10240x64xf32, #tpu.memory_space<hbm>> -> memref<1x640x64xf32, #tpu.memory_space<hbm>>
      %dma_start3A_77 = tpu.memref_squeeze %dma_start3A_76 : memref<1x640x64xf32, #tpu.memory_space<hbm>> -> memref<640x64xf32, #tpu.memory_space<hbm>>
      %dma_start3A_78 = arith.constant 0 : i32
      %dma_start3A_79 = tpu.memref_slice %arg13[%mul3A_71, %dma_start3A_78] : memref<10240x64xf32, #tpu.memory_space<vmem_shared>> -> memref<640x64xf32, #tpu.memory_space<vmem_shared>>
      tpu.enqueue_dma source(%dma_start3A_79 : memref<640x64xf32, #tpu.memory_space<vmem_shared>>) target(%dma_start3A_77 : memref<640x64xf32, #tpu.memory_space<hbm>>) target_semaphore(%run_scoped3A_74 : memref<!tpu.dma_semaphore, #tpu.memory_space<semaphore_mem>>)
      %dma_wait3A_80 = arith.constant 0 : i32
      %dma_wait3A_81 = tpu.memref_slice %arg5[%arg0, %mul3A_73, %dma_wait3A_80] : memref<2x10240x64xf32, #tpu.memory_space<hbm>> -> memref<1x640x64xf32, #tpu.memory_space<hbm>>
      %dma_wait3A_82 = tpu.memref_squeeze %dma_wait3A_81 : memref<1x640x64xf32, #tpu.memory_space<hbm>> -> memref<640x64xf32, #tpu.memory_space<hbm>>
      %dma_wait3A_83 = arith.constant 0 : i32
      %dma_wait3A_84 = tpu.memref_slice %arg13[%mul3A_71, %dma_wait3A_83] : memref<10240x64xf32, #tpu.memory_space<vmem_shared>> -> memref<640x64xf32, #tpu.memory_space<vmem_shared>>
      tpu.wait_dma2 semaphore(%run_scoped3A_74 : memref<!tpu.dma_semaphore, #tpu.memory_space<semaphore_mem>>) src(%dma_wait3A_84 : memref<640x64xf32, #tpu.memory_space<vmem_shared>>) dst(%dma_wait3A_82 : memref<640x64xf32, #tpu.memory_space<hbm>>)
      tpu.yield
    }) : () -> ()
    return
  }
}

#map = affine_map<(d0, d1) -> (0, 0)>
#map1 = affine_map<(d0, d1) -> (0, 0, 0)>
module attributes {stable_mosaic.version = 14 : i64} {
  func.func @msgpass(%arg0: i32, %arg1: i32, %arg2: memref<10240x64xf32, #tpu.memory_space<hbm>>, %arg3: memref<32x125x80xi32, #tpu.memory_space<hbm>>, %arg4: memref<32x125x80xi32, #tpu.memory_space<hbm>>, %arg5: memref<2x10240x64xf32, #tpu.memory_space<hbm>>, %arg6: memref<125x80xi32, #tpu.memory_space<vmem>>, %arg7: memref<125x80xi32, #tpu.memory_space<vmem>>, %arg8: memref<80x64xf32, #tpu.memory_space<vmem>>, %arg9: memref<80x64xf32, #tpu.memory_space<vmem>>, %arg10: memref<80x64xf32, #tpu.memory_space<vmem>>, %arg11: memref<80x64xf32, #tpu.memory_space<vmem>>, %arg12: memref<80x64xf32, #tpu.memory_space<vmem>>, %arg13: memref<10240x64xf32, #tpu.memory_space<vmem_shared>>, %arg14: memref<!tpu.dma_semaphore, #tpu.memory_space<semaphore_mem>>, %arg15: memref<!tpu.dma_semaphore, #tpu.memory_space<semaphore_mem>>, %arg16: memref<!tpu.dma_semaphore, #tpu.memory_space<semaphore_mem>>, %arg17: memref<!tpu.dma_semaphore, #tpu.memory_space<semaphore_mem>>) attributes {dimension_semantics = [#tpu.dimension_semantics<core_parallel>, #tpu.dimension_semantics<subcore_parallel>], iteration_bounds = array<i64: 2, 16>, scalar_prefetch = 0 : i64, scratch_operands = 12 : i64, tpu.core_type = #tpu.core_type<sc_vector_subcore>, window_params = [{transform_indices = #map}, {transform_indices = #map1}, {transform_indices = #map1}, {transform_indices = #map1}]} {
    %mul3A = arith.constant 2 : i32
    %mul3A_0 = arith.muli %arg1, %mul3A : i32
    %add3A = arith.addi %mul3A_0, %arg0 : i32
    %scan3A = arith.constant 0 : i32
    %scan3A_1 = arith.constant 0 : i32
    %scan3A_2 = arith.constant 80 : i32
    %scan3A_3 = arith.addi %scan3A_1, %scan3A_2 : i32
    %scan3A_4 = arith.constant 1 : i32
    scf.for %scan3A_74 = %scan3A_1 to %scan3A_3 step %scan3A_4  : i32 {
      %broadcast_in_dim3A = arith.constant 0.000000e+00 : f32
      %broadcast_in_dim3A_75 = vector.broadcast %broadcast_in_dim3A : f32 to vector<16xf32>
      %swap3A = arith.index_cast %scan3A_74 : i32 to index
      %swap3A_76 = arith.constant 0 : index
      %swap3A_77 = tpu.vector_load %arg8[%swap3A, %swap3A_76] {strides = array<i32>} : memref<80x64xf32, #tpu.memory_space<vmem>>, vector<1x16xf32>,
      %swap3A_78 = vector.shape_cast %swap3A_77 : vector<1x16xf32> to vector<16xf32>
      %swap3A_79 = vector.shape_cast %broadcast_in_dim3A_75 : vector<16xf32> to vector<1x16xf32>
      tpu.vector_store %arg8[%swap3A, %swap3A_76], %swap3A_79 {strides = array<i32>} : memref<80x64xf32, #tpu.memory_space<vmem>>, vector<1x16xf32>,
      %broadcast_in_dim3A_80 = arith.constant 0.000000e+00 : f32
      %broadcast_in_dim3A_81 = vector.broadcast %broadcast_in_dim3A_80 : f32 to vector<16xf32>
      %swap3A_82 = arith.index_cast %scan3A_74 : i32 to index
      %swap3A_83 = arith.constant 16 : index
      %swap3A_84 = tpu.vector_load %arg8[%swap3A_82, %swap3A_83] {strides = array<i32>} : memref<80x64xf32, #tpu.memory_space<vmem>>, vector<1x16xf32>,
      %swap3A_85 = vector.shape_cast %swap3A_84 : vector<1x16xf32> to vector<16xf32>
      %swap3A_86 = vector.shape_cast %broadcast_in_dim3A_81 : vector<16xf32> to vector<1x16xf32>
      tpu.vector_store %arg8[%swap3A_82, %swap3A_83], %swap3A_86 {strides = array<i32>} : memref<80x64xf32, #tpu.memory_space<vmem>>, vector<1x16xf32>,
      %broadcast_in_dim3A_87 = arith.constant 0.000000e+00 : f32
      %broadcast_in_dim3A_88 = vector.broadcast %broadcast_in_dim3A_87 : f32 to vector<16xf32>
      %swap3A_89 = arith.index_cast %scan3A_74 : i32 to index
      %swap3A_90 = arith.constant 32 : index
      %swap3A_91 = tpu.vector_load %arg8[%swap3A_89, %swap3A_90] {strides = array<i32>} : memref<80x64xf32, #tpu.memory_space<vmem>>, vector<1x16xf32>,
      %swap3A_92 = vector.shape_cast %swap3A_91 : vector<1x16xf32> to vector<16xf32>
      %swap3A_93 = vector.shape_cast %broadcast_in_dim3A_88 : vector<16xf32> to vector<1x16xf32>
      tpu.vector_store %arg8[%swap3A_89, %swap3A_90], %swap3A_93 {strides = array<i32>} : memref<80x64xf32, #tpu.memory_space<vmem>>, vector<1x16xf32>,
      %broadcast_in_dim3A_94 = arith.constant 0.000000e+00 : f32
      %broadcast_in_dim3A_95 = vector.broadcast %broadcast_in_dim3A_94 : f32 to vector<16xf32>
      %swap3A_96 = arith.index_cast %scan3A_74 : i32 to index
      %swap3A_97 = arith.constant 48 : index
      %swap3A_98 = tpu.vector_load %arg8[%swap3A_96, %swap3A_97] {strides = array<i32>} : memref<80x64xf32, #tpu.memory_space<vmem>>, vector<1x16xf32>,
      %swap3A_99 = vector.shape_cast %swap3A_98 : vector<1x16xf32> to vector<16xf32>
      %swap3A_100 = vector.shape_cast %broadcast_in_dim3A_95 : vector<16xf32> to vector<1x16xf32>
      tpu.vector_store %arg8[%swap3A_96, %swap3A_97], %swap3A_100 {strides = array<i32>} : memref<80x64xf32, #tpu.memory_space<vmem>>, vector<1x16xf32>,
    }
    %scan3A_5 = arith.constant 80 : i32
    %mul3A_6 = arith.constant 640 : i32
    %mul3A_7 = arith.muli %arg1, %mul3A_6 : i32
    %add3A_8 = arith.constant 0 : i32
    %add3A_9 = arith.addi %mul3A_7, %add3A_8 : i32
    "tpu.region"() ({
      %run_scoped3A_74 = tpu.sem_alloc : memref<!tpu.dma_semaphore, #tpu.memory_space<semaphore_mem>>
      %dma_start3A_75 = arith.constant 0 : i32
      %dma_start3A_76 = tpu.memref_slice %arg13[%add3A_9, %dma_start3A_75] : memref<10240x64xf32, #tpu.memory_space<vmem_shared>> -> memref<80x64xf32, #tpu.memory_space<vmem_shared>>
      %dma_start3A_77 = arith.constant 0 : i32
      %dma_start3A_78 = tpu.memref_slice %arg13[%add3A_9, %dma_start3A_77] : memref<10240x64xf32, #tpu.memory_space<vmem_shared>> -> memref<80x64xf32, #tpu.memory_space<vmem_shared>>
      tpu.enqueue_dma source(%arg8 : memref<80x64xf32, #tpu.memory_space<vmem>>) target(%dma_start3A_78 : memref<80x64xf32, #tpu.memory_space<vmem_shared>>) target_semaphore(%run_scoped3A_74 : memref<!tpu.dma_semaphore, #tpu.memory_space<semaphore_mem>>)
      %dma_wait3A_79 = arith.constant 0 : i32
      %dma_wait3A_80 = tpu.memref_slice %arg13[%add3A_9, %dma_wait3A_79] : memref<10240x64xf32, #tpu.memory_space<vmem_shared>> -> memref<80x64xf32, #tpu.memory_space<vmem_shared>>
      %dma_wait3A_81 = arith.constant 0 : i32
      %dma_wait3A_82 = tpu.memref_slice %arg13[%add3A_9, %dma_wait3A_81] : memref<10240x64xf32, #tpu.memory_space<vmem_shared>> -> memref<80x64xf32, #tpu.memory_space<vmem_shared>>
      tpu.wait_dma2 semaphore(%run_scoped3A_74 : memref<!tpu.dma_semaphore, #tpu.memory_space<semaphore_mem>>) src(%arg8 : memref<80x64xf32, #tpu.memory_space<vmem>>) dst(%dma_wait3A_82 : memref<80x64xf32, #tpu.memory_space<vmem_shared>>)
      tpu.yield
    }) : () -> ()
    %mul3A_10 = arith.constant 640 : i32
    %mul3A_11 = arith.muli %arg1, %mul3A_10 : i32
    %add3A_12 = arith.constant 80 : i32
    %add3A_13 = arith.addi %mul3A_11, %add3A_12 : i32
    "tpu.region"() ({
      %run_scoped3A_74 = tpu.sem_alloc : memref<!tpu.dma_semaphore, #tpu.memory_space<semaphore_mem>>
      %dma_start3A_75 = arith.constant 0 : i32
      %dma_start3A_76 = tpu.memref_slice %arg13[%add3A_13, %dma_start3A_75] : memref<10240x64xf32, #tpu.memory_space<vmem_shared>> -> memref<80x64xf32, #tpu.memory_space<vmem_shared>>
      %dma_start3A_77 = arith.constant 0 : i32
      %dma_start3A_78 = tpu.memref_slice %arg13[%add3A_13, %dma_start3A_77] : memref<10240x64xf32, #tpu.memory_space<vmem_shared>> -> memref<80x64xf32, #tpu.memory_space<vmem_shared>>
      tpu.enqueue_dma source(%arg8 : memref<80x64xf32, #tpu.memory_space<vmem>>) target(%dma_start3A_78 : memref<80x64xf32, #tpu.memory_space<vmem_shared>>) target_semaphore(%run_scoped3A_74 : memref<!tpu.dma_semaphore, #tpu.memory_space<semaphore_mem>>)
      %dma_wait3A_79 = arith.constant 0 : i32
      %dma_wait3A_80 = tpu.memref_slice %arg13[%add3A_13, %dma_wait3A_79] : memref<10240x64xf32, #tpu.memory_space<vmem_shared>> -> memref<80x64xf32, #tpu.memory_space<vmem_shared>>
      %dma_wait3A_81 = arith.constant 0 : i32
      %dma_wait3A_82 = tpu.memref_slice %arg13[%add3A_13, %dma_wait3A_81] : memref<10240x64xf32, #tpu.memory_space<vmem_shared>> -> memref<80x64xf32, #tpu.memory_space<vmem_shared>>
      tpu.wait_dma2 semaphore(%run_scoped3A_74 : memref<!tpu.dma_semaphore, #tpu.memory_space<semaphore_mem>>) src(%arg8 : memref<80x64xf32, #tpu.memory_space<vmem>>) dst(%dma_wait3A_82 : memref<80x64xf32, #tpu.memory_space<vmem_shared>>)
      tpu.yield
    }) : () -> ()
    %mul3A_14 = arith.constant 640 : i32
    %mul3A_15 = arith.muli %arg1, %mul3A_14 : i32
    %add3A_16 = arith.constant 160 : i32
    %add3A_17 = arith.addi %mul3A_15, %add3A_16 : i32
    "tpu.region"() ({
      %run_scoped3A_74 = tpu.sem_alloc : memref<!tpu.dma_semaphore, #tpu.memory_space<semaphore_mem>>
      %dma_start3A_75 = arith.constant 0 : i32
      %dma_start3A_76 = tpu.memref_slice %arg13[%add3A_17, %dma_start3A_75] : memref<10240x64xf32, #tpu.memory_space<vmem_shared>> -> memref<80x64xf32, #tpu.memory_space<vmem_shared>>
      %dma_start3A_77 = arith.constant 0 : i32
      %dma_start3A_78 = tpu.memref_slice %arg13[%add3A_17, %dma_start3A_77] : memref<10240x64xf32, #tpu.memory_space<vmem_shared>> -> memref<80x64xf32, #tpu.memory_space<vmem_shared>>
      tpu.enqueue_dma source(%arg8 : memref<80x64xf32, #tpu.memory_space<vmem>>) target(%dma_start3A_78 : memref<80x64xf32, #tpu.memory_space<vmem_shared>>) target_semaphore(%run_scoped3A_74 : memref<!tpu.dma_semaphore, #tpu.memory_space<semaphore_mem>>)
      %dma_wait3A_79 = arith.constant 0 : i32
      %dma_wait3A_80 = tpu.memref_slice %arg13[%add3A_17, %dma_wait3A_79] : memref<10240x64xf32, #tpu.memory_space<vmem_shared>> -> memref<80x64xf32, #tpu.memory_space<vmem_shared>>
      %dma_wait3A_81 = arith.constant 0 : i32
      %dma_wait3A_82 = tpu.memref_slice %arg13[%add3A_17, %dma_wait3A_81] : memref<10240x64xf32, #tpu.memory_space<vmem_shared>> -> memref<80x64xf32, #tpu.memory_space<vmem_shared>>
      tpu.wait_dma2 semaphore(%run_scoped3A_74 : memref<!tpu.dma_semaphore, #tpu.memory_space<semaphore_mem>>) src(%arg8 : memref<80x64xf32, #tpu.memory_space<vmem>>) dst(%dma_wait3A_82 : memref<80x64xf32, #tpu.memory_space<vmem_shared>>)
      tpu.yield
    }) : () -> ()
    %mul3A_18 = arith.constant 640 : i32
    %mul3A_19 = arith.muli %arg1, %mul3A_18 : i32
    %add3A_20 = arith.constant 240 : i32
    %add3A_21 = arith.addi %mul3A_19, %add3A_20 : i32
    "tpu.region"() ({
      %run_scoped3A_74 = tpu.sem_alloc : memref<!tpu.dma_semaphore, #tpu.memory_space<semaphore_mem>>
      %dma_start3A_75 = arith.constant 0 : i32
      %dma_start3A_76 = tpu.memref_slice %arg13[%add3A_21, %dma_start3A_75] : memref<10240x64xf32, #tpu.memory_space<vmem_shared>> -> memref<80x64xf32, #tpu.memory_space<vmem_shared>>
      %dma_start3A_77 = arith.constant 0 : i32
      %dma_start3A_78 = tpu.memref_slice %arg13[%add3A_21, %dma_start3A_77] : memref<10240x64xf32, #tpu.memory_space<vmem_shared>> -> memref<80x64xf32, #tpu.memory_space<vmem_shared>>
      tpu.enqueue_dma source(%arg8 : memref<80x64xf32, #tpu.memory_space<vmem>>) target(%dma_start3A_78 : memref<80x64xf32, #tpu.memory_space<vmem_shared>>) target_semaphore(%run_scoped3A_74 : memref<!tpu.dma_semaphore, #tpu.memory_space<semaphore_mem>>)
      %dma_wait3A_79 = arith.constant 0 : i32
      %dma_wait3A_80 = tpu.memref_slice %arg13[%add3A_21, %dma_wait3A_79] : memref<10240x64xf32, #tpu.memory_space<vmem_shared>> -> memref<80x64xf32, #tpu.memory_space<vmem_shared>>
      %dma_wait3A_81 = arith.constant 0 : i32
      %dma_wait3A_82 = tpu.memref_slice %arg13[%add3A_21, %dma_wait3A_81] : memref<10240x64xf32, #tpu.memory_space<vmem_shared>> -> memref<80x64xf32, #tpu.memory_space<vmem_shared>>
      tpu.wait_dma2 semaphore(%run_scoped3A_74 : memref<!tpu.dma_semaphore, #tpu.memory_space<semaphore_mem>>) src(%arg8 : memref<80x64xf32, #tpu.memory_space<vmem>>) dst(%dma_wait3A_82 : memref<80x64xf32, #tpu.memory_space<vmem_shared>>)
      tpu.yield
    }) : () -> ()
    %mul3A_22 = arith.constant 640 : i32
    %mul3A_23 = arith.muli %arg1, %mul3A_22 : i32
    %add3A_24 = arith.constant 320 : i32
    %add3A_25 = arith.addi %mul3A_23, %add3A_24 : i32
    "tpu.region"() ({
      %run_scoped3A_74 = tpu.sem_alloc : memref<!tpu.dma_semaphore, #tpu.memory_space<semaphore_mem>>
      %dma_start3A_75 = arith.constant 0 : i32
      %dma_start3A_76 = tpu.memref_slice %arg13[%add3A_25, %dma_start3A_75] : memref<10240x64xf32, #tpu.memory_space<vmem_shared>> -> memref<80x64xf32, #tpu.memory_space<vmem_shared>>
      %dma_start3A_77 = arith.constant 0 : i32
      %dma_start3A_78 = tpu.memref_slice %arg13[%add3A_25, %dma_start3A_77] : memref<10240x64xf32, #tpu.memory_space<vmem_shared>> -> memref<80x64xf32, #tpu.memory_space<vmem_shared>>
      tpu.enqueue_dma source(%arg8 : memref<80x64xf32, #tpu.memory_space<vmem>>) target(%dma_start3A_78 : memref<80x64xf32, #tpu.memory_space<vmem_shared>>) target_semaphore(%run_scoped3A_74 : memref<!tpu.dma_semaphore, #tpu.memory_space<semaphore_mem>>)
      %dma_wait3A_79 = arith.constant 0 : i32
      %dma_wait3A_80 = tpu.memref_slice %arg13[%add3A_25, %dma_wait3A_79] : memref<10240x64xf32, #tpu.memory_space<vmem_shared>> -> memref<80x64xf32, #tpu.memory_space<vmem_shared>>
      %dma_wait3A_81 = arith.constant 0 : i32
      %dma_wait3A_82 = tpu.memref_slice %arg13[%add3A_25, %dma_wait3A_81] : memref<10240x64xf32, #tpu.memory_space<vmem_shared>> -> memref<80x64xf32, #tpu.memory_space<vmem_shared>>
      tpu.wait_dma2 semaphore(%run_scoped3A_74 : memref<!tpu.dma_semaphore, #tpu.memory_space<semaphore_mem>>) src(%arg8 : memref<80x64xf32, #tpu.memory_space<vmem>>) dst(%dma_wait3A_82 : memref<80x64xf32, #tpu.memory_space<vmem_shared>>)
      tpu.yield
    }) : () -> ()
    %mul3A_26 = arith.constant 640 : i32
    %mul3A_27 = arith.muli %arg1, %mul3A_26 : i32
    %add3A_28 = arith.constant 400 : i32
    %add3A_29 = arith.addi %mul3A_27, %add3A_28 : i32
    "tpu.region"() ({
      %run_scoped3A_74 = tpu.sem_alloc : memref<!tpu.dma_semaphore, #tpu.memory_space<semaphore_mem>>
      %dma_start3A_75 = arith.constant 0 : i32
      %dma_start3A_76 = tpu.memref_slice %arg13[%add3A_29, %dma_start3A_75] : memref<10240x64xf32, #tpu.memory_space<vmem_shared>> -> memref<80x64xf32, #tpu.memory_space<vmem_shared>>
      %dma_start3A_77 = arith.constant 0 : i32
      %dma_start3A_78 = tpu.memref_slice %arg13[%add3A_29, %dma_start3A_77] : memref<10240x64xf32, #tpu.memory_space<vmem_shared>> -> memref<80x64xf32, #tpu.memory_space<vmem_shared>>
      tpu.enqueue_dma source(%arg8 : memref<80x64xf32, #tpu.memory_space<vmem>>) target(%dma_start3A_78 : memref<80x64xf32, #tpu.memory_space<vmem_shared>>) target_semaphore(%run_scoped3A_74 : memref<!tpu.dma_semaphore, #tpu.memory_space<semaphore_mem>>)
      %dma_wait3A_79 = arith.constant 0 : i32
      %dma_wait3A_80 = tpu.memref_slice %arg13[%add3A_29, %dma_wait3A_79] : memref<10240x64xf32, #tpu.memory_space<vmem_shared>> -> memref<80x64xf32, #tpu.memory_space<vmem_shared>>
      %dma_wait3A_81 = arith.constant 0 : i32
      %dma_wait3A_82 = tpu.memref_slice %arg13[%add3A_29, %dma_wait3A_81] : memref<10240x64xf32, #tpu.memory_space<vmem_shared>> -> memref<80x64xf32, #tpu.memory_space<vmem_shared>>
      tpu.wait_dma2 semaphore(%run_scoped3A_74 : memref<!tpu.dma_semaphore, #tpu.memory_space<semaphore_mem>>) src(%arg8 : memref<80x64xf32, #tpu.memory_space<vmem>>) dst(%dma_wait3A_82 : memref<80x64xf32, #tpu.memory_space<vmem_shared>>)
      tpu.yield
    }) : () -> ()
    %mul3A_30 = arith.constant 640 : i32
    %mul3A_31 = arith.muli %arg1, %mul3A_30 : i32
    %add3A_32 = arith.constant 480 : i32
    %add3A_33 = arith.addi %mul3A_31, %add3A_32 : i32
    "tpu.region"() ({
      %run_scoped3A_74 = tpu.sem_alloc : memref<!tpu.dma_semaphore, #tpu.memory_space<semaphore_mem>>
      %dma_start3A_75 = arith.constant 0 : i32
      %dma_start3A_76 = tpu.memref_slice %arg13[%add3A_33, %dma_start3A_75] : memref<10240x64xf32, #tpu.memory_space<vmem_shared>> -> memref<80x64xf32, #tpu.memory_space<vmem_shared>>
      %dma_start3A_77 = arith.constant 0 : i32
      %dma_start3A_78 = tpu.memref_slice %arg13[%add3A_33, %dma_start3A_77] : memref<10240x64xf32, #tpu.memory_space<vmem_shared>> -> memref<80x64xf32, #tpu.memory_space<vmem_shared>>
      tpu.enqueue_dma source(%arg8 : memref<80x64xf32, #tpu.memory_space<vmem>>) target(%dma_start3A_78 : memref<80x64xf32, #tpu.memory_space<vmem_shared>>) target_semaphore(%run_scoped3A_74 : memref<!tpu.dma_semaphore, #tpu.memory_space<semaphore_mem>>)
      %dma_wait3A_79 = arith.constant 0 : i32
      %dma_wait3A_80 = tpu.memref_slice %arg13[%add3A_33, %dma_wait3A_79] : memref<10240x64xf32, #tpu.memory_space<vmem_shared>> -> memref<80x64xf32, #tpu.memory_space<vmem_shared>>
      %dma_wait3A_81 = arith.constant 0 : i32
      %dma_wait3A_82 = tpu.memref_slice %arg13[%add3A_33, %dma_wait3A_81] : memref<10240x64xf32, #tpu.memory_space<vmem_shared>> -> memref<80x64xf32, #tpu.memory_space<vmem_shared>>
      tpu.wait_dma2 semaphore(%run_scoped3A_74 : memref<!tpu.dma_semaphore, #tpu.memory_space<semaphore_mem>>) src(%arg8 : memref<80x64xf32, #tpu.memory_space<vmem>>) dst(%dma_wait3A_82 : memref<80x64xf32, #tpu.memory_space<vmem_shared>>)
      tpu.yield
    }) : () -> ()
    %mul3A_34 = arith.constant 640 : i32
    %mul3A_35 = arith.muli %arg1, %mul3A_34 : i32
    %add3A_36 = arith.constant 560 : i32
    %add3A_37 = arith.addi %mul3A_35, %add3A_36 : i32
    "tpu.region"() ({
      %run_scoped3A_74 = tpu.sem_alloc : memref<!tpu.dma_semaphore, #tpu.memory_space<semaphore_mem>>
      %dma_start3A_75 = arith.constant 0 : i32
      %dma_start3A_76 = tpu.memref_slice %arg13[%add3A_37, %dma_start3A_75] : memref<10240x64xf32, #tpu.memory_space<vmem_shared>> -> memref<80x64xf32, #tpu.memory_space<vmem_shared>>
      %dma_start3A_77 = arith.constant 0 : i32
      %dma_start3A_78 = tpu.memref_slice %arg13[%add3A_37, %dma_start3A_77] : memref<10240x64xf32, #tpu.memory_space<vmem_shared>> -> memref<80x64xf32, #tpu.memory_space<vmem_shared>>
      tpu.enqueue_dma source(%arg8 : memref<80x64xf32, #tpu.memory_space<vmem>>) target(%dma_start3A_78 : memref<80x64xf32, #tpu.memory_space<vmem_shared>>) target_semaphore(%run_scoped3A_74 : memref<!tpu.dma_semaphore, #tpu.memory_space<semaphore_mem>>)
      %dma_wait3A_79 = arith.constant 0 : i32
      %dma_wait3A_80 = tpu.memref_slice %arg13[%add3A_37, %dma_wait3A_79] : memref<10240x64xf32, #tpu.memory_space<vmem_shared>> -> memref<80x64xf32, #tpu.memory_space<vmem_shared>>
      %dma_wait3A_81 = arith.constant 0 : i32
      %dma_wait3A_82 = tpu.memref_slice %arg13[%add3A_37, %dma_wait3A_81] : memref<10240x64xf32, #tpu.memory_space<vmem_shared>> -> memref<80x64xf32, #tpu.memory_space<vmem_shared>>
      tpu.wait_dma2 semaphore(%run_scoped3A_74 : memref<!tpu.dma_semaphore, #tpu.memory_space<semaphore_mem>>) src(%arg8 : memref<80x64xf32, #tpu.memory_space<vmem>>) dst(%dma_wait3A_82 : memref<80x64xf32, #tpu.memory_space<vmem_shared>>)
      tpu.yield
    }) : () -> ()
    %barrier3A = arith.constant 0 : index
    tpu.barrier barrier_id(%barrier3A)
    "tpu.region"() ({
      %run_scoped3A_74 = tpu.sem_alloc : memref<!tpu.dma_semaphore, #tpu.memory_space<semaphore_mem>>
      %dma_start3A_75 = arith.constant 0 : i32
      %dma_start3A_76 = arith.constant 0 : i32
      %dma_start3A_77 = tpu.memref_slice %arg3[%add3A, %dma_start3A_75, %dma_start3A_76] : memref<32x125x80xi32, #tpu.memory_space<hbm>> -> memref<1x125x80xi32, #tpu.memory_space<hbm>>
      %dma_start3A_78 = tpu.memref_squeeze %dma_start3A_77 : memref<1x125x80xi32, #tpu.memory_space<hbm>> -> memref<125x80xi32, #tpu.memory_space<hbm>>
      %dma_start3A_79 = arith.constant 0 : i32
      %dma_start3A_80 = arith.constant 0 : i32
      %dma_start3A_81 = tpu.memref_slice %arg3[%add3A, %dma_start3A_79, %dma_start3A_80] : memref<32x125x80xi32, #tpu.memory_space<hbm>> -> memref<1x125x80xi32, #tpu.memory_space<hbm>>
      %dma_start3A_82 = tpu.memref_squeeze %dma_start3A_81 : memref<1x125x80xi32, #tpu.memory_space<hbm>> -> memref<125x80xi32, #tpu.memory_space<hbm>>
      tpu.enqueue_dma source(%dma_start3A_82 : memref<125x80xi32, #tpu.memory_space<hbm>>) target(%arg6 : memref<125x80xi32, #tpu.memory_space<vmem>>) target_semaphore(%run_scoped3A_74 : memref<!tpu.dma_semaphore, #tpu.memory_space<semaphore_mem>>)
      %dma_wait3A_83 = arith.constant 0 : i32
      %dma_wait3A_84 = arith.constant 0 : i32
      %dma_wait3A_85 = tpu.memref_slice %arg3[%add3A, %dma_wait3A_83, %dma_wait3A_84] : memref<32x125x80xi32, #tpu.memory_space<hbm>> -> memref<1x125x80xi32, #tpu.memory_space<hbm>>
      %dma_wait3A_86 = tpu.memref_squeeze %dma_wait3A_85 : memref<1x125x80xi32, #tpu.memory_space<hbm>> -> memref<125x80xi32, #tpu.memory_space<hbm>>
      %dma_wait3A_87 = arith.constant 0 : i32
      %dma_wait3A_88 = arith.constant 0 : i32
      %dma_wait3A_89 = tpu.memref_slice %arg3[%add3A, %dma_wait3A_87, %dma_wait3A_88] : memref<32x125x80xi32, #tpu.memory_space<hbm>> -> memref<1x125x80xi32, #tpu.memory_space<hbm>>
      %dma_wait3A_90 = tpu.memref_squeeze %dma_wait3A_89 : memref<1x125x80xi32, #tpu.memory_space<hbm>> -> memref<125x80xi32, #tpu.memory_space<hbm>>
      tpu.wait_dma2 semaphore(%run_scoped3A_74 : memref<!tpu.dma_semaphore, #tpu.memory_space<semaphore_mem>>) src(%dma_wait3A_90 : memref<125x80xi32, #tpu.memory_space<hbm>>) dst(%arg6 : memref<125x80xi32, #tpu.memory_space<vmem>>)
      tpu.yield
    }) : () -> ()
    "tpu.region"() ({
      %run_scoped3A_74 = tpu.sem_alloc : memref<!tpu.dma_semaphore, #tpu.memory_space<semaphore_mem>>
      %dma_start3A_75 = arith.constant 0 : i32
      %dma_start3A_76 = arith.constant 0 : i32
      %dma_start3A_77 = tpu.memref_slice %arg4[%add3A, %dma_start3A_75, %dma_start3A_76] : memref<32x125x80xi32, #tpu.memory_space<hbm>> -> memref<1x125x80xi32, #tpu.memory_space<hbm>>
      %dma_start3A_78 = tpu.memref_squeeze %dma_start3A_77 : memref<1x125x80xi32, #tpu.memory_space<hbm>> -> memref<125x80xi32, #tpu.memory_space<hbm>>
      %dma_start3A_79 = arith.constant 0 : i32
      %dma_start3A_80 = arith.constant 0 : i32
      %dma_start3A_81 = tpu.memref_slice %arg4[%add3A, %dma_start3A_79, %dma_start3A_80] : memref<32x125x80xi32, #tpu.memory_space<hbm>> -> memref<1x125x80xi32, #tpu.memory_space<hbm>>
      %dma_start3A_82 = tpu.memref_squeeze %dma_start3A_81 : memref<1x125x80xi32, #tpu.memory_space<hbm>> -> memref<125x80xi32, #tpu.memory_space<hbm>>
      tpu.enqueue_dma source(%dma_start3A_82 : memref<125x80xi32, #tpu.memory_space<hbm>>) target(%arg7 : memref<125x80xi32, #tpu.memory_space<vmem>>) target_semaphore(%run_scoped3A_74 : memref<!tpu.dma_semaphore, #tpu.memory_space<semaphore_mem>>)
      %dma_wait3A_83 = arith.constant 0 : i32
      %dma_wait3A_84 = arith.constant 0 : i32
      %dma_wait3A_85 = tpu.memref_slice %arg4[%add3A, %dma_wait3A_83, %dma_wait3A_84] : memref<32x125x80xi32, #tpu.memory_space<hbm>> -> memref<1x125x80xi32, #tpu.memory_space<hbm>>
      %dma_wait3A_86 = tpu.memref_squeeze %dma_wait3A_85 : memref<1x125x80xi32, #tpu.memory_space<hbm>> -> memref<125x80xi32, #tpu.memory_space<hbm>>
      %dma_wait3A_87 = arith.constant 0 : i32
      %dma_wait3A_88 = arith.constant 0 : i32
      %dma_wait3A_89 = tpu.memref_slice %arg4[%add3A, %dma_wait3A_87, %dma_wait3A_88] : memref<32x125x80xi32, #tpu.memory_space<hbm>> -> memref<1x125x80xi32, #tpu.memory_space<hbm>>
      %dma_wait3A_90 = tpu.memref_squeeze %dma_wait3A_89 : memref<1x125x80xi32, #tpu.memory_space<hbm>> -> memref<125x80xi32, #tpu.memory_space<hbm>>
      tpu.wait_dma2 semaphore(%run_scoped3A_74 : memref<!tpu.dma_semaphore, #tpu.memory_space<semaphore_mem>>) src(%dma_wait3A_90 : memref<125x80xi32, #tpu.memory_space<hbm>>) dst(%arg7 : memref<125x80xi32, #tpu.memory_space<vmem>>)
      tpu.yield
    }) : () -> ()
    %dma_start3A = arith.constant 0 : i32
    %dma_start3A_38 = arith.constant 0 : i32
    %dma_start3A_39 = tpu.memref_slice %arg6[%dma_start3A, %dma_start3A_38] : memref<125x80xi32, #tpu.memory_space<vmem>> -> memref<1x80xi32, #tpu.memory_space<vmem>>
    %dma_start3A_40 = tpu.memref_squeeze %dma_start3A_39 : memref<1x80xi32, #tpu.memory_space<vmem>> -> memref<80xi32, #tpu.memory_space<vmem>>
    %dma_start3A_41 = arith.constant 0 : i32
    %dma_start3A_42 = arith.constant 0 : i32
    %dma_start3A_43 = tpu.memref_slice %arg2[%dma_start3A_41, %dma_start3A_42] : memref<10240x64xf32, #tpu.memory_space<hbm>> -> memref<10240x64xf32, #tpu.memory_space<hbm>>
    tpu.enqueue_indirect_dma source(%dma_start3A_43 : memref<10240x64xf32, #tpu.memory_space<hbm>>) target(%arg9 : memref<80x64xf32, #tpu.memory_space<vmem>>) offsets(%dma_start3A_40 : memref<80xi32, #tpu.memory_space<vmem>>) semaphore(%arg14 : memref<!tpu.dma_semaphore, #tpu.memory_space<semaphore_mem>>)
    %dma_start3A_44 = arith.constant 1 : i32
    %dma_start3A_45 = arith.constant 0 : i32
    %dma_start3A_46 = tpu.memref_slice %arg6[%dma_start3A_44, %dma_start3A_45] : memref<125x80xi32, #tpu.memory_space<vmem>> -> memref<1x80xi32, #tpu.memory_space<vmem>>
    %dma_start3A_47 = tpu.memref_squeeze %dma_start3A_46 : memref<1x80xi32, #tpu.memory_space<vmem>> -> memref<80xi32, #tpu.memory_space<vmem>>
    %dma_start3A_48 = arith.constant 0 : i32
    %dma_start3A_49 = arith.constant 0 : i32
    %dma_start3A_50 = tpu.memref_slice %arg2[%dma_start3A_48, %dma_start3A_49] : memref<10240x64xf32, #tpu.memory_space<hbm>> -> memref<10240x64xf32, #tpu.memory_space<hbm>>
    tpu.enqueue_indirect_dma source(%dma_start3A_50 : memref<10240x64xf32, #tpu.memory_space<hbm>>) target(%arg10 : memref<80x64xf32, #tpu.memory_space<vmem>>) offsets(%dma_start3A_47 : memref<80xi32, #tpu.memory_space<vmem>>) semaphore(%arg15 : memref<!tpu.dma_semaphore, #tpu.memory_space<semaphore_mem>>)
    %dma_start3A_51 = arith.constant 2 : i32
    %dma_start3A_52 = arith.constant 0 : i32
    %dma_start3A_53 = tpu.memref_slice %arg6[%dma_start3A_51, %dma_start3A_52] : memref<125x80xi32, #tpu.memory_space<vmem>> -> memref<1x80xi32, #tpu.memory_space<vmem>>
    %dma_start3A_54 = tpu.memref_squeeze %dma_start3A_53 : memref<1x80xi32, #tpu.memory_space<vmem>> -> memref<80xi32, #tpu.memory_space<vmem>>
    %dma_start3A_55 = arith.constant 0 : i32
    %dma_start3A_56 = arith.constant 0 : i32
    %dma_start3A_57 = tpu.memref_slice %arg2[%dma_start3A_55, %dma_start3A_56] : memref<10240x64xf32, #tpu.memory_space<hbm>> -> memref<10240x64xf32, #tpu.memory_space<hbm>>
    tpu.enqueue_indirect_dma source(%dma_start3A_57 : memref<10240x64xf32, #tpu.memory_space<hbm>>) target(%arg11 : memref<80x64xf32, #tpu.memory_space<vmem>>) offsets(%dma_start3A_54 : memref<80xi32, #tpu.memory_space<vmem>>) semaphore(%arg16 : memref<!tpu.dma_semaphore, #tpu.memory_space<semaphore_mem>>)
    %scan3A_58 = arith.constant 0 : i32
    %scan3A_59 = arith.constant 0 : i32
    %scan3A_60 = arith.constant 31 : i32
    %scan3A_61 = arith.addi %scan3A_59, %scan3A_60 : i32
    %scan3A_62 = arith.constant 1 : i32
    scf.for %scan3A_74 = %scan3A_59 to %scan3A_61 step %scan3A_62  : i32 {
      %mul3A_75 = arith.constant 4 : i32
      %mul3A_76 = arith.muli %mul3A_75, %scan3A_74 : i32
      %add3A_77 = arith.constant 0 : i32
      %add3A_78 = arith.addi %mul3A_76, %add3A_77 : i32
      %dma_wait3A_79 = arith.constant 0 : i32
      %dma_wait3A_80 = arith.constant 0 : i32
      %dma_wait3A_81 = tpu.memref_slice %arg2[%dma_wait3A_79, %dma_wait3A_80] : memref<10240x64xf32, #tpu.memory_space<hbm>> -> memref<80x64xf32, #tpu.memory_space<hbm>>
      %dma_wait3A_82 = arith.constant 0 : i32
      %dma_wait3A_83 = arith.constant 0 : i32
      %dma_wait3A_84 = tpu.memref_slice %arg2[%dma_wait3A_82, %dma_wait3A_83] : memref<10240x64xf32, #tpu.memory_space<hbm>> -> memref<80x64xf32, #tpu.memory_space<hbm>>
      tpu.wait_dma2 semaphore(%arg14 : memref<!tpu.dma_semaphore, #tpu.memory_space<semaphore_mem>>) src(%dma_wait3A_84 : memref<80x64xf32, #tpu.memory_space<hbm>>) dst(%arg9 : memref<80x64xf32, #tpu.memory_space<vmem>>)
      %add3A_85 = arith.constant 4 : i32
      %add3A_86 = arith.addi %add3A_78, %add3A_85 : i32
      %sub3A = arith.constant 1 : i32
      %sub3A_87 = arith.subi %add3A_86, %sub3A : i32
      %lt3A = arith.constant 125 : i32
      %lt3A_88 = arith.cmpi slt, %sub3A_87, %lt3A : i32
      %convert_element_type3A = arith.extui %lt3A_88 : i1 to i32
      %cond3A = arith.constant 0 : i32
      %cond3A_89 = arith.cmpi ne, %convert_element_type3A, %cond3A : i32
      scf.if %cond3A_89 {
        %dma_start3A_141 = arith.constant 0 : i32
        %dma_start3A_142 = tpu.memref_slice %arg6[%sub3A_87, %dma_start3A_141] : memref<125x80xi32, #tpu.memory_space<vmem>> -> memref<1x80xi32, #tpu.memory_space<vmem>>
        %dma_start3A_143 = tpu.memref_squeeze %dma_start3A_142 : memref<1x80xi32, #tpu.memory_space<vmem>> -> memref<80xi32, #tpu.memory_space<vmem>>
        %dma_start3A_144 = arith.constant 0 : i32
        %dma_start3A_145 = arith.constant 0 : i32
        %dma_start3A_146 = tpu.memref_slice %arg2[%dma_start3A_144, %dma_start3A_145] : memref<10240x64xf32, #tpu.memory_space<hbm>> -> memref<10240x64xf32, #tpu.memory_space<hbm>>
        tpu.enqueue_indirect_dma source(%dma_start3A_146 : memref<10240x64xf32, #tpu.memory_space<hbm>>) target(%arg12 : memref<80x64xf32, #tpu.memory_space<vmem>>) offsets(%dma_start3A_143 : memref<80xi32, #tpu.memory_space<vmem>>) semaphore(%arg17 : memref<!tpu.dma_semaphore, #tpu.memory_space<semaphore_mem>>)
      } else {
      }
      "tpu.region"() ({
        %run_scoped3A_141 = tpu.sem_alloc : memref<!tpu.dma_semaphore, #tpu.memory_space<semaphore_mem>>
        %dma_start3A_142 = arith.constant 0 : i32
        %dma_start3A_143 = tpu.memref_slice %arg7[%add3A_78, %dma_start3A_142] : memref<125x80xi32, #tpu.memory_space<vmem>> -> memref<1x80xi32, #tpu.memory_space<vmem>>
        %dma_start3A_144 = tpu.memref_squeeze %dma_start3A_143 : memref<1x80xi32, #tpu.memory_space<vmem>> -> memref<80xi32, #tpu.memory_space<vmem>>
        %dma_start3A_145 = arith.constant 0 : i32
        %dma_start3A_146 = arith.constant 0 : i32
        %dma_start3A_147 = tpu.memref_slice %arg13[%dma_start3A_145, %dma_start3A_146] : memref<10240x64xf32, #tpu.memory_space<vmem_shared>> -> memref<10240x64xf32, #tpu.memory_space<vmem_shared>>
        tpu.enqueue_indirect_dma source(%arg9 : memref<80x64xf32, #tpu.memory_space<vmem>>) target(%dma_start3A_147 : memref<10240x64xf32, #tpu.memory_space<vmem_shared>>) offsets(%dma_start3A_144 : memref<80xi32, #tpu.memory_space<vmem>>) semaphore(%run_scoped3A_141 : memref<!tpu.dma_semaphore, #tpu.memory_space<semaphore_mem>>) {add = true}
        %dma_wait3A_148 = arith.constant 0 : i32
        %dma_wait3A_149 = tpu.memref_slice %arg7[%add3A_78, %dma_wait3A_148] : memref<125x80xi32, #tpu.memory_space<vmem>> -> memref<1x80xi32, #tpu.memory_space<vmem>>
        %dma_wait3A_150 = tpu.memref_squeeze %dma_wait3A_149 : memref<1x80xi32, #tpu.memory_space<vmem>> -> memref<80xi32, #tpu.memory_space<vmem>>
        %dma_wait3A_151 = arith.constant 0 : i32
        %dma_wait3A_152 = arith.constant 0 : i32
        %dma_wait3A_153 = tpu.memref_slice %arg13[%dma_wait3A_151, %dma_wait3A_152] : memref<10240x64xf32, #tpu.memory_space<vmem_shared>> -> memref<10240x64xf32, #tpu.memory_space<vmem_shared>>
        tpu.wait_indirect_dma semaphore(%run_scoped3A_141 : memref<!tpu.dma_semaphore, #tpu.memory_space<semaphore_mem>>) src(%arg9 : memref<80x64xf32, #tpu.memory_space<vmem>>) dst(%dma_wait3A_153 : memref<10240x64xf32, #tpu.memory_space<vmem_shared>>)
        tpu.yield
      }) : () -> ()
      %add3A_90 = arith.constant 1 : i32
      %add3A_91 = arith.addi %mul3A_76, %add3A_90 : i32
      %dma_wait3A_92 = arith.constant 0 : i32
      %dma_wait3A_93 = arith.constant 0 : i32
      %dma_wait3A_94 = tpu.memref_slice %arg2[%dma_wait3A_92, %dma_wait3A_93] : memref<10240x64xf32, #tpu.memory_space<hbm>> -> memref<80x64xf32, #tpu.memory_space<hbm>>
      %dma_wait3A_95 = arith.constant 0 : i32
      %dma_wait3A_96 = arith.constant 0 : i32
      %dma_wait3A_97 = tpu.memref_slice %arg2[%dma_wait3A_95, %dma_wait3A_96] : memref<10240x64xf32, #tpu.memory_space<hbm>> -> memref<80x64xf32, #tpu.memory_space<hbm>>
      tpu.wait_dma2 semaphore(%arg15 : memref<!tpu.dma_semaphore, #tpu.memory_space<semaphore_mem>>) src(%dma_wait3A_97 : memref<80x64xf32, #tpu.memory_space<hbm>>) dst(%arg10 : memref<80x64xf32, #tpu.memory_space<vmem>>)
      %add3A_98 = arith.constant 4 : i32
      %add3A_99 = arith.addi %add3A_91, %add3A_98 : i32
      %sub3A_100 = arith.constant 1 : i32
      %sub3A_101 = arith.subi %add3A_99, %sub3A_100 : i32
      %lt3A_102 = arith.constant 125 : i32
      %lt3A_103 = arith.cmpi slt, %sub3A_101, %lt3A_102 : i32
      %convert_element_type3A_104 = arith.extui %lt3A_103 : i1 to i32
      %cond3A_105 = arith.constant 0 : i32
      %cond3A_106 = arith.cmpi ne, %convert_element_type3A_104, %cond3A_105 : i32
      scf.if %cond3A_106 {
        %dma_start3A_141 = arith.constant 0 : i32
        %dma_start3A_142 = tpu.memref_slice %arg6[%sub3A_101, %dma_start3A_141] : memref<125x80xi32, #tpu.memory_space<vmem>> -> memref<1x80xi32, #tpu.memory_space<vmem>>
        %dma_start3A_143 = tpu.memref_squeeze %dma_start3A_142 : memref<1x80xi32, #tpu.memory_space<vmem>> -> memref<80xi32, #tpu.memory_space<vmem>>
        %dma_start3A_144 = arith.constant 0 : i32
        %dma_start3A_145 = arith.constant 0 : i32
        %dma_start3A_146 = tpu.memref_slice %arg2[%dma_start3A_144, %dma_start3A_145] : memref<10240x64xf32, #tpu.memory_space<hbm>> -> memref<10240x64xf32, #tpu.memory_space<hbm>>
        tpu.enqueue_indirect_dma source(%dma_start3A_146 : memref<10240x64xf32, #tpu.memory_space<hbm>>) target(%arg9 : memref<80x64xf32, #tpu.memory_space<vmem>>) offsets(%dma_start3A_143 : memref<80xi32, #tpu.memory_space<vmem>>) semaphore(%arg14 : memref<!tpu.dma_semaphore, #tpu.memory_space<semaphore_mem>>)
      } else {
      }
      "tpu.region"() ({
        %run_scoped3A_141 = tpu.sem_alloc : memref<!tpu.dma_semaphore, #tpu.memory_space<semaphore_mem>>
        %dma_start3A_142 = arith.constant 0 : i32
        %dma_start3A_143 = tpu.memref_slice %arg7[%add3A_91, %dma_start3A_142] : memref<125x80xi32, #tpu.memory_space<vmem>> -> memref<1x80xi32, #tpu.memory_space<vmem>>
        %dma_start3A_144 = tpu.memref_squeeze %dma_start3A_143 : memref<1x80xi32, #tpu.memory_space<vmem>> -> memref<80xi32, #tpu.memory_space<vmem>>
        %dma_start3A_145 = arith.constant 0 : i32
        %dma_start3A_146 = arith.constant 0 : i32
        %dma_start3A_147 = tpu.memref_slice %arg13[%dma_start3A_145, %dma_start3A_146] : memref<10240x64xf32, #tpu.memory_space<vmem_shared>> -> memref<10240x64xf32, #tpu.memory_space<vmem_shared>>
        tpu.enqueue_indirect_dma source(%arg10 : memref<80x64xf32, #tpu.memory_space<vmem>>) target(%dma_start3A_147 : memref<10240x64xf32, #tpu.memory_space<vmem_shared>>) offsets(%dma_start3A_144 : memref<80xi32, #tpu.memory_space<vmem>>) semaphore(%run_scoped3A_141 : memref<!tpu.dma_semaphore, #tpu.memory_space<semaphore_mem>>) {add = true}
        %dma_wait3A_148 = arith.constant 0 : i32
        %dma_wait3A_149 = tpu.memref_slice %arg7[%add3A_91, %dma_wait3A_148] : memref<125x80xi32, #tpu.memory_space<vmem>> -> memref<1x80xi32, #tpu.memory_space<vmem>>
        %dma_wait3A_150 = tpu.memref_squeeze %dma_wait3A_149 : memref<1x80xi32, #tpu.memory_space<vmem>> -> memref<80xi32, #tpu.memory_space<vmem>>
        %dma_wait3A_151 = arith.constant 0 : i32
        %dma_wait3A_152 = arith.constant 0 : i32
        %dma_wait3A_153 = tpu.memref_slice %arg13[%dma_wait3A_151, %dma_wait3A_152] : memref<10240x64xf32, #tpu.memory_space<vmem_shared>> -> memref<10240x64xf32, #tpu.memory_space<vmem_shared>>
        tpu.wait_indirect_dma semaphore(%run_scoped3A_141 : memref<!tpu.dma_semaphore, #tpu.memory_space<semaphore_mem>>) src(%arg10 : memref<80x64xf32, #tpu.memory_space<vmem>>) dst(%dma_wait3A_153 : memref<10240x64xf32, #tpu.memory_space<vmem_shared>>)
        tpu.yield
      }) : () -> ()
      %add3A_107 = arith.constant 2 : i32
      %add3A_108 = arith.addi %mul3A_76, %add3A_107 : i32
      %dma_wait3A_109 = arith.constant 0 : i32
      %dma_wait3A_110 = arith.constant 0 : i32
      %dma_wait3A_111 = tpu.memref_slice %arg2[%dma_wait3A_109, %dma_wait3A_110] : memref<10240x64xf32, #tpu.memory_space<hbm>> -> memref<80x64xf32, #tpu.memory_space<hbm>>
      %dma_wait3A_112 = arith.constant 0 : i32
      %dma_wait3A_113 = arith.constant 0 : i32
      %dma_wait3A_114 = tpu.memref_slice %arg2[%dma_wait3A_112, %dma_wait3A_113] : memref<10240x64xf32, #tpu.memory_space<hbm>> -> memref<80x64xf32, #tpu.memory_space<hbm>>
      tpu.wait_dma2 semaphore(%arg16 : memref<!tpu.dma_semaphore, #tpu.memory_space<semaphore_mem>>) src(%dma_wait3A_114 : memref<80x64xf32, #tpu.memory_space<hbm>>) dst(%arg11 : memref<80x64xf32, #tpu.memory_space<vmem>>)
      %add3A_115 = arith.constant 4 : i32
      %add3A_116 = arith.addi %add3A_108, %add3A_115 : i32
      %sub3A_117 = arith.constant 1 : i32
      %sub3A_118 = arith.subi %add3A_116, %sub3A_117 : i32
      %lt3A_119 = arith.constant 125 : i32
      %lt3A_120 = arith.cmpi slt, %sub3A_118, %lt3A_119 : i32
      %convert_element_type3A_121 = arith.extui %lt3A_120 : i1 to i32
      %cond3A_122 = arith.constant 0 : i32
      %cond3A_123 = arith.cmpi ne, %convert_element_type3A_121, %cond3A_122 : i32
      scf.if %cond3A_123 {
        %dma_start3A_141 = arith.constant 0 : i32
        %dma_start3A_142 = tpu.memref_slice %arg6[%sub3A_118, %dma_start3A_141] : memref<125x80xi32, #tpu.memory_space<vmem>> -> memref<1x80xi32, #tpu.memory_space<vmem>>
        %dma_start3A_143 = tpu.memref_squeeze %dma_start3A_142 : memref<1x80xi32, #tpu.memory_space<vmem>> -> memref<80xi32, #tpu.memory_space<vmem>>
        %dma_start3A_144 = arith.constant 0 : i32
        %dma_start3A_145 = arith.constant 0 : i32
        %dma_start3A_146 = tpu.memref_slice %arg2[%dma_start3A_144, %dma_start3A_145] : memref<10240x64xf32, #tpu.memory_space<hbm>> -> memref<10240x64xf32, #tpu.memory_space<hbm>>
        tpu.enqueue_indirect_dma source(%dma_start3A_146 : memref<10240x64xf32, #tpu.memory_space<hbm>>) target(%arg10 : memref<80x64xf32, #tpu.memory_space<vmem>>) offsets(%dma_start3A_143 : memref<80xi32, #tpu.memory_space<vmem>>) semaphore(%arg15 : memref<!tpu.dma_semaphore, #tpu.memory_space<semaphore_mem>>)
      } else {
      }
      "tpu.region"() ({
        %run_scoped3A_141 = tpu.sem_alloc : memref<!tpu.dma_semaphore, #tpu.memory_space<semaphore_mem>>
        %dma_start3A_142 = arith.constant 0 : i32
        %dma_start3A_143 = tpu.memref_slice %arg7[%add3A_108, %dma_start3A_142] : memref<125x80xi32, #tpu.memory_space<vmem>> -> memref<1x80xi32, #tpu.memory_space<vmem>>
        %dma_start3A_144 = tpu.memref_squeeze %dma_start3A_143 : memref<1x80xi32, #tpu.memory_space<vmem>> -> memref<80xi32, #tpu.memory_space<vmem>>
        %dma_start3A_145 = arith.constant 0 : i32
        %dma_start3A_146 = arith.constant 0 : i32
        %dma_start3A_147 = tpu.memref_slice %arg13[%dma_start3A_145, %dma_start3A_146] : memref<10240x64xf32, #tpu.memory_space<vmem_shared>> -> memref<10240x64xf32, #tpu.memory_space<vmem_shared>>
        tpu.enqueue_indirect_dma source(%arg11 : memref<80x64xf32, #tpu.memory_space<vmem>>) target(%dma_start3A_147 : memref<10240x64xf32, #tpu.memory_space<vmem_shared>>) offsets(%dma_start3A_144 : memref<80xi32, #tpu.memory_space<vmem>>) semaphore(%run_scoped3A_141 : memref<!tpu.dma_semaphore, #tpu.memory_space<semaphore_mem>>) {add = true}
        %dma_wait3A_148 = arith.constant 0 : i32
        %dma_wait3A_149 = tpu.memref_slice %arg7[%add3A_108, %dma_wait3A_148] : memref<125x80xi32, #tpu.memory_space<vmem>> -> memref<1x80xi32, #tpu.memory_space<vmem>>
        %dma_wait3A_150 = tpu.memref_squeeze %dma_wait3A_149 : memref<1x80xi32, #tpu.memory_space<vmem>> -> memref<80xi32, #tpu.memory_space<vmem>>
        %dma_wait3A_151 = arith.constant 0 : i32
        %dma_wait3A_152 = arith.constant 0 : i32
        %dma_wait3A_153 = tpu.memref_slice %arg13[%dma_wait3A_151, %dma_wait3A_152] : memref<10240x64xf32, #tpu.memory_space<vmem_shared>> -> memref<10240x64xf32, #tpu.memory_space<vmem_shared>>
        tpu.wait_indirect_dma semaphore(%run_scoped3A_141 : memref<!tpu.dma_semaphore, #tpu.memory_space<semaphore_mem>>) src(%arg11 : memref<80x64xf32, #tpu.memory_space<vmem>>) dst(%dma_wait3A_153 : memref<10240x64xf32, #tpu.memory_space<vmem_shared>>)
        tpu.yield
      }) : () -> ()
      %add3A_124 = arith.constant 3 : i32
      %add3A_125 = arith.addi %mul3A_76, %add3A_124 : i32
      %dma_wait3A_126 = arith.constant 0 : i32
      %dma_wait3A_127 = arith.constant 0 : i32
      %dma_wait3A_128 = tpu.memref_slice %arg2[%dma_wait3A_126, %dma_wait3A_127] : memref<10240x64xf32, #tpu.memory_space<hbm>> -> memref<80x64xf32, #tpu.memory_space<hbm>>
      %dma_wait3A_129 = arith.constant 0 : i32
      %dma_wait3A_130 = arith.constant 0 : i32
      %dma_wait3A_131 = tpu.memref_slice %arg2[%dma_wait3A_129, %dma_wait3A_130] : memref<10240x64xf32, #tpu.memory_space<hbm>> -> memref<80x64xf32, #tpu.memory_space<hbm>>
      tpu.wait_dma2 semaphore(%arg17 : memref<!tpu.dma_semaphore, #tpu.memory_space<semaphore_mem>>) src(%dma_wait3A_131 : memref<80x64xf32, #tpu.memory_space<hbm>>) dst(%arg12 : memref<80x64xf32, #tpu.memory_space<vmem>>)
      %add3A_132 = arith.constant 4 : i32
      %add3A_133 = arith.addi %add3A_125, %add3A_132 : i32
      %sub3A_134 = arith.constant 1 : i32
      %sub3A_135 = arith.subi %add3A_133, %sub3A_134 : i32
      %lt3A_136 = arith.constant 125 : i32
      %lt3A_137 = arith.cmpi slt, %sub3A_135, %lt3A_136 : i32
      %convert_element_type3A_138 = arith.extui %lt3A_137 : i1 to i32
      %cond3A_139 = arith.constant 0 : i32
      %cond3A_140 = arith.cmpi ne, %convert_element_type3A_138, %cond3A_139 : i32
      scf.if %cond3A_140 {
        %dma_start3A_141 = arith.constant 0 : i32
        %dma_start3A_142 = tpu.memref_slice %arg6[%sub3A_135, %dma_start3A_141] : memref<125x80xi32, #tpu.memory_space<vmem>> -> memref<1x80xi32, #tpu.memory_space<vmem>>
        %dma_start3A_143 = tpu.memref_squeeze %dma_start3A_142 : memref<1x80xi32, #tpu.memory_space<vmem>> -> memref<80xi32, #tpu.memory_space<vmem>>
        %dma_start3A_144 = arith.constant 0 : i32
        %dma_start3A_145 = arith.constant 0 : i32
        %dma_start3A_146 = tpu.memref_slice %arg2[%dma_start3A_144, %dma_start3A_145] : memref<10240x64xf32, #tpu.memory_space<hbm>> -> memref<10240x64xf32, #tpu.memory_space<hbm>>
        tpu.enqueue_indirect_dma source(%dma_start3A_146 : memref<10240x64xf32, #tpu.memory_space<hbm>>) target(%arg11 : memref<80x64xf32, #tpu.memory_space<vmem>>) offsets(%dma_start3A_143 : memref<80xi32, #tpu.memory_space<vmem>>) semaphore(%arg16 : memref<!tpu.dma_semaphore, #tpu.memory_space<semaphore_mem>>)
      } else {
      }
      "tpu.region"() ({
        %run_scoped3A_141 = tpu.sem_alloc : memref<!tpu.dma_semaphore, #tpu.memory_space<semaphore_mem>>
        %dma_start3A_142 = arith.constant 0 : i32
        %dma_start3A_143 = tpu.memref_slice %arg7[%add3A_125, %dma_start3A_142] : memref<125x80xi32, #tpu.memory_space<vmem>> -> memref<1x80xi32, #tpu.memory_space<vmem>>
        %dma_start3A_144 = tpu.memref_squeeze %dma_start3A_143 : memref<1x80xi32, #tpu.memory_space<vmem>> -> memref<80xi32, #tpu.memory_space<vmem>>
        %dma_start3A_145 = arith.constant 0 : i32
        %dma_start3A_146 = arith.constant 0 : i32
        %dma_start3A_147 = tpu.memref_slice %arg13[%dma_start3A_145, %dma_start3A_146] : memref<10240x64xf32, #tpu.memory_space<vmem_shared>> -> memref<10240x64xf32, #tpu.memory_space<vmem_shared>>
        tpu.enqueue_indirect_dma source(%arg12 : memref<80x64xf32, #tpu.memory_space<vmem>>) target(%dma_start3A_147 : memref<10240x64xf32, #tpu.memory_space<vmem_shared>>) offsets(%dma_start3A_144 : memref<80xi32, #tpu.memory_space<vmem>>) semaphore(%run_scoped3A_141 : memref<!tpu.dma_semaphore, #tpu.memory_space<semaphore_mem>>) {add = true}
        %dma_wait3A_148 = arith.constant 0 : i32
        %dma_wait3A_149 = tpu.memref_slice %arg7[%add3A_125, %dma_wait3A_148] : memref<125x80xi32, #tpu.memory_space<vmem>> -> memref<1x80xi32, #tpu.memory_space<vmem>>
        %dma_wait3A_150 = tpu.memref_squeeze %dma_wait3A_149 : memref<1x80xi32, #tpu.memory_space<vmem>> -> memref<80xi32, #tpu.memory_space<vmem>>
        %dma_wait3A_151 = arith.constant 0 : i32
        %dma_wait3A_152 = arith.constant 0 : i32
        %dma_wait3A_153 = tpu.memref_slice %arg13[%dma_wait3A_151, %dma_wait3A_152] : memref<10240x64xf32, #tpu.memory_space<vmem_shared>> -> memref<10240x64xf32, #tpu.memory_space<vmem_shared>>
        tpu.wait_indirect_dma semaphore(%run_scoped3A_141 : memref<!tpu.dma_semaphore, #tpu.memory_space<semaphore_mem>>) src(%arg12 : memref<80x64xf32, #tpu.memory_space<vmem>>) dst(%dma_wait3A_153 : memref<10240x64xf32, #tpu.memory_space<vmem_shared>>)
        tpu.yield
      }) : () -> ()
    }
    %scan3A_63 = arith.constant 31 : i32
    %dma_wait3A = arith.constant 0 : i32
    %dma_wait3A_64 = arith.constant 0 : i32
    %dma_wait3A_65 = tpu.memref_slice %arg2[%dma_wait3A, %dma_wait3A_64] : memref<10240x64xf32, #tpu.memory_space<hbm>> -> memref<80x64xf32, #tpu.memory_space<hbm>>
    %dma_wait3A_66 = arith.constant 0 : i32
    %dma_wait3A_67 = arith.constant 0 : i32
    %dma_wait3A_68 = tpu.memref_slice %arg2[%dma_wait3A_66, %dma_wait3A_67] : memref<10240x64xf32, #tpu.memory_space<hbm>> -> memref<80x64xf32, #tpu.memory_space<hbm>>
    tpu.wait_dma2 semaphore(%arg14 : memref<!tpu.dma_semaphore, #tpu.memory_space<semaphore_mem>>) src(%dma_wait3A_68 : memref<80x64xf32, #tpu.memory_space<hbm>>) dst(%arg9 : memref<80x64xf32, #tpu.memory_space<vmem>>)
    %run_scoped3A = arith.constant 124 : i32
    "tpu.region"() ({
      %run_scoped3A_74 = tpu.sem_alloc : memref<!tpu.dma_semaphore, #tpu.memory_space<semaphore_mem>>
      %dma_start3A_75 = arith.constant 0 : i32
      %dma_start3A_76 = tpu.memref_slice %arg7[%run_scoped3A, %dma_start3A_75] : memref<125x80xi32, #tpu.memory_space<vmem>> -> memref<1x80xi32, #tpu.memory_space<vmem>>
      %dma_start3A_77 = tpu.memref_squeeze %dma_start3A_76 : memref<1x80xi32, #tpu.memory_space<vmem>> -> memref<80xi32, #tpu.memory_space<vmem>>
      %dma_start3A_78 = arith.constant 0 : i32
      %dma_start3A_79 = arith.constant 0 : i32
      %dma_start3A_80 = tpu.memref_slice %arg13[%dma_start3A_78, %dma_start3A_79] : memref<10240x64xf32, #tpu.memory_space<vmem_shared>> -> memref<10240x64xf32, #tpu.memory_space<vmem_shared>>
      tpu.enqueue_indirect_dma source(%arg9 : memref<80x64xf32, #tpu.memory_space<vmem>>) target(%dma_start3A_80 : memref<10240x64xf32, #tpu.memory_space<vmem_shared>>) offsets(%dma_start3A_77 : memref<80xi32, #tpu.memory_space<vmem>>) semaphore(%run_scoped3A_74 : memref<!tpu.dma_semaphore, #tpu.memory_space<semaphore_mem>>) {add = true}
      %dma_wait3A_81 = arith.constant 0 : i32
      %dma_wait3A_82 = tpu.memref_slice %arg7[%run_scoped3A, %dma_wait3A_81] : memref<125x80xi32, #tpu.memory_space<vmem>> -> memref<1x80xi32, #tpu.memory_space<vmem>>
      %dma_wait3A_83 = tpu.memref_squeeze %dma_wait3A_82 : memref<1x80xi32, #tpu.memory_space<vmem>> -> memref<80xi32, #tpu.memory_space<vmem>>
      %dma_wait3A_84 = arith.constant 0 : i32
      %dma_wait3A_85 = arith.constant 0 : i32
      %dma_wait3A_86 = tpu.memref_slice %arg13[%dma_wait3A_84, %dma_wait3A_85] : memref<10240x64xf32, #tpu.memory_space<vmem_shared>> -> memref<10240x64xf32, #tpu.memory_space<vmem_shared>>
      tpu.wait_indirect_dma semaphore(%run_scoped3A_74 : memref<!tpu.dma_semaphore, #tpu.memory_space<semaphore_mem>>) src(%arg9 : memref<80x64xf32, #tpu.memory_space<vmem>>) dst(%dma_wait3A_86 : memref<10240x64xf32, #tpu.memory_space<vmem_shared>>)
      tpu.yield
    }) : () -> ()
    %barrier3A_69 = arith.constant 0 : index
    tpu.barrier barrier_id(%barrier3A_69)
    %mul3A_70 = arith.constant 640 : i32
    %mul3A_71 = arith.muli %arg1, %mul3A_70 : i32
    %mul3A_72 = arith.constant 640 : i32
    %mul3A_73 = arith.muli %arg1, %mul3A_72 : i32
    "tpu.region"() ({
      %run_scoped3A_74 = tpu.sem_alloc : memref<!tpu.dma_semaphore, #tpu.memory_space<semaphore_mem>>
      %dma_start3A_75 = arith.constant 0 : i32
      %dma_start3A_76 = tpu.memref_slice %arg5[%arg0, %mul3A_73, %dma_start3A_75] : memref<2x10240x64xf32, #tpu.memory_space<hbm>> -> memref<1x640x64xf32, #tpu.memory_space<hbm>>
      %dma_start3A_77 = tpu.memref_squeeze %dma_start3A_76 : memref<1x640x64xf32, #tpu.memory_space<hbm>> -> memref<640x64xf32, #tpu.memory_space<hbm>>
      %dma_start3A_78 = arith.constant 0 : i32
      %dma_start3A_79 = tpu.memref_slice %arg13[%mul3A_71, %dma_start3A_78] : memref<10240x64xf32, #tpu.memory_space<vmem_shared>> -> memref<640x64xf32, #tpu.memory_space<vmem_shared>>
      tpu.enqueue_dma source(%dma_start3A_79 : memref<640x64xf32, #tpu.memory_space<vmem_shared>>) target(%dma_start3A_77 : memref<640x64xf32, #tpu.memory_space<hbm>>) target_semaphore(%run_scoped3A_74 : memref<!tpu.dma_semaphore, #tpu.memory_space<semaphore_mem>>)
      %dma_wait3A_80 = arith.constant 0 : i32
      %dma_wait3A_81 = tpu.memref_slice %arg5[%arg0, %mul3A_73, %dma_wait3A_80] : memref<2x10240x64xf32, #tpu.memory_space<hbm>> -> memref<1x640x64xf32, #tpu.memory_space<hbm>>
      %dma_wait3A_82 = tpu.memref_squeeze %dma_wait3A_81 : memref<1x640x64xf32, #tpu.memory_space<hbm>> -> memref<640x64xf32, #tpu.memory_space<hbm>>
      %dma_wait3A_83 = arith.constant 0 : i32
      %dma_wait3A_84 = tpu.memref_slice %arg13[%mul3A_71, %dma_wait3A_83] : memref<10240x64xf32, #tpu.memory_space<vmem_shared>> -> memref<640x64xf32, #tpu.memory_space<vmem_shared>>
      tpu.wait_dma2 semaphore(%run_scoped3A_74 : memref<!tpu.dma_semaphore, #tpu.memory_space<semaphore_mem>>) src(%dma_wait3A_84 : memref<640x64xf32, #tpu.memory_space<vmem_shared>>) dst(%dma_wait3A_82 : memref<640x64xf32, #tpu.memory_space<hbm>>)
      tpu.yield
    }) : () -> ()
    return
  }
}

#map = affine_map<(d0, d1) -> (0, 0)>
#map1 = affine_map<(d0, d1) -> (0, 0, 0)>
module attributes {stable_mosaic.version = 14 : i64} {
  func.func @_sc_scatter2(%arg0: i32, %arg1: i32, %arg2: memref<5120x64xf32, #tpu.memory_space<hbm>>, %arg3: memref<32x5x32xi32, #tpu.memory_space<hbm>>, %arg4: memref<5120x64xf32, #tpu.memory_space<hbm>>, %arg5: memref<5x32xi32, #tpu.memory_space<vmem>>, %arg6: memref<32x64xf32, #tpu.memory_space<vmem>>, %arg7: memref<!tpu.dma_semaphore, #tpu.memory_space<semaphore_mem>>) attributes {dimension_semantics = [#tpu.dimension_semantics<core_parallel>, #tpu.dimension_semantics<subcore_parallel>], iteration_bounds = array<i64: 2, 16>, scalar_prefetch = 0 : i64, scratch_operands = 3 : i64, tpu.core_type = #tpu.core_type<sc_vector_subcore>, window_params = [{transform_indices = #map}, {transform_indices = #map1}, {transform_indices = #map}]} {
    %mul3A = arith.constant 2 : i32
    %mul3A_0 = arith.muli %arg1, %mul3A : i32
    %add3A = arith.addi %mul3A_0, %arg0 : i32
    "tpu.region"() ({
      %run_scoped3A_63 = tpu.sem_alloc : memref<!tpu.dma_semaphore, #tpu.memory_space<semaphore_mem>>
      %dma_start3A_64 = arith.constant 0 : i32
      %dma_start3A_65 = arith.constant 0 : i32
      %dma_start3A_66 = tpu.memref_slice %arg3[%add3A, %dma_start3A_64, %dma_start3A_65] : memref<32x5x32xi32, #tpu.memory_space<hbm>> -> memref<1x5x32xi32, #tpu.memory_space<hbm>>
      %dma_start3A_67 = tpu.memref_squeeze %dma_start3A_66 : memref<1x5x32xi32, #tpu.memory_space<hbm>> -> memref<5x32xi32, #tpu.memory_space<hbm>>
      %dma_start3A_68 = arith.constant 0 : i32
      %dma_start3A_69 = arith.constant 0 : i32
      %dma_start3A_70 = tpu.memref_slice %arg3[%add3A, %dma_start3A_68, %dma_start3A_69] : memref<32x5x32xi32, #tpu.memory_space<hbm>> -> memref<1x5x32xi32, #tpu.memory_space<hbm>>
      %dma_start3A_71 = tpu.memref_squeeze %dma_start3A_70 : memref<1x5x32xi32, #tpu.memory_space<hbm>> -> memref<5x32xi32, #tpu.memory_space<hbm>>
      tpu.enqueue_dma source(%dma_start3A_71 : memref<5x32xi32, #tpu.memory_space<hbm>>) target(%arg5 : memref<5x32xi32, #tpu.memory_space<vmem>>) target_semaphore(%run_scoped3A_63 : memref<!tpu.dma_semaphore, #tpu.memory_space<semaphore_mem>>)
      %dma_wait3A_72 = arith.constant 0 : i32
      %dma_wait3A_73 = arith.constant 0 : i32
      %dma_wait3A_74 = tpu.memref_slice %arg3[%add3A, %dma_wait3A_72, %dma_wait3A_73] : memref<32x5x32xi32, #tpu.memory_space<hbm>> -> memref<1x5x32xi32, #tpu.memory_space<hbm>>
      %dma_wait3A_75 = tpu.memref_squeeze %dma_wait3A_74 : memref<1x5x32xi32, #tpu.memory_space<hbm>> -> memref<5x32xi32, #tpu.memory_space<hbm>>
      %dma_wait3A_76 = arith.constant 0 : i32
      %dma_wait3A_77 = arith.constant 0 : i32
      %dma_wait3A_78 = tpu.memref_slice %arg3[%add3A, %dma_wait3A_76, %dma_wait3A_77] : memref<32x5x32xi32, #tpu.memory_space<hbm>> -> memref<1x5x32xi32, #tpu.memory_space<hbm>>
      %dma_wait3A_79 = tpu.memref_squeeze %dma_wait3A_78 : memref<1x5x32xi32, #tpu.memory_space<hbm>> -> memref<5x32xi32, #tpu.memory_space<hbm>>
      tpu.wait_dma2 semaphore(%run_scoped3A_63 : memref<!tpu.dma_semaphore, #tpu.memory_space<semaphore_mem>>) src(%dma_wait3A_79 : memref<5x32xi32, #tpu.memory_space<hbm>>) dst(%arg5 : memref<5x32xi32, #tpu.memory_space<vmem>>)
      tpu.yield
    }) : () -> ()
    %mul3A_1 = arith.constant 160 : i32
    %mul3A_2 = arith.muli %add3A, %mul3A_1 : i32
    %add3A_3 = arith.constant 0 : i32
    %add3A_4 = arith.addi %mul3A_2, %add3A_3 : i32
    %dma_start3A = arith.constant 0 : i32
    %dma_start3A_5 = tpu.memref_slice %arg2[%add3A_4, %dma_start3A] : memref<5120x64xf32, #tpu.memory_space<hbm>> -> memref<32x64xf32, #tpu.memory_space<hbm>>
    %dma_start3A_6 = arith.constant 0 : i32
    %dma_start3A_7 = tpu.memref_slice %arg2[%add3A_4, %dma_start3A_6] : memref<5120x64xf32, #tpu.memory_space<hbm>> -> memref<32x64xf32, #tpu.memory_space<hbm>>
    tpu.enqueue_dma source(%dma_start3A_7 : memref<32x64xf32, #tpu.memory_space<hbm>>) target(%arg6 : memref<32x64xf32, #tpu.memory_space<vmem>>) target_semaphore(%arg7 : memref<!tpu.dma_semaphore, #tpu.memory_space<semaphore_mem>>)
    %dma_wait3A = arith.constant 0 : i32
    %dma_wait3A_8 = tpu.memref_slice %arg2[%add3A_4, %dma_wait3A] : memref<5120x64xf32, #tpu.memory_space<hbm>> -> memref<32x64xf32, #tpu.memory_space<hbm>>
    %dma_wait3A_9 = arith.constant 0 : i32
    %dma_wait3A_10 = tpu.memref_slice %arg2[%add3A_4, %dma_wait3A_9] : memref<5120x64xf32, #tpu.memory_space<hbm>> -> memref<32x64xf32, #tpu.memory_space<hbm>>
    tpu.wait_dma2 semaphore(%arg7 : memref<!tpu.dma_semaphore, #tpu.memory_space<semaphore_mem>>) src(%dma_wait3A_10 : memref<32x64xf32, #tpu.memory_space<hbm>>) dst(%arg6 : memref<32x64xf32, #tpu.memory_space<vmem>>)
    %run_scoped3A = arith.constant 0 : i32
    "tpu.region"() ({
      %run_scoped3A_63 = tpu.sem_alloc : memref<!tpu.dma_semaphore, #tpu.memory_space<semaphore_mem>>
      %dma_start3A_64 = arith.constant 0 : i32
      %dma_start3A_65 = tpu.memref_slice %arg5[%run_scoped3A, %dma_start3A_64] : memref<5x32xi32, #tpu.memory_space<vmem>> -> memref<1x32xi32, #tpu.memory_space<vmem>>
      %dma_start3A_66 = tpu.memref_squeeze %dma_start3A_65 : memref<1x32xi32, #tpu.memory_space<vmem>> -> memref<32xi32, #tpu.memory_space<vmem>>
      %dma_start3A_67 = arith.constant 0 : i32
      %dma_start3A_68 = arith.constant 0 : i32
      %dma_start3A_69 = tpu.memref_slice %arg4[%dma_start3A_67, %dma_start3A_68] : memref<5120x64xf32, #tpu.memory_space<hbm>> -> memref<5120x64xf32, #tpu.memory_space<hbm>>
      tpu.enqueue_indirect_dma source(%arg6 : memref<32x64xf32, #tpu.memory_space<vmem>>) target(%dma_start3A_69 : memref<5120x64xf32, #tpu.memory_space<hbm>>) offsets(%dma_start3A_66 : memref<32xi32, #tpu.memory_space<vmem>>) semaphore(%run_scoped3A_63 : memref<!tpu.dma_semaphore, #tpu.memory_space<semaphore_mem>>)
      %dma_wait3A_70 = arith.constant 0 : i32
      %dma_wait3A_71 = tpu.memref_slice %arg5[%run_scoped3A, %dma_wait3A_70] : memref<5x32xi32, #tpu.memory_space<vmem>> -> memref<1x32xi32, #tpu.memory_space<vmem>>
      %dma_wait3A_72 = tpu.memref_squeeze %dma_wait3A_71 : memref<1x32xi32, #tpu.memory_space<vmem>> -> memref<32xi32, #tpu.memory_space<vmem>>
      %dma_wait3A_73 = arith.constant 0 : i32
      %dma_wait3A_74 = arith.constant 0 : i32
      %dma_wait3A_75 = tpu.memref_slice %arg4[%dma_wait3A_73, %dma_wait3A_74] : memref<5120x64xf32, #tpu.memory_space<hbm>> -> memref<5120x64xf32, #tpu.memory_space<hbm>>
      tpu.wait_indirect_dma semaphore(%run_scoped3A_63 : memref<!tpu.dma_semaphore, #tpu.memory_space<semaphore_mem>>) src(%arg6 : memref<32x64xf32, #tpu.memory_space<vmem>>) dst(%dma_wait3A_75 : memref<5120x64xf32, #tpu.memory_space<hbm>>)
      tpu.yield
    }) : () -> ()
    %mul3A_11 = arith.constant 160 : i32
    %mul3A_12 = arith.muli %add3A, %mul3A_11 : i32
    %add3A_13 = arith.constant 32 : i32
    %add3A_14 = arith.addi %mul3A_12, %add3A_13 : i32
    %dma_start3A_15 = arith.constant 0 : i32
    %dma_start3A_16 = tpu.memref_slice %arg2[%add3A_14, %dma_start3A_15] : memref<5120x64xf32, #tpu.memory_space<hbm>> -> memref<32x64xf32, #tpu.memory_space<hbm>>
    %dma_start3A_17 = arith.constant 0 : i32
    %dma_start3A_18 = tpu.memref_slice %arg2[%add3A_14, %dma_start3A_17] : memref<5120x64xf32, #tpu.memory_space<hbm>> -> memref<32x64xf32, #tpu.memory_space<hbm>>
    tpu.enqueue_dma source(%dma_start3A_18 : memref<32x64xf32, #tpu.memory_space<hbm>>) target(%arg6 : memref<32x64xf32, #tpu.memory_space<vmem>>) target_semaphore(%arg7 : memref<!tpu.dma_semaphore, #tpu.memory_space<semaphore_mem>>)
    %dma_wait3A_19 = arith.constant 0 : i32
    %dma_wait3A_20 = tpu.memref_slice %arg2[%add3A_14, %dma_wait3A_19] : memref<5120x64xf32, #tpu.memory_space<hbm>> -> memref<32x64xf32, #tpu.memory_space<hbm>>
    %dma_wait3A_21 = arith.constant 0 : i32
    %dma_wait3A_22 = tpu.memref_slice %arg2[%add3A_14, %dma_wait3A_21] : memref<5120x64xf32, #tpu.memory_space<hbm>> -> memref<32x64xf32, #tpu.memory_space<hbm>>
    tpu.wait_dma2 semaphore(%arg7 : memref<!tpu.dma_semaphore, #tpu.memory_space<semaphore_mem>>) src(%dma_wait3A_22 : memref<32x64xf32, #tpu.memory_space<hbm>>) dst(%arg6 : memref<32x64xf32, #tpu.memory_space<vmem>>)
    %run_scoped3A_23 = arith.constant 1 : i32
    "tpu.region"() ({
      %run_scoped3A_63 = tpu.sem_alloc : memref<!tpu.dma_semaphore, #tpu.memory_space<semaphore_mem>>
      %dma_start3A_64 = arith.constant 0 : i32
      %dma_start3A_65 = tpu.memref_slice %arg5[%run_scoped3A_23, %dma_start3A_64] : memref<5x32xi32, #tpu.memory_space<vmem>> -> memref<1x32xi32, #tpu.memory_space<vmem>>
      %dma_start3A_66 = tpu.memref_squeeze %dma_start3A_65 : memref<1x32xi32, #tpu.memory_space<vmem>> -> memref<32xi32, #tpu.memory_space<vmem>>
      %dma_start3A_67 = arith.constant 0 : i32
      %dma_start3A_68 = arith.constant 0 : i32
      %dma_start3A_69 = tpu.memref_slice %arg4[%dma_start3A_67, %dma_start3A_68] : memref<5120x64xf32, #tpu.memory_space<hbm>> -> memref<5120x64xf32, #tpu.memory_space<hbm>>
      tpu.enqueue_indirect_dma source(%arg6 : memref<32x64xf32, #tpu.memory_space<vmem>>) target(%dma_start3A_69 : memref<5120x64xf32, #tpu.memory_space<hbm>>) offsets(%dma_start3A_66 : memref<32xi32, #tpu.memory_space<vmem>>) semaphore(%run_scoped3A_63 : memref<!tpu.dma_semaphore, #tpu.memory_space<semaphore_mem>>)
      %dma_wait3A_70 = arith.constant 0 : i32
      %dma_wait3A_71 = tpu.memref_slice %arg5[%run_scoped3A_23, %dma_wait3A_70] : memref<5x32xi32, #tpu.memory_space<vmem>> -> memref<1x32xi32, #tpu.memory_space<vmem>>
      %dma_wait3A_72 = tpu.memref_squeeze %dma_wait3A_71 : memref<1x32xi32, #tpu.memory_space<vmem>> -> memref<32xi32, #tpu.memory_space<vmem>>
      %dma_wait3A_73 = arith.constant 0 : i32
      %dma_wait3A_74 = arith.constant 0 : i32
      %dma_wait3A_75 = tpu.memref_slice %arg4[%dma_wait3A_73, %dma_wait3A_74] : memref<5120x64xf32, #tpu.memory_space<hbm>> -> memref<5120x64xf32, #tpu.memory_space<hbm>>
      tpu.wait_indirect_dma semaphore(%run_scoped3A_63 : memref<!tpu.dma_semaphore, #tpu.memory_space<semaphore_mem>>) src(%arg6 : memref<32x64xf32, #tpu.memory_space<vmem>>) dst(%dma_wait3A_75 : memref<5120x64xf32, #tpu.memory_space<hbm>>)
      tpu.yield
    }) : () -> ()
    %mul3A_24 = arith.constant 160 : i32
    %mul3A_25 = arith.muli %add3A, %mul3A_24 : i32
    %add3A_26 = arith.constant 64 : i32
    %add3A_27 = arith.addi %mul3A_25, %add3A_26 : i32
    %dma_start3A_28 = arith.constant 0 : i32
    %dma_start3A_29 = tpu.memref_slice %arg2[%add3A_27, %dma_start3A_28] : memref<5120x64xf32, #tpu.memory_space<hbm>> -> memref<32x64xf32, #tpu.memory_space<hbm>>
    %dma_start3A_30 = arith.constant 0 : i32
    %dma_start3A_31 = tpu.memref_slice %arg2[%add3A_27, %dma_start3A_30] : memref<5120x64xf32, #tpu.memory_space<hbm>> -> memref<32x64xf32, #tpu.memory_space<hbm>>
    tpu.enqueue_dma source(%dma_start3A_31 : memref<32x64xf32, #tpu.memory_space<hbm>>) target(%arg6 : memref<32x64xf32, #tpu.memory_space<vmem>>) target_semaphore(%arg7 : memref<!tpu.dma_semaphore, #tpu.memory_space<semaphore_mem>>)
    %dma_wait3A_32 = arith.constant 0 : i32
    %dma_wait3A_33 = tpu.memref_slice %arg2[%add3A_27, %dma_wait3A_32] : memref<5120x64xf32, #tpu.memory_space<hbm>> -> memref<32x64xf32, #tpu.memory_space<hbm>>
    %dma_wait3A_34 = arith.constant 0 : i32
    %dma_wait3A_35 = tpu.memref_slice %arg2[%add3A_27, %dma_wait3A_34] : memref<5120x64xf32, #tpu.memory_space<hbm>> -> memref<32x64xf32, #tpu.memory_space<hbm>>
    tpu.wait_dma2 semaphore(%arg7 : memref<!tpu.dma_semaphore, #tpu.memory_space<semaphore_mem>>) src(%dma_wait3A_35 : memref<32x64xf32, #tpu.memory_space<hbm>>) dst(%arg6 : memref<32x64xf32, #tpu.memory_space<vmem>>)
    %run_scoped3A_36 = arith.constant 2 : i32
    "tpu.region"() ({
      %run_scoped3A_63 = tpu.sem_alloc : memref<!tpu.dma_semaphore, #tpu.memory_space<semaphore_mem>>
      %dma_start3A_64 = arith.constant 0 : i32
      %dma_start3A_65 = tpu.memref_slice %arg5[%run_scoped3A_36, %dma_start3A_64] : memref<5x32xi32, #tpu.memory_space<vmem>> -> memref<1x32xi32, #tpu.memory_space<vmem>>
      %dma_start3A_66 = tpu.memref_squeeze %dma_start3A_65 : memref<1x32xi32, #tpu.memory_space<vmem>> -> memref<32xi32, #tpu.memory_space<vmem>>
      %dma_start3A_67 = arith.constant 0 : i32
      %dma_start3A_68 = arith.constant 0 : i32
      %dma_start3A_69 = tpu.memref_slice %arg4[%dma_start3A_67, %dma_start3A_68] : memref<5120x64xf32, #tpu.memory_space<hbm>> -> memref<5120x64xf32, #tpu.memory_space<hbm>>
      tpu.enqueue_indirect_dma source(%arg6 : memref<32x64xf32, #tpu.memory_space<vmem>>) target(%dma_start3A_69 : memref<5120x64xf32, #tpu.memory_space<hbm>>) offsets(%dma_start3A_66 : memref<32xi32, #tpu.memory_space<vmem>>) semaphore(%run_scoped3A_63 : memref<!tpu.dma_semaphore, #tpu.memory_space<semaphore_mem>>)
      %dma_wait3A_70 = arith.constant 0 : i32
      %dma_wait3A_71 = tpu.memref_slice %arg5[%run_scoped3A_36, %dma_wait3A_70] : memref<5x32xi32, #tpu.memory_space<vmem>> -> memref<1x32xi32, #tpu.memory_space<vmem>>
      %dma_wait3A_72 = tpu.memref_squeeze %dma_wait3A_71 : memref<1x32xi32, #tpu.memory_space<vmem>> -> memref<32xi32, #tpu.memory_space<vmem>>
      %dma_wait3A_73 = arith.constant 0 : i32
      %dma_wait3A_74 = arith.constant 0 : i32
      %dma_wait3A_75 = tpu.memref_slice %arg4[%dma_wait3A_73, %dma_wait3A_74] : memref<5120x64xf32, #tpu.memory_space<hbm>> -> memref<5120x64xf32, #tpu.memory_space<hbm>>
      tpu.wait_indirect_dma semaphore(%run_scoped3A_63 : memref<!tpu.dma_semaphore, #tpu.memory_space<semaphore_mem>>) src(%arg6 : memref<32x64xf32, #tpu.memory_space<vmem>>) dst(%dma_wait3A_75 : memref<5120x64xf32, #tpu.memory_space<hbm>>)
      tpu.yield
    }) : () -> ()
    %mul3A_37 = arith.constant 160 : i32
    %mul3A_38 = arith.muli %add3A, %mul3A_37 : i32
    %add3A_39 = arith.constant 96 : i32
    %add3A_40 = arith.addi %mul3A_38, %add3A_39 : i32
    %dma_start3A_41 = arith.constant 0 : i32
    %dma_start3A_42 = tpu.memref_slice %arg2[%add3A_40, %dma_start3A_41] : memref<5120x64xf32, #tpu.memory_space<hbm>> -> memref<32x64xf32, #tpu.memory_space<hbm>>
    %dma_start3A_43 = arith.constant 0 : i32
    %dma_start3A_44 = tpu.memref_slice %arg2[%add3A_40, %dma_start3A_43] : memref<5120x64xf32, #tpu.memory_space<hbm>> -> memref<32x64xf32, #tpu.memory_space<hbm>>
    tpu.enqueue_dma source(%dma_start3A_44 : memref<32x64xf32, #tpu.memory_space<hbm>>) target(%arg6 : memref<32x64xf32, #tpu.memory_space<vmem>>) target_semaphore(%arg7 : memref<!tpu.dma_semaphore, #tpu.memory_space<semaphore_mem>>)
    %dma_wait3A_45 = arith.constant 0 : i32
    %dma_wait3A_46 = tpu.memref_slice %arg2[%add3A_40, %dma_wait3A_45] : memref<5120x64xf32, #tpu.memory_space<hbm>> -> memref<32x64xf32, #tpu.memory_space<hbm>>
    %dma_wait3A_47 = arith.constant 0 : i32
    %dma_wait3A_48 = tpu.memref_slice %arg2[%add3A_40, %dma_wait3A_47] : memref<5120x64xf32, #tpu.memory_space<hbm>> -> memref<32x64xf32, #tpu.memory_space<hbm>>
    tpu.wait_dma2 semaphore(%arg7 : memref<!tpu.dma_semaphore, #tpu.memory_space<semaphore_mem>>) src(%dma_wait3A_48 : memref<32x64xf32, #tpu.memory_space<hbm>>) dst(%arg6 : memref<32x64xf32, #tpu.memory_space<vmem>>)
    %run_scoped3A_49 = arith.constant 3 : i32
    "tpu.region"() ({
      %run_scoped3A_63 = tpu.sem_alloc : memref<!tpu.dma_semaphore, #tpu.memory_space<semaphore_mem>>
      %dma_start3A_64 = arith.constant 0 : i32
      %dma_start3A_65 = tpu.memref_slice %arg5[%run_scoped3A_49, %dma_start3A_64] : memref<5x32xi32, #tpu.memory_space<vmem>> -> memref<1x32xi32, #tpu.memory_space<vmem>>
      %dma_start3A_66 = tpu.memref_squeeze %dma_start3A_65 : memref<1x32xi32, #tpu.memory_space<vmem>> -> memref<32xi32, #tpu.memory_space<vmem>>
      %dma_start3A_67 = arith.constant 0 : i32
      %dma_start3A_68 = arith.constant 0 : i32
      %dma_start3A_69 = tpu.memref_slice %arg4[%dma_start3A_67, %dma_start3A_68] : memref<5120x64xf32, #tpu.memory_space<hbm>> -> memref<5120x64xf32, #tpu.memory_space<hbm>>
      tpu.enqueue_indirect_dma source(%arg6 : memref<32x64xf32, #tpu.memory_space<vmem>>) target(%dma_start3A_69 : memref<5120x64xf32, #tpu.memory_space<hbm>>) offsets(%dma_start3A_66 : memref<32xi32, #tpu.memory_space<vmem>>) semaphore(%run_scoped3A_63 : memref<!tpu.dma_semaphore, #tpu.memory_space<semaphore_mem>>)
      %dma_wait3A_70 = arith.constant 0 : i32
      %dma_wait3A_71 = tpu.memref_slice %arg5[%run_scoped3A_49, %dma_wait3A_70] : memref<5x32xi32, #tpu.memory_space<vmem>> -> memref<1x32xi32, #tpu.memory_space<vmem>>
      %dma_wait3A_72 = tpu.memref_squeeze %dma_wait3A_71 : memref<1x32xi32, #tpu.memory_space<vmem>> -> memref<32xi32, #tpu.memory_space<vmem>>
      %dma_wait3A_73 = arith.constant 0 : i32
      %dma_wait3A_74 = arith.constant 0 : i32
      %dma_wait3A_75 = tpu.memref_slice %arg4[%dma_wait3A_73, %dma_wait3A_74] : memref<5120x64xf32, #tpu.memory_space<hbm>> -> memref<5120x64xf32, #tpu.memory_space<hbm>>
      tpu.wait_indirect_dma semaphore(%run_scoped3A_63 : memref<!tpu.dma_semaphore, #tpu.memory_space<semaphore_mem>>) src(%arg6 : memref<32x64xf32, #tpu.memory_space<vmem>>) dst(%dma_wait3A_75 : memref<5120x64xf32, #tpu.memory_space<hbm>>)
      tpu.yield
    }) : () -> ()
    %mul3A_50 = arith.constant 160 : i32
    %mul3A_51 = arith.muli %add3A, %mul3A_50 : i32
    %add3A_52 = arith.constant 128 : i32
    %add3A_53 = arith.addi %mul3A_51, %add3A_52 : i32
    %dma_start3A_54 = arith.constant 0 : i32
    %dma_start3A_55 = tpu.memref_slice %arg2[%add3A_53, %dma_start3A_54] : memref<5120x64xf32, #tpu.memory_space<hbm>> -> memref<32x64xf32, #tpu.memory_space<hbm>>
    %dma_start3A_56 = arith.constant 0 : i32
    %dma_start3A_57 = tpu.memref_slice %arg2[%add3A_53, %dma_start3A_56] : memref<5120x64xf32, #tpu.memory_space<hbm>> -> memref<32x64xf32, #tpu.memory_space<hbm>>
    tpu.enqueue_dma source(%dma_start3A_57 : memref<32x64xf32, #tpu.memory_space<hbm>>) target(%arg6 : memref<32x64xf32, #tpu.memory_space<vmem>>) target_semaphore(%arg7 : memref<!tpu.dma_semaphore, #tpu.memory_space<semaphore_mem>>)
    %dma_wait3A_58 = arith.constant 0 : i32
    %dma_wait3A_59 = tpu.memref_slice %arg2[%add3A_53, %dma_wait3A_58] : memref<5120x64xf32, #tpu.memory_space<hbm>> -> memref<32x64xf32, #tpu.memory_space<hbm>>
    %dma_wait3A_60 = arith.constant 0 : i32
    %dma_wait3A_61 = tpu.memref_slice %arg2[%add3A_53, %dma_wait3A_60] : memref<5120x64xf32, #tpu.memory_space<hbm>> -> memref<32x64xf32, #tpu.memory_space<hbm>>
    tpu.wait_dma2 semaphore(%arg7 : memref<!tpu.dma_semaphore, #tpu.memory_space<semaphore_mem>>) src(%dma_wait3A_61 : memref<32x64xf32, #tpu.memory_space<hbm>>) dst(%arg6 : memref<32x64xf32, #tpu.memory_space<vmem>>)
    %run_scoped3A_62 = arith.constant 4 : i32
    "tpu.region"() ({
      %run_scoped3A_63 = tpu.sem_alloc : memref<!tpu.dma_semaphore, #tpu.memory_space<semaphore_mem>>
      %dma_start3A_64 = arith.constant 0 : i32
      %dma_start3A_65 = tpu.memref_slice %arg5[%run_scoped3A_62, %dma_start3A_64] : memref<5x32xi32, #tpu.memory_space<vmem>> -> memref<1x32xi32, #tpu.memory_space<vmem>>
      %dma_start3A_66 = tpu.memref_squeeze %dma_start3A_65 : memref<1x32xi32, #tpu.memory_space<vmem>> -> memref<32xi32, #tpu.memory_space<vmem>>
      %dma_start3A_67 = arith.constant 0 : i32
      %dma_start3A_68 = arith.constant 0 : i32
      %dma_start3A_69 = tpu.memref_slice %arg4[%dma_start3A_67, %dma_start3A_68] : memref<5120x64xf32, #tpu.memory_space<hbm>> -> memref<5120x64xf32, #tpu.memory_space<hbm>>
      tpu.enqueue_indirect_dma source(%arg6 : memref<32x64xf32, #tpu.memory_space<vmem>>) target(%dma_start3A_69 : memref<5120x64xf32, #tpu.memory_space<hbm>>) offsets(%dma_start3A_66 : memref<32xi32, #tpu.memory_space<vmem>>) semaphore(%run_scoped3A_63 : memref<!tpu.dma_semaphore, #tpu.memory_space<semaphore_mem>>)
      %dma_wait3A_70 = arith.constant 0 : i32
      %dma_wait3A_71 = tpu.memref_slice %arg5[%run_scoped3A_62, %dma_wait3A_70] : memref<5x32xi32, #tpu.memory_space<vmem>> -> memref<1x32xi32, #tpu.memory_space<vmem>>
      %dma_wait3A_72 = tpu.memref_squeeze %dma_wait3A_71 : memref<1x32xi32, #tpu.memory_space<vmem>> -> memref<32xi32, #tpu.memory_space<vmem>>
      %dma_wait3A_73 = arith.constant 0 : i32
      %dma_wait3A_74 = arith.constant 0 : i32
      %dma_wait3A_75 = tpu.memref_slice %arg4[%dma_wait3A_73, %dma_wait3A_74] : memref<5120x64xf32, #tpu.memory_space<hbm>> -> memref<5120x64xf32, #tpu.memory_space<hbm>>
      tpu.wait_indirect_dma semaphore(%run_scoped3A_63 : memref<!tpu.dma_semaphore, #tpu.memory_space<semaphore_mem>>) src(%arg6 : memref<32x64xf32, #tpu.memory_space<vmem>>) dst(%dma_wait3A_75 : memref<5120x64xf32, #tpu.memory_space<hbm>>)
      tpu.yield
    }) : () -> ()
    return
  }
}

module attributes {stable_mosaic.version = 14 : i64} {
  func.func @_conv1_pre_body(%arg0: i32, %arg1: memref<2048x128xf32, #tpu.memory_space<vmem>>, %arg2: memref<128x128xf32, #tpu.memory_space<vmem>>, %arg3: memref<2x2048xf32, #tpu.memory_space<vmem>>, %arg4: memref<2048x128xf32, #tpu.memory_space<vmem>>, %arg5: memref<2048xf32, #tpu.memory_space<vmem>>) attributes {dimension_semantics = [#tpu.dimension_semantics<arbitrary>], iteration_bounds = array<i64: 5>, scalar_prefetch = 0 : i64, scratch_operands = 0 : i64, tpu.core_type = #tpu.core_type<tc>, window_params = [{transform_indices = @transform_0, window_bounds = array<i64: 2048, 128>}, {pipeline_mode = #tpu.pipeline_mode<synchronous>, transform_indices = @transform_1, window_bounds = array<i64: 128, 128>}, {transform_indices = @transform_2, window_bounds = array<i64: 2, 2048>}, {transform_indices = @transform_3, window_bounds = array<i64: 2048, 128>}, {transform_indices = @transform_4, window_bounds = array<i64: 2048>}]} {
    %get3A = arith.constant 0 : index
    %get3A_0 = arith.constant 0 : index
    %get3A_1 = vector.load %arg3[%get3A, %get3A_0] : memref<2x2048xf32, #tpu.memory_space<vmem>>, vector<1x2048xf32>
    %get3A_2 = vector.shape_cast %get3A_1 : vector<1x2048xf32> to vector<2048xf32>
    %get3A_3 = arith.constant 1 : index
    %get3A_4 = arith.constant 0 : index
    %get3A_5 = vector.load %arg3[%get3A_3, %get3A_4] : memref<2x2048xf32, #tpu.memory_space<vmem>>, vector<1x2048xf32>
    %get3A_6 = vector.shape_cast %get3A_5 : vector<1x2048xf32> to vector<2048xf32>
    %add3A = arith.addf %get3A_2, %get3A_6 : vector<2048xf32>
    %add3A_7 = arith.constant 1.000000e+00 : f32
    %add3A_8 = vector.broadcast %add3A_7 : f32 to vector<2048xf32>
    %add3A_9 = arith.addf %add3A, %add3A_8 : vector<2048xf32>
    %rsqrt3A = math.rsqrt %add3A_9 : vector<2048xf32>
    %get3A_10 = arith.constant 0 : index
    %get3A_11 = arith.constant 0 : index
    %get3A_12 = vector.load %arg1[%get3A_10, %get3A_11] : memref<2048x128xf32, #tpu.memory_space<vmem>>, vector<2048x128xf32>
    %get3A_13 = arith.constant 0 : index
    %get3A_14 = arith.constant 0 : index
    %get3A_15 = vector.load %arg2[%get3A_13, %get3A_14] : memref<128x128xf32, #tpu.memory_space<vmem>>, vector<128x128xf32>
    %dot_general3A = arith.constant dense<0.000000e+00> : vector<2048x128xf32>
    %dot_general3A_16 = tpu.matmul %get3A_12, %get3A_15, %dot_general3A {dimension_numbers = #tpu.dot_dimension_numbers<[1], [0], [0], [1], [0, 0, 1, 1], [], []>, transpose_lhs_hint = false} : vector<2048x128xf32>, vector<128x128xf32>, vector<2048x128xf32> -> vector<2048x128xf32>
    %broadcast_in_dim3A = vector.shape_cast %rsqrt3A : vector<2048xf32> to vector<2048x1xf32>
    %mul3A = vector.broadcast %broadcast_in_dim3A : vector<2048x1xf32> to vector<2048x128xf32>
    %mul3A_17 = arith.mulf %dot_general3A_16, %mul3A : vector<2048x128xf32>
    %swap3A = arith.constant 0 : index
    %swap3A_18 = arith.constant 0 : index
    %swap3A_19 = vector.load %arg4[%swap3A, %swap3A_18] : memref<2048x128xf32, #tpu.memory_space<vmem>>, vector<2048x128xf32>
    tpu.vector_store %arg4[%swap3A, %swap3A_18], %mul3A_17 {strides = array<i32>} : memref<2048x128xf32, #tpu.memory_space<vmem>>, vector<2048x128xf32>,
    %swap3A_20 = arith.constant 0 : index
    %swap3A_21 = vector.load %arg5[%swap3A_20] : memref<2048xf32, #tpu.memory_space<vmem>>, vector<2048xf32>
    tpu.vector_store %arg5[%swap3A_20], %rsqrt3A {strides = array<i32>} : memref<2048xf32, #tpu.memory_space<vmem>>, vector<2048xf32>,
    return
  }
  func.func @transform_0(%arg0: i32) -> (i32, i32) {
    %c0_i32 = arith.constant 0 : i32
    %c0_i32_0 = arith.constant 0 : i32
    return %arg0, %c0_i32 : i32, i32
  }
  func.func @transform_1(%arg0: i32) -> (i32, i32) {
    %c0_i32 = arith.constant 0 : i32
    %c0_i32_0 = arith.constant 0 : i32
    %c0_i32_1 = arith.constant 0 : i32
    return %c0_i32, %c0_i32_0 : i32, i32
  }
  func.func @transform_2(%arg0: i32) -> (i32, i32) {
    %c0_i32 = arith.constant 0 : i32
    %c0_i32_0 = arith.constant 0 : i32
    return %c0_i32, %arg0 : i32, i32
  }
  func.func @transform_3(%arg0: i32) -> (i32, i32) {
    %c0_i32 = arith.constant 0 : i32
    %c0_i32_0 = arith.constant 0 : i32
    return %arg0, %c0_i32 : i32, i32
  }
  func.func @transform_4(%arg0: i32) -> i32 {
    %c0_i32 = arith.constant 0 : i32
    return %arg0 : i32
  }
}

module attributes {stable_mosaic.version = 14 : i64} {
  func.func @_conv1_post_body(%arg0: i32, %arg1: memref<2x2048x64xf32, #tpu.memory_space<vmem>>, %arg2: memref<2x2048x64xf32, #tpu.memory_space<vmem>>, %arg3: memref<2048x128xf32, #tpu.memory_space<vmem>>, %arg4: memref<2048xf32, #tpu.memory_space<vmem>>, %arg5: memref<1x128xf32, #tpu.memory_space<vmem>>, %arg6: memref<128x1xf32, #tpu.memory_space<vmem>>, %arg7: memref<1x1xf32, #tpu.memory_space<smem>>, %arg8: memref<2048x128xf32, #tpu.memory_space<vmem>>, %arg9: memref<2048xf32, #tpu.memory_space<vmem>>) attributes {dimension_semantics = [#tpu.dimension_semantics<arbitrary>], iteration_bounds = array<i64: 5>, scalar_prefetch = 0 : i64, scratch_operands = 0 : i64, tpu.core_type = #tpu.core_type<tc>, window_params = [{transform_indices = @transform_0, window_bounds = array<i64: 2, 2048, 64>}, {transform_indices = @transform_1, window_bounds = array<i64: 2, 2048, 64>}, {transform_indices = @transform_2, window_bounds = array<i64: 2048, 128>}, {transform_indices = @transform_3, window_bounds = array<i64: 2048>}, {pipeline_mode = #tpu.pipeline_mode<synchronous>, transform_indices = @transform_4, window_bounds = array<i64: 1, 128>}, {pipeline_mode = #tpu.pipeline_mode<synchronous>, transform_indices = @transform_5, window_bounds = array<i64: 128, 1>}, {transform_indices = @transform_6, window_bounds = array<i64: 1, 1>}, {transform_indices = @transform_7, window_bounds = array<i64: 2048, 128>}, {transform_indices = @transform_8, window_bounds = array<i64: 2048>}]} {
    %get3A = arith.constant 0 : index
    %get3A_0 = vector.load %arg4[%get3A] : memref<2048xf32, #tpu.memory_space<vmem>>, vector<2048xf32>
    %broadcast_in_dim3A = vector.shape_cast %get3A_0 : vector<2048xf32> to vector<2048x1xf32>
    %get3A_1 = arith.constant 0 : index
    %get3A_2 = arith.constant 0 : index
    %get3A_3 = vector.load %arg5[%get3A_1, %get3A_2] : memref<1x128xf32, #tpu.memory_space<vmem>>, vector<1x128xf32>
    %get3A_4 = arith.constant 0 : index
    %get3A_5 = arith.constant 0 : index
    %get3A_6 = arith.constant 0 : index
    %get3A_7 = vector.load %arg1[%get3A_4, %get3A_5, %get3A_6] : memref<2x2048x64xf32, #tpu.memory_space<vmem>>, vector<1x2048x64xf32>
    %get3A_8 = vector.shape_cast %get3A_7 : vector<1x2048x64xf32> to vector<2048x64xf32>
    %get3A_9 = arith.constant 1 : index
    %get3A_10 = arith.constant 0 : index
    %get3A_11 = arith.constant 0 : index
    %get3A_12 = vector.load %arg1[%get3A_9, %get3A_10, %get3A_11] : memref<2x2048x64xf32, #tpu.memory_space<vmem>>, vector<1x2048x64xf32>
    %get3A_13 = vector.shape_cast %get3A_12 : vector<1x2048x64xf32> to vector<2048x64xf32>
    %add3A = arith.addf %get3A_8, %get3A_13 : vector<2048x64xf32>
    %get3A_14 = arith.constant 0 : index
    %get3A_15 = arith.constant 0 : index
    %get3A_16 = vector.load %arg3[%get3A_14, %get3A_15] : memref<2048x128xf32, #tpu.memory_space<vmem>>, vector<2048x64xf32>
    %add3A_17 = arith.addf %add3A, %get3A_16 : vector<2048x64xf32>
    %mul3A = vector.broadcast %broadcast_in_dim3A : vector<2048x1xf32> to vector<2048x64xf32>
    %mul3A_18 = arith.mulf %add3A_17, %mul3A : vector<2048x64xf32>
    %slice3A = vector.extract_strided_slice %get3A_3 {offsets = [0, 0], sizes = [1, 64], strides = [1, 1]} : vector<1x128xf32> to vector<1x64xf32>
    %add3A_19 = vector.broadcast %slice3A : vector<1x64xf32> to vector<2048x64xf32>
    %add3A_20 = arith.addf %mul3A_18, %add3A_19 : vector<2048x64xf32>
    %max3A = arith.constant 0.000000e+00 : f32
    %max3A_21 = vector.broadcast %max3A : f32 to vector<2048x64xf32>
    %max3A_22 = arith.maximumf %add3A_20, %max3A_21 : vector<2048x64xf32>
    %get3A_23 = arith.constant 0 : index
    %get3A_24 = arith.constant 0 : index
    %get3A_25 = arith.constant 0 : index
    %get3A_26 = vector.load %arg2[%get3A_23, %get3A_24, %get3A_25] : memref<2x2048x64xf32, #tpu.memory_space<vmem>>, vector<1x2048x64xf32>
    %get3A_27 = vector.shape_cast %get3A_26 : vector<1x2048x64xf32> to vector<2048x64xf32>
    %get3A_28 = arith.constant 1 : index
    %get3A_29 = arith.constant 0 : index
    %get3A_30 = arith.constant 0 : index
    %get3A_31 = vector.load %arg2[%get3A_28, %get3A_29, %get3A_30] : memref<2x2048x64xf32, #tpu.memory_space<vmem>>, vector<1x2048x64xf32>
    %get3A_32 = vector.shape_cast %get3A_31 : vector<1x2048x64xf32> to vector<2048x64xf32>
    %add3A_33 = arith.addf %get3A_27, %get3A_32 : vector<2048x64xf32>
    %get3A_34 = arith.constant 0 : index
    %get3A_35 = arith.constant 64 : index
    %get3A_36 = vector.load %arg3[%get3A_34, %get3A_35] : memref<2048x128xf32, #tpu.memory_space<vmem>>, vector<2048x64xf32>
    %add3A_37 = arith.addf %add3A_33, %get3A_36 : vector<2048x64xf32>
    %mul3A_38 = vector.broadcast %broadcast_in_dim3A : vector<2048x1xf32> to vector<2048x64xf32>
    %mul3A_39 = arith.mulf %add3A_37, %mul3A_38 : vector<2048x64xf32>
    %slice3A_40 = vector.extract_strided_slice %get3A_3 {offsets = [0, 64], sizes = [1, 64], strides = [1, 1]} : vector<1x128xf32> to vector<1x64xf32>
    %add3A_41 = vector.broadcast %slice3A_40 : vector<1x64xf32> to vector<2048x64xf32>
    %add3A_42 = arith.addf %mul3A_39, %add3A_41 : vector<2048x64xf32>
    %max3A_43 = arith.constant 0.000000e+00 : f32
    %max3A_44 = vector.broadcast %max3A_43 : f32 to vector<2048x64xf32>
    %max3A_45 = arith.maximumf %add3A_42, %max3A_44 : vector<2048x64xf32>
    %get3A_46 = arith.constant 0 : index
    %get3A_47 = arith.constant 0 : index
    %get3A_48 = vector.load %arg6[%get3A_46, %get3A_47] : memref<128x1xf32, #tpu.memory_space<vmem>>, vector<128x1xf32>
    %get3A_49 = arith.constant 0 : index
    %get3A_50 = arith.constant 0 : index
    %get3A_51 = memref.load %arg7[%get3A_49, %get3A_50] : memref<1x1xf32, #tpu.memory_space<smem>>
    %mul3A_52 = vector.broadcast %get3A_51 : f32 to vector<128x1xf32>
    %mul3A_53 = arith.mulf %get3A_48, %mul3A_52 : vector<128x1xf32>
    %slice3A_54 = vector.extract_strided_slice %mul3A_53 {offsets = [0, 0], sizes = [64, 1], strides = [1, 1]} : vector<128x1xf32> to vector<64x1xf32>
    %dot_general3A = arith.constant dense<0.000000e+00> : vector<2048x1xf32>
    %dot_general3A_55 = tpu.matmul %max3A_22, %slice3A_54, %dot_general3A {dimension_numbers = #tpu.dot_dimension_numbers<[1], [0], [0], [1], [0, 0, 1, 1], [], []>, transpose_lhs_hint = false} : vector<2048x64xf32>, vector<64x1xf32>, vector<2048x1xf32> -> vector<2048x1xf32>
    %slice3A_56 = vector.extract_strided_slice %mul3A_53 {offsets = [64, 0], sizes = [64, 1], strides = [1, 1]} : vector<128x1xf32> to vector<64x1xf32>
    %dot_general3A_57 = arith.constant dense<0.000000e+00> : vector<2048x1xf32>
    %dot_general3A_58 = tpu.matmul %max3A_45, %slice3A_56, %dot_general3A_57 {dimension_numbers = #tpu.dot_dimension_numbers<[1], [0], [0], [1], [0, 0, 1, 1], [], []>, transpose_lhs_hint = false} : vector<2048x64xf32>, vector<64x1xf32>, vector<2048x1xf32> -> vector<2048x1xf32>
    %add3A_59 = arith.addf %dot_general3A_55, %dot_general3A_58 : vector<2048x1xf32>
    %mul3A_60 = arith.constant 2048 : i32
    %mul3A_61 = arith.muli %arg0, %mul3A_60 : i32
    %iota3A = tpu.iota {dimensions = array<i32: 0>} : vector<2048x1xi32>
    %add3A_62 = vector.broadcast %mul3A_61 : i32 to vector<2048x1xi32>
    %add3A_63 = arith.addi %add3A_62, %iota3A : vector<2048x1xi32>
    %lt3A = arith.constant 10000 : i32
    %lt3A_64 = vector.broadcast %lt3A : i32 to vector<2048x1xi32>
    %lt3A_65 = arith.cmpi slt, %add3A_63, %lt3A_64 : vector<2048x1xi32>
    %tanh3A = math.tanh %add3A_59 : vector<2048x1xf32>
    %jit3A = arith.constant -2.000000e+00 : f32
    %broadcast_in_dim3A_66 = vector.broadcast %jit3A : f32 to vector<2048x1xf32>
    %select_n3A = arith.select %lt3A_65, %tanh3A, %broadcast_in_dim3A_66 : vector<2048x1xi1>, vector<2048x1xf32>
    %mul3A_67 = vector.broadcast %select_n3A : vector<2048x1xf32> to vector<2048x64xf32>
    %mul3A_68 = arith.mulf %max3A_22, %mul3A_67 : vector<2048x64xf32>
    %swap3A = arith.constant 0 : index
    %swap3A_69 = arith.constant 0 : index
    %swap3A_70 = vector.load %arg8[%swap3A, %swap3A_69] : memref<2048x128xf32, #tpu.memory_space<vmem>>, vector<2048x64xf32>
    tpu.vector_store %arg8[%swap3A, %swap3A_69], %mul3A_68 {strides = array<i32>} : memref<2048x128xf32, #tpu.memory_space<vmem>>, vector<2048x64xf32>,
    %mul3A_71 = vector.broadcast %select_n3A : vector<2048x1xf32> to vector<2048x64xf32>
    %mul3A_72 = arith.mulf %max3A_45, %mul3A_71 : vector<2048x64xf32>
    %swap3A_73 = arith.constant 0 : index
    %swap3A_74 = arith.constant 64 : index
    %swap3A_75 = vector.load %arg8[%swap3A_73, %swap3A_74] : memref<2048x128xf32, #tpu.memory_space<vmem>>, vector<2048x64xf32>
    tpu.vector_store %arg8[%swap3A_73, %swap3A_74], %mul3A_72 {strides = array<i32>} : memref<2048x128xf32, #tpu.memory_space<vmem>>, vector<2048x64xf32>,
    %squeeze3A = vector.shape_cast %select_n3A : vector<2048x1xf32> to vector<2048xf32>
    %swap3A_76 = arith.constant 0 : index
    %swap3A_77 = vector.load %arg9[%swap3A_76] : memref<2048xf32, #tpu.memory_space<vmem>>, vector<2048xf32>
    tpu.vector_store %arg9[%swap3A_76], %squeeze3A {strides = array<i32>} : memref<2048xf32, #tpu.memory_space<vmem>>, vector<2048xf32>,
    return
  }
  func.func @transform_0(%arg0: i32) -> (i32, i32, i32) {
    %c0_i32 = arith.constant 0 : i32
    %c0_i32_0 = arith.constant 0 : i32
    %c0_i32_1 = arith.constant 0 : i32
    return %c0_i32, %arg0, %c0_i32_0 : i32, i32, i32
  }
  func.func @transform_1(%arg0: i32) -> (i32, i32, i32) {
    %c0_i32 = arith.constant 0 : i32
    %c0_i32_0 = arith.constant 0 : i32
    %c0_i32_1 = arith.constant 0 : i32
    return %c0_i32, %arg0, %c0_i32_0 : i32, i32, i32
  }
  func.func @transform_2(%arg0: i32) -> (i32, i32) {
    %c0_i32 = arith.constant 0 : i32
    %c0_i32_0 = arith.constant 0 : i32
    return %arg0, %c0_i32 : i32, i32
  }
  func.func @transform_3(%arg0: i32) -> i32 {
    %c0_i32 = arith.constant 0 : i32
    return %arg0 : i32
  }
  func.func @transform_4(%arg0: i32) -> (i32, i32) {
    %c0_i32 = arith.constant 0 : i32
    %c0_i32_0 = arith.constant 0 : i32
    %c0_i32_1 = arith.constant 0 : i32
    return %c0_i32, %c0_i32_0 : i32, i32
  }
  func.func @transform_5(%arg0: i32) -> (i32, i32) {
    %c0_i32 = arith.constant 0 : i32
    %c0_i32_0 = arith.constant 0 : i32
    %c0_i32_1 = arith.constant 0 : i32
    return %c0_i32, %c0_i32_0 : i32, i32
  }
  func.func @transform_6(%arg0: i32) -> (i32, i32) {
    %c0_i32 = arith.constant 0 : i32
    %c0_i32_0 = arith.constant 0 : i32
    %c0_i32_1 = arith.constant 0 : i32
    return %c0_i32, %c0_i32_0 : i32, i32
  }
  func.func @transform_7(%arg0: i32) -> (i32, i32) {
    %c0_i32 = arith.constant 0 : i32
    %c0_i32_0 = arith.constant 0 : i32
    return %arg0, %c0_i32 : i32, i32
  }
  func.func @transform_8(%arg0: i32) -> i32 {
    %c0_i32 = arith.constant 0 : i32
    return %arg0 : i32
  }
}

module attributes {stable_mosaic.version = 14 : i64} {
  func.func @body(%arg0: i32, %arg1: i32, %arg2: memref<1x1024xf32, #tpu.memory_space<vmem>>, %arg3: memref<1x1024xf32, #tpu.memory_space<vmem>>, %arg4: memref<1024xf32, #tpu.memory_space<vmem>>) attributes {dimension_semantics = [#tpu.dimension_semantics<arbitrary>, #tpu.dimension_semantics<arbitrary>], iteration_bounds = array<i64: 10, 10>, scalar_prefetch = 0 : i64, scratch_operands = 0 : i64, tpu.core_type = #tpu.core_type<tc>, window_params = [{transform_indices = @transform_0, window_bounds = array<i64: 1, 1024>}, {transform_indices = @transform_1, window_bounds = array<i64: 1, 1024>}, {transform_indices = @transform_2, window_bounds = array<i64: 1024>}]} {
    %eq3A = arith.constant 0 : i32
    %eq3A_0 = arith.cmpi eq, %arg1, %eq3A : i32
    %convert_element_type3A = arith.extui %eq3A_0 : i1 to i32
    %cond3A = arith.constant 0 : i32
    %cond3A_1 = arith.cmpi ne, %convert_element_type3A, %cond3A : i32
    scf.if %cond3A_1 {
      %broadcast_in_dim3A = arith.constant 0.000000e+00 : f32
      %broadcast_in_dim3A_12 = vector.broadcast %broadcast_in_dim3A : f32 to vector<1024xf32>
      %swap3A = arith.constant 0 : index
      %swap3A_13 = vector.load %arg4[%swap3A] : memref<1024xf32, #tpu.memory_space<vmem>>, vector<1024xf32>
      tpu.vector_store %arg4[%swap3A], %broadcast_in_dim3A_12 {strides = array<i32>} : memref<1024xf32, #tpu.memory_space<vmem>>, vector<1024xf32>,
    } else {
    }
    %gt3A = arith.cmpi sgt, %arg1, %arg0 : i32
    %convert_element_type3A_2 = arith.extui %gt3A : i1 to i32
    %cond3A_3 = arith.constant 0 : i32
    %cond3A_4 = arith.cmpi ne, %convert_element_type3A_2, %cond3A_3 : i32
    scf.if %cond3A_4 {
      %get3A = arith.constant 0 : index
      %get3A_12 = arith.constant 0 : index
      %get3A_13 = vector.load %arg2[%get3A, %get3A_12] : memref<1x1024xf32, #tpu.memory_space<vmem>>, vector<1x1024xf32>
      %get3A_14 = vector.shape_cast %get3A_13 : vector<1x1024xf32> to vector<1024xf32>
      %broadcast_in_dim3A = vector.shape_cast %get3A_14 : vector<1024xf32> to vector<1024x1xf32>
      %get3A_15 = arith.constant 0 : index
      %get3A_16 = arith.constant 0 : index
      %get3A_17 = vector.load %arg3[%get3A_15, %get3A_16] : memref<1x1024xf32, #tpu.memory_space<vmem>>, vector<1x1024xf32>
      %get3A_18 = vector.shape_cast %get3A_17 : vector<1x1024xf32> to vector<1024xf32>
      %broadcast_in_dim3A_19 = vector.shape_cast %get3A_18 : vector<1024xf32> to vector<1x1024xf32>
      %get3A_20 = arith.constant 0 : index
      %get3A_21 = vector.load %arg4[%get3A_20] : memref<1024xf32, #tpu.memory_space<vmem>>, vector<1024xf32>
      %gt3A_22 = vector.broadcast %broadcast_in_dim3A_19 : vector<1x1024xf32> to vector<1024x1024xf32>
      %gt3A_23 = vector.broadcast %broadcast_in_dim3A : vector<1024x1xf32> to vector<1024x1024xf32>
      %gt3A_24 = arith.cmpf ogt, %gt3A_22, %gt3A_23 : vector<1024x1024xf32>
      %jit3A = arith.constant 1.000000e+00 : f32
      %jit3A_25 = arith.constant 0.000000e+00 : f32
      %broadcast_in_dim3A_26 = vector.broadcast %jit3A : f32 to vector<1024x1024xf32>
      %broadcast_in_dim3A_27 = vector.broadcast %jit3A_25 : f32 to vector<1024x1024xf32>
      %select_n3A = arith.select %gt3A_24, %broadcast_in_dim3A_26, %broadcast_in_dim3A_27 : vector<1024x1024xi1>, vector<1024x1024xf32>
      %reduce_sum3A = arith.constant dense<0.000000e+00> : vector<1024xf32>
      %reduce_sum3A_28 = vector.multi_reduction <add>, %select_n3A, %reduce_sum3A [1] : vector<1024x1024xf32> to vector<1024xf32>
      %add3A = arith.addf %get3A_21, %reduce_sum3A_28 : vector<1024xf32>
      %swap3A = arith.constant 0 : index
      %swap3A_29 = vector.load %arg4[%swap3A] : memref<1024xf32, #tpu.memory_space<vmem>>, vector<1024xf32>
      tpu.vector_store %arg4[%swap3A], %add3A {strides = array<i32>} : memref<1024xf32, #tpu.memory_space<vmem>>, vector<1024xf32>,
    } else {
    }
    %lt3A = arith.cmpi slt, %arg1, %arg0 : i32
    %convert_element_type3A_5 = arith.extui %lt3A : i1 to i32
    %cond3A_6 = arith.constant 0 : i32
    %cond3A_7 = arith.cmpi ne, %convert_element_type3A_5, %cond3A_6 : i32
    scf.if %cond3A_7 {
      %get3A = arith.constant 0 : index
      %get3A_12 = arith.constant 0 : index
      %get3A_13 = vector.load %arg2[%get3A, %get3A_12] : memref<1x1024xf32, #tpu.memory_space<vmem>>, vector<1x1024xf32>
      %get3A_14 = vector.shape_cast %get3A_13 : vector<1x1024xf32> to vector<1024xf32>
      %broadcast_in_dim3A = vector.shape_cast %get3A_14 : vector<1024xf32> to vector<1024x1xf32>
      %get3A_15 = arith.constant 0 : index
      %get3A_16 = arith.constant 0 : index
      %get3A_17 = vector.load %arg3[%get3A_15, %get3A_16] : memref<1x1024xf32, #tpu.memory_space<vmem>>, vector<1x1024xf32>
      %get3A_18 = vector.shape_cast %get3A_17 : vector<1x1024xf32> to vector<1024xf32>
      %broadcast_in_dim3A_19 = vector.shape_cast %get3A_18 : vector<1024xf32> to vector<1x1024xf32>
      %get3A_20 = arith.constant 0 : index
      %get3A_21 = vector.load %arg4[%get3A_20] : memref<1024xf32, #tpu.memory_space<vmem>>, vector<1024xf32>
      %ge3A = vector.broadcast %broadcast_in_dim3A_19 : vector<1x1024xf32> to vector<1024x1024xf32>
      %ge3A_22 = vector.broadcast %broadcast_in_dim3A : vector<1024x1xf32> to vector<1024x1024xf32>
      %ge3A_23 = arith.cmpf oge, %ge3A, %ge3A_22 : vector<1024x1024xf32>
      %jit3A = arith.constant 1.000000e+00 : f32
      %jit3A_24 = arith.constant 0.000000e+00 : f32
      %broadcast_in_dim3A_25 = vector.broadcast %jit3A : f32 to vector<1024x1024xf32>
      %broadcast_in_dim3A_26 = vector.broadcast %jit3A_24 : f32 to vector<1024x1024xf32>
      %select_n3A = arith.select %ge3A_23, %broadcast_in_dim3A_25, %broadcast_in_dim3A_26 : vector<1024x1024xi1>, vector<1024x1024xf32>
      %reduce_sum3A = arith.constant dense<0.000000e+00> : vector<1024xf32>
      %reduce_sum3A_27 = vector.multi_reduction <add>, %select_n3A, %reduce_sum3A [1] : vector<1024x1024xf32> to vector<1024xf32>
      %add3A = arith.addf %get3A_21, %reduce_sum3A_27 : vector<1024xf32>
      %swap3A = arith.constant 0 : index
      %swap3A_28 = vector.load %arg4[%swap3A] : memref<1024xf32, #tpu.memory_space<vmem>>, vector<1024xf32>
      tpu.vector_store %arg4[%swap3A], %add3A {strides = array<i32>} : memref<1024xf32, #tpu.memory_space<vmem>>, vector<1024xf32>,
    } else {
    }
    %eq3A_8 = arith.cmpi eq, %arg1, %arg0 : i32
    %convert_element_type3A_9 = arith.extui %eq3A_8 : i1 to i32
    %cond3A_10 = arith.constant 0 : i32
    %cond3A_11 = arith.cmpi ne, %convert_element_type3A_9, %cond3A_10 : i32
    scf.if %cond3A_11 {
      %get3A = arith.constant 0 : index
      %get3A_12 = arith.constant 0 : index
      %get3A_13 = vector.load %arg2[%get3A, %get3A_12] : memref<1x1024xf32, #tpu.memory_space<vmem>>, vector<1x1024xf32>
      %get3A_14 = vector.shape_cast %get3A_13 : vector<1x1024xf32> to vector<1024xf32>
      %broadcast_in_dim3A = vector.shape_cast %get3A_14 : vector<1024xf32> to vector<1024x1xf32>
      %broadcast_in_dim3A_15 = vector.shape_cast %get3A_14 : vector<1024xf32> to vector<1x1024xf32>
      %iota3A = tpu.iota {dimensions = array<i32: 0>} : vector<1024x1024xi32>
      %iota3A_16 = tpu.iota {dimensions = array<i32: 1>} : vector<1024x1024xi32>
      %gt3A_17 = vector.broadcast %broadcast_in_dim3A_15 : vector<1x1024xf32> to vector<1024x1024xf32>
      %gt3A_18 = vector.broadcast %broadcast_in_dim3A : vector<1024x1xf32> to vector<1024x1024xf32>
      %gt3A_19 = arith.cmpf ogt, %gt3A_17, %gt3A_18 : vector<1024x1024xf32>
      %eq3A_20 = vector.broadcast %broadcast_in_dim3A_15 : vector<1x1024xf32> to vector<1024x1024xf32>
      %eq3A_21 = vector.broadcast %broadcast_in_dim3A : vector<1024x1xf32> to vector<1024x1024xf32>
      %eq3A_22 = arith.cmpf oeq, %eq3A_20, %eq3A_21 : vector<1024x1024xf32>
      %lt3A_23 = arith.cmpi slt, %iota3A_16, %iota3A : vector<1024x1024xi32>
      %and3A = arith.andi %eq3A_22, %lt3A_23 : vector<1024x1024xi1>
      %or3A = arith.ori %gt3A_19, %and3A : vector<1024x1024xi1>
      %get3A_24 = arith.constant 0 : index
      %get3A_25 = vector.load %arg4[%get3A_24] : memref<1024xf32, #tpu.memory_space<vmem>>, vector<1024xf32>
      %jit3A = arith.constant 1.000000e+00 : f32
      %jit3A_26 = arith.constant 0.000000e+00 : f32
      %broadcast_in_dim3A_27 = vector.broadcast %jit3A : f32 to vector<1024x1024xf32>
      %broadcast_in_dim3A_28 = vector.broadcast %jit3A_26 : f32 to vector<1024x1024xf32>
      %select_n3A = arith.select %or3A, %broadcast_in_dim3A_27, %broadcast_in_dim3A_28 : vector<1024x1024xi1>, vector<1024x1024xf32>
      %reduce_sum3A = arith.constant dense<0.000000e+00> : vector<1024xf32>
      %reduce_sum3A_29 = vector.multi_reduction <add>, %select_n3A, %reduce_sum3A [1] : vector<1024x1024xf32> to vector<1024xf32>
      %add3A = arith.addf %get3A_25, %reduce_sum3A_29 : vector<1024xf32>
      %swap3A = arith.constant 0 : index
      %swap3A_30 = vector.load %arg4[%swap3A] : memref<1024xf32, #tpu.memory_space<vmem>>, vector<1024xf32>
      tpu.vector_store %arg4[%swap3A], %add3A {strides = array<i32>} : memref<1024xf32, #tpu.memory_space<vmem>>, vector<1024xf32>,
    } else {
    }
    return
  }
  func.func @transform_0(%arg0: i32, %arg1: i32) -> (i32, i32) {
    %c0_i32 = arith.constant 0 : i32
    %c0_i32_0 = arith.constant 0 : i32
    return %c0_i32, %arg0 : i32, i32
  }
  func.func @transform_1(%arg0: i32, %arg1: i32) -> (i32, i32) {
    %c0_i32 = arith.constant 0 : i32
    %c0_i32_0 = arith.constant 0 : i32
    return %c0_i32, %arg1 : i32, i32
  }
  func.func @transform_2(%arg0: i32, %arg1: i32) -> i32 {
    %c0_i32 = arith.constant 0 : i32
    return %arg0 : i32
  }
}

module attributes {stable_mosaic.version = 14 : i64} {
  func.func @_cast_body(%arg0: memref<10240xf32, #tpu.memory_space<vmem>>, %arg1: memref<10240xi32, #tpu.memory_space<vmem>>) attributes {dimension_semantics = [], scalar_prefetch = 0 : i64, scratch_operands = 0 : i64, tpu.core_type = #tpu.core_type<tc>} {
    %get3A = arith.constant 0 : index
    %get3A_0 = vector.load %arg0[%get3A] : memref<10240xf32, #tpu.memory_space<vmem>>, vector<10240xf32>
    %convert_element_type3A = arith.fptosi %get3A_0 : vector<10240xf32> to vector<10240xi32>
    %swap3A = arith.constant 0 : index
    %swap3A_1 = vector.load %arg1[%swap3A] : memref<10240xi32, #tpu.memory_space<vmem>>, vector<10240xi32>
    tpu.vector_store %arg1[%swap3A], %convert_element_type3A {strides = array<i32>} : memref<10240xi32, #tpu.memory_space<vmem>>, vector<10240xi32>,
    return
  }
}

module attributes {stable_mosaic.version = 14 : i64} {
  func.func @_conv2_pre_body(%arg0: i32, %arg1: memref<1024x128xf32, #tpu.memory_space<vmem>>, %arg2: memref<128x64xf32, #tpu.memory_space<vmem>>, %arg3: memref<2x1024xf32, #tpu.memory_space<vmem>>, %arg4: memref<1024x64xf32, #tpu.memory_space<vmem>>, %arg5: memref<1024xf32, #tpu.memory_space<vmem>>) attributes {dimension_semantics = [#tpu.dimension_semantics<arbitrary>], iteration_bounds = array<i64: 10>, scalar_prefetch = 0 : i64, scratch_operands = 0 : i64, tpu.core_type = #tpu.core_type<tc>, window_params = [{transform_indices = @transform_0, window_bounds = array<i64: 1024, 128>}, {pipeline_mode = #tpu.pipeline_mode<synchronous>, transform_indices = @transform_1, window_bounds = array<i64: 128, 64>}, {transform_indices = @transform_2, window_bounds = array<i64: 2, 1024>}, {transform_indices = @transform_3, window_bounds = array<i64: 1024, 64>}, {transform_indices = @transform_4, window_bounds = array<i64: 1024>}]} {
    %get3A = arith.constant 0 : index
    %get3A_0 = arith.constant 0 : index
    %get3A_1 = vector.load %arg3[%get3A, %get3A_0] : memref<2x1024xf32, #tpu.memory_space<vmem>>, vector<1x1024xf32>
    %get3A_2 = vector.shape_cast %get3A_1 : vector<1x1024xf32> to vector<1024xf32>
    %get3A_3 = arith.constant 1 : index
    %get3A_4 = arith.constant 0 : index
    %get3A_5 = vector.load %arg3[%get3A_3, %get3A_4] : memref<2x1024xf32, #tpu.memory_space<vmem>>, vector<1x1024xf32>
    %get3A_6 = vector.shape_cast %get3A_5 : vector<1x1024xf32> to vector<1024xf32>
    %add3A = arith.addf %get3A_2, %get3A_6 : vector<1024xf32>
    %add3A_7 = arith.constant 1.000000e+00 : f32
    %add3A_8 = vector.broadcast %add3A_7 : f32 to vector<1024xf32>
    %add3A_9 = arith.addf %add3A, %add3A_8 : vector<1024xf32>
    %rsqrt3A = math.rsqrt %add3A_9 : vector<1024xf32>
    %get3A_10 = arith.constant 0 : index
    %get3A_11 = arith.constant 0 : index
    %get3A_12 = vector.load %arg1[%get3A_10, %get3A_11] : memref<1024x128xf32, #tpu.memory_space<vmem>>, vector<1024x128xf32>
    %get3A_13 = arith.constant 0 : index
    %get3A_14 = arith.constant 0 : index
    %get3A_15 = vector.load %arg2[%get3A_13, %get3A_14] : memref<128x64xf32, #tpu.memory_space<vmem>>, vector<128x64xf32>
    %dot_general3A = arith.constant dense<0.000000e+00> : vector<1024x64xf32>
    %dot_general3A_16 = tpu.matmul %get3A_12, %get3A_15, %dot_general3A {dimension_numbers = #tpu.dot_dimension_numbers<[1], [0], [0], [1], [0, 0, 1, 1], [], []>, transpose_lhs_hint = false} : vector<1024x128xf32>, vector<128x64xf32>, vector<1024x64xf32> -> vector<1024x64xf32>
    %mul3A = arith.constant 1024 : i32
    %mul3A_17 = arith.muli %arg0, %mul3A : i32
    %iota3A = tpu.iota {dimensions = array<i32: 0>} : vector<1024x1xi32>
    %add3A_18 = vector.broadcast %mul3A_17 : i32 to vector<1024x1xi32>
    %add3A_19 = arith.addi %add3A_18, %iota3A : vector<1024x1xi32>
    %lt3A = arith.constant 5000 : i32
    %lt3A_20 = vector.broadcast %lt3A : i32 to vector<1024x1xi32>
    %lt3A_21 = arith.cmpi slt, %add3A_19, %lt3A_20 : vector<1024x1xi32>
    %broadcast_in_dim3A = vector.shape_cast %rsqrt3A : vector<1024xf32> to vector<1024x1xf32>
    %mul3A_22 = vector.broadcast %broadcast_in_dim3A : vector<1024x1xf32> to vector<1024x64xf32>
    %mul3A_23 = arith.mulf %dot_general3A_16, %mul3A_22 : vector<1024x64xf32>
    %jit3A = arith.constant 0.000000e+00 : f32
    %broadcast_in_dim3A_24 = vector.shape_cast %lt3A_21 : vector<1024x1xi1> to vector<1024x1xi1>
    %broadcast_in_dim3A_25 = vector.broadcast %broadcast_in_dim3A_24 : vector<1024x1xi1> to vector<1024x64xi1>
    %broadcast_in_dim3A_26 = vector.broadcast %jit3A : f32 to vector<1024x64xf32>
    %select_n3A = arith.select %broadcast_in_dim3A_25, %mul3A_23, %broadcast_in_dim3A_26 : vector<1024x64xi1>, vector<1024x64xf32>
    %swap3A = arith.constant 0 : index
    %swap3A_27 = arith.constant 0 : index
    %swap3A_28 = vector.load %arg4[%swap3A, %swap3A_27] : memref<1024x64xf32, #tpu.memory_space<vmem>>, vector<1024x64xf32>
    tpu.vector_store %arg4[%swap3A, %swap3A_27], %select_n3A {strides = array<i32>} : memref<1024x64xf32, #tpu.memory_space<vmem>>, vector<1024x64xf32>,
    %swap3A_29 = arith.constant 0 : index
    %swap3A_30 = vector.load %arg5[%swap3A_29] : memref<1024xf32, #tpu.memory_space<vmem>>, vector<1024xf32>
    tpu.vector_store %arg5[%swap3A_29], %rsqrt3A {strides = array<i32>} : memref<1024xf32, #tpu.memory_space<vmem>>, vector<1024xf32>,
    return
  }
  func.func @transform_0(%arg0: i32) -> (i32, i32) {
    %c0_i32 = arith.constant 0 : i32
    %c0_i32_0 = arith.constant 0 : i32
    return %arg0, %c0_i32 : i32, i32
  }
  func.func @transform_1(%arg0: i32) -> (i32, i32) {
    %c0_i32 = arith.constant 0 : i32
    %c0_i32_0 = arith.constant 0 : i32
    %c0_i32_1 = arith.constant 0 : i32
    return %c0_i32, %c0_i32_0 : i32, i32
  }
  func.func @transform_2(%arg0: i32) -> (i32, i32) {
    %c0_i32 = arith.constant 0 : i32
    %c0_i32_0 = arith.constant 0 : i32
    return %c0_i32, %arg0 : i32, i32
  }
  func.func @transform_3(%arg0: i32) -> (i32, i32) {
    %c0_i32 = arith.constant 0 : i32
    %c0_i32_0 = arith.constant 0 : i32
    return %arg0, %c0_i32 : i32, i32
  }
  func.func @transform_4(%arg0: i32) -> i32 {
    %c0_i32 = arith.constant 0 : i32
    return %arg0 : i32
  }
}

module attributes {stable_mosaic.version = 14 : i64} {
  func.func @_conv2_post_body(%arg0: i32, %arg1: memref<2x1024x64xf32, #tpu.memory_space<vmem>>, %arg2: memref<1024x64xf32, #tpu.memory_space<vmem>>, %arg3: memref<1024xf32, #tpu.memory_space<vmem>>, %arg4: memref<1x64xf32, #tpu.memory_space<vmem>>, %arg5: memref<64x1xf32, #tpu.memory_space<vmem>>, %arg6: memref<1x1xf32, #tpu.memory_space<smem>>, %arg7: memref<1024x64xf32, #tpu.memory_space<vmem>>, %arg8: memref<1024xf32, #tpu.memory_space<vmem>>) attributes {dimension_semantics = [#tpu.dimension_semantics<arbitrary>], iteration_bounds = array<i64: 5>, scalar_prefetch = 0 : i64, scratch_operands = 0 : i64, tpu.core_type = #tpu.core_type<tc>, window_params = [{transform_indices = @transform_0, window_bounds = array<i64: 2, 1024, 64>}, {transform_indices = @transform_1, window_bounds = array<i64: 1024, 64>}, {transform_indices = @transform_2, window_bounds = array<i64: 1024>}, {pipeline_mode = #tpu.pipeline_mode<synchronous>, transform_indices = @transform_3, window_bounds = array<i64: 1, 64>}, {pipeline_mode = #tpu.pipeline_mode<synchronous>, transform_indices = @transform_4, window_bounds = array<i64: 64, 1>}, {transform_indices = @transform_5, window_bounds = array<i64: 1, 1>}, {transform_indices = @transform_6, window_bounds = array<i64: 1024, 64>}, {transform_indices = @transform_7, window_bounds = array<i64: 1024>}]} {
    %get3A = arith.constant 0 : index
    %get3A_0 = vector.load %arg3[%get3A] : memref<1024xf32, #tpu.memory_space<vmem>>, vector<1024xf32>
    %broadcast_in_dim3A = vector.shape_cast %get3A_0 : vector<1024xf32> to vector<1024x1xf32>
    %get3A_1 = arith.constant 0 : index
    %get3A_2 = arith.constant 0 : index
    %get3A_3 = arith.constant 0 : index
    %get3A_4 = vector.load %arg1[%get3A_1, %get3A_2, %get3A_3] : memref<2x1024x64xf32, #tpu.memory_space<vmem>>, vector<1x1024x64xf32>
    %get3A_5 = vector.shape_cast %get3A_4 : vector<1x1024x64xf32> to vector<1024x64xf32>
    %get3A_6 = arith.constant 1 : index
    %get3A_7 = arith.constant 0 : index
    %get3A_8 = arith.constant 0 : index
    %get3A_9 = vector.load %arg1[%get3A_6, %get3A_7, %get3A_8] : memref<2x1024x64xf32, #tpu.memory_space<vmem>>, vector<1x1024x64xf32>
    %get3A_10 = vector.shape_cast %get3A_9 : vector<1x1024x64xf32> to vector<1024x64xf32>
    %add3A = arith.addf %get3A_5, %get3A_10 : vector<1024x64xf32>
    %get3A_11 = arith.constant 0 : index
    %get3A_12 = arith.constant 0 : index
    %get3A_13 = vector.load %arg2[%get3A_11, %get3A_12] : memref<1024x64xf32, #tpu.memory_space<vmem>>, vector<1024x64xf32>
    %add3A_14 = arith.addf %add3A, %get3A_13 : vector<1024x64xf32>
    %mul3A = vector.broadcast %broadcast_in_dim3A : vector<1024x1xf32> to vector<1024x64xf32>
    %mul3A_15 = arith.mulf %add3A_14, %mul3A : vector<1024x64xf32>
    %get3A_16 = arith.constant 0 : index
    %get3A_17 = arith.constant 0 : index
    %get3A_18 = vector.load %arg4[%get3A_16, %get3A_17] : memref<1x64xf32, #tpu.memory_space<vmem>>, vector<1x64xf32>
    %add3A_19 = vector.broadcast %get3A_18 : vector<1x64xf32> to vector<1024x64xf32>
    %add3A_20 = arith.addf %mul3A_15, %add3A_19 : vector<1024x64xf32>
    %max3A = arith.constant 0.000000e+00 : f32
    %max3A_21 = vector.broadcast %max3A : f32 to vector<1024x64xf32>
    %max3A_22 = arith.maximumf %add3A_20, %max3A_21 : vector<1024x64xf32>
    %get3A_23 = arith.constant 0 : index
    %get3A_24 = arith.constant 0 : index
    %get3A_25 = vector.load %arg5[%get3A_23, %get3A_24] : memref<64x1xf32, #tpu.memory_space<vmem>>, vector<64x1xf32>
    %get3A_26 = arith.constant 0 : index
    %get3A_27 = arith.constant 0 : index
    %get3A_28 = memref.load %arg6[%get3A_26, %get3A_27] : memref<1x1xf32, #tpu.memory_space<smem>>
    %mul3A_29 = vector.broadcast %get3A_28 : f32 to vector<64x1xf32>
    %mul3A_30 = arith.mulf %get3A_25, %mul3A_29 : vector<64x1xf32>
    %dot_general3A = arith.constant dense<0.000000e+00> : vector<1024x1xf32>
    %dot_general3A_31 = tpu.matmul %max3A_22, %mul3A_30, %dot_general3A {dimension_numbers = #tpu.dot_dimension_numbers<[1], [0], [0], [1], [0, 0, 1, 1], [], []>, transpose_lhs_hint = false} : vector<1024x64xf32>, vector<64x1xf32>, vector<1024x1xf32> -> vector<1024x1xf32>
    %mul3A_32 = arith.constant 1024 : i32
    %mul3A_33 = arith.muli %arg0, %mul3A_32 : i32
    %iota3A = tpu.iota {dimensions = array<i32: 0>} : vector<1024x1xi32>
    %add3A_34 = vector.broadcast %mul3A_33 : i32 to vector<1024x1xi32>
    %add3A_35 = arith.addi %add3A_34, %iota3A : vector<1024x1xi32>
    %lt3A = arith.constant 5000 : i32
    %lt3A_36 = vector.broadcast %lt3A : i32 to vector<1024x1xi32>
    %lt3A_37 = arith.cmpi slt, %add3A_35, %lt3A_36 : vector<1024x1xi32>
    %tanh3A = math.tanh %dot_general3A_31 : vector<1024x1xf32>
    %jit3A = arith.constant -2.000000e+00 : f32
    %broadcast_in_dim3A_38 = vector.broadcast %jit3A : f32 to vector<1024x1xf32>
    %select_n3A = arith.select %lt3A_37, %tanh3A, %broadcast_in_dim3A_38 : vector<1024x1xi1>, vector<1024x1xf32>
    %mul3A_39 = vector.broadcast %select_n3A : vector<1024x1xf32> to vector<1024x64xf32>
    %mul3A_40 = arith.mulf %max3A_22, %mul3A_39 : vector<1024x64xf32>
    %iota3A_41 = tpu.iota {dimensions = array<i32: 1>} : vector<1024x64xi32>
    %lt3A_42 = arith.constant 62 : i32
    %lt3A_43 = vector.broadcast %lt3A_42 : i32 to vector<1024x64xi32>
    %lt3A_44 = arith.cmpi slt, %iota3A_41, %lt3A_43 : vector<1024x64xi32>
    %jit3A_45 = arith.constant -1.000000e+30 : f32
    %broadcast_in_dim3A_46 = vector.broadcast %jit3A_45 : f32 to vector<1024x64xf32>
    %select_n3A_47 = arith.select %lt3A_44, %mul3A_40, %broadcast_in_dim3A_46 : vector<1024x64xi1>, vector<1024x64xf32>
    %reduce_max3A = arith.constant dense<0xFF800000> : vector<1024xf32>
    %reduce_max3A_48 = vector.multi_reduction <maximumf>, %select_n3A_47, %reduce_max3A [1] : vector<1024x64xf32> to vector<1024xf32>
    %broadcast_in_dim3A_49 = vector.shape_cast %reduce_max3A_48 : vector<1024xf32> to vector<1024x1xf32>
    %sub3A = vector.broadcast %broadcast_in_dim3A_49 : vector<1024x1xf32> to vector<1024x64xf32>
    %sub3A_50 = arith.subf %mul3A_40, %sub3A : vector<1024x64xf32>
    %exp3A = math.exp %sub3A_50 : vector<1024x64xf32>
    %jit3A_51 = arith.constant 0.000000e+00 : f32
    %broadcast_in_dim3A_52 = vector.broadcast %jit3A_51 : f32 to vector<1024x64xf32>
    %select_n3A_53 = arith.select %lt3A_44, %exp3A, %broadcast_in_dim3A_52 : vector<1024x64xi1>, vector<1024x64xf32>
    %sub3A_54 = vector.broadcast %broadcast_in_dim3A_49 : vector<1024x1xf32> to vector<1024x64xf32>
    %sub3A_55 = arith.subf %mul3A_40, %sub3A_54 : vector<1024x64xf32>
    %reduce_sum3A = arith.constant dense<0.000000e+00> : vector<1024xf32>
    %reduce_sum3A_56 = vector.multi_reduction <add>, %select_n3A_53, %reduce_sum3A [1] : vector<1024x64xf32> to vector<1024xf32>
    %broadcast_in_dim3A_57 = vector.shape_cast %reduce_sum3A_56 : vector<1024xf32> to vector<1024x1xf32>
    %log3A = math.log %broadcast_in_dim3A_57 : vector<1024x1xf32>
    %sub3A_58 = vector.broadcast %log3A : vector<1024x1xf32> to vector<1024x64xf32>
    %sub3A_59 = arith.subf %sub3A_55, %sub3A_58 : vector<1024x64xf32>
    %swap3A = arith.constant 0 : index
    %swap3A_60 = arith.constant 0 : index
    %swap3A_61 = vector.load %arg7[%swap3A, %swap3A_60] : memref<1024x64xf32, #tpu.memory_space<vmem>>, vector<1024x64xf32>
    tpu.vector_store %arg7[%swap3A, %swap3A_60], %sub3A_59 {strides = array<i32>} : memref<1024x64xf32, #tpu.memory_space<vmem>>, vector<1024x64xf32>,
    %squeeze3A = vector.shape_cast %select_n3A : vector<1024x1xf32> to vector<1024xf32>
    %swap3A_62 = arith.constant 0 : index
    %swap3A_63 = vector.load %arg8[%swap3A_62] : memref<1024xf32, #tpu.memory_space<vmem>>, vector<1024xf32>
    tpu.vector_store %arg8[%swap3A_62], %squeeze3A {strides = array<i32>} : memref<1024xf32, #tpu.memory_space<vmem>>, vector<1024xf32>,
    return
  }
  func.func @transform_0(%arg0: i32) -> (i32, i32, i32) {
    %c0_i32 = arith.constant 0 : i32
    %c0_i32_0 = arith.constant 0 : i32
    %c0_i32_1 = arith.constant 0 : i32
    return %c0_i32, %arg0, %c0_i32_0 : i32, i32, i32
  }
  func.func @transform_1(%arg0: i32) -> (i32, i32) {
    %c0_i32 = arith.constant 0 : i32
    %c0_i32_0 = arith.constant 0 : i32
    return %arg0, %c0_i32 : i32, i32
  }
  func.func @transform_2(%arg0: i32) -> i32 {
    %c0_i32 = arith.constant 0 : i32
    return %arg0 : i32
  }
  func.func @transform_3(%arg0: i32) -> (i32, i32) {
    %c0_i32 = arith.constant 0 : i32
    %c0_i32_0 = arith.constant 0 : i32
    %c0_i32_1 = arith.constant 0 : i32
    return %c0_i32, %c0_i32_0 : i32, i32
  }
  func.func @transform_4(%arg0: i32) -> (i32, i32) {
    %c0_i32 = arith.constant 0 : i32
    %c0_i32_0 = arith.constant 0 : i32
    %c0_i32_1 = arith.constant 0 : i32
    return %c0_i32, %c0_i32_0 : i32, i32
  }
  func.func @transform_5(%arg0: i32) -> (i32, i32) {
    %c0_i32 = arith.constant 0 : i32
    %c0_i32_0 = arith.constant 0 : i32
    %c0_i32_1 = arith.constant 0 : i32
    return %c0_i32, %c0_i32_0 : i32, i32
  }
  func.func @transform_6(%arg0: i32) -> (i32, i32) {
    %c0_i32 = arith.constant 0 : i32
    %c0_i32_0 = arith.constant 0 : i32
    return %arg0, %c0_i32 : i32, i32
  }
  func.func @transform_7(%arg0: i32) -> i32 {
    %c0_i32 = arith.constant 0 : i32
    return %arg0 : i32
  }
}

module attributes {stable_mosaic.version = 14 : i64} {
  func.func @body(%arg0: i32, %arg1: i32, %arg2: memref<1x1024xf32, #tpu.memory_space<vmem>>, %arg3: memref<1x1024xf32, #tpu.memory_space<vmem>>, %arg4: memref<1024xf32, #tpu.memory_space<vmem>>) attributes {dimension_semantics = [#tpu.dimension_semantics<arbitrary>, #tpu.dimension_semantics<arbitrary>], iteration_bounds = array<i64: 5, 5>, scalar_prefetch = 0 : i64, scratch_operands = 0 : i64, tpu.core_type = #tpu.core_type<tc>, window_params = [{transform_indices = @transform_0, window_bounds = array<i64: 1, 1024>}, {transform_indices = @transform_1, window_bounds = array<i64: 1, 1024>}, {transform_indices = @transform_2, window_bounds = array<i64: 1024>}]} {
    %eq3A = arith.constant 0 : i32
    %eq3A_0 = arith.cmpi eq, %arg1, %eq3A : i32
    %convert_element_type3A = arith.extui %eq3A_0 : i1 to i32
    %cond3A = arith.constant 0 : i32
    %cond3A_1 = arith.cmpi ne, %convert_element_type3A, %cond3A : i32
    scf.if %cond3A_1 {
      %broadcast_in_dim3A = arith.constant 0.000000e+00 : f32
      %broadcast_in_dim3A_12 = vector.broadcast %broadcast_in_dim3A : f32 to vector<1024xf32>
      %swap3A = arith.constant 0 : index
      %swap3A_13 = vector.load %arg4[%swap3A] : memref<1024xf32, #tpu.memory_space<vmem>>, vector<1024xf32>
      tpu.vector_store %arg4[%swap3A], %broadcast_in_dim3A_12 {strides = array<i32>} : memref<1024xf32, #tpu.memory_space<vmem>>, vector<1024xf32>,
    } else {
    }
    %gt3A = arith.cmpi sgt, %arg1, %arg0 : i32
    %convert_element_type3A_2 = arith.extui %gt3A : i1 to i32
    %cond3A_3 = arith.constant 0 : i32
    %cond3A_4 = arith.cmpi ne, %convert_element_type3A_2, %cond3A_3 : i32
    scf.if %cond3A_4 {
      %get3A = arith.constant 0 : index
      %get3A_12 = arith.constant 0 : index
      %get3A_13 = vector.load %arg2[%get3A, %get3A_12] : memref<1x1024xf32, #tpu.memory_space<vmem>>, vector<1x1024xf32>
      %get3A_14 = vector.shape_cast %get3A_13 : vector<1x1024xf32> to vector<1024xf32>
      %broadcast_in_dim3A = vector.shape_cast %get3A_14 : vector<1024xf32> to vector<1024x1xf32>
      %get3A_15 = arith.constant 0 : index
      %get3A_16 = arith.constant 0 : index
      %get3A_17 = vector.load %arg3[%get3A_15, %get3A_16] : memref<1x1024xf32, #tpu.memory_space<vmem>>, vector<1x1024xf32>
      %get3A_18 = vector.shape_cast %get3A_17 : vector<1x1024xf32> to vector<1024xf32>
      %broadcast_in_dim3A_19 = vector.shape_cast %get3A_18 : vector<1024xf32> to vector<1x1024xf32>
      %get3A_20 = arith.constant 0 : index
      %get3A_21 = vector.load %arg4[%get3A_20] : memref<1024xf32, #tpu.memory_space<vmem>>, vector<1024xf32>
      %gt3A_22 = vector.broadcast %broadcast_in_dim3A_19 : vector<1x1024xf32> to vector<1024x1024xf32>
      %gt3A_23 = vector.broadcast %broadcast_in_dim3A : vector<1024x1xf32> to vector<1024x1024xf32>
      %gt3A_24 = arith.cmpf ogt, %gt3A_22, %gt3A_23 : vector<1024x1024xf32>
      %jit3A = arith.constant 1.000000e+00 : f32
      %jit3A_25 = arith.constant 0.000000e+00 : f32
      %broadcast_in_dim3A_26 = vector.broadcast %jit3A : f32 to vector<1024x1024xf32>
      %broadcast_in_dim3A_27 = vector.broadcast %jit3A_25 : f32 to vector<1024x1024xf32>
      %select_n3A = arith.select %gt3A_24, %broadcast_in_dim3A_26, %broadcast_in_dim3A_27 : vector<1024x1024xi1>, vector<1024x1024xf32>
      %reduce_sum3A = arith.constant dense<0.000000e+00> : vector<1024xf32>
      %reduce_sum3A_28 = vector.multi_reduction <add>, %select_n3A, %reduce_sum3A [1] : vector<1024x1024xf32> to vector<1024xf32>
      %add3A = arith.addf %get3A_21, %reduce_sum3A_28 : vector<1024xf32>
      %swap3A = arith.constant 0 : index
      %swap3A_29 = vector.load %arg4[%swap3A] : memref<1024xf32, #tpu.memory_space<vmem>>, vector<1024xf32>
      tpu.vector_store %arg4[%swap3A], %add3A {strides = array<i32>} : memref<1024xf32, #tpu.memory_space<vmem>>, vector<1024xf32>,
    } else {
    }
    %lt3A = arith.cmpi slt, %arg1, %arg0 : i32
    %convert_element_type3A_5 = arith.extui %lt3A : i1 to i32
    %cond3A_6 = arith.constant 0 : i32
    %cond3A_7 = arith.cmpi ne, %convert_element_type3A_5, %cond3A_6 : i32
    scf.if %cond3A_7 {
      %get3A = arith.constant 0 : index
      %get3A_12 = arith.constant 0 : index
      %get3A_13 = vector.load %arg2[%get3A, %get3A_12] : memref<1x1024xf32, #tpu.memory_space<vmem>>, vector<1x1024xf32>
      %get3A_14 = vector.shape_cast %get3A_13 : vector<1x1024xf32> to vector<1024xf32>
      %broadcast_in_dim3A = vector.shape_cast %get3A_14 : vector<1024xf32> to vector<1024x1xf32>
      %get3A_15 = arith.constant 0 : index
      %get3A_16 = arith.constant 0 : index
      %get3A_17 = vector.load %arg3[%get3A_15, %get3A_16] : memref<1x1024xf32, #tpu.memory_space<vmem>>, vector<1x1024xf32>
      %get3A_18 = vector.shape_cast %get3A_17 : vector<1x1024xf32> to vector<1024xf32>
      %broadcast_in_dim3A_19 = vector.shape_cast %get3A_18 : vector<1024xf32> to vector<1x1024xf32>
      %get3A_20 = arith.constant 0 : index
      %get3A_21 = vector.load %arg4[%get3A_20] : memref<1024xf32, #tpu.memory_space<vmem>>, vector<1024xf32>
      %ge3A = vector.broadcast %broadcast_in_dim3A_19 : vector<1x1024xf32> to vector<1024x1024xf32>
      %ge3A_22 = vector.broadcast %broadcast_in_dim3A : vector<1024x1xf32> to vector<1024x1024xf32>
      %ge3A_23 = arith.cmpf oge, %ge3A, %ge3A_22 : vector<1024x1024xf32>
      %jit3A = arith.constant 1.000000e+00 : f32
      %jit3A_24 = arith.constant 0.000000e+00 : f32
      %broadcast_in_dim3A_25 = vector.broadcast %jit3A : f32 to vector<1024x1024xf32>
      %broadcast_in_dim3A_26 = vector.broadcast %jit3A_24 : f32 to vector<1024x1024xf32>
      %select_n3A = arith.select %ge3A_23, %broadcast_in_dim3A_25, %broadcast_in_dim3A_26 : vector<1024x1024xi1>, vector<1024x1024xf32>
      %reduce_sum3A = arith.constant dense<0.000000e+00> : vector<1024xf32>
      %reduce_sum3A_27 = vector.multi_reduction <add>, %select_n3A, %reduce_sum3A [1] : vector<1024x1024xf32> to vector<1024xf32>
      %add3A = arith.addf %get3A_21, %reduce_sum3A_27 : vector<1024xf32>
      %swap3A = arith.constant 0 : index
      %swap3A_28 = vector.load %arg4[%swap3A] : memref<1024xf32, #tpu.memory_space<vmem>>, vector<1024xf32>
      tpu.vector_store %arg4[%swap3A], %add3A {strides = array<i32>} : memref<1024xf32, #tpu.memory_space<vmem>>, vector<1024xf32>,
    } else {
    }
    %eq3A_8 = arith.cmpi eq, %arg1, %arg0 : i32
    %convert_element_type3A_9 = arith.extui %eq3A_8 : i1 to i32
    %cond3A_10 = arith.constant 0 : i32
    %cond3A_11 = arith.cmpi ne, %convert_element_type3A_9, %cond3A_10 : i32
    scf.if %cond3A_11 {
      %get3A = arith.constant 0 : index
      %get3A_12 = arith.constant 0 : index
      %get3A_13 = vector.load %arg2[%get3A, %get3A_12] : memref<1x1024xf32, #tpu.memory_space<vmem>>, vector<1x1024xf32>
      %get3A_14 = vector.shape_cast %get3A_13 : vector<1x1024xf32> to vector<1024xf32>
      %broadcast_in_dim3A = vector.shape_cast %get3A_14 : vector<1024xf32> to vector<1024x1xf32>
      %broadcast_in_dim3A_15 = vector.shape_cast %get3A_14 : vector<1024xf32> to vector<1x1024xf32>
      %iota3A = tpu.iota {dimensions = array<i32: 0>} : vector<1024x1024xi32>
      %iota3A_16 = tpu.iota {dimensions = array<i32: 1>} : vector<1024x1024xi32>
      %gt3A_17 = vector.broadcast %broadcast_in_dim3A_15 : vector<1x1024xf32> to vector<1024x1024xf32>
      %gt3A_18 = vector.broadcast %broadcast_in_dim3A : vector<1024x1xf32> to vector<1024x1024xf32>
      %gt3A_19 = arith.cmpf ogt, %gt3A_17, %gt3A_18 : vector<1024x1024xf32>
      %eq3A_20 = vector.broadcast %broadcast_in_dim3A_15 : vector<1x1024xf32> to vector<1024x1024xf32>
      %eq3A_21 = vector.broadcast %broadcast_in_dim3A : vector<1024x1xf32> to vector<1024x1024xf32>
      %eq3A_22 = arith.cmpf oeq, %eq3A_20, %eq3A_21 : vector<1024x1024xf32>
      %lt3A_23 = arith.cmpi slt, %iota3A_16, %iota3A : vector<1024x1024xi32>
      %and3A = arith.andi %eq3A_22, %lt3A_23 : vector<1024x1024xi1>
      %or3A = arith.ori %gt3A_19, %and3A : vector<1024x1024xi1>
      %get3A_24 = arith.constant 0 : index
      %get3A_25 = vector.load %arg4[%get3A_24] : memref<1024xf32, #tpu.memory_space<vmem>>, vector<1024xf32>
      %jit3A = arith.constant 1.000000e+00 : f32
      %jit3A_26 = arith.constant 0.000000e+00 : f32
      %broadcast_in_dim3A_27 = vector.broadcast %jit3A : f32 to vector<1024x1024xf32>
      %broadcast_in_dim3A_28 = vector.broadcast %jit3A_26 : f32 to vector<1024x1024xf32>
      %select_n3A = arith.select %or3A, %broadcast_in_dim3A_27, %broadcast_in_dim3A_28 : vector<1024x1024xi1>, vector<1024x1024xf32>
      %reduce_sum3A = arith.constant dense<0.000000e+00> : vector<1024xf32>
      %reduce_sum3A_29 = vector.multi_reduction <add>, %select_n3A, %reduce_sum3A [1] : vector<1024x1024xf32> to vector<1024xf32>
      %add3A = arith.addf %get3A_25, %reduce_sum3A_29 : vector<1024xf32>
      %swap3A = arith.constant 0 : index
      %swap3A_30 = vector.load %arg4[%swap3A] : memref<1024xf32, #tpu.memory_space<vmem>>, vector<1024xf32>
      tpu.vector_store %arg4[%swap3A], %add3A {strides = array<i32>} : memref<1024xf32, #tpu.memory_space<vmem>>, vector<1024xf32>,
    } else {
    }
    return
  }
  func.func @transform_0(%arg0: i32, %arg1: i32) -> (i32, i32) {
    %c0_i32 = arith.constant 0 : i32
    %c0_i32_0 = arith.constant 0 : i32
    return %c0_i32, %arg0 : i32, i32
  }
  func.func @transform_1(%arg0: i32, %arg1: i32) -> (i32, i32) {
    %c0_i32 = arith.constant 0 : i32
    %c0_i32_0 = arith.constant 0 : i32
    return %c0_i32, %arg1 : i32, i32
  }
  func.func @transform_2(%arg0: i32, %arg1: i32) -> i32 {
    %c0_i32 = arith.constant 0 : i32
    return %arg0 : i32
  }
}

module attributes {stable_mosaic.version = 14 : i64} {
  func.func @_cast_body(%arg0: memref<5120xf32, #tpu.memory_space<vmem>>, %arg1: memref<5120xi32, #tpu.memory_space<vmem>>) attributes {dimension_semantics = [], scalar_prefetch = 0 : i64, scratch_operands = 0 : i64, tpu.core_type = #tpu.core_type<tc>} {
    %get3A = arith.constant 0 : index
    %get3A_0 = vector.load %arg0[%get3A] : memref<5120xf32, #tpu.memory_space<vmem>>, vector<5120xf32>
    %convert_element_type3A = arith.fptosi %get3A_0 : vector<5120xf32> to vector<5120xi32>
    %swap3A = arith.constant 0 : index
    %swap3A_1 = vector.load %arg1[%swap3A] : memref<5120xi32, #tpu.memory_space<vmem>>, vector<5120xi32>
    tpu.vector_store %arg1[%swap3A], %convert_element_type3A {strides = array<i32>} : memref<5120xi32, #tpu.memory_space<vmem>>, vector<5120xi32>,
    return
  }
}

</mosaic_0001>

<sc_bundles>
// kernel: kernel.16.cloned.1.call-start
scs
__scs_entry_jumppad:
0x0: {  	(pc) =	sbr.rel $0x88, $3  }
0x1: {  	(tag) =	ssettag $0x0;
	lr =	simm.s32 $0x1  }
0x2: {  	[smem:$0x3F99] =	sst lr;
	_ =	strace $0xD0000000  }
0x3: {  	_ = 	snop  }
0x4: {  	_ = 	snop  }
0x5: {  	_ = 	snop  }
0x6: {  	_ = 	snop  }
0x7: {  	_ = 	snop  }
__scs_overlays_trampoline_lowered:
0x8: {  	[smem:$0x3FA8] =	sst s0  }
0x9: {  	[smem:$0x3FA9] =	sst s1  }
0xa: {  	[smem:$0x3FAA] =	sst s2  }
0xb: {  	[smem:$0x3FAB] =	sst s3  }
0xc: {  	[smem:$0x3FAC] =	sst s4  }
0xd: {  	[smem:$0x3FAD] =	sst s5  }
0xe: {  	[smem:$0x3FAE] =	sst s6  }
0xf: {  	[smem:$0x3FAF] =	sst s7  }
0x10: {  	[smem:$0x3FB0] =	sst s8  }
0x11: {  	[smem:$0x3FB1] =	sst s9;
	s0 =	simm.s32 @!p0 $0x0  }
0x12: {  	s1 =	sld [smem:$0x3F97];
	s0 =	simm.s32 @p0 $0x1  }
0x13: {  	[smem:$0x3FB2] =	sst s0;
	s0 =	simm.s32 @!p1 $0x0  }
0x14: {  	s2 =	sld [smem:$0x3F96];
	s0 =	simm.s32 @p1 $0x1  }
0x15: {  	[smem:$0x3FB3] =	sst s0;
	s0 =	simm.s32 @!p2 $0x0  }
0x16: {  	s3 =	sld [smem:$0x3FDB];
	s0 =	simm.s32 @p2 $0x1  }
0x17: {  	s4 =	simm.s32 $0x1BF5;
	[smem:$0x3FB5] =	sst s0  }
0x18: {  	s0 =	sld [smem:$0x3F98];
	_ =	swait.ge [sflag:s4], $0x0  }
0x19: {  	s7 =	sld [smem:$0x3F99]  }
0x1a: {  	s8 =	sadd.s32 $0xFFFFE003, lr  }
0x1b: {  	s9 =	sadd.s32 $0xFFFFFEF7, lr;
	s5 =	simm.s32 $0xFFFFFFFF;
	p2 =	slt.u32 s8, $0xFFFFF086  }
0x1c: {  	p1 =	slt.u32 s9, $0xF7A;
	s5 =	simm.s32 @!p2 $0x0  }
0x1d: {  	s5 =	simm.s32 @p1 $0x1;
	p0 =	seq.s32 s7, s2  }
0x1e: {  	s7 =	smul.u32 @!p0 $0xF7A, s2;
	p2 =	seq.s32 @!p0 s5, $0x0  }
0x1f: {  	s9 =	smul.u32 $0xF7A, s1;
	s8 =	simm.s32 @!p0 $0x1BF5;
	p2 =	por !p2, p0  }
0x20: {  	[sflag:s8] =	ssyncset.s32 @!p0 $0xFFFFF086;
	s6 =	sadd.s32 @!p0 s3, s7;
	s7 =	simm.s32 @!p0 $0x108  }
0x21: {  	s3 =	sadd.s32 s3, s9;
	s6 =	sadd.s32 @!p0 $0x88, s6;
	s7 =	simm.s32 @p2 $0x1082  }
0x22: {  	[simem:s7], [sflag:s8] =	dma.local @!p0 [hbm:s6], $0xF7A  }
0x23: {  	s9 =	sor.u32 $0xD0000000, s2;
	s6 =	simm.s32 $0x108;
	_ =	swait.ge @!p0 [sflag:s8], $0x0  }
0x24: {  	s3 =	sadd.s32 $0x88, s3;
	s6 =	simm.s32 @!p1 $0x1082;
	[sflag:s4] =	ssyncset.s32 $0xFFFFF086  }
0x25: {  	[simem:s6], [sflag:s4] =	dma.local [hbm:s3], $0xF7A  }
0x26: {  	[smem:$0x3F99] =	sst s1;
	(tag) =	ssettag s2;
	_ =	strace s9  }
0x27: {  	s1 =	sld [smem:$0x3FA9]  }
0x28: {  	s2 =	sld [smem:$0x3FAA]  }
0x29: {  	s4 =	sld [smem:$0x3FAC]  }
0x2a: {  	p0 =	seq.s32 s5, $0x0;
	s5 =	sld [smem:$0x3FAD]  }
0x2b: {  	s6 =	sld [smem:$0x3FAE]  }
0x2c: {  	s7 =	sld [smem:$0x3FAF]  }
0x2d: {  	s3 =	simm.s32 $0x108;
	s8 =	sld [smem:$0x3FB0]  }
0x2e: {  	s3 =	simm.s32 @!p0 $0x1082;
	s9 =	sld [smem:$0x3FB1]  }
0x2f: {  	lr =	sadd.s32 s0, s3;
	s0 =	sld [smem:$0x3FA8]  }
0x30: {  	s3 =	sld [smem:$0x3FAB]  }
0x31: {  	[smem:$0x3FB4] =	sst s10  }
0x32: {  	s10 =	sld [smem:$0x3FB2];
	_ =	sdelay $0x3  }
0x33: {  	p0 =	seq.s32 s10, $0x1;
	s10 =	sld [smem:$0x3FB4];
	_ =	sdelay $0x3  }
0x34: {  	[smem:$0x3FB4] =	sst s10  }
0x35: {  	s10 =	sld [smem:$0x3FB3];
	_ =	sdelay $0x3  }
0x36: {  	p1 =	seq.s32 s10, $0x1;
	s10 =	sld [smem:$0x3FB4];
	_ =	sdelay $0x3  }
0x37: {  	[smem:$0x3FB4] =	sst s10  }
0x38: {  	s10 =	sld [smem:$0x3FB5]  }
0x39: {  	_ = 	snop;
	(pc) =	sbr.ind lr, $3  }
0x3a: {  	_ = 	snop  }
0x3b: {  	_ = 	snop  }
0x3c: {  	p2 =	seq.s32 s10, $0x1;
	s10 =	sld [smem:$0x3FB4]  }
0x3d: {  	_ =	shalt  }
0x3e: {  	_ =	shalt  }
0x3f: {  	_ =	shalt  }
0x40: {  	_ =	shalt  }
0x41: {  	_ =	shalt  }
0x42: {  	_ =	shalt  }
0x43: {  	_ =	shalt  }
0x44: {  	_ =	shalt  }
0x45: {  	_ =	shalt  }
0x46: {  	_ =	shalt  }
0x47: {  	_ =	shalt  }
0x48: {  	_ =	shalt  }
0x49: {  	_ =	shalt  }
0x4a: {  	_ =	shalt  }
0x4b: {  	_ =	shalt  }
0x4c: {  	_ =	shalt  }
0x4d: {  	_ =	shalt  }
0x4e: {  	_ =	shalt  }
0x4f: {  	_ =	shalt  }
0x50: {  	_ =	shalt  }
0x51: {  	_ =	shalt  }
0x52: {  	_ =	shalt  }
0x53: {  	_ =	shalt  }
0x54: {  	_ =	shalt  }
0x55: {  	_ =	shalt  }
0x56: {  	_ =	shalt  }
0x57: {  	_ =	shalt  }
0x58: {  	_ =	shalt  }
0x59: {  	_ =	shalt  }
0x5a: {  	_ =	shalt  }
0x5b: {  	_ =	shalt  }
0x5c: {  	_ =	shalt  }
0x5d: {  	_ =	shalt  }
0x5e: {  	_ =	shalt  }
0x5f: {  	_ =	shalt  }
0x60: {  	_ =	shalt  }
0x61: {  	_ =	shalt  }
0x62: {  	_ =	shalt  }
0x63: {  	_ =	shalt  }
0x64: {  	_ =	shalt  }
0x65: {  	_ =	shalt  }
0x66: {  	_ =	shalt  }
0x67: {  	_ =	shalt  }
0x68: {  	_ =	shalt  }
0x69: {  	_ =	shalt  }
0x6a: {  	_ =	shalt  }
0x6b: {  	_ =	shalt  }
0x6c: {  	_ =	shalt  }
0x6d: {  	_ =	shalt  }
0x6e: {  	_ =	shalt  }
0x6f: {  	_ =	shalt  }
0x70: {  	_ =	shalt  }
0x71: {  	_ =	shalt  }
0x72: {  	_ =	shalt  }
0x73: {  	_ =	shalt  }
0x74: {  	_ =	shalt  }
0x75: {  	_ =	shalt  }
0x76: {  	_ =	shalt  }
0x77: {  	_ =	shalt  }
0x78: {  	_ =	shalt  }
0x79: {  	_ =	shalt  }
0x7a: {  	_ =	shalt  }
0x7b: {  	_ =	shalt  }
0x7c: {  	_ =	shalt  }
0x7d: {  	_ =	shalt  }
0x7e: {  	_ =	shalt  }
0x7f: {  	_ =	shalt  }
0x80: {  	_ =	shalt  }
0x81: {  	_ =	shalt  }
0x82: {  	_ =	shalt  }
0x83: {  	_ =	shalt  }
0x84: {  	_ =	shalt  }
0x85: {  	_ =	shalt  }
0x86: {  	_ =	shalt  }
0x87: {  	_ =	shalt  }
.Lfunc_end0:
.L_simem_size_0:
called_computation_lowered:
.L_overlay_start_0:
0x88: {  	s2 =	sld [smem:$0x3FD9]  }
0x89: {  	s3 =	sld [smem:$0x3FFE];
	_ =	sdelay $0x1  }
0x8a: {  	s1 =	srdreg.scid  }
0x8b: {  	s0 =	sand.u32 $0x1, s1  }
0x8c: {  	s17 =	sshll.u32 s0, $0xA;
	s2 =	sadd.s32 s3, s2  }
0x8d: {  	s2 =	sadd.s32 s2, s17  }
0x8e: {  	[smem:$0x3FC0] =	sst s2  }
0x8f: {  	_ = 	snop  }
0x90: {  	s2 =	sld [smem:$0x3FD0];
	(tm) =	ssettm $0x1  }
0x91: {  	s18 =	sld [smem:$0x3FFB];
	_ =	sdelay $0x3  }
0x92: {  	_ =	strace s18  }
0x93: {  	s3 =	sld [smem:$0x3FFC];
	_ =	sdelay $0x3  }
0x94: {  	_ =	strace s3  }
0x95: {  	s3 =	sld [smem:$0x3FFD];
	_ =	sdelay $0x3  }
0x96: {  	_ =	strace s3  }
0x97: {  	_ =	strace $0x8FFFFFFF  }
0x98: {  	s19 =	sld [smem:$0x3FDB];
	_ =	sdelay $0x1  }
0x99: {  	s4 =	simm.s32 $_scs_section_size  }
0x9a: {  	s5 =	simm.s32 $_size__tile_overlayer_lowered;
	s6 =	simm.s32 $_tile_overlayer_lowered  }
0x9b: {  	s22 =	simm.s32 $0x1BFF;
	s21 =	sshll.u32 s6, $0x1;
	s3 =	sadd.s32 s4, s19  }
0x9c: {  	s7 =	simm.s32 $0x0;
	s20 =	sshll.u32 s5, $0x1;
	s5 =	sadd.s32 s21, s3  }
0x9d: {  	[timem:s7], [sflag:s22] =	dma.local [hbm:s5], s20  }
0x9e: {  	_ =	swait.ge [sflag:s22], s20  }
0x9f: {  	s4 =	ssub.s32 $0x0, s20;
	[sflag:s22] =	ssyncset.done $0x0  }
0xa0: {  	[sflag:s22] =	ssyncadd.s32 s4;
	_ =	sdelay $0x1  }
0xa1: {  	s23 =	simm.s32 $0x1B8B  }
0xa2: {  	_ =	swait.ge [sflag:s23], $0x1  }
0xa3: {  	[sflag:s23] =	ssyncset.done $0x0  }
0xa4: {  	s25 =	simm.s32 $0x1B8E;
	s24 =	sld [smem:$0x3FFE];
	[sflag:s23] =	ssyncadd.s32 $0xFFFFFFFF  }
0xa5: {  	s26 =	simm.s32 $execute0_lowered;
	[smem:$0x3FD2] =	sst s25  }
0xa6: {  	s5 =	sshll.u32 s26, $0x1;
	_ =	strace $0x80000046;
	[dreg:$0x1] =	wrdreg $0xFFFFFFFF  }
0xa7: {  	s28 =	simm.s32 $_size_execute0_lowered;
	s3 =	sadd.s32 s3, s5;
	[dreg:$0x0] =	wrdreg $0x0  }
0xa8: {  	s5 =	sshll.u32 s28, $0x1;
	[dreg:$0x2] =	wrdreg s3  }
0xa9: {  	[dreg:$0x3] =	wrdreg s5  }
0xaa: {  	[dreg:$0x4] =	wrdreg $0xC0  }
0xab: {  	_ =	task [dreg:s7], $0x5FFFF  }
0xac: {  	[dreg:$0x1] =	wrdreg $0xFFFFFFFF  }
0xad: {  	[dreg:$0x0] =	wrdreg $0x60  }
0xae: {  	[dreg:$0x2] =	wrdreg s24  }
0xaf: {  	[dreg:$0x3] =	wrdreg s2  }
0xb0: {  	[dreg:$0x4] =	wrdreg $0x29E00  }
0xb1: {  	[dreg:$0x5] =	wrdreg $0x9  }
0xb2: {  	_ =	task.clear_ibuf [dreg:s7], $0x6FFFF;
	_ =	strace $0x90000046  }
0xb3: {  	s29 =	simm.s32 $0x9;
	_ =	strace $0x80000048  }
0xb4: {  	_ =	swait.ge [sflag:s29], $0x1  }
0xb5: {  	[sflag:s29] =	ssyncadd.s32 $0xFFFFFFFF  }
0xb6: {  	_ =	strace $0x90000048  }
0xb7: {  	_ =	sfence  }
0xb8: {  	s30 =	sld [smem:$0x0];
	_ =	sdelay $0x2  }
0xb9: {  	s31 =	sshll.u32 s1, $0xD;
	s1 =	sshrl.u32 s1, $0x2  }
0xba: {  	s3 =	sand.u32 $0x4000, s31;
	s1 =	sadd.s32 s1, s30  }
0xbb: {  	s0 =	sor.u32 s3, s0;
	s1 =	sshll.u32 s1, $0x11  }
0xbc: {  	s0 =	sor.u32 s1, s0  }
0xbd: {  	s0 =	sadd.s32 $0x8F2B, s0  }
0xbe: {  	[sflag:s0] =	ssyncadd.remote.s32 $0x1  }
0xbf: {  	_ =	sfence.sel $0xFFFF  }
0xc0: {  	[dreg:$0x0] =	wrdreg $0xFFFFFFFF;
	(pc) =	sbr.abs _section_cstart, $3  }
0xc1: {  	[dreg:$0x1] =	wrdreg $0xFFFFFFFF  }
0xc2: {  	_ =	task.clear_ibuf [dreg:s7], $0x2FFFF;
	_ =	strace $0x9FFFFFFF  }
0xc3: {  	(tm) =	ssettm $0x7FFFFFFF  }
tec
execute0_lowered:
.L_overlay_start_1:
0x0: {  	(tag) =	ssettag $0x1  }
0x1: {  	s4 =	rddreg [dreg:$0x0]  }
0x2: {  	s6 =	rddreg [dreg:$0x1]  }
0x3: {  	s2 =	rddreg [dreg:$0x2]  }
0x4: {  	s0 =	rddreg [dreg:$0x3]  }
0x5: {  	s3 =	srdreg.scid;
	s1 =	stileid.u32  }
0x6: {  	s11 =	simm.s32 $0x2710;
	s14 =	simm.s32 $0x0;
	s5 =	sand.u32 $0x1, s3  }
0x7: {  	s7 =	sshll.u32 s1, $0x1;
	s8 =	smul.u32 $0x280, s1;
	s3 =	simm.s32 $0x0  }
0x8: {  	s12 =	sshll.u32 s1, $0x6;
	s7 =	sor.u32 s5, s7;
	s9 =	smul.u32 $0x2800, s5  }
0x9: {  	[smem:$0x7FF] =	sst s3;
	s5 =	ssub.s32 $0x2, s5;
	s7 =	smul.u32 $0x4E2, s7  }
0xa: {  	s12 =	sor.u32 $0x1C01, s12;
	_ =	strace $0x80000047;
	s10 =	sshrl.u32 s5, $0x1  }
0xb: {  	s9 =	sadd.s32 s8, s9;
	s10 =	ssub.s32 s5, s10;
	s7 =	sadd.s32 s7, s4  }
0xc: {  	s9 =	sshrl.u32 s9, $0x3;
	s4 =	sadd.s32 s8, s2;
	s8 =	simm.s32 $0x2760  }
0xd: {  	s5 =	sadd.s32 $0xCC00, s7;
	s6 =	sadd.s32 s6, s9;
	s7 =	smax.u32 s10, $0x1  }
0xe: {  	v0 =	vimm.f32 $0.0e+00;
	v1 =	vimm.f32 $1.000000000e+00;
	s9 =	simm.s32 $0x1;
	s10 =	simm.s32 $0x50;
	s13 =	sshrl.u32 s4, $0x3  }
.LBB2_1:
0xf: {  	[tilespmem:$0x2760] =	vst v0  }
0x10: {  	[tilespmem:$0x2770] =	vst v0  }
0x11: {  	[tilespmem:$0x2780] =	vst v0  }
0x12: {  	[tilespmem:$0x2790] =	vst v0  }
0x13: {  	[tilespmem:$0x27A0] =	vst v0  }
0x14: {  	[tilespmem:$0x27B0] =	vst v0  }
0x15: {  	[tilespmem:$0x27C0] =	vst v0  }
0x16: {  	[tilespmem:$0x27D0] =	vst v0  }
0x17: {  	[tilespmem:$0x27E0] =	vst v0  }
0x18: {  	[tilespmem:$0x27F0] =	vst v0  }
0x19: {  	[tilespmem:$0x2800] =	vst v0  }
0x1a: {  	[tilespmem:$0x2810] =	vst v0  }
0x1b: {  	[tilespmem:$0x2820] =	vst v0  }
0x1c: {  	[tilespmem:$0x2830] =	vst v0  }
0x1d: {  	[tilespmem:$0x2840] =	vst v0  }
0x1e: {  	[tilespmem:$0x2850] =	vst v0  }
0x1f: {  	[tilespmem:$0x2860] =	vst v0  }
0x20: {  	[tilespmem:$0x2870] =	vst v0  }
0x21: {  	[tilespmem:$0x2880] =	vst v0  }
0x22: {  	[tilespmem:$0x2890] =	vst v0  }
0x23: {  	[tilespmem:$0x28A0] =	vst v0  }
0x24: {  	[tilespmem:$0x28B0] =	vst v0  }
0x25: {  	[tilespmem:$0x28C0] =	vst v0  }
0x26: {  	[tilespmem:$0x28D0] =	vst v0  }
0x27: {  	[tilespmem:$0x28E0] =	vst v0  }
0x28: {  	[tilespmem:$0x28F0] =	vst v0  }
0x29: {  	[tilespmem:$0x2900] =	vst v0  }
0x2a: {  	[tilespmem:$0x2910] =	vst v0  }
0x2b: {  	[tilespmem:$0x2920] =	vst v0  }
0x2c: {  	[tilespmem:$0x2930] =	vst v0  }
0x2d: {  	[tilespmem:$0x2940] =	vst v0  }
0x2e: {  	[tilespmem:$0x2950] =	vst v0  }
0x2f: {  	[tilespmem:$0x2960] =	vst v0  }
0x30: {  	[tilespmem:$0x2970] =	vst v0  }
0x31: {  	[tilespmem:$0x2980] =	vst v0  }
0x32: {  	[tilespmem:$0x2990] =	vst v0  }
0x33: {  	[tilespmem:$0x29A0] =	vst v0  }
0x34: {  	[tilespmem:$0x29B0] =	vst v0  }
0x35: {  	[tilespmem:$0x29C0] =	vst v0  }
0x36: {  	[tilespmem:$0x29D0] =	vst v0  }
0x37: {  	[tilespmem:$0x2710] =	vst v1  }
0x38: {  	[tilespmem:$0x2720] =	vst v1  }
0x39: {  	[tilespmem:$0x2730] =	vst v1  }
0x3a: {  	[tilespmem:$0x2740] =	vst v1  }
0x3b: {  	[tilespmem:$0x2750] =	vst v1  }
0x3c: {  	[spmem:s4] =	stream.linear.scatter [tilespmem:s8], [sflag:$0x1], $0x280, $0x38;
	[tilespmem:$0x2C60] =	vst v63  }
0x3d: {  	_ =	swait.ge [sflag:s9], $0x280  }
0x3e: {  	[sflag:s9] =	ssyncset.done $0x0  }
0x3f: {  	[sflag:s9] =	ssyncadd.s32 $0xFFFFFD80  }
0x40: {  	[bflag:$0x0] =	sbarrier.arrive $0xFFFF  }
0x41: {  	[tilespmem:s3], [sflag:$0x1] =	stream.linear.gather [hbm4b:s5+s3], $0x2710, $0x38;
	[tilespmem:$0x2C60] =	vst v63  }
0x42: {  	_ =	swait.ge [sflag:s9], $0x2710  }
0x43: {  	[sflag:s9] =	ssyncset.done $0x0  }
0x44: {  	s15 =	simm.s32 $0x0;
	[sflag:s9] =	ssyncadd.s32 $0xFFFFD8F0  }
0x45: {  	[spmem:s2] =	stream.indirect.scatter.add.f32 [tilespmem:s11], [sflag:$0x1], $0x1, s15, s10, $0xb8;
	[tilespmem:$0x2C60] =	vst v63  }
0x46: {  	_ =	swait.ge [sflag:s9], $0x50  }
0x47: {  	s15 =	simm.s32 $0x140;
	[sflag:s9] =	ssyncset.done $0x0  }
.LBB2_2:
0x48: {  	s16 =	sshra.s32 s15, $0x2;
	[sflag:s9] =	ssyncadd.s32 $0xFFFFFFB0;
	p0 =	sne.s32 s15, $0x9B00  }
0x49: {  	[spmem:s2] =	stream.indirect.scatter.add.f32 [tilespmem:s11], [sflag:$0x1], $0x1, s16, s10, $0xb8;
	[tilespmem:$0x2C60] =	vst v63  }
.Ltmp0:
0x4a: {  	_ = 	snop;
	(pc) =	sbr.rel @p0 .LBB2_2-.Ltmp0, $4  }
0x4b: {  	_ = 	snop  }
0x4c: {  	s15 =	sadd.s32 $0x140, s15  }
0x4d: {  	_ =	swait.ge [sflag:s9], $0x50  }
0x4e: {  	[sflag:s9] =	ssyncset.done $0x0  }
0x4f: {  	s14 =	sadd.s32 $0x1, s14  }
0x50: {  	[sflag:s9] =	ssyncadd.s32 $0xFFFFFFB0;
	p0 =	sne.s32 s14, s7  }
.Ltmp1:
0x51: {  	[bflag:$0x0] =	sbarrier.arrive $0xFFFF;
	(pc) =	sbr.rel @p0 .LBB2_1-.Ltmp1, $4  }
0x52: {  	[hbm:s6], [sflag:s12] =	dma.local [spmem:s13], $0x50  }
0x53: {  	_ =	swait.ge [sflag:s9], $0x50  }
0x54: {  	[sflag:s9] =	ssyncset.done $0x0  }
0x55: {  	[sflag:s9] =	ssyncadd.s32 $0xFFFFFFB0  }
0x56: {  	_ =	sfence.sel $0x180000  }
0x57: {  	[bflag:$0x0] =	sbarrier.arrive $0xFFFF  }
0x58: {  	p0 =	sne.s32 s1, $0x0;
	_ =	strace $0x90000047  }
0x59: {  	s0 =	sadd.s32 @!p0 $0x100000, s0;
	[bflag:$0x2] =	sbarrier.arrive $0xFFFF  }
0x5a: {  	[sflag:s0] =	ssyncadd.tile.s32 @!p0 $0x1;
	_ =	shalt  }
.Lfunc_end2:
_tile_overlayer_lowered:
.L_overlay_start_2:
0x5b: {  	(tag) =	ssettag $0x2  }
0x5c: {  	s0 =	rddreg [dreg:$0x0];
	s2 =	stileid.u32  }
0x5d: {  	s1 =	rddreg [dreg:$0x1];
	p0 =	sne.s32 s2, $0x0  }
0x5e: {  	s3 =	rddreg [dreg:$0x2];
	[bflag:$0x3] =	sbarrier.arrive $0xFFFF;
	s2 =	simm.s32 @!p0 $0x1C01  }
0x5f: {  	[timem:s3], [sflag:s2] =	dma.local @!p0 [hbm:s0], s1  }
0x60: {  	s0 =	simm.s32 @!p0 $0x1  }
0x61: {  	_ =	swait.ge @!p0 [sflag:s0], s1  }
0x62: {  	s1 =	ssub.s32 @!p0 $0x0, s1;
	[sflag:s0] =	ssyncset.done @!p0 $0x0  }
0x63: {  	[sflag:s0] =	ssyncadd.s32 @!p0 s1  }
0x64: {  	[bflag:$0x3] =	sbarrier.arrive $0xFFFF  }
0x65: {  	_ =	shalt  }

// kernel: kernel.19.cloned.1.call-start
scs
__scs_entry_jumppad:
0x0: {  	(pc) =	sbr.rel $0x88, $3  }
0x1: {  	(tag) =	ssettag $0x0;
	lr =	simm.s32 $0x1  }
0x2: {  	[smem:$0x3F99] =	sst lr;
	_ =	strace $0xD0000000  }
0x3: {  	_ = 	snop  }
0x4: {  	_ = 	snop  }
0x5: {  	_ = 	snop  }
0x6: {  	_ = 	snop  }
0x7: {  	_ = 	snop  }
__scs_overlays_trampoline_lowered:
0x8: {  	[smem:$0x3FA8] =	sst s0  }
0x9: {  	[smem:$0x3FA9] =	sst s1  }
0xa: {  	[smem:$0x3FAA] =	sst s2  }
0xb: {  	[smem:$0x3FAB] =	sst s3  }
0xc: {  	[smem:$0x3FAC] =	sst s4  }
0xd: {  	[smem:$0x3FAD] =	sst s5  }
0xe: {  	[smem:$0x3FAE] =	sst s6  }
0xf: {  	[smem:$0x3FAF] =	sst s7  }
0x10: {  	[smem:$0x3FB0] =	sst s8  }
0x11: {  	[smem:$0x3FB1] =	sst s9;
	s0 =	simm.s32 @!p0 $0x0  }
0x12: {  	s1 =	sld [smem:$0x3F97];
	s0 =	simm.s32 @p0 $0x1  }
0x13: {  	[smem:$0x3FB2] =	sst s0;
	s0 =	simm.s32 @!p1 $0x0  }
0x14: {  	s2 =	sld [smem:$0x3F96];
	s0 =	simm.s32 @p1 $0x1  }
0x15: {  	[smem:$0x3FB3] =	sst s0;
	s0 =	simm.s32 @!p2 $0x0  }
0x16: {  	s3 =	sld [smem:$0x3FDB];
	s0 =	simm.s32 @p2 $0x1  }
0x17: {  	s4 =	simm.s32 $0x1BF5;
	[smem:$0x3FB5] =	sst s0  }
0x18: {  	s0 =	sld [smem:$0x3F98];
	_ =	swait.ge [sflag:s4], $0x0  }
0x19: {  	s7 =	sld [smem:$0x3F99]  }
0x1a: {  	s8 =	sadd.s32 $0xFFFFE003, lr  }
0x1b: {  	s9 =	sadd.s32 $0xFFFFFEF7, lr;
	s5 =	simm.s32 $0xFFFFFFFF;
	p2 =	slt.u32 s8, $0xFFFFF086  }
0x1c: {  	p1 =	slt.u32 s9, $0xF7A;
	s5 =	simm.s32 @!p2 $0x0  }
0x1d: {  	s5 =	simm.s32 @p1 $0x1;
	p0 =	seq.s32 s7, s2  }
0x1e: {  	s7 =	smul.u32 @!p0 $0xF7A, s2;
	p2 =	seq.s32 @!p0 s5, $0x0  }
0x1f: {  	s9 =	smul.u32 $0xF7A, s1;
	s8 =	simm.s32 @!p0 $0x1BF5;
	p2 =	por !p2, p0  }
0x20: {  	[sflag:s8] =	ssyncset.s32 @!p0 $0xFFFFF086;
	s6 =	sadd.s32 @!p0 s3, s7;
	s7 =	simm.s32 @!p0 $0x108  }
0x21: {  	s3 =	sadd.s32 s3, s9;
	s6 =	sadd.s32 @!p0 $0x88, s6;
	s7 =	simm.s32 @p2 $0x1082  }
0x22: {  	[simem:s7], [sflag:s8] =	dma.local @!p0 [hbm:s6], $0xF7A  }
0x23: {  	s9 =	sor.u32 $0xD0000000, s2;
	s6 =	simm.s32 $0x108;
	_ =	swait.ge @!p0 [sflag:s8], $0x0  }
0x24: {  	s3 =	sadd.s32 $0x88, s3;
	s6 =	simm.s32 @!p1 $0x1082;
	[sflag:s4] =	ssyncset.s32 $0xFFFFF086  }
0x25: {  	[simem:s6], [sflag:s4] =	dma.local [hbm:s3], $0xF7A  }
0x26: {  	[smem:$0x3F99] =	sst s1;
	(tag) =	ssettag s2;
	_ =	strace s9  }
0x27: {  	s1 =	sld [smem:$0x3FA9]  }
0x28: {  	s2 =	sld [smem:$0x3FAA]  }
0x29: {  	s4 =	sld [smem:$0x3FAC]  }
0x2a: {  	p0 =	seq.s32 s5, $0x0;
	s5 =	sld [smem:$0x3FAD]  }
0x2b: {  	s6 =	sld [smem:$0x3FAE]  }
0x2c: {  	s7 =	sld [smem:$0x3FAF]  }
0x2d: {  	s3 =	simm.s32 $0x108;
	s8 =	sld [smem:$0x3FB0]  }
0x2e: {  	s3 =	simm.s32 @!p0 $0x1082;
	s9 =	sld [smem:$0x3FB1]  }
0x2f: {  	lr =	sadd.s32 s0, s3;
	s0 =	sld [smem:$0x3FA8]  }
0x30: {  	s3 =	sld [smem:$0x3FAB]  }
0x31: {  	[smem:$0x3FB4] =	sst s10  }
0x32: {  	s10 =	sld [smem:$0x3FB2];
	_ =	sdelay $0x3  }
0x33: {  	p0 =	seq.s32 s10, $0x1;
	s10 =	sld [smem:$0x3FB4];
	_ =	sdelay $0x3  }
0x34: {  	[smem:$0x3FB4] =	sst s10  }
0x35: {  	s10 =	sld [smem:$0x3FB3];
	_ =	sdelay $0x3  }
0x36: {  	p1 =	seq.s32 s10, $0x1;
	s10 =	sld [smem:$0x3FB4];
	_ =	sdelay $0x3  }
0x37: {  	[smem:$0x3FB4] =	sst s10  }
0x38: {  	s10 =	sld [smem:$0x3FB5]  }
0x39: {  	_ = 	snop;
	(pc) =	sbr.ind lr, $3  }
0x3a: {  	_ = 	snop  }
0x3b: {  	_ = 	snop  }
0x3c: {  	p2 =	seq.s32 s10, $0x1;
	s10 =	sld [smem:$0x3FB4]  }
0x3d: {  	_ =	shalt  }
0x3e: {  	_ =	shalt  }
0x3f: {  	_ =	shalt  }
0x40: {  	_ =	shalt  }
0x41: {  	_ =	shalt  }
0x42: {  	_ =	shalt  }
0x43: {  	_ =	shalt  }
0x44: {  	_ =	shalt  }
0x45: {  	_ =	shalt  }
0x46: {  	_ =	shalt  }
0x47: {  	_ =	shalt  }
0x48: {  	_ =	shalt  }
0x49: {  	_ =	shalt  }
0x4a: {  	_ =	shalt  }
0x4b: {  	_ =	shalt  }
0x4c: {  	_ =	shalt  }
0x4d: {  	_ =	shalt  }
0x4e: {  	_ =	shalt  }
0x4f: {  	_ =	shalt  }
0x50: {  	_ =	shalt  }
0x51: {  	_ =	shalt  }
0x52: {  	_ =	shalt  }
0x53: {  	_ =	shalt  }
0x54: {  	_ =	shalt  }
0x55: {  	_ =	shalt  }
0x56: {  	_ =	shalt  }
0x57: {  	_ =	shalt  }
0x58: {  	_ =	shalt  }
0x59: {  	_ =	shalt  }
0x5a: {  	_ =	shalt  }
0x5b: {  	_ =	shalt  }
0x5c: {  	_ =	shalt  }
0x5d: {  	_ =	shalt  }
0x5e: {  	_ =	shalt  }
0x5f: {  	_ =	shalt  }
0x60: {  	_ =	shalt  }
0x61: {  	_ =	shalt  }
0x62: {  	_ =	shalt  }
0x63: {  	_ =	shalt  }
0x64: {  	_ =	shalt  }
0x65: {  	_ =	shalt  }
0x66: {  	_ =	shalt  }
0x67: {  	_ =	shalt  }
0x68: {  	_ =	shalt  }
0x69: {  	_ =	shalt  }
0x6a: {  	_ =	shalt  }
0x6b: {  	_ =	shalt  }
0x6c: {  	_ =	shalt  }
0x6d: {  	_ =	shalt  }
0x6e: {  	_ =	shalt  }
0x6f: {  	_ =	shalt  }
0x70: {  	_ =	shalt  }
0x71: {  	_ =	shalt  }
0x72: {  	_ =	shalt  }
0x73: {  	_ =	shalt  }
0x74: {  	_ =	shalt  }
0x75: {  	_ =	shalt  }
0x76: {  	_ =	shalt  }
0x77: {  	_ =	shalt  }
0x78: {  	_ =	shalt  }
0x79: {  	_ =	shalt  }
0x7a: {  	_ =	shalt  }
0x7b: {  	_ =	shalt  }
0x7c: {  	_ =	shalt  }
0x7d: {  	_ =	shalt  }
0x7e: {  	_ =	shalt  }
0x7f: {  	_ =	shalt  }
0x80: {  	_ =	shalt  }
0x81: {  	_ =	shalt  }
0x82: {  	_ =	shalt  }
0x83: {  	_ =	shalt  }
0x84: {  	_ =	shalt  }
0x85: {  	_ =	shalt  }
0x86: {  	_ =	shalt  }
0x87: {  	_ =	shalt  }
.Lfunc_end0:
.L_simem_size_0:
called_computation.1_lowered:
.L_overlay_start_0:
0x88: {  	s2 =	sld [smem:$0x3FD9]  }
0x89: {  	s3 =	sld [smem:$0x3FFE];
	_ =	sdelay $0x1  }
0x8a: {  	s1 =	srdreg.scid  }
0x8b: {  	s0 =	sand.u32 $0x1, s1  }
0x8c: {  	s17 =	sshll.u32 s0, $0xA;
	s2 =	sadd.s32 s3, s2  }
0x8d: {  	s2 =	sadd.s32 s2, s17  }
0x8e: {  	[smem:$0x3FC0] =	sst s2  }
0x8f: {  	_ = 	snop  }
0x90: {  	(tm) =	ssettm $0x1  }
0x91: {  	s18 =	sld [smem:$0x3FFB];
	_ =	sdelay $0x3  }
0x92: {  	_ =	strace s18  }
0x93: {  	s2 =	sld [smem:$0x3FFC];
	_ =	sdelay $0x3  }
0x94: {  	_ =	strace s2  }
0x95: {  	s2 =	sld [smem:$0x3FFD];
	_ =	sdelay $0x3  }
0x96: {  	_ =	strace s2  }
0x97: {  	_ =	strace $0x8FFFFFFF  }
0x98: {  	s19 =	sld [smem:$0x3FDB];
	_ =	sdelay $0x1  }
0x99: {  	s20 =	simm.s32 $_scs_section_size  }
0x9a: {  	s4 =	simm.s32 $_size__tile_overlayer_lowered;
	s5 =	simm.s32 $_tile_overlayer_lowered  }
0x9b: {  	s6 =	simm.s32 $0x1BFF;
	s21 =	sshll.u32 s5, $0x1;
	s3 =	sadd.s32 s20, s19  }
0x9c: {  	s22 =	simm.s32 $0x0;
	s4 =	sshll.u32 s4, $0x1;
	s5 =	sadd.s32 s21, s3  }
0x9d: {  	[timem:s22], [sflag:s6] =	dma.local [hbm:s5], s4  }
0x9e: {  	_ =	swait.ge [sflag:s6], s4  }
0x9f: {  	s4 =	ssub.s32 $0x0, s4;
	[sflag:s6] =	ssyncset.done $0x0  }
0xa0: {  	[sflag:s6] =	ssyncadd.s32 s4;
	_ =	sdelay $0x1  }
0xa1: {  	s23 =	simm.s32 $0x1B8B  }
0xa2: {  	_ =	swait.ge [sflag:s23], $0x1  }
0xa3: {  	[sflag:s23] =	ssyncset.done $0x0  }
0xa4: {  	[sflag:s23] =	ssyncadd.s32 $0xFFFFFFFF  }
0xa5: {  	s4 =	sld [smem:$0x0]  }
0xa6: {  	s5 =	sand.u32 $0xFFFFFFFE, s1  }
0xa7: {  	p0 =	sne.s32 s1, s5  }
0xa8: {  	s5 =	sshll.u32 @p0 s5, $0xE  }
0xa9: {  	s5 =	sadd.s32 @p0 $0x11B8D, s5;
	s6 =	sshll.u32 @p0 s4, $0x11  }
0xaa: {  	s5 =	sor.u32 @p0 s6, s5  }
0xab: {  	[sflag:s5] =	ssyncadd.remote.s32 @p0 $0x1;
	_ =	sdelay $0x1  }
0xac: {  	s5 =	simm.s32 @p0 $0x1B8D  }
0xad: {  	_ =	swait.eq @p0 [sflag:s5], $0x1  }
0xae: {  	[sflag:s5] =	ssyncadd.s32 @p0 $0xFFFFFFFF  }
0xaf: {  	s6 =	sshll.u32 @!p0 s1, $0xE  }
0xb0: {  	s6 =	sor.u32 @!p0 $0x4000, s6;
	s5 =	simm.s32 @!p0 $0x1B8D  }
0xb1: {  	s4 =	sshll.u32 @!p0 s4, $0x11;
	s6 =	sadd.s32 @!p0 $0x11B8D, s6;
	_ =	swait.eq @!p0 [sflag:s5], $0x1  }
0xb2: {  	s4 =	sor.u32 @!p0 s4, s6;
	[sflag:s5] =	ssyncadd.s32 @!p0 $0xFFFFFFFF  }
0xb3: {  	s25 =	simm.s32 $0x1B8E;
	s24 =	sld [smem:$0x3FFE];
	[sflag:s4] =	ssyncadd.remote.s32 @!p0 $0x1  }
0xb4: {  	s26 =	simm.s32 $execute0_lowered;
	[smem:$0x3FD2] =	sst s25  }
0xb5: {  	s5 =	sshll.u32 s26, $0x1;
	_ =	strace $0x8000004C;
	[dreg:$0x1] =	wrdreg $0xFFFFFFFF  }
0xb6: {  	s28 =	simm.s32 $_size_execute0_lowered;
	s3 =	sadd.s32 s3, s5;
	[dreg:$0x0] =	wrdreg $0x0  }
0xb7: {  	s5 =	sshll.u32 s28, $0x1;
	[dreg:$0x2] =	wrdreg s3  }
0xb8: {  	[dreg:$0x3] =	wrdreg s5  }
0xb9: {  	[dreg:$0x4] =	wrdreg $0xC0  }
0xba: {  	_ =	task [dreg:s22], $0x5FFFF  }
0xbb: {  	[dreg:$0x1] =	wrdreg $0xFFFFFFFF  }
0xbc: {  	[dreg:$0x0] =	wrdreg $0x60  }
0xbd: {  	[dreg:$0x2] =	wrdreg s24  }
0xbe: {  	[dreg:$0x3] =	wrdreg $0xB2200  }
0xbf: {  	[dreg:$0x4] =	wrdreg $0x9  }
0xc0: {  	_ =	task.clear_ibuf [dreg:s22], $0x5FFFF;
	_ =	strace $0x9000004C  }
0xc1: {  	s29 =	simm.s32 $0x9;
	_ =	strace $0x8000004E  }
0xc2: {  	_ =	swait.ge [sflag:s29], $0x1  }
0xc3: {  	[sflag:s29] =	ssyncadd.s32 $0xFFFFFFFF  }
0xc4: {  	_ =	strace $0x9000004E  }
0xc5: {  	_ =	sfence  }
0xc6: {  	s30 =	sld [smem:$0x0];
	_ =	sdelay $0x2  }
0xc7: {  	s31 =	sshll.u32 s1, $0xD;
	s1 =	sshrl.u32 s1, $0x2  }
0xc8: {  	s4 =	sand.u32 $0x4000, s31;
	s1 =	sadd.s32 s1, s30  }
0xc9: {  	s0 =	sor.u32 s4, s0;
	s1 =	sshll.u32 s1, $0x11  }
0xca: {  	s0 =	sor.u32 s1, s0  }
0xcb: {  	s0 =	sadd.s32 $0x8F2B, s0  }
0xcc: {  	[sflag:s0] =	ssyncadd.remote.s32 $0x1  }
0xcd: {  	_ =	sfence.sel $0xFFFF  }
0xce: {  	[dreg:$0x0] =	wrdreg $0xFFFFFFFF;
	(pc) =	sbr.abs _section_cstart, $3  }
0xcf: {  	[dreg:$0x1] =	wrdreg $0xFFFFFFFF  }
0xd0: {  	_ =	task.clear_ibuf [dreg:s22], $0x2FFFF;
	_ =	strace $0x9FFFFFFF  }
0xd1: {  	(tm) =	ssettm $0x7FFFFFFF  }
tec
execute0_lowered:
.L_overlay_start_1:
0x0: {  	(tag) =	ssettag $0x1  }
0x1: {  	s0 =	srdreg.scid;
	s5 =	rddreg [dreg:$0x0]  }
0x2: {  	s4 =	stileid.u32;
	s2 =	rddreg [dreg:$0x1]  }
0x3: {  	s3 =	simm.s32 $0x0;
	s17 =	simm.s32 $0x4E20;
	s18 =	simm.s32 $0x5  }
0x4: {  	s20 =	simm.s32 $0x50;
	s21 =	simm.s32 $0x6220;
	s22 =	simm.s32 $0x7620  }
0x5: {  	s24 =	simm.s32 $0x8A20;
	s25 =	simm.s32 $0x1;
	s28 =	simm.s32 $0x2  }
0x6: {  	s29 =	simm.s32 $0x3;
	s30 =	simm.s32 $0x4;
	s31 =	simm.s32 $0x4D80  }
0x7: {  	s0 =	sand.u32 $0x1, s0;
	s1 =	sshll.u32 s4, $0x1;
	s6 =	smul.u32 $0xA000, s4  }
0x8: {  	[smem:$0x7FF] =	sst s3;
	s8 =	smul.u32 $0x28000, s4;
	s4 =	sadd.s32 $0x52A00, s5  }
0x9: {  	s1 =	sor.u32 s0, s1;
	s7 =	smul.u32 $0xA0000, s0;
	_ =	strace $0x8000004D  }
0xa: {  	s0 =	ssub.s32 $0x2, s0;
	s1 =	smul.u32 $0x4E2, s1;
	s8 =	sshrl.u32 s8, $0x2  }
0xb: {  	s26 =	sshrl.u32 s0, $0x1;
	s7 =	sadd.s32 s6, s7;
	s12 =	sadd.s32 s8, s2  }
0xc: {  	s0 =	ssub.s32 s0, s26;
	s26 =	simm.s32 $0x9E20;
	s1 =	sadd.s32 s1, s5  }
0xd: {  	s7 =	sshrl.u32 s7, $0x3;
	s8 =	sadd.s32 $0x3C00, s12;
	s9 =	sadd.s32 $0x5000, s12  }
0xe: {  	s10 =	sadd.s32 $0x6400, s12;
	s11 =	sadd.s32 $0x7800, s12;
	s16 =	smax.u32 s0, $0x1  }
0xf: {  	s15 =	sadd.s32 s7, s5;
	s5 =	sadd.s32 s6, s2;
	s6 =	sadd.s32 $0x1400, s12  }
0x10: {  	s7 =	sadd.s32 $0x2800, s12;
	s12 =	sadd.s32 $0x8C00, s12;
	s13 =	sadd.s32 $0x2E00, s1  }
0x11: {  	v0 =	vimm.f32 $0.0e+00;
	s14 =	sadd.s32 $0xCC00, s1;
	s1 =	simm.s32 $0x4DD0;
	s15 =	sadd.s32 $0x66A00, s15  }
.LBB2_1:
0x12: {  	s19 =	simm.s32 $0x100;
	s0 =	simm.s32 $0x0  }
.LBB2_2:
0x13: {  	p0 =	sne.s32 s19, $0x4F00;
	[tilespmem:s0+$0x4E50] =	vst v0;
	s23 =	smov.u32 s19;
	s19 =	sadd.s32 $0x100, s19  }
.Ltmp0:
0x14: {  	[tilespmem:s0+$0x4E40] =	vst v0;
	(pc) =	sbr.rel @p0 .LBB2_2-.Ltmp0, $3  }
0x15: {  	[tilespmem:s0+$0x4E20] =	vst v0  }
0x16: {  	[tilespmem:s0+$0x4E30] =	vst v0;
	_ =	sdelay $0x1  }
0x17: {  	s0 =	sshra.s32 s23, $0x2  }
0x18: {  	[tilespmem:s0+$0x4E50] =	vst v0  }
0x19: {  	[tilespmem:s0+$0x4E40] =	vst v0  }
0x1a: {  	[tilespmem:s0+$0x4E20] =	vst v0  }
0x1b: {  	[tilespmem:s0+$0x4E30] =	vst v0  }
0x1c: {  	[spmem:s5] =	stream.linear.scatter [tilespmem:s17], [sflag:$0x5], $0x1400, $0x38;
	[tilespmem:$0x15220] =	vst v63  }
0x1d: {  	_ =	swait.ge [sflag:s18], $0x1400  }
0x1e: {  	[sflag:s18] =	ssyncset.done $0x0  }
0x1f: {  	[sflag:s18] =	ssyncadd.s32 $0xFFFFEC00  }
0x20: {  	[spmem:s6] =	stream.linear.scatter [tilespmem:s17], [sflag:$0x5], $0x1400, $0x38;
	[tilespmem:$0x15220] =	vst v63  }
0x21: {  	_ =	swait.ge [sflag:s18], $0x1400  }
0x22: {  	[sflag:s18] =	ssyncset.done $0x0  }
0x23: {  	[sflag:s18] =	ssyncadd.s32 $0xFFFFEC00  }
0x24: {  	[spmem:s7] =	stream.linear.scatter [tilespmem:s17], [sflag:$0x5], $0x1400, $0x38;
	[tilespmem:$0x15220] =	vst v63  }
0x25: {  	_ =	swait.ge [sflag:s18], $0x1400  }
0x26: {  	[sflag:s18] =	ssyncset.done $0x0  }
0x27: {  	[sflag:s18] =	ssyncadd.s32 $0xFFFFEC00  }
0x28: {  	[spmem:s8] =	stream.linear.scatter [tilespmem:s17], [sflag:$0x5], $0x1400, $0x38;
	[tilespmem:$0x15220] =	vst v63  }
0x29: {  	_ =	swait.ge [sflag:s18], $0x1400  }
0x2a: {  	[sflag:s18] =	ssyncset.done $0x0  }
0x2b: {  	[sflag:s18] =	ssyncadd.s32 $0xFFFFEC00  }
0x2c: {  	[spmem:s9] =	stream.linear.scatter [tilespmem:s17], [sflag:$0x5], $0x1400, $0x38;
	[tilespmem:$0x15220] =	vst v63  }
0x2d: {  	_ =	swait.ge [sflag:s18], $0x1400  }
0x2e: {  	[sflag:s18] =	ssyncset.done $0x0  }
0x2f: {  	[sflag:s18] =	ssyncadd.s32 $0xFFFFEC00  }
0x30: {  	[spmem:s10] =	stream.linear.scatter [tilespmem:s17], [sflag:$0x5], $0x1400, $0x38;
	[tilespmem:$0x15220] =	vst v63  }
0x31: {  	_ =	swait.ge [sflag:s18], $0x1400  }
0x32: {  	[sflag:s18] =	ssyncset.done $0x0  }
0x33: {  	[sflag:s18] =	ssyncadd.s32 $0xFFFFEC00  }
0x34: {  	[spmem:s11] =	stream.linear.scatter [tilespmem:s17], [sflag:$0x5], $0x1400, $0x38;
	[tilespmem:$0x15220] =	vst v63  }
0x35: {  	_ =	swait.ge [sflag:s18], $0x1400  }
0x36: {  	[sflag:s18] =	ssyncset.done $0x0  }
0x37: {  	[sflag:s18] =	ssyncadd.s32 $0xFFFFEC00  }
0x38: {  	[spmem:s12] =	stream.linear.scatter [tilespmem:s17], [sflag:$0x5], $0x1400, $0x38;
	[tilespmem:$0x15220] =	vst v63  }
0x39: {  	_ =	swait.ge [sflag:s18], $0x1400  }
0x3a: {  	[sflag:s18] =	ssyncset.done $0x0  }
0x3b: {  	[sflag:s18] =	ssyncadd.s32 $0xFFFFEC00  }
0x3c: {  	s23 =	simm.s32 $0x0;
	[bflag:$0x0] =	sbarrier.arrive $0xFFFF  }
0x3d: {  	[tilespmem:s23], [sflag:$0x5] =	stream.linear.gather [hbm4b:s13+s23], $0x2710, $0x38;
	[tilespmem:$0x15220] =	vst v63  }
0x3e: {  	_ =	swait.ge [sflag:s18], $0x2710  }
0x3f: {  	[sflag:s18] =	ssyncset.done $0x0  }
0x40: {  	s19 =	simm.s32 $0x2710;
	[sflag:s18] =	ssyncadd.s32 $0xFFFFD8F0  }
0x41: {  	[tilespmem:s19], [sflag:$0x5] =	stream.linear.gather [hbm4b:s14+s23], $0x2710, $0x38;
	[tilespmem:$0x15220] =	vst v63  }
0x42: {  	_ =	swait.ge [sflag:s18], $0x2710  }
0x43: {  	[sflag:s18] =	ssyncset.done $0x0  }
0x44: {  	[sflag:s18] =	ssyncadd.s32 $0xFFFFD8F0  }
0x45: {  	[tilespmem:s21], [sflag:$0x1] =	stream.indirect.gather [hbm4b:s4+s20], $0x40, s23, s20, $0xb8;
	[tilespmem:$0x15220] =	vst v63  }
0x46: {  	_ = 	snop  }
0x47: {  	[tilespmem:s22], [sflag:$0x2] =	stream.indirect.gather [hbm4b:s4+s20], $0x40, s20, s20, $0xb8;
	[tilespmem:$0x15220] =	vst v63  }
0x48: {  	s23 =	simm.s32 $0xA0  }
0x49: {  	[tilespmem:s24], [sflag:$0x3] =	stream.indirect.gather [hbm4b:s4+s20], $0x40, s23, s20, $0xb8;
	[tilespmem:$0x15220] =	vst v63  }
0x4a: {  	_ =	swait.ge [sflag:s25], $0x1400  }
0x4b: {  	[sflag:s25] =	ssyncset.done $0x0  }
0x4c: {  	s19 =	simm.s32 $0xF0;
	[sflag:s25] =	ssyncadd.s32 $0xFFFFEC00  }
0x4d: {  	[tilespmem:s26], [sflag:$0x4] =	stream.indirect.gather [hbm4b:s4+s20], $0x40, s19, s20, $0xb8;
	[tilespmem:$0x15220] =	vst v63  }
0x4e: {  	s23 =	simm.s32 $0x2710  }
0x4f: {  	[spmem:s2] =	stream.indirect.scatter.add.f32 [tilespmem:s21], [sflag:$0x5], $0x40, s23, s20, $0xb8;
	[tilespmem:$0x15220] =	vst v63  }
0x50: {  	_ =	swait.ge [sflag:s18], $0x1400  }
0x51: {  	[sflag:s18] =	ssyncset.done $0x0  }
0x52: {  	[sflag:s18] =	ssyncadd.s32 $0xFFFFEC00  }
0x53: {  	_ =	swait.ge [sflag:s28], $0x1400  }
0x54: {  	[sflag:s28] =	ssyncset.done $0x0  }
0x55: {  	s19 =	simm.s32 $0x140;
	[sflag:s28] =	ssyncadd.s32 $0xFFFFEC00  }
0x56: {  	[tilespmem:s21], [sflag:$0x1] =	stream.indirect.gather [hbm4b:s4+s20], $0x40, s19, s20, $0xb8;
	[tilespmem:$0x15220] =	vst v63  }
0x57: {  	s23 =	simm.s32 $0x2760  }
0x58: {  	[spmem:s2] =	stream.indirect.scatter.add.f32 [tilespmem:s22], [sflag:$0x5], $0x40, s23, s20, $0xb8;
	[tilespmem:$0x15220] =	vst v63  }
0x59: {  	_ =	swait.ge [sflag:s18], $0x1400  }
0x5a: {  	[sflag:s18] =	ssyncset.done $0x0  }
0x5b: {  	[sflag:s18] =	ssyncadd.s32 $0xFFFFEC00  }
0x5c: {  	_ =	swait.ge [sflag:s29], $0x1400  }
0x5d: {  	[sflag:s29] =	ssyncset.done $0x0  }
0x5e: {  	s19 =	simm.s32 $0x190;
	[sflag:s29] =	ssyncadd.s32 $0xFFFFEC00  }
0x5f: {  	[tilespmem:s22], [sflag:$0x2] =	stream.indirect.gather [hbm4b:s4+s20], $0x40, s19, s20, $0xb8;
	[tilespmem:$0x15220] =	vst v63  }
0x60: {  	s23 =	simm.s32 $0x27B0  }
0x61: {  	[spmem:s2] =	stream.indirect.scatter.add.f32 [tilespmem:s24], [sflag:$0x5], $0x40, s23, s20, $0xb8;
	[tilespmem:$0x15220] =	vst v63  }
0x62: {  	_ =	swait.ge [sflag:s18], $0x1400  }
0x63: {  	[sflag:s18] =	ssyncset.done $0x0  }
0x64: {  	[sflag:s18] =	ssyncadd.s32 $0xFFFFEC00  }
0x65: {  	_ =	swait.ge [sflag:s30], $0x1400  }
0x66: {  	[sflag:s30] =	ssyncset.done $0x0  }
0x67: {  	s19 =	simm.s32 $0x1E0;
	[sflag:s30] =	ssyncadd.s32 $0xFFFFEC00  }
0x68: {  	[tilespmem:s24], [sflag:$0x3] =	stream.indirect.gather [hbm4b:s4+s20], $0x40, s19, s20, $0xb8;
	[tilespmem:$0x15220] =	vst v63  }
0x69: {  	s23 =	simm.s32 $0x2800  }
0x6a: {  	[spmem:s2] =	stream.indirect.scatter.add.f32 [tilespmem:s26], [sflag:$0x5], $0x40, s23, s20, $0xb8;
	[tilespmem:$0x15220] =	vst v63  }
0x6b: {  	_ =	swait.ge [sflag:s18], $0x1400  }
0x6c: {  	s0 =	simm.s32 $0x500;
	[sflag:s18] =	ssyncset.done $0x0  }
.LBB2_4:
0x6d: {  	p0 =	sne.s32 s0, $0x9100  }
0x6e: {  	[sflag:s18] =	ssyncadd.s32 $0xFFFFEC00;
	s19 =	smov.u32 s0;
	s0 =	sadd.s32 $0x500, s0  }
0x6f: {  	_ = 	snop  }
0x70: {  	_ =	swait.ge [sflag:s25], $0x1400  }
0x71: {  	s19 =	sshra.s32 s19, $0x2;
	[sflag:s25] =	ssyncset.done $0x0  }
0x72: {  	s23 =	sadd.s32 $0xF0, s19;
	[sflag:s25] =	ssyncadd.s32 $0xFFFFEC00  }
0x73: {  	[tilespmem:s26], [sflag:$0x4] =	stream.indirect.gather [hbm4b:s4+s20], $0x40, s23, s20, $0xb8;
	[tilespmem:$0x15220] =	vst v63  }
0x74: {  	s23 =	sadd.s32 $0x2710, s19  }
0x75: {  	[spmem:s2] =	stream.indirect.scatter.add.f32 [tilespmem:s21], [sflag:$0x5], $0x40, s23, s20, $0xb8;
	[tilespmem:$0x15220] =	vst v63  }
0x76: {  	_ =	swait.ge [sflag:s18], $0x1400  }
0x77: {  	[sflag:s18] =	ssyncset.done $0x0  }
0x78: {  	[sflag:s18] =	ssyncadd.s32 $0xFFFFEC00  }
0x79: {  	_ =	swait.ge [sflag:s28], $0x1400  }
0x7a: {  	[sflag:s28] =	ssyncset.done $0x0  }
0x7b: {  	s23 =	sadd.s32 $0x140, s19;
	[sflag:s28] =	ssyncadd.s32 $0xFFFFEC00  }
0x7c: {  	[tilespmem:s21], [sflag:$0x1] =	stream.indirect.gather [hbm4b:s4+s20], $0x40, s23, s20, $0xb8;
	[tilespmem:$0x15220] =	vst v63  }
0x7d: {  	s23 =	sadd.s32 $0x2760, s19  }
0x7e: {  	[spmem:s2] =	stream.indirect.scatter.add.f32 [tilespmem:s22], [sflag:$0x5], $0x40, s23, s20, $0xb8;
	[tilespmem:$0x15220] =	vst v63  }
0x7f: {  	_ =	swait.ge [sflag:s18], $0x1400  }
0x80: {  	[sflag:s18] =	ssyncset.done $0x0  }
0x81: {  	[sflag:s18] =	ssyncadd.s32 $0xFFFFEC00  }
0x82: {  	_ =	swait.ge [sflag:s29], $0x1400  }
0x83: {  	[sflag:s29] =	ssyncset.done $0x0  }
0x84: {  	s23 =	sadd.s32 $0x190, s19;
	[sflag:s29] =	ssyncadd.s32 $0xFFFFEC00  }
0x85: {  	[tilespmem:s22], [sflag:$0x2] =	stream.indirect.gather [hbm4b:s4+s20], $0x40, s23, s20, $0xb8;
	[tilespmem:$0x15220] =	vst v63  }
0x86: {  	s23 =	sadd.s32 $0x27B0, s19  }
0x87: {  	[spmem:s2] =	stream.indirect.scatter.add.f32 [tilespmem:s24], [sflag:$0x5], $0x40, s23, s20, $0xb8;
	[tilespmem:$0x15220] =	vst v63  }
0x88: {  	_ =	swait.ge [sflag:s18], $0x1400  }
0x89: {  	[sflag:s18] =	ssyncset.done $0x0  }
0x8a: {  	[sflag:s18] =	ssyncadd.s32 $0xFFFFEC00  }
0x8b: {  	_ =	swait.ge [sflag:s30], $0x1400  }
0x8c: {  	[sflag:s30] =	ssyncset.done $0x0  }
0x8d: {  	s23 =	sadd.s32 $0x1E0, s19;
	[sflag:s30] =	ssyncadd.s32 $0xFFFFEC00  }
0x8e: {  	[tilespmem:s24], [sflag:$0x3] =	stream.indirect.gather [hbm4b:s4+s20], $0x40, s23, s20, $0xb8;
	[tilespmem:$0x15220] =	vst v63  }
.Ltmp1:
0x8f: {  	_ = 	snop;
	(pc) =	sbr.rel @p0 .LBB2_4-.Ltmp1, $4  }
0x90: {  	s19 =	sadd.s32 $0x2800, s19  }
0x91: {  	[spmem:s2] =	stream.indirect.scatter.add.f32 [tilespmem:s26], [sflag:$0x5], $0x40, s19, s20, $0xb8;
	[tilespmem:$0x15220] =	vst v63  }
0x92: {  	_ =	swait.ge [sflag:s18], $0x1400  }
0x93: {  	[sflag:s18] =	ssyncset.done $0x0  }
0x94: {  	[sflag:s18] =	ssyncadd.s32 $0xFFFFEC00  }
0x95: {  	_ =	swait.ge [sflag:s25], $0x1400  }
0x96: {  	[sflag:s25] =	ssyncset.done $0x0  }
0x97: {  	s0 =	simm.s32 $0x2670;
	[sflag:s25] =	ssyncadd.s32 $0xFFFFEC00  }
0x98: {  	[tilespmem:s26], [sflag:$0x4] =	stream.indirect.gather [hbm4b:s4+s20], $0x40, s0, s20, $0xb8;
	[tilespmem:$0x15220] =	vst v63  }
0x99: {  	s23 =	simm.s32 $0x4C90  }
0x9a: {  	[spmem:s2] =	stream.indirect.scatter.add.f32 [tilespmem:s21], [sflag:$0x5], $0x40, s23, s20, $0xb8;
	[tilespmem:$0x15220] =	vst v63  }
0x9b: {  	_ =	swait.ge [sflag:s18], $0x1400  }
0x9c: {  	[sflag:s18] =	ssyncset.done $0x0  }
0x9d: {  	[sflag:s18] =	ssyncadd.s32 $0xFFFFEC00  }
0x9e: {  	_ =	swait.ge [sflag:s28], $0x1400  }
0x9f: {  	[sflag:s28] =	ssyncset.done $0x0  }
0xa0: {  	s19 =	simm.s32 $0x26C0;
	[sflag:s28] =	ssyncadd.s32 $0xFFFFEC00  }
0xa1: {  	[tilespmem:s21], [sflag:$0x1] =	stream.indirect.gather [hbm4b:s4+s20], $0x40, s19, s20, $0xb8;
	[tilespmem:$0x15220] =	vst v63  }
0xa2: {  	s23 =	simm.s32 $0x4CE0  }
0xa3: {  	[spmem:s2] =	stream.indirect.scatter.add.f32 [tilespmem:s22], [sflag:$0x5], $0x40, s23, s20, $0xb8;
	[tilespmem:$0x15220] =	vst v63  }
0xa4: {  	_ =	swait.ge [sflag:s18], $0x1400  }
0xa5: {  	[sflag:s18] =	ssyncset.done $0x0  }
0xa6: {  	[sflag:s18] =	ssyncadd.s32 $0xFFFFEC00  }
0xa7: {  	_ =	swait.ge [sflag:s29], $0x1400  }
0xa8: {  	[sflag:s29] =	ssyncset.done $0x0  }
0xa9: {  	s19 =	simm.s32 $0x4D30;
	[sflag:s29] =	ssyncadd.s32 $0xFFFFEC00  }
0xaa: {  	[spmem:s2] =	stream.indirect.scatter.add.f32 [tilespmem:s24], [sflag:$0x5], $0x40, s19, s20, $0xb8;
	[tilespmem:$0x15220] =	vst v63  }
0xab: {  	_ =	swait.ge [sflag:s18], $0x1400  }
0xac: {  	[sflag:s18] =	ssyncset.done $0x0  }
0xad: {  	[sflag:s18] =	ssyncadd.s32 $0xFFFFEC00  }
0xae: {  	_ =	swait.ge [sflag:s30], $0x1400  }
0xaf: {  	[sflag:s30] =	ssyncset.done $0x0  }
0xb0: {  	[sflag:s30] =	ssyncadd.s32 $0xFFFFEC00  }
0xb1: {  	[spmem:s2] =	stream.indirect.scatter.add.f32 [tilespmem:s26], [sflag:$0x5], $0x40, s31, s20, $0xb8;
	[tilespmem:$0x15220] =	vst v63  }
0xb2: {  	_ =	swait.ge [sflag:s18], $0x1400  }
0xb3: {  	[sflag:s18] =	ssyncset.done $0x0  }
0xb4: {  	[sflag:s18] =	ssyncadd.s32 $0xFFFFEC00  }
0xb5: {  	_ =	swait.ge [sflag:s25], $0x1400  }
0xb6: {  	[sflag:s25] =	ssyncset.done $0x0  }
0xb7: {  	[sflag:s25] =	ssyncadd.s32 $0xFFFFEC00  }
0xb8: {  	[spmem:s2] =	stream.indirect.scatter.add.f32 [tilespmem:s21], [sflag:$0x5], $0x40, s1, s20, $0xb8;
	[tilespmem:$0x15220] =	vst v63  }
0xb9: {  	s23 =	stileid.u32;
	_ =	swait.ge [sflag:s18], $0x1400  }
0xba: {  	s3 =	sadd.s32 $0x1, s3;
	s0 =	sshll.u32 s23, $0x6;
	[sflag:s18] =	ssyncset.done $0x0  }
0xbb: {  	p0 =	sne.s32 s3, s16;
	s0 =	sor.u32 $0x1C05, s0;
	[sflag:s18] =	ssyncadd.s32 $0xFFFFEC00  }
.Ltmp2:
0xbc: {  	s19 =	sshrl.u32 s5, $0x3;
	[bflag:$0x0] =	sbarrier.arrive $0xFFFF;
	(pc) =	sbr.rel @p0 .LBB2_1-.Ltmp2, $4  }
0xbd: {  	[hbm:s15], [sflag:s0] =	dma.local [spmem:s19], $0x1400  }
0xbe: {  	_ =	swait.ge [sflag:s18], $0x1400  }
0xbf: {  	[sflag:s18] =	ssyncset.done $0x0  }
0xc0: {  	[sflag:s18] =	ssyncadd.s32 $0xFFFFEC00  }
0xc1: {  	_ =	sfence.sel $0x180000  }
0xc2: {  	[bflag:$0x0] =	sbarrier.arrive $0xFFFF  }
0xc3: {  	_ =	strace $0x9000004D  }
0xc4: {  	s0 =	stileid.u32;
	[bflag:$0x2] =	sbarrier.arrive $0xFFFF  }
0xc5: {  	p0 =	sne.s32 s0, $0x0;
	s0 =	rddreg [dreg:$0x2]  }
0xc6: {  	s0 =	sadd.s32 @!p0 $0x100000, s0  }
0xc7: {  	[sflag:s0] =	ssyncadd.tile.s32 @!p0 $0x1;
	_ =	shalt  }
.Lfunc_end2:
_tile_overlayer_lowered:
.L_overlay_start_2:
0xc8: {  	(tag) =	ssettag $0x2  }
0xc9: {  	s0 =	rddreg [dreg:$0x0];
	s2 =	stileid.u32  }
0xca: {  	s1 =	rddreg [dreg:$0x1];
	p0 =	sne.s32 s2, $0x0  }
0xcb: {  	s3 =	rddreg [dreg:$0x2];
	[bflag:$0x3] =	sbarrier.arrive $0xFFFF;
	s2 =	simm.s32 @!p0 $0x1C05  }
0xcc: {  	[timem:s3], [sflag:s2] =	dma.local @!p0 [hbm:s0], s1  }
0xcd: {  	s0 =	simm.s32 @!p0 $0x5  }
0xce: {  	_ =	swait.ge @!p0 [sflag:s0], s1  }
0xcf: {  	s1 =	ssub.s32 @!p0 $0x0, s1;
	[sflag:s0] =	ssyncset.done @!p0 $0x0  }
0xd0: {  	[sflag:s0] =	ssyncadd.s32 @!p0 s1  }
0xd1: {  	[bflag:$0x3] =	sbarrier.arrive $0xFFFF  }
0xd2: {  	_ =	shalt  }

// kernel: kernel.22.cloned.1.call-start
scs
__scs_entry_jumppad:
0x0: {  	(pc) =	sbr.rel $0x88, $3  }
0x1: {  	(tag) =	ssettag $0x0;
	lr =	simm.s32 $0x1  }
0x2: {  	[smem:$0x3F99] =	sst lr;
	_ =	strace $0xD0000000  }
0x3: {  	_ = 	snop  }
0x4: {  	_ = 	snop  }
0x5: {  	_ = 	snop  }
0x6: {  	_ = 	snop  }
0x7: {  	_ = 	snop  }
__scs_overlays_trampoline_lowered:
0x8: {  	[smem:$0x3FA8] =	sst s0  }
0x9: {  	[smem:$0x3FA9] =	sst s1  }
0xa: {  	[smem:$0x3FAA] =	sst s2  }
0xb: {  	[smem:$0x3FAB] =	sst s3  }
0xc: {  	[smem:$0x3FAC] =	sst s4  }
0xd: {  	[smem:$0x3FAD] =	sst s5  }
0xe: {  	[smem:$0x3FAE] =	sst s6  }
0xf: {  	[smem:$0x3FAF] =	sst s7  }
0x10: {  	[smem:$0x3FB0] =	sst s8  }
0x11: {  	[smem:$0x3FB1] =	sst s9;
	s0 =	simm.s32 @!p0 $0x0  }
0x12: {  	s1 =	sld [smem:$0x3F97];
	s0 =	simm.s32 @p0 $0x1  }
0x13: {  	[smem:$0x3FB2] =	sst s0;
	s0 =	simm.s32 @!p1 $0x0  }
0x14: {  	s2 =	sld [smem:$0x3F96];
	s0 =	simm.s32 @p1 $0x1  }
0x15: {  	[smem:$0x3FB3] =	sst s0;
	s0 =	simm.s32 @!p2 $0x0  }
0x16: {  	s3 =	sld [smem:$0x3FDB];
	s0 =	simm.s32 @p2 $0x1  }
0x17: {  	s4 =	simm.s32 $0x1BF5;
	[smem:$0x3FB5] =	sst s0  }
0x18: {  	s0 =	sld [smem:$0x3F98];
	_ =	swait.ge [sflag:s4], $0x0  }
0x19: {  	s7 =	sld [smem:$0x3F99]  }
0x1a: {  	s8 =	sadd.s32 $0xFFFFE003, lr  }
0x1b: {  	s9 =	sadd.s32 $0xFFFFFEF7, lr;
	s5 =	simm.s32 $0xFFFFFFFF;
	p2 =	slt.u32 s8, $0xFFFFF086  }
0x1c: {  	p1 =	slt.u32 s9, $0xF7A;
	s5 =	simm.s32 @!p2 $0x0  }
0x1d: {  	s5 =	simm.s32 @p1 $0x1;
	p0 =	seq.s32 s7, s2  }
0x1e: {  	s7 =	smul.u32 @!p0 $0xF7A, s2;
	p2 =	seq.s32 @!p0 s5, $0x0  }
0x1f: {  	s9 =	smul.u32 $0xF7A, s1;
	s8 =	simm.s32 @!p0 $0x1BF5;
	p2 =	por !p2, p0  }
0x20: {  	[sflag:s8] =	ssyncset.s32 @!p0 $0xFFFFF086;
	s6 =	sadd.s32 @!p0 s3, s7;
	s7 =	simm.s32 @!p0 $0x108  }
0x21: {  	s3 =	sadd.s32 s3, s9;
	s6 =	sadd.s32 @!p0 $0x88, s6;
	s7 =	simm.s32 @p2 $0x1082  }
0x22: {  	[simem:s7], [sflag:s8] =	dma.local @!p0 [hbm:s6], $0xF7A  }
0x23: {  	s9 =	sor.u32 $0xD0000000, s2;
	s6 =	simm.s32 $0x108;
	_ =	swait.ge @!p0 [sflag:s8], $0x0  }
0x24: {  	s3 =	sadd.s32 $0x88, s3;
	s6 =	simm.s32 @!p1 $0x1082;
	[sflag:s4] =	ssyncset.s32 $0xFFFFF086  }
0x25: {  	[simem:s6], [sflag:s4] =	dma.local [hbm:s3], $0xF7A  }
0x26: {  	[smem:$0x3F99] =	sst s1;
	(tag) =	ssettag s2;
	_ =	strace s9  }
0x27: {  	s1 =	sld [smem:$0x3FA9]  }
0x28: {  	s2 =	sld [smem:$0x3FAA]  }
0x29: {  	s4 =	sld [smem:$0x3FAC]  }
0x2a: {  	p0 =	seq.s32 s5, $0x0;
	s5 =	sld [smem:$0x3FAD]  }
0x2b: {  	s6 =	sld [smem:$0x3FAE]  }
0x2c: {  	s7 =	sld [smem:$0x3FAF]  }
0x2d: {  	s3 =	simm.s32 $0x108;
	s8 =	sld [smem:$0x3FB0]  }
0x2e: {  	s3 =	simm.s32 @!p0 $0x1082;
	s9 =	sld [smem:$0x3FB1]  }
0x2f: {  	lr =	sadd.s32 s0, s3;
	s0 =	sld [smem:$0x3FA8]  }
0x30: {  	s3 =	sld [smem:$0x3FAB]  }
0x31: {  	[smem:$0x3FB4] =	sst s10  }
0x32: {  	s10 =	sld [smem:$0x3FB2];
	_ =	sdelay $0x3  }
0x33: {  	p0 =	seq.s32 s10, $0x1;
	s10 =	sld [smem:$0x3FB4];
	_ =	sdelay $0x3  }
0x34: {  	[smem:$0x3FB4] =	sst s10  }
0x35: {  	s10 =	sld [smem:$0x3FB3];
	_ =	sdelay $0x3  }
0x36: {  	p1 =	seq.s32 s10, $0x1;
	s10 =	sld [smem:$0x3FB4];
	_ =	sdelay $0x3  }
0x37: {  	[smem:$0x3FB4] =	sst s10  }
0x38: {  	s10 =	sld [smem:$0x3FB5]  }
0x39: {  	_ = 	snop;
	(pc) =	sbr.ind lr, $3  }
0x3a: {  	_ = 	snop  }
0x3b: {  	_ = 	snop  }
0x3c: {  	p2 =	seq.s32 s10, $0x1;
	s10 =	sld [smem:$0x3FB4]  }
0x3d: {  	_ =	shalt  }
0x3e: {  	_ =	shalt  }
0x3f: {  	_ =	shalt  }
0x40: {  	_ =	shalt  }
0x41: {  	_ =	shalt  }
0x42: {  	_ =	shalt  }
0x43: {  	_ =	shalt  }
0x44: {  	_ =	shalt  }
0x45: {  	_ =	shalt  }
0x46: {  	_ =	shalt  }
0x47: {  	_ =	shalt  }
0x48: {  	_ =	shalt  }
0x49: {  	_ =	shalt  }
0x4a: {  	_ =	shalt  }
0x4b: {  	_ =	shalt  }
0x4c: {  	_ =	shalt  }
0x4d: {  	_ =	shalt  }
0x4e: {  	_ =	shalt  }
0x4f: {  	_ =	shalt  }
0x50: {  	_ =	shalt  }
0x51: {  	_ =	shalt  }
0x52: {  	_ =	shalt  }
0x53: {  	_ =	shalt  }
0x54: {  	_ =	shalt  }
0x55: {  	_ =	shalt  }
0x56: {  	_ =	shalt  }
0x57: {  	_ =	shalt  }
0x58: {  	_ =	shalt  }
0x59: {  	_ =	shalt  }
0x5a: {  	_ =	shalt  }
0x5b: {  	_ =	shalt  }
0x5c: {  	_ =	shalt  }
0x5d: {  	_ =	shalt  }
0x5e: {  	_ =	shalt  }
0x5f: {  	_ =	shalt  }
0x60: {  	_ =	shalt  }
0x61: {  	_ =	shalt  }
0x62: {  	_ =	shalt  }
0x63: {  	_ =	shalt  }
0x64: {  	_ =	shalt  }
0x65: {  	_ =	shalt  }
0x66: {  	_ =	shalt  }
0x67: {  	_ =	shalt  }
0x68: {  	_ =	shalt  }
0x69: {  	_ =	shalt  }
0x6a: {  	_ =	shalt  }
0x6b: {  	_ =	shalt  }
0x6c: {  	_ =	shalt  }
0x6d: {  	_ =	shalt  }
0x6e: {  	_ =	shalt  }
0x6f: {  	_ =	shalt  }
0x70: {  	_ =	shalt  }
0x71: {  	_ =	shalt  }
0x72: {  	_ =	shalt  }
0x73: {  	_ =	shalt  }
0x74: {  	_ =	shalt  }
0x75: {  	_ =	shalt  }
0x76: {  	_ =	shalt  }
0x77: {  	_ =	shalt  }
0x78: {  	_ =	shalt  }
0x79: {  	_ =	shalt  }
0x7a: {  	_ =	shalt  }
0x7b: {  	_ =	shalt  }
0x7c: {  	_ =	shalt  }
0x7d: {  	_ =	shalt  }
0x7e: {  	_ =	shalt  }
0x7f: {  	_ =	shalt  }
0x80: {  	_ =	shalt  }
0x81: {  	_ =	shalt  }
0x82: {  	_ =	shalt  }
0x83: {  	_ =	shalt  }
0x84: {  	_ =	shalt  }
0x85: {  	_ =	shalt  }
0x86: {  	_ =	shalt  }
0x87: {  	_ =	shalt  }
.Lfunc_end0:
.L_simem_size_0:
called_computation.2_lowered:
.L_overlay_start_0:
0x88: {  	s2 =	sld [smem:$0x3FD9]  }
0x89: {  	s3 =	sld [smem:$0x3FFE];
	_ =	sdelay $0x1  }
0x8a: {  	s1 =	srdreg.scid  }
0x8b: {  	s0 =	sand.u32 $0x1, s1  }
0x8c: {  	s16 =	sshll.u32 s0, $0xA;
	s2 =	sadd.s32 s3, s2  }
0x8d: {  	s2 =	sadd.s32 s2, s16  }
0x8e: {  	[smem:$0x3FC0] =	sst s2  }
0x8f: {  	_ = 	snop  }
0x90: {  	(tm) =	ssettm $0x1  }
0x91: {  	s17 =	sld [smem:$0x3FFB];
	_ =	sdelay $0x3  }
0x92: {  	_ =	strace s17  }
0x93: {  	s2 =	sld [smem:$0x3FFC];
	_ =	sdelay $0x3  }
0x94: {  	_ =	strace s2  }
0x95: {  	s2 =	sld [smem:$0x3FFD];
	_ =	sdelay $0x3  }
0x96: {  	_ =	strace s2  }
0x97: {  	_ =	strace $0x8FFFFFFF  }
0x98: {  	s18 =	sld [smem:$0x3FDB];
	_ =	sdelay $0x1  }
0x99: {  	s19 =	simm.s32 $_scs_section_size  }
0x9a: {  	s4 =	simm.s32 $_size__tile_overlayer_lowered;
	s5 =	simm.s32 $_tile_overlayer_lowered  }
0x9b: {  	s22 =	simm.s32 $0x1BFF;
	s21 =	sshll.u32 s5, $0x1;
	s2 =	sadd.s32 s19, s18  }
0x9c: {  	s6 =	simm.s32 $0x0;
	s20 =	sshll.u32 s4, $0x1;
	s4 =	sadd.s32 s21, s2  }
0x9d: {  	[timem:s6], [sflag:s22] =	dma.local [hbm:s4], s20  }
0x9e: {  	_ =	swait.ge [sflag:s22], s20  }
0x9f: {  	s3 =	ssub.s32 $0x0, s20;
	[sflag:s22] =	ssyncset.done $0x0  }
0xa0: {  	[sflag:s22] =	ssyncadd.s32 s3;
	_ =	sdelay $0x1  }
0xa1: {  	s23 =	simm.s32 $0x1B8B  }
0xa2: {  	_ =	swait.ge [sflag:s23], $0x1  }
0xa3: {  	[sflag:s23] =	ssyncset.done $0x0  }
0xa4: {  	s25 =	simm.s32 $0x1B8E;
	s24 =	sld [smem:$0x3FFE];
	[sflag:s23] =	ssyncadd.s32 $0xFFFFFFFF  }
0xa5: {  	s26 =	simm.s32 $execute0_lowered;
	[smem:$0x3FD2] =	sst s25  }
0xa6: {  	s4 =	sshll.u32 s26, $0x1;
	_ =	strace $0x80000049;
	[dreg:$0x1] =	wrdreg $0xFFFFFFFF  }
0xa7: {  	s28 =	simm.s32 $_size_execute0_lowered;
	s2 =	sadd.s32 s2, s4;
	[dreg:$0x0] =	wrdreg $0x0  }
0xa8: {  	s4 =	sshll.u32 s28, $0x1;
	[dreg:$0x2] =	wrdreg s2  }
0xa9: {  	[dreg:$0x3] =	wrdreg s4  }
0xaa: {  	[dreg:$0x4] =	wrdreg $0xC0  }
0xab: {  	_ =	task [dreg:s6], $0x5FFFF  }
0xac: {  	[dreg:$0x1] =	wrdreg $0xFFFFFFFF  }
0xad: {  	[dreg:$0x0] =	wrdreg $0x60  }
0xae: {  	[dreg:$0x2] =	wrdreg s24  }
0xaf: {  	[dreg:$0x3] =	wrdreg $0xB2200  }
0xb0: {  	[dreg:$0x4] =	wrdreg $0xA  }
0xb1: {  	_ =	task.clear_ibuf [dreg:s6], $0x5FFFF;
	_ =	strace $0x90000049  }
0xb2: {  	s29 =	simm.s32 $0xA;
	_ =	strace $0x8000004B  }
0xb3: {  	_ =	swait.ge [sflag:s29], $0x1  }
0xb4: {  	[sflag:s29] =	ssyncadd.s32 $0xFFFFFFFF  }
0xb5: {  	_ =	strace $0x9000004B  }
0xb6: {  	_ =	sfence  }
0xb7: {  	s30 =	sld [smem:$0x0];
	_ =	sdelay $0x2  }
0xb8: {  	s31 =	sshll.u32 s1, $0xD;
	s1 =	sshrl.u32 s1, $0x2  }
0xb9: {  	s3 =	sand.u32 $0x4000, s31;
	s1 =	sadd.s32 s1, s30  }
0xba: {  	s0 =	sor.u32 s3, s0;
	s1 =	sshll.u32 s1, $0x11  }
0xbb: {  	s0 =	sor.u32 s1, s0  }
0xbc: {  	s0 =	sadd.s32 $0x8F2B, s0  }
0xbd: {  	[sflag:s0] =	ssyncadd.remote.s32 $0x1  }
0xbe: {  	_ =	sfence.sel $0xFFFF  }
0xbf: {  	[dreg:$0x0] =	wrdreg $0xFFFFFFFF;
	(pc) =	sbr.abs _section_cstart, $3  }
0xc0: {  	[dreg:$0x1] =	wrdreg $0xFFFFFFFF  }
0xc1: {  	_ =	task.clear_ibuf [dreg:s6], $0x2FFFF;
	_ =	strace $0x9FFFFFFF  }
0xc2: {  	(tm) =	ssettm $0x7FFFFFFF  }
0xc3: {  	_ =	shalt  }
tec
execute0_lowered:
.L_overlay_start_1:
0x0: {  	(tag) =	ssettag $0x1  }
0x1: {  	s0 =	srdreg.scid;
	s5 =	rddreg [dreg:$0x0]  }
0x2: {  	s4 =	stileid.u32;
	s2 =	rddreg [dreg:$0x1]  }
0x3: {  	s3 =	simm.s32 $0x0;
	s17 =	simm.s32 $0x4E20;
	s18 =	simm.s32 $0x5  }
0x4: {  	s20 =	simm.s32 $0x50;
	s21 =	simm.s32 $0x6220;
	s22 =	simm.s32 $0x7620  }
0x5: {  	s24 =	simm.s32 $0x8A20;
	s25 =	simm.s32 $0x1;
	s28 =	simm.s32 $0x2  }
0x6: {  	s29 =	simm.s32 $0x3;
	s30 =	simm.s32 $0x4;
	s31 =	simm.s32 $0x4D80  }
0x7: {  	s0 =	sand.u32 $0x1, s0;
	s1 =	sshll.u32 s4, $0x1;
	s6 =	smul.u32 $0xA000, s4  }
0x8: {  	[smem:$0x7FF] =	sst s3;
	s8 =	smul.u32 $0x28000, s4;
	s4 =	sadd.s32 $0x16A00, s5  }
0x9: {  	s1 =	sor.u32 s0, s1;
	s7 =	smul.u32 $0xA0000, s0;
	_ =	strace $0x8000004A  }
0xa: {  	s0 =	ssub.s32 $0x2, s0;
	s1 =	smul.u32 $0x4E2, s1;
	s8 =	sshrl.u32 s8, $0x2  }
0xb: {  	s26 =	sshrl.u32 s0, $0x1;
	s7 =	sadd.s32 s6, s7;
	s12 =	sadd.s32 s8, s2  }
0xc: {  	s0 =	ssub.s32 s0, s26;
	s26 =	simm.s32 $0x9E20;
	s1 =	sadd.s32 s1, s5  }
0xd: {  	s7 =	sshrl.u32 s7, $0x3;
	s8 =	sadd.s32 $0x3C00, s12;
	s9 =	sadd.s32 $0x5000, s12  }
0xe: {  	s10 =	sadd.s32 $0x6400, s12;
	s11 =	sadd.s32 $0x7800, s12;
	s16 =	smax.u32 s0, $0x1  }
0xf: {  	s15 =	sadd.s32 s7, s5;
	s5 =	sadd.s32 s6, s2;
	s6 =	sadd.s32 $0x1400, s12  }
0x10: {  	s7 =	sadd.s32 $0x2800, s12;
	s12 =	sadd.s32 $0x8C00, s12;
	s13 =	sadd.s32 $0x2E00, s1  }
0x11: {  	v0 =	vimm.f32 $0.0e+00;
	s14 =	sadd.s32 $0xCC00, s1;
	s1 =	simm.s32 $0x4DD0;
	s15 =	sadd.s32 $0x2AA00, s15  }
.LBB2_1:
0x12: {  	s19 =	simm.s32 $0x100;
	s0 =	simm.s32 $0x0  }
.LBB2_2:
0x13: {  	p0 =	sne.s32 s19, $0x4F00;
	[tilespmem:s0+$0x4E50] =	vst v0;
	s23 =	smov.u32 s19;
	s19 =	sadd.s32 $0x100, s19  }
.Ltmp0:
0x14: {  	[tilespmem:s0+$0x4E40] =	vst v0;
	(pc) =	sbr.rel @p0 .LBB2_2-.Ltmp0, $3  }
0x15: {  	[tilespmem:s0+$0x4E20] =	vst v0  }
0x16: {  	[tilespmem:s0+$0x4E30] =	vst v0;
	_ =	sdelay $0x1  }
0x17: {  	s0 =	sshra.s32 s23, $0x2  }
0x18: {  	[tilespmem:s0+$0x4E50] =	vst v0  }
0x19: {  	[tilespmem:s0+$0x4E40] =	vst v0  }
0x1a: {  	[tilespmem:s0+$0x4E20] =	vst v0  }
0x1b: {  	[tilespmem:s0+$0x4E30] =	vst v0  }
0x1c: {  	[spmem:s5] =	stream.linear.scatter [tilespmem:s17], [sflag:$0x5], $0x1400, $0x38;
	[tilespmem:$0x15220] =	vst v63  }
0x1d: {  	_ =	swait.ge [sflag:s18], $0x1400  }
0x1e: {  	[sflag:s18] =	ssyncset.done $0x0  }
0x1f: {  	[sflag:s18] =	ssyncadd.s32 $0xFFFFEC00  }
0x20: {  	[spmem:s6] =	stream.linear.scatter [tilespmem:s17], [sflag:$0x5], $0x1400, $0x38;
	[tilespmem:$0x15220] =	vst v63  }
0x21: {  	_ =	swait.ge [sflag:s18], $0x1400  }
0x22: {  	[sflag:s18] =	ssyncset.done $0x0  }
0x23: {  	[sflag:s18] =	ssyncadd.s32 $0xFFFFEC00  }
0x24: {  	[spmem:s7] =	stream.linear.scatter [tilespmem:s17], [sflag:$0x5], $0x1400, $0x38;
	[tilespmem:$0x15220] =	vst v63  }
0x25: {  	_ =	swait.ge [sflag:s18], $0x1400  }
0x26: {  	[sflag:s18] =	ssyncset.done $0x0  }
0x27: {  	[sflag:s18] =	ssyncadd.s32 $0xFFFFEC00  }
0x28: {  	[spmem:s8] =	stream.linear.scatter [tilespmem:s17], [sflag:$0x5], $0x1400, $0x38;
	[tilespmem:$0x15220] =	vst v63  }
0x29: {  	_ =	swait.ge [sflag:s18], $0x1400  }
0x2a: {  	[sflag:s18] =	ssyncset.done $0x0  }
0x2b: {  	[sflag:s18] =	ssyncadd.s32 $0xFFFFEC00  }
0x2c: {  	[spmem:s9] =	stream.linear.scatter [tilespmem:s17], [sflag:$0x5], $0x1400, $0x38;
	[tilespmem:$0x15220] =	vst v63  }
0x2d: {  	_ =	swait.ge [sflag:s18], $0x1400  }
0x2e: {  	[sflag:s18] =	ssyncset.done $0x0  }
0x2f: {  	[sflag:s18] =	ssyncadd.s32 $0xFFFFEC00  }
0x30: {  	[spmem:s10] =	stream.linear.scatter [tilespmem:s17], [sflag:$0x5], $0x1400, $0x38;
	[tilespmem:$0x15220] =	vst v63  }
0x31: {  	_ =	swait.ge [sflag:s18], $0x1400  }
0x32: {  	[sflag:s18] =	ssyncset.done $0x0  }
0x33: {  	[sflag:s18] =	ssyncadd.s32 $0xFFFFEC00  }
0x34: {  	[spmem:s11] =	stream.linear.scatter [tilespmem:s17], [sflag:$0x5], $0x1400, $0x38;
	[tilespmem:$0x15220] =	vst v63  }
0x35: {  	_ =	swait.ge [sflag:s18], $0x1400  }
0x36: {  	[sflag:s18] =	ssyncset.done $0x0  }
0x37: {  	[sflag:s18] =	ssyncadd.s32 $0xFFFFEC00  }
0x38: {  	[spmem:s12] =	stream.linear.scatter [tilespmem:s17], [sflag:$0x5], $0x1400, $0x38;
	[tilespmem:$0x15220] =	vst v63  }
0x39: {  	_ =	swait.ge [sflag:s18], $0x1400  }
0x3a: {  	[sflag:s18] =	ssyncset.done $0x0  }
0x3b: {  	[sflag:s18] =	ssyncadd.s32 $0xFFFFEC00  }
0x3c: {  	s23 =	simm.s32 $0x0;
	[bflag:$0x0] =	sbarrier.arrive $0xFFFF  }
0x3d: {  	[tilespmem:s23], [sflag:$0x5] =	stream.linear.gather [hbm4b:s13+s23], $0x2710, $0x38;
	[tilespmem:$0x15220] =	vst v63  }
0x3e: {  	_ =	swait.ge [sflag:s18], $0x2710  }
0x3f: {  	[sflag:s18] =	ssyncset.done $0x0  }
0x40: {  	s19 =	simm.s32 $0x2710;
	[sflag:s18] =	ssyncadd.s32 $0xFFFFD8F0  }
0x41: {  	[tilespmem:s19], [sflag:$0x5] =	stream.linear.gather [hbm4b:s14+s23], $0x2710, $0x38;
	[tilespmem:$0x15220] =	vst v63  }
0x42: {  	_ =	swait.ge [sflag:s18], $0x2710  }
0x43: {  	[sflag:s18] =	ssyncset.done $0x0  }
0x44: {  	[sflag:s18] =	ssyncadd.s32 $0xFFFFD8F0  }
0x45: {  	[tilespmem:s21], [sflag:$0x1] =	stream.indirect.gather [hbm4b:s4+s20], $0x40, s23, s20, $0xb8;
	[tilespmem:$0x15220] =	vst v63  }
0x46: {  	_ = 	snop  }
0x47: {  	[tilespmem:s22], [sflag:$0x2] =	stream.indirect.gather [hbm4b:s4+s20], $0x40, s20, s20, $0xb8;
	[tilespmem:$0x15220] =	vst v63  }
0x48: {  	s23 =	simm.s32 $0xA0  }
0x49: {  	[tilespmem:s24], [sflag:$0x3] =	stream.indirect.gather [hbm4b:s4+s20], $0x40, s23, s20, $0xb8;
	[tilespmem:$0x15220] =	vst v63  }
0x4a: {  	_ =	swait.ge [sflag:s25], $0x1400  }
0x4b: {  	[sflag:s25] =	ssyncset.done $0x0  }
0x4c: {  	s19 =	simm.s32 $0xF0;
	[sflag:s25] =	ssyncadd.s32 $0xFFFFEC00  }
0x4d: {  	[tilespmem:s26], [sflag:$0x4] =	stream.indirect.gather [hbm4b:s4+s20], $0x40, s19, s20, $0xb8;
	[tilespmem:$0x15220] =	vst v63  }
0x4e: {  	s23 =	simm.s32 $0x2710  }
0x4f: {  	[spmem:s2] =	stream.indirect.scatter.add.f32 [tilespmem:s21], [sflag:$0x5], $0x40, s23, s20, $0xb8;
	[tilespmem:$0x15220] =	vst v63  }
0x50: {  	_ =	swait.ge [sflag:s18], $0x1400  }
0x51: {  	[sflag:s18] =	ssyncset.done $0x0  }
0x52: {  	[sflag:s18] =	ssyncadd.s32 $0xFFFFEC00  }
0x53: {  	_ =	swait.ge [sflag:s28], $0x1400  }
0x54: {  	[sflag:s28] =	ssyncset.done $0x0  }
0x55: {  	s19 =	simm.s32 $0x140;
	[sflag:s28] =	ssyncadd.s32 $0xFFFFEC00  }
0x56: {  	[tilespmem:s21], [sflag:$0x1] =	stream.indirect.gather [hbm4b:s4+s20], $0x40, s19, s20, $0xb8;
	[tilespmem:$0x15220] =	vst v63  }
0x57: {  	s23 =	simm.s32 $0x2760  }
0x58: {  	[spmem:s2] =	stream.indirect.scatter.add.f32 [tilespmem:s22], [sflag:$0x5], $0x40, s23, s20, $0xb8;
	[tilespmem:$0x15220] =	vst v63  }
0x59: {  	_ =	swait.ge [sflag:s18], $0x1400  }
0x5a: {  	[sflag:s18] =	ssyncset.done $0x0  }
0x5b: {  	[sflag:s18] =	ssyncadd.s32 $0xFFFFEC00  }
0x5c: {  	_ =	swait.ge [sflag:s29], $0x1400  }
0x5d: {  	[sflag:s29] =	ssyncset.done $0x0  }
0x5e: {  	s19 =	simm.s32 $0x190;
	[sflag:s29] =	ssyncadd.s32 $0xFFFFEC00  }
0x5f: {  	[tilespmem:s22], [sflag:$0x2] =	stream.indirect.gather [hbm4b:s4+s20], $0x40, s19, s20, $0xb8;
	[tilespmem:$0x15220] =	vst v63  }
0x60: {  	s23 =	simm.s32 $0x27B0  }
0x61: {  	[spmem:s2] =	stream.indirect.scatter.add.f32 [tilespmem:s24], [sflag:$0x5], $0x40, s23, s20, $0xb8;
	[tilespmem:$0x15220] =	vst v63  }
0x62: {  	_ =	swait.ge [sflag:s18], $0x1400  }
0x63: {  	[sflag:s18] =	ssyncset.done $0x0  }
0x64: {  	[sflag:s18] =	ssyncadd.s32 $0xFFFFEC00  }
0x65: {  	_ =	swait.ge [sflag:s30], $0x1400  }
0x66: {  	[sflag:s30] =	ssyncset.done $0x0  }
0x67: {  	s19 =	simm.s32 $0x1E0;
	[sflag:s30] =	ssyncadd.s32 $0xFFFFEC00  }
0x68: {  	[tilespmem:s24], [sflag:$0x3] =	stream.indirect.gather [hbm4b:s4+s20], $0x40, s19, s20, $0xb8;
	[tilespmem:$0x15220] =	vst v63  }
0x69: {  	s23 =	simm.s32 $0x2800  }
0x6a: {  	[spmem:s2] =	stream.indirect.scatter.add.f32 [tilespmem:s26], [sflag:$0x5], $0x40, s23, s20, $0xb8;
	[tilespmem:$0x15220] =	vst v63  }
0x6b: {  	_ =	swait.ge [sflag:s18], $0x1400  }
0x6c: {  	s0 =	simm.s32 $0x500;
	[sflag:s18] =	ssyncset.done $0x0  }
.LBB2_4:
0x6d: {  	p0 =	sne.s32 s0, $0x9100  }
0x6e: {  	[sflag:s18] =	ssyncadd.s32 $0xFFFFEC00;
	s19 =	smov.u32 s0;
	s0 =	sadd.s32 $0x500, s0  }
0x6f: {  	_ = 	snop  }
0x70: {  	_ =	swait.ge [sflag:s25], $0x1400  }
0x71: {  	s19 =	sshra.s32 s19, $0x2;
	[sflag:s25] =	ssyncset.done $0x0  }
0x72: {  	s23 =	sadd.s32 $0xF0, s19;
	[sflag:s25] =	ssyncadd.s32 $0xFFFFEC00  }
0x73: {  	[tilespmem:s26], [sflag:$0x4] =	stream.indirect.gather [hbm4b:s4+s20], $0x40, s23, s20, $0xb8;
	[tilespmem:$0x15220] =	vst v63  }
0x74: {  	s23 =	sadd.s32 $0x2710, s19  }
0x75: {  	[spmem:s2] =	stream.indirect.scatter.add.f32 [tilespmem:s21], [sflag:$0x5], $0x40, s23, s20, $0xb8;
	[tilespmem:$0x15220] =	vst v63  }
0x76: {  	_ =	swait.ge [sflag:s18], $0x1400  }
0x77: {  	[sflag:s18] =	ssyncset.done $0x0  }
0x78: {  	[sflag:s18] =	ssyncadd.s32 $0xFFFFEC00  }
0x79: {  	_ =	swait.ge [sflag:s28], $0x1400  }
0x7a: {  	[sflag:s28] =	ssyncset.done $0x0  }
0x7b: {  	s23 =	sadd.s32 $0x140, s19;
	[sflag:s28] =	ssyncadd.s32 $0xFFFFEC00  }
0x7c: {  	[tilespmem:s21], [sflag:$0x1] =	stream.indirect.gather [hbm4b:s4+s20], $0x40, s23, s20, $0xb8;
	[tilespmem:$0x15220] =	vst v63  }
0x7d: {  	s23 =	sadd.s32 $0x2760, s19  }
0x7e: {  	[spmem:s2] =	stream.indirect.scatter.add.f32 [tilespmem:s22], [sflag:$0x5], $0x40, s23, s20, $0xb8;
	[tilespmem:$0x15220] =	vst v63  }
0x7f: {  	_ =	swait.ge [sflag:s18], $0x1400  }
0x80: {  	[sflag:s18] =	ssyncset.done $0x0  }
0x81: {  	[sflag:s18] =	ssyncadd.s32 $0xFFFFEC00  }
0x82: {  	_ =	swait.ge [sflag:s29], $0x1400  }
0x83: {  	[sflag:s29] =	ssyncset.done $0x0  }
0x84: {  	s23 =	sadd.s32 $0x190, s19;
	[sflag:s29] =	ssyncadd.s32 $0xFFFFEC00  }
0x85: {  	[tilespmem:s22], [sflag:$0x2] =	stream.indirect.gather [hbm4b:s4+s20], $0x40, s23, s20, $0xb8;
	[tilespmem:$0x15220] =	vst v63  }
0x86: {  	s23 =	sadd.s32 $0x27B0, s19  }
0x87: {  	[spmem:s2] =	stream.indirect.scatter.add.f32 [tilespmem:s24], [sflag:$0x5], $0x40, s23, s20, $0xb8;
	[tilespmem:$0x15220] =	vst v63  }
0x88: {  	_ =	swait.ge [sflag:s18], $0x1400  }
0x89: {  	[sflag:s18] =	ssyncset.done $0x0  }
0x8a: {  	[sflag:s18] =	ssyncadd.s32 $0xFFFFEC00  }
0x8b: {  	_ =	swait.ge [sflag:s30], $0x1400  }
0x8c: {  	[sflag:s30] =	ssyncset.done $0x0  }
0x8d: {  	s23 =	sadd.s32 $0x1E0, s19;
	[sflag:s30] =	ssyncadd.s32 $0xFFFFEC00  }
0x8e: {  	[tilespmem:s24], [sflag:$0x3] =	stream.indirect.gather [hbm4b:s4+s20], $0x40, s23, s20, $0xb8;
	[tilespmem:$0x15220] =	vst v63  }
.Ltmp1:
0x8f: {  	_ = 	snop;
	(pc) =	sbr.rel @p0 .LBB2_4-.Ltmp1, $4  }
0x90: {  	s19 =	sadd.s32 $0x2800, s19  }
0x91: {  	[spmem:s2] =	stream.indirect.scatter.add.f32 [tilespmem:s26], [sflag:$0x5], $0x40, s19, s20, $0xb8;
	[tilespmem:$0x15220] =	vst v63  }
0x92: {  	_ =	swait.ge [sflag:s18], $0x1400  }
0x93: {  	[sflag:s18] =	ssyncset.done $0x0  }
0x94: {  	[sflag:s18] =	ssyncadd.s32 $0xFFFFEC00  }
0x95: {  	_ =	swait.ge [sflag:s25], $0x1400  }
0x96: {  	[sflag:s25] =	ssyncset.done $0x0  }
0x97: {  	s0 =	simm.s32 $0x2670;
	[sflag:s25] =	ssyncadd.s32 $0xFFFFEC00  }
0x98: {  	[tilespmem:s26], [sflag:$0x4] =	stream.indirect.gather [hbm4b:s4+s20], $0x40, s0, s20, $0xb8;
	[tilespmem:$0x15220] =	vst v63  }
0x99: {  	s23 =	simm.s32 $0x4C90  }
0x9a: {  	[spmem:s2] =	stream.indirect.scatter.add.f32 [tilespmem:s21], [sflag:$0x5], $0x40, s23, s20, $0xb8;
	[tilespmem:$0x15220] =	vst v63  }
0x9b: {  	_ =	swait.ge [sflag:s18], $0x1400  }
0x9c: {  	[sflag:s18] =	ssyncset.done $0x0  }
0x9d: {  	[sflag:s18] =	ssyncadd.s32 $0xFFFFEC00  }
0x9e: {  	_ =	swait.ge [sflag:s28], $0x1400  }
0x9f: {  	[sflag:s28] =	ssyncset.done $0x0  }
0xa0: {  	s19 =	simm.s32 $0x26C0;
	[sflag:s28] =	ssyncadd.s32 $0xFFFFEC00  }
0xa1: {  	[tilespmem:s21], [sflag:$0x1] =	stream.indirect.gather [hbm4b:s4+s20], $0x40, s19, s20, $0xb8;
	[tilespmem:$0x15220] =	vst v63  }
0xa2: {  	s23 =	simm.s32 $0x4CE0  }
0xa3: {  	[spmem:s2] =	stream.indirect.scatter.add.f32 [tilespmem:s22], [sflag:$0x5], $0x40, s23, s20, $0xb8;
	[tilespmem:$0x15220] =	vst v63  }
0xa4: {  	_ =	swait.ge [sflag:s18], $0x1400  }
0xa5: {  	[sflag:s18] =	ssyncset.done $0x0  }
0xa6: {  	[sflag:s18] =	ssyncadd.s32 $0xFFFFEC00  }
0xa7: {  	_ =	swait.ge [sflag:s29], $0x1400  }
0xa8: {  	[sflag:s29] =	ssyncset.done $0x0  }
0xa9: {  	s19 =	simm.s32 $0x4D30;
	[sflag:s29] =	ssyncadd.s32 $0xFFFFEC00  }
0xaa: {  	[spmem:s2] =	stream.indirect.scatter.add.f32 [tilespmem:s24], [sflag:$0x5], $0x40, s19, s20, $0xb8;
	[tilespmem:$0x15220] =	vst v63  }
0xab: {  	_ =	swait.ge [sflag:s18], $0x1400  }
0xac: {  	[sflag:s18] =	ssyncset.done $0x0  }
0xad: {  	[sflag:s18] =	ssyncadd.s32 $0xFFFFEC00  }
0xae: {  	_ =	swait.ge [sflag:s30], $0x1400  }
0xaf: {  	[sflag:s30] =	ssyncset.done $0x0  }
0xb0: {  	[sflag:s30] =	ssyncadd.s32 $0xFFFFEC00  }
0xb1: {  	[spmem:s2] =	stream.indirect.scatter.add.f32 [tilespmem:s26], [sflag:$0x5], $0x40, s31, s20, $0xb8;
	[tilespmem:$0x15220] =	vst v63  }
0xb2: {  	_ =	swait.ge [sflag:s18], $0x1400  }
0xb3: {  	[sflag:s18] =	ssyncset.done $0x0  }
0xb4: {  	[sflag:s18] =	ssyncadd.s32 $0xFFFFEC00  }
0xb5: {  	_ =	swait.ge [sflag:s25], $0x1400  }
0xb6: {  	[sflag:s25] =	ssyncset.done $0x0  }
0xb7: {  	[sflag:s25] =	ssyncadd.s32 $0xFFFFEC00  }
0xb8: {  	[spmem:s2] =	stream.indirect.scatter.add.f32 [tilespmem:s21], [sflag:$0x5], $0x40, s1, s20, $0xb8;
	[tilespmem:$0x15220] =	vst v63  }
0xb9: {  	s23 =	stileid.u32;
	_ =	swait.ge [sflag:s18], $0x1400  }
0xba: {  	s3 =	sadd.s32 $0x1, s3;
	s0 =	sshll.u32 s23, $0x6;
	[sflag:s18] =	ssyncset.done $0x0  }
0xbb: {  	p0 =	sne.s32 s3, s16;
	s0 =	sor.u32 $0x1C05, s0;
	[sflag:s18] =	ssyncadd.s32 $0xFFFFEC00  }
.Ltmp2:
0xbc: {  	s19 =	sshrl.u32 s5, $0x3;
	[bflag:$0x0] =	sbarrier.arrive $0xFFFF;
	(pc) =	sbr.rel @p0 .LBB2_1-.Ltmp2, $4  }
0xbd: {  	[hbm:s15], [sflag:s0] =	dma.local [spmem:s19], $0x1400  }
0xbe: {  	_ =	swait.ge [sflag:s18], $0x1400  }
0xbf: {  	[sflag:s18] =	ssyncset.done $0x0  }
0xc0: {  	[sflag:s18] =	ssyncadd.s32 $0xFFFFEC00  }
0xc1: {  	_ =	sfence.sel $0x180000  }
0xc2: {  	[bflag:$0x0] =	sbarrier.arrive $0xFFFF  }
0xc3: {  	_ =	strace $0x9000004A  }
0xc4: {  	s0 =	stileid.u32;
	[bflag:$0x2] =	sbarrier.arrive $0xFFFF  }
0xc5: {  	p0 =	sne.s32 s0, $0x0;
	s0 =	rddreg [dreg:$0x2]  }
0xc6: {  	s0 =	sadd.s32 @!p0 $0x100000, s0  }
0xc7: {  	[sflag:s0] =	ssyncadd.tile.s32 @!p0 $0x1;
	_ =	shalt  }
.Lfunc_end2:
_tile_overlayer_lowered:
.L_overlay_start_2:
0xc8: {  	(tag) =	ssettag $0x2  }
0xc9: {  	s0 =	rddreg [dreg:$0x0];
	s2 =	stileid.u32  }
0xca: {  	s1 =	rddreg [dreg:$0x1];
	p0 =	sne.s32 s2, $0x0  }
0xcb: {  	s3 =	rddreg [dreg:$0x2];
	[bflag:$0x3] =	sbarrier.arrive $0xFFFF;
	s2 =	simm.s32 @!p0 $0x1C05  }
0xcc: {  	[timem:s3], [sflag:s2] =	dma.local @!p0 [hbm:s0], s1  }
0xcd: {  	s0 =	simm.s32 @!p0 $0x5  }
0xce: {  	_ =	swait.ge @!p0 [sflag:s0], s1  }
0xcf: {  	s1 =	ssub.s32 @!p0 $0x0, s1;
	[sflag:s0] =	ssyncset.done @!p0 $0x0  }
0xd0: {  	[sflag:s0] =	ssyncadd.s32 @!p0 s1  }
0xd1: {  	[bflag:$0x3] =	sbarrier.arrive $0xFFFF  }
0xd2: {  	_ =	shalt  }

// kernel: kernel.25.cloned.1.call-start
scs
__scs_entry_jumppad:
0x0: {  	(pc) =	sbr.rel $0x88, $3  }
0x1: {  	(tag) =	ssettag $0x0;
	lr =	simm.s32 $0x1  }
0x2: {  	[smem:$0x3F99] =	sst lr;
	_ =	strace $0xD0000000  }
0x3: {  	_ = 	snop  }
0x4: {  	_ = 	snop  }
0x5: {  	_ = 	snop  }
0x6: {  	_ = 	snop  }
0x7: {  	_ = 	snop  }
__scs_overlays_trampoline_lowered:
0x8: {  	[smem:$0x3FA8] =	sst s0  }
0x9: {  	[smem:$0x3FA9] =	sst s1  }
0xa: {  	[smem:$0x3FAA] =	sst s2  }
0xb: {  	[smem:$0x3FAB] =	sst s3  }
0xc: {  	[smem:$0x3FAC] =	sst s4  }
0xd: {  	[smem:$0x3FAD] =	sst s5  }
0xe: {  	[smem:$0x3FAE] =	sst s6  }
0xf: {  	[smem:$0x3FAF] =	sst s7  }
0x10: {  	[smem:$0x3FB0] =	sst s8  }
0x11: {  	[smem:$0x3FB1] =	sst s9;
	s0 =	simm.s32 @!p0 $0x0  }
0x12: {  	s1 =	sld [smem:$0x3F97];
	s0 =	simm.s32 @p0 $0x1  }
0x13: {  	[smem:$0x3FB2] =	sst s0;
	s0 =	simm.s32 @!p1 $0x0  }
0x14: {  	s2 =	sld [smem:$0x3F96];
	s0 =	simm.s32 @p1 $0x1  }
0x15: {  	[smem:$0x3FB3] =	sst s0;
	s0 =	simm.s32 @!p2 $0x0  }
0x16: {  	s3 =	sld [smem:$0x3FDB];
	s0 =	simm.s32 @p2 $0x1  }
0x17: {  	s4 =	simm.s32 $0x1BF5;
	[smem:$0x3FB5] =	sst s0  }
0x18: {  	s0 =	sld [smem:$0x3F98];
	_ =	swait.ge [sflag:s4], $0x0  }
0x19: {  	s7 =	sld [smem:$0x3F99]  }
0x1a: {  	s8 =	sadd.s32 $0xFFFFE003, lr  }
0x1b: {  	s9 =	sadd.s32 $0xFFFFFEF7, lr;
	s5 =	simm.s32 $0xFFFFFFFF;
	p2 =	slt.u32 s8, $0xFFFFF086  }
0x1c: {  	p1 =	slt.u32 s9, $0xF7A;
	s5 =	simm.s32 @!p2 $0x0  }
0x1d: {  	s5 =	simm.s32 @p1 $0x1;
	p0 =	seq.s32 s7, s2  }
0x1e: {  	s7 =	smul.u32 @!p0 $0xF7A, s2;
	p2 =	seq.s32 @!p0 s5, $0x0  }
0x1f: {  	s9 =	smul.u32 $0xF7A, s1;
	s8 =	simm.s32 @!p0 $0x1BF5;
	p2 =	por !p2, p0  }
0x20: {  	[sflag:s8] =	ssyncset.s32 @!p0 $0xFFFFF086;
	s6 =	sadd.s32 @!p0 s3, s7;
	s7 =	simm.s32 @!p0 $0x108  }
0x21: {  	s3 =	sadd.s32 s3, s9;
	s6 =	sadd.s32 @!p0 $0x88, s6;
	s7 =	simm.s32 @p2 $0x1082  }
0x22: {  	[simem:s7], [sflag:s8] =	dma.local @!p0 [hbm:s6], $0xF7A  }
0x23: {  	s9 =	sor.u32 $0xD0000000, s2;
	s6 =	simm.s32 $0x108;
	_ =	swait.ge @!p0 [sflag:s8], $0x0  }
0x24: {  	s3 =	sadd.s32 $0x88, s3;
	s6 =	simm.s32 @!p1 $0x1082;
	[sflag:s4] =	ssyncset.s32 $0xFFFFF086  }
0x25: {  	[simem:s6], [sflag:s4] =	dma.local [hbm:s3], $0xF7A  }
0x26: {  	[smem:$0x3F99] =	sst s1;
	(tag) =	ssettag s2;
	_ =	strace s9  }
0x27: {  	s1 =	sld [smem:$0x3FA9]  }
0x28: {  	s2 =	sld [smem:$0x3FAA]  }
0x29: {  	s4 =	sld [smem:$0x3FAC]  }
0x2a: {  	p0 =	seq.s32 s5, $0x0;
	s5 =	sld [smem:$0x3FAD]  }
0x2b: {  	s6 =	sld [smem:$0x3FAE]  }
0x2c: {  	s7 =	sld [smem:$0x3FAF]  }
0x2d: {  	s3 =	simm.s32 $0x108;
	s8 =	sld [smem:$0x3FB0]  }
0x2e: {  	s3 =	simm.s32 @!p0 $0x1082;
	s9 =	sld [smem:$0x3FB1]  }
0x2f: {  	lr =	sadd.s32 s0, s3;
	s0 =	sld [smem:$0x3FA8]  }
0x30: {  	s3 =	sld [smem:$0x3FAB]  }
0x31: {  	[smem:$0x3FB4] =	sst s10  }
0x32: {  	s10 =	sld [smem:$0x3FB2];
	_ =	sdelay $0x3  }
0x33: {  	p0 =	seq.s32 s10, $0x1;
	s10 =	sld [smem:$0x3FB4];
	_ =	sdelay $0x3  }
0x34: {  	[smem:$0x3FB4] =	sst s10  }
0x35: {  	s10 =	sld [smem:$0x3FB3];
	_ =	sdelay $0x3  }
0x36: {  	p1 =	seq.s32 s10, $0x1;
	s10 =	sld [smem:$0x3FB4];
	_ =	sdelay $0x3  }
0x37: {  	[smem:$0x3FB4] =	sst s10  }
0x38: {  	s10 =	sld [smem:$0x3FB5]  }
0x39: {  	_ = 	snop;
	(pc) =	sbr.ind lr, $3  }
0x3a: {  	_ = 	snop  }
0x3b: {  	_ = 	snop  }
0x3c: {  	p2 =	seq.s32 s10, $0x1;
	s10 =	sld [smem:$0x3FB4]  }
0x3d: {  	_ =	shalt  }
0x3e: {  	_ =	shalt  }
0x3f: {  	_ =	shalt  }
0x40: {  	_ =	shalt  }
0x41: {  	_ =	shalt  }
0x42: {  	_ =	shalt  }
0x43: {  	_ =	shalt  }
0x44: {  	_ =	shalt  }
0x45: {  	_ =	shalt  }
0x46: {  	_ =	shalt  }
0x47: {  	_ =	shalt  }
0x48: {  	_ =	shalt  }
0x49: {  	_ =	shalt  }
0x4a: {  	_ =	shalt  }
0x4b: {  	_ =	shalt  }
0x4c: {  	_ =	shalt  }
0x4d: {  	_ =	shalt  }
0x4e: {  	_ =	shalt  }
0x4f: {  	_ =	shalt  }
0x50: {  	_ =	shalt  }
0x51: {  	_ =	shalt  }
0x52: {  	_ =	shalt  }
0x53: {  	_ =	shalt  }
0x54: {  	_ =	shalt  }
0x55: {  	_ =	shalt  }
0x56: {  	_ =	shalt  }
0x57: {  	_ =	shalt  }
0x58: {  	_ =	shalt  }
0x59: {  	_ =	shalt  }
0x5a: {  	_ =	shalt  }
0x5b: {  	_ =	shalt  }
0x5c: {  	_ =	shalt  }
0x5d: {  	_ =	shalt  }
0x5e: {  	_ =	shalt  }
0x5f: {  	_ =	shalt  }
0x60: {  	_ =	shalt  }
0x61: {  	_ =	shalt  }
0x62: {  	_ =	shalt  }
0x63: {  	_ =	shalt  }
0x64: {  	_ =	shalt  }
0x65: {  	_ =	shalt  }
0x66: {  	_ =	shalt  }
0x67: {  	_ =	shalt  }
0x68: {  	_ =	shalt  }
0x69: {  	_ =	shalt  }
0x6a: {  	_ =	shalt  }
0x6b: {  	_ =	shalt  }
0x6c: {  	_ =	shalt  }
0x6d: {  	_ =	shalt  }
0x6e: {  	_ =	shalt  }
0x6f: {  	_ =	shalt  }
0x70: {  	_ =	shalt  }
0x71: {  	_ =	shalt  }
0x72: {  	_ =	shalt  }
0x73: {  	_ =	shalt  }
0x74: {  	_ =	shalt  }
0x75: {  	_ =	shalt  }
0x76: {  	_ =	shalt  }
0x77: {  	_ =	shalt  }
0x78: {  	_ =	shalt  }
0x79: {  	_ =	shalt  }
0x7a: {  	_ =	shalt  }
0x7b: {  	_ =	shalt  }
0x7c: {  	_ =	shalt  }
0x7d: {  	_ =	shalt  }
0x7e: {  	_ =	shalt  }
0x7f: {  	_ =	shalt  }
0x80: {  	_ =	shalt  }
0x81: {  	_ =	shalt  }
0x82: {  	_ =	shalt  }
0x83: {  	_ =	shalt  }
0x84: {  	_ =	shalt  }
0x85: {  	_ =	shalt  }
0x86: {  	_ =	shalt  }
0x87: {  	_ =	shalt  }
.Lfunc_end0:
.L_simem_size_0:
called_computation.3_lowered:
.L_overlay_start_0:
0x88: {  	s2 =	sld [smem:$0x3FD9]  }
0x89: {  	s3 =	sld [smem:$0x3FFE];
	_ =	sdelay $0x1  }
0x8a: {  	s1 =	srdreg.scid  }
0x8b: {  	s0 =	sand.u32 $0x1, s1  }
0x8c: {  	s17 =	sshll.u32 s0, $0xA;
	s2 =	sadd.s32 s3, s2  }
0x8d: {  	s2 =	sadd.s32 s2, s17  }
0x8e: {  	[smem:$0x3FC0] =	sst s2  }
0x8f: {  	_ = 	snop  }
0x90: {  	s2 =	sld [smem:$0x3FD0];
	(tm) =	ssettm $0x1  }
0x91: {  	s18 =	sld [smem:$0x3FFB];
	_ =	sdelay $0x3  }
0x92: {  	_ =	strace s18  }
0x93: {  	s3 =	sld [smem:$0x3FFC];
	_ =	sdelay $0x3  }
0x94: {  	_ =	strace s3  }
0x95: {  	s3 =	sld [smem:$0x3FFD];
	_ =	sdelay $0x3  }
0x96: {  	_ =	strace s3  }
0x97: {  	_ =	strace $0x8FFFFFFF  }
0x98: {  	s19 =	sld [smem:$0x3FDB];
	_ =	sdelay $0x1  }
0x99: {  	s4 =	simm.s32 $_scs_section_size  }
0x9a: {  	s5 =	simm.s32 $_size__tile_overlayer_lowered;
	s6 =	simm.s32 $_tile_overlayer_lowered  }
0x9b: {  	s22 =	simm.s32 $0x1BFF;
	s21 =	sshll.u32 s6, $0x1;
	s3 =	sadd.s32 s4, s19  }
0x9c: {  	s7 =	simm.s32 $0x0;
	s20 =	sshll.u32 s5, $0x1;
	s5 =	sadd.s32 s21, s3  }
0x9d: {  	[timem:s7], [sflag:s22] =	dma.local [hbm:s5], s20  }
0x9e: {  	_ =	swait.ge [sflag:s22], s20  }
0x9f: {  	s4 =	ssub.s32 $0x0, s20;
	[sflag:s22] =	ssyncset.done $0x0  }
0xa0: {  	[sflag:s22] =	ssyncadd.s32 s4;
	_ =	sdelay $0x1  }
0xa1: {  	s23 =	simm.s32 $0x1B8B  }
0xa2: {  	_ =	swait.ge [sflag:s23], $0x1  }
0xa3: {  	[sflag:s23] =	ssyncset.done $0x0  }
0xa4: {  	s25 =	simm.s32 $0x1B8E;
	s24 =	sld [smem:$0x3FFE];
	[sflag:s23] =	ssyncadd.s32 $0xFFFFFFFF  }
0xa5: {  	s26 =	simm.s32 $execute0_lowered;
	[smem:$0x3FD2] =	sst s25  }
0xa6: {  	s5 =	sshll.u32 s26, $0x1;
	_ =	strace $0x8000004F;
	[dreg:$0x1] =	wrdreg $0xFFFFFFFF  }
0xa7: {  	s28 =	simm.s32 $_size_execute0_lowered;
	s3 =	sadd.s32 s3, s5;
	[dreg:$0x0] =	wrdreg $0x0  }
0xa8: {  	s5 =	sshll.u32 s28, $0x1;
	[dreg:$0x2] =	wrdreg s3  }
0xa9: {  	[dreg:$0x3] =	wrdreg s5  }
0xaa: {  	[dreg:$0x4] =	wrdreg $0xC0  }
0xab: {  	_ =	task [dreg:s7], $0x5FFFF  }
0xac: {  	[dreg:$0x1] =	wrdreg $0xFFFFFFFF  }
0xad: {  	[dreg:$0x0] =	wrdreg $0x60  }
0xae: {  	[dreg:$0x2] =	wrdreg s24  }
0xaf: {  	[dreg:$0x3] =	wrdreg s2  }
0xb0: {  	[dreg:$0x4] =	wrdreg $0x10E100  }
0xb1: {  	[dreg:$0x5] =	wrdreg $0x9  }
0xb2: {  	_ =	task.clear_ibuf [dreg:s7], $0x6FFFF;
	_ =	strace $0x9000004F  }
0xb3: {  	s29 =	simm.s32 $0x9;
	_ =	strace $0x80000051  }
0xb4: {  	_ =	swait.ge [sflag:s29], $0x1  }
0xb5: {  	[sflag:s29] =	ssyncadd.s32 $0xFFFFFFFF  }
0xb6: {  	_ =	strace $0x90000051  }
0xb7: {  	_ =	sfence  }
0xb8: {  	s30 =	sld [smem:$0x0];
	_ =	sdelay $0x2  }
0xb9: {  	s31 =	sshll.u32 s1, $0xD;
	s1 =	sshrl.u32 s1, $0x2  }
0xba: {  	s3 =	sand.u32 $0x4000, s31;
	s1 =	sadd.s32 s1, s30  }
0xbb: {  	s0 =	sor.u32 s3, s0;
	s1 =	sshll.u32 s1, $0x11  }
0xbc: {  	s0 =	sor.u32 s1, s0  }
0xbd: {  	s0 =	sadd.s32 $0x8F2B, s0  }
0xbe: {  	[sflag:s0] =	ssyncadd.remote.s32 $0x1  }
0xbf: {  	_ =	sfence.sel $0xFFFF  }
0xc0: {  	[dreg:$0x0] =	wrdreg $0xFFFFFFFF;
	(pc) =	sbr.abs _section_cstart, $3  }
0xc1: {  	[dreg:$0x1] =	wrdreg $0xFFFFFFFF  }
0xc2: {  	_ =	task.clear_ibuf [dreg:s7], $0x2FFFF;
	_ =	strace $0x9FFFFFFF  }
0xc3: {  	(tm) =	ssettm $0x7FFFFFFF  }
tec
execute0_lowered:
.L_overlay_start_1:
0x0: {  	(tag) =	ssettag $0x1  }
0x1: {  	s0 =	rddreg [dreg:$0x0]  }
0x2: {  	s1 =	rddreg [dreg:$0x1]  }
0x3: {  	s2 =	rddreg [dreg:$0x2];
	s4 =	srdreg.scid  }
0x4: {  	s5 =	stileid.u32;
	s3 =	simm.s32 $0x0;
	s20 =	simm.s32 $0x2  }
0x5: {  	s21 =	simm.s32 $0x2840;
	s28 =	simm.s32 $0x50;
	s29 =	simm.s32 $0x9660  }
0x6: {  	s30 =	simm.s32 $0xBD70;
	s31 =	simm.s32 $0x0;
	s10 =	sand.u32 $0x1, s4  }
0x7: {  	s22 =	sshll.u32 s5, $0x1;
	[smem:$0x7FF] =	sst s3;
	s14 =	smul.u32 $0x280, s5  }
0x8: {  	s12 =	sadd.s32 $0x16A00, s0;
	s7 =	sor.u32 s10, s22;
	s16 =	smul.u32 $0x2800, s10  }
0x9: {  	s4 =	sadd.s32 $0x3EA00, s0;
	s5 =	sadd.s32 $0x3F000, s0;
	s8 =	smul.u32 $0x4E2, s7  }
0xa: {  	_ =	strace $0x80000050;
	s9 =	ssub.s32 $0x2, s10;
	s6 =	smul.u32 $0x140, s7  }
0xb: {  	s22 =	simm.s32 $0x1;
	s23 =	sshrl.u32 s9, $0x1;
	s11 =	smul.u32 $0x1400, s7  }
0xc: {  	s7 =	sadd.s32 s14, s2;
	s18 =	ssub.s32 s9, s23;
	s16 =	sadd.s32 s14, s16  }
0xd: {  	s23 =	simm.s32 $0x40;
	s0 =	sadd.s32 s8, s0;
	s24 =	sadd.s32 $0x40, s6  }
0xe: {  	s8 =	sadd.s32 s12, s11;
	s25 =	sadd.s32 $0x80, s6;
	s13 =	sadd.s32 $0xC0, s6  }
0xf: {  	s15 =	sadd.s32 $0x100, s6;
	s17 =	sshrl.u32 s16, $0x3;
	s18 =	smax.u32 s18, $0x1  }
0x10: {  	s9 =	sshll.u32 s24, $0x4;
	s11 =	sshll.u32 s25, $0x4;
	s13 =	sshll.u32 s13, $0x4  }
0x11: {  	s26 =	sshll.u32 s15, $0x4;
	s14 =	sadd.s32 $0xCC00, s0;
	s15 =	sadd.s32 $0x67000, s0  }
0x12: {  	s16 =	sadd.s32 $0x70E00, s0;
	s17 =	sadd.s32 s1, s17;
	s24 =	simm.s32 $0x2800  }
0x13: {  	s9 =	sadd.s32 s12, s9;
	s10 =	sadd.s32 s12, s11;
	s11 =	sadd.s32 s12, s13  }
0x14: {  	v0 =	vimm.f32 $0.0e+00;
	s12 =	sadd.s32 s12, s26;
	s13 =	sadd.s32 $0x2E00, s0;
	s26 =	simm.s32 $0x6F50  }
.LBB2_1:
0x15: {  	[tilespmem:$0x10B90] =	vst v0  }
0x16: {  	[tilespmem:$0x10BA0] =	vst v0  }
0x17: {  	[tilespmem:$0x10BB0] =	vst v0  }
0x18: {  	[tilespmem:$0x10BC0] =	vst v0  }
0x19: {  	[tilespmem:$0x10BD0] =	vst v0  }
0x1a: {  	[tilespmem:$0x10BE0] =	vst v0  }
0x1b: {  	[tilespmem:$0x10BF0] =	vst v0  }
0x1c: {  	[tilespmem:$0x10C00] =	vst v0  }
0x1d: {  	[tilespmem:$0x10C10] =	vst v0  }
0x1e: {  	[tilespmem:$0x10C20] =	vst v0  }
0x1f: {  	[tilespmem:$0x10C30] =	vst v0  }
0x20: {  	[tilespmem:$0x10C40] =	vst v0  }
0x21: {  	[tilespmem:$0x10C50] =	vst v0  }
0x22: {  	[tilespmem:$0x10C60] =	vst v0  }
0x23: {  	[tilespmem:$0x10C70] =	vst v0  }
0x24: {  	[tilespmem:$0x10C80] =	vst v0  }
0x25: {  	[tilespmem:$0x10C90] =	vst v0  }
0x26: {  	[tilespmem:$0x10CA0] =	vst v0  }
0x27: {  	[tilespmem:$0x10CB0] =	vst v0  }
0x28: {  	[tilespmem:$0x10CC0] =	vst v0  }
0x29: {  	[tilespmem:$0x10CD0] =	vst v0  }
0x2a: {  	[tilespmem:$0x10CE0] =	vst v0  }
0x2b: {  	[tilespmem:$0x10CF0] =	vst v0  }
0x2c: {  	[tilespmem:$0x10D00] =	vst v0  }
0x2d: {  	[tilespmem:$0x10D10] =	vst v0  }
0x2e: {  	[tilespmem:$0x10D20] =	vst v0  }
0x2f: {  	[tilespmem:$0x10D30] =	vst v0  }
0x30: {  	[tilespmem:$0x10D40] =	vst v0  }
0x31: {  	[tilespmem:$0x10D50] =	vst v0  }
0x32: {  	[tilespmem:$0x10D60] =	vst v0  }
0x33: {  	[tilespmem:$0x10D70] =	vst v0  }
0x34: {  	[tilespmem:$0x10D80] =	vst v0  }
0x35: {  	[tilespmem:$0x10D90] =	vst v0  }
0x36: {  	[tilespmem:$0x10DA0] =	vst v0  }
0x37: {  	[tilespmem:$0x10DB0] =	vst v0  }
0x38: {  	[tilespmem:$0x10DC0] =	vst v0  }
0x39: {  	[tilespmem:$0x10DD0] =	vst v0  }
0x3a: {  	[tilespmem:$0x10DE0] =	vst v0  }
0x3b: {  	[tilespmem:$0x10DF0] =	vst v0  }
0x3c: {  	[tilespmem:$0x10E00] =	vst v0;
	s0 =	simm.s32 $0x10B90  }
0x3d: {  	[spmem:s7] =	stream.linear.scatter [tilespmem:s0], [sflag:$0x2], $0x280, $0x38;
	[tilespmem:$0x11090] =	vst v63  }
0x3e: {  	_ =	swait.ge [sflag:s20], $0x280  }
0x3f: {  	[sflag:s20] =	ssyncset.done $0x0  }
0x40: {  	[sflag:s20] =	ssyncadd.s32 $0xFFFFFD80  }
0x41: {  	[bflag:$0x0] =	sbarrier.arrive $0xFFFF  }
0x42: {  	[tilespmem:s3], [sflag:$0x2] =	stream.linear.gather [hbm4b:s4+s3], $0x2800, $0x38;
	[tilespmem:$0x11090] =	vst v63  }
0x43: {  	_ =	swait.ge [sflag:s20], $0x2800  }
0x44: {  	[sflag:s20] =	ssyncset.done $0x0  }
0x45: {  	[sflag:s20] =	ssyncadd.s32 $0xFFFFD800  }
0x46: {  	v1 =	vld [tilespmem:s6+$0x0];
	_ =	sdelay $0x4  }
0x47: {  	[tilespmem:$0x2800] =	vst v1  }
0x48: {  	v1 =	vld [tilespmem:s6+$0x10];
	_ =	sdelay $0x4  }
0x49: {  	[tilespmem:$0x2810] =	vst v1  }
0x4a: {  	v1 =	vld [tilespmem:s6+$0x20];
	_ =	sdelay $0x4  }
0x4b: {  	[tilespmem:$0x2820] =	vst v1  }
0x4c: {  	v1 =	vld [tilespmem:s6+$0x30];
	_ =	sdelay $0x4  }
0x4d: {  	[tilespmem:$0x2830] =	vst v1  }
0x4e: {  	[tilespmem:s21], [sflag:$0x1] =	stream.linear.gather [hbm4b:s8+s3], $0x2000, $0x38;
	[tilespmem:$0x11090] =	vst v63  }
0x4f: {  	_ =	swait.ge [sflag:s22], $0x2000  }
0x50: {  	[sflag:s22] =	ssyncset.done $0x0  }
0x51: {  	[sflag:s22] =	ssyncadd.s32 $0xFFFFE000  }
0x52: {  	[hbm4b:s5+s23] =	stream.indirect.scatter [tilespmem:s21], [sflag:$0x2], $0x80, s24, s23, $0xb8;
	[tilespmem:$0x11090] =	vst v63  }
0x53: {  	_ =	swait.ge [sflag:s20], $0x2000  }
0x54: {  	[sflag:s20] =	ssyncset.done $0x0  }
0x55: {  	[sflag:s20] =	ssyncadd.s32 $0xFFFFE000  }
0x56: {  	v1 =	vld [tilespmem:s6+$0x40];
	_ =	sdelay $0x4  }
0x57: {  	[tilespmem:$0x2800] =	vst v1  }
0x58: {  	v1 =	vld [tilespmem:s6+$0x50];
	_ =	sdelay $0x4  }
0x59: {  	[tilespmem:$0x2810] =	vst v1  }
0x5a: {  	v1 =	vld [tilespmem:s6+$0x60];
	_ =	sdelay $0x4  }
0x5b: {  	[tilespmem:$0x2820] =	vst v1  }
0x5c: {  	v1 =	vld [tilespmem:s6+$0x70];
	_ =	sdelay $0x4  }
0x5d: {  	[tilespmem:$0x2830] =	vst v1  }
0x5e: {  	[tilespmem:s21], [sflag:$0x1] =	stream.linear.gather [hbm4b:s9+s3], $0x2000, $0x38;
	[tilespmem:$0x11090] =	vst v63  }
0x5f: {  	_ =	swait.ge [sflag:s22], $0x2000  }
0x60: {  	[sflag:s22] =	ssyncset.done $0x0  }
0x61: {  	[sflag:s22] =	ssyncadd.s32 $0xFFFFE000  }
0x62: {  	[hbm4b:s5+s23] =	stream.indirect.scatter [tilespmem:s21], [sflag:$0x2], $0x80, s24, s23, $0xb8;
	[tilespmem:$0x11090] =	vst v63  }
0x63: {  	_ =	swait.ge [sflag:s20], $0x2000  }
0x64: {  	[sflag:s20] =	ssyncset.done $0x0  }
0x65: {  	[sflag:s20] =	ssyncadd.s32 $0xFFFFE000  }
0x66: {  	v1 =	vld [tilespmem:s6+$0x80];
	_ =	sdelay $0x4  }
0x67: {  	[tilespmem:$0x2800] =	vst v1  }
0x68: {  	v1 =	vld [tilespmem:s6+$0x90];
	_ =	sdelay $0x4  }
0x69: {  	[tilespmem:$0x2810] =	vst v1  }
0x6a: {  	v1 =	vld [tilespmem:s6+$0xA0];
	_ =	sdelay $0x4  }
0x6b: {  	[tilespmem:$0x2820] =	vst v1  }
0x6c: {  	v1 =	vld [tilespmem:s6+$0xB0];
	_ =	sdelay $0x4  }
0x6d: {  	[tilespmem:$0x2830] =	vst v1  }
0x6e: {  	[tilespmem:s21], [sflag:$0x1] =	stream.linear.gather [hbm4b:s10+s3], $0x2000, $0x38;
	[tilespmem:$0x11090] =	vst v63  }
0x6f: {  	_ =	swait.ge [sflag:s22], $0x2000  }
0x70: {  	[sflag:s22] =	ssyncset.done $0x0  }
0x71: {  	[sflag:s22] =	ssyncadd.s32 $0xFFFFE000  }
0x72: {  	[hbm4b:s5+s23] =	stream.indirect.scatter [tilespmem:s21], [sflag:$0x2], $0x80, s24, s23, $0xb8;
	[tilespmem:$0x11090] =	vst v63  }
0x73: {  	_ =	swait.ge [sflag:s20], $0x2000  }
0x74: {  	[sflag:s20] =	ssyncset.done $0x0  }
0x75: {  	[sflag:s20] =	ssyncadd.s32 $0xFFFFE000  }
0x76: {  	v1 =	vld [tilespmem:s6+$0xC0];
	_ =	sdelay $0x4  }
0x77: {  	[tilespmem:$0x2800] =	vst v1  }
0x78: {  	v1 =	vld [tilespmem:s6+$0xD0];
	_ =	sdelay $0x4  }
0x79: {  	[tilespmem:$0x2810] =	vst v1  }
0x7a: {  	v1 =	vld [tilespmem:s6+$0xE0];
	_ =	sdelay $0x4  }
0x7b: {  	[tilespmem:$0x2820] =	vst v1  }
0x7c: {  	v1 =	vld [tilespmem:s6+$0xF0];
	_ =	sdelay $0x4  }
0x7d: {  	[tilespmem:$0x2830] =	vst v1  }
0x7e: {  	[tilespmem:s21], [sflag:$0x1] =	stream.linear.gather [hbm4b:s11+s3], $0x2000, $0x38;
	[tilespmem:$0x11090] =	vst v63  }
0x7f: {  	_ =	swait.ge [sflag:s22], $0x2000  }
0x80: {  	[sflag:s22] =	ssyncset.done $0x0  }
0x81: {  	[sflag:s22] =	ssyncadd.s32 $0xFFFFE000  }
0x82: {  	[hbm4b:s5+s23] =	stream.indirect.scatter [tilespmem:s21], [sflag:$0x2], $0x80, s24, s23, $0xb8;
	[tilespmem:$0x11090] =	vst v63  }
0x83: {  	_ =	swait.ge [sflag:s20], $0x2000  }
0x84: {  	[sflag:s20] =	ssyncset.done $0x0  }
0x85: {  	[sflag:s20] =	ssyncadd.s32 $0xFFFFE000  }
0x86: {  	v1 =	vld [tilespmem:s6+$0x100];
	_ =	sdelay $0x4  }
0x87: {  	[tilespmem:$0x2800] =	vst v1  }
0x88: {  	v1 =	vld [tilespmem:s6+$0x110];
	_ =	sdelay $0x4  }
0x89: {  	[tilespmem:$0x2810] =	vst v1  }
0x8a: {  	v1 =	vld [tilespmem:s6+$0x120];
	_ =	sdelay $0x4  }
0x8b: {  	[tilespmem:$0x2820] =	vst v1  }
0x8c: {  	v1 =	vld [tilespmem:s6+$0x130];
	_ =	sdelay $0x4  }
0x8d: {  	[tilespmem:$0x2830] =	vst v1  }
0x8e: {  	[tilespmem:s21], [sflag:$0x1] =	stream.linear.gather [hbm4b:s12+s3], $0x2000, $0x38;
	[tilespmem:$0x11090] =	vst v63  }
0x8f: {  	_ =	swait.ge [sflag:s22], $0x2000  }
0x90: {  	[sflag:s22] =	ssyncset.done $0x0  }
0x91: {  	[sflag:s22] =	ssyncadd.s32 $0xFFFFE000  }
0x92: {  	[hbm4b:s5+s23] =	stream.indirect.scatter [tilespmem:s21], [sflag:$0x2], $0x80, s24, s23, $0xb8;
	[tilespmem:$0x11090] =	vst v63  }
0x93: {  	_ =	swait.ge [sflag:s20], $0x2000  }
0x94: {  	[sflag:s20] =	ssyncset.done $0x0  }
0x95: {  	s19 =	simm.s32 $0x4840;
	[sflag:s20] =	ssyncadd.s32 $0xFFFFE000  }
0x96: {  	[tilespmem:s19], [sflag:$0x2] =	stream.linear.gather [hbm4b:s13+s3], $0x2710, $0x38;
	[tilespmem:$0x11090] =	vst v63  }
0x97: {  	_ =	swait.ge [sflag:s20], $0x2710  }
0x98: {  	[sflag:s20] =	ssyncset.done $0x0  }
0x99: {  	[sflag:s20] =	ssyncadd.s32 $0xFFFFD8F0  }
0x9a: {  	[tilespmem:s26], [sflag:$0x2] =	stream.linear.gather [hbm4b:s14+s3], $0x2710, $0x38;
	[tilespmem:$0x11090] =	vst v63  }
0x9b: {  	_ =	swait.ge [sflag:s20], $0x2710  }
0x9c: {  	[sflag:s20] =	ssyncset.done $0x0  }
0x9d: {  	s25 =	simm.s32 $0x0;
	[sflag:s20] =	ssyncadd.s32 $0xFFFFD8F0  }
0x9e: {  	v1 =	vld [tilespmem:s25+$0x4840]  }
0x9f: {  	v2 =	vld [tilespmem:s25+$0x6F50];
	_ =	sdelay $0x4  }
0xa0: {  	v3 =	vld [tilespmem:s25+$0x4850]  }
0xa1: {  	v4 =	vld [tilespmem:s25+$0x6F60]  }
0xa2: {  	v1 =	vld.idx.msk [tilespmem:v1+s3+$0x0], $0xffff  }
0xa3: {  	v2 =	vld.idx.msk [tilespmem:v2+s3+$0x0], $0xffff;
	_ =	sdelay $0x3  }
0xa4: {  	vm0 =	vlt.s32 v1, $0x1388;
	[tilespmem:s25+$0x9660] =	vst v1  }
0xa5: {  	v61 =	vld [tilespmem:s25+$0x6F70];
	[tilespmem:s25+$0xBD70] =	vst v2;
	v5 =	vsel vm0, $0x3F800000, v0  }
0xa6: {  	v1 =	vld [tilespmem:s25+$0x4860];
	[tilespmem:s25+$0xE480] =	vst v5  }
0xa7: {  	v2 =	vld.idx.msk [tilespmem:v3+s3+$0x0], $0xffff  }
0xa8: {  	v3 =	vld.idx.msk [tilespmem:v4+s3+$0x0], $0xffff;
	_ =	sdelay $0x3  }
0xa9: {  	vm12 =	vlt.s32 v2, $0x1388;
	[tilespmem:s25+$0x9670] =	vst v2  }
0xaa: {  	v62 =	vld [tilespmem:s25+$0x6F80];
	[tilespmem:s25+$0xBD80] =	vst v3;
	v2 =	vsel vm12, $0x3F800000, v0  }
0xab: {  	[tilespmem:s25+$0xE490] =	vst v2;
	v2 =	vld [tilespmem:s25+$0x4870]  }
0xac: {  	v1 =	vld.idx.msk [tilespmem:v1+s3+$0x0], $0xffff  }
0xad: {  	v3 =	vld.idx.msk [tilespmem:v61+s3+$0x0], $0xffff;
	_ =	sdelay $0x3  }
0xae: {  	vm13 =	vlt.s32 v1, $0x1388;
	[tilespmem:s25+$0x9680] =	vst v1  }
0xaf: {  	v63 =	vld [tilespmem:s25+$0x6F90];
	[tilespmem:s25+$0xBD90] =	vst v3;
	v1 =	vsel vm13, $0x3F800000, v0  }
0xb0: {  	[tilespmem:s25+$0xE4A0] =	vst v1;
	v1 =	vld [tilespmem:s25+$0x4880]  }
0xb1: {  	v2 =	vld.idx.msk [tilespmem:v2+s3+$0x0], $0xffff  }
0xb2: {  	v3 =	vld.idx.msk [tilespmem:v62+s3+$0x0], $0xffff;
	_ =	sdelay $0x3  }
0xb3: {  	vm14 =	vlt.s32 v2, $0x1388;
	[tilespmem:s25+$0x9690] =	vst v2  }
0xb4: {  	[tilespmem:s25+$0xBDA0] =	vst v3;
	v2 =	vsel vm14, $0x3F800000, v0  }
0xb5: {  	[tilespmem:s25+$0xE4B0] =	vst v2  }
0xb6: {  	v1 =	vld.idx.msk [tilespmem:v1+s3+$0x0], $0xffff  }
0xb7: {  	v2 =	vld.idx.msk [tilespmem:v63+s3+$0x0], $0xffff;
	_ =	sdelay $0x3  }
0xb8: {  	vm15 =	vlt.s32 v1, $0x1388;
	[tilespmem:s25+$0x96A0] =	vst v1  }
0xb9: {  	[tilespmem:s25+$0xBDB0] =	vst v2;
	v1 =	vsel vm15, $0x3F800000, v0  }
0xba: {  	s1 =	simm.s32 $0xBD70;
	s19 =	simm.s32 $0xE480;
	[tilespmem:s25+$0xE4C0] =	vst v1  }
0xbb: {  	[spmem:s2] =	stream.indirect.scatter.add.f32 [tilespmem:s19], [sflag:$0x2], $0x1, s1, s28, $0xb8;
	[tilespmem:$0x11090] =	vst v63  }
0xbc: {  	s0 =	simm.s32 $0x140;
	_ =	swait.ge [sflag:s20], $0x50  }
.LBB2_2:
0xbd: {  	p0 =	sne.s32 s0, $0x9B00  }
0xbe: {  	[sflag:s20] =	ssyncset.done $0x0;
	s1 =	smov.u32 s0;
	s0 =	sadd.s32 $0x140, s0  }
0xbf: {  	s1 =	sshra.s32 s1, $0x2;
	[sflag:s20] =	ssyncadd.s32 $0xFFFFFFB0  }
0xc0: {  	v1 =	vld [tilespmem:s1+$0x4840];
	_ =	sdelay $0x1  }
0xc1: {  	v2 =	vld [tilespmem:s1+$0x6F50];
	_ =	sdelay $0x5  }
0xc2: {  	v1 =	vld.idx.msk [tilespmem:v1+s3+$0x0], $0xffff  }
0xc3: {  	v3 =	vld [tilespmem:s1+$0x4850]  }
0xc4: {  	v2 =	vld.idx.msk [tilespmem:v2+s3+$0x0], $0xffff  }
0xc5: {  	v4 =	vld [tilespmem:s1+$0x6F60];
	_ =	sdelay $0x2  }
0xc6: {  	vm0 =	vlt.s32 v1, $0x1388  }
0xc7: {  	v5 =	vsel vm0, $0x3F800000, v0;
	[tilespmem:s1+$0x9660] =	vst v1  }
0xc8: {  	[tilespmem:s1+$0xE480] =	vst v5  }
0xc9: {  	[tilespmem:s1+$0xBD70] =	vst v2;
	v1 =	vld [tilespmem:s1+$0x4860]  }
0xca: {  	v2 =	vld.idx.msk [tilespmem:v3+s3+$0x0], $0xffff  }
0xcb: {  	v3 =	vld.idx.msk [tilespmem:v4+s3+$0x0], $0xffff  }
0xcc: {  	v4 =	vld [tilespmem:s1+$0x6F70];
	_ =	sdelay $0x3  }
0xcd: {  	vm0 =	vlt.s32 v2, $0x1388;
	[tilespmem:s1+$0x9670] =	vst v2  }
0xce: {  	v2 =	vsel vm0, $0x3F800000, v0;
	[tilespmem:s1+$0xBD80] =	vst v3  }
0xcf: {  	[tilespmem:s1+$0xE490] =	vst v2;
	v2 =	vld [tilespmem:s1+$0x4870]  }
0xd0: {  	v1 =	vld.idx.msk [tilespmem:v1+s3+$0x0], $0xffff  }
0xd1: {  	v3 =	vld.idx.msk [tilespmem:v4+s3+$0x0], $0xffff  }
0xd2: {  	v4 =	vld [tilespmem:s1+$0x6F80];
	_ =	sdelay $0x3  }
0xd3: {  	vm0 =	vlt.s32 v1, $0x1388;
	[tilespmem:s1+$0x9680] =	vst v1  }
0xd4: {  	v1 =	vsel vm0, $0x3F800000, v0;
	[tilespmem:s1+$0xBD90] =	vst v3  }
0xd5: {  	[tilespmem:s1+$0xE4A0] =	vst v1;
	v1 =	vld [tilespmem:s1+$0x4880]  }
0xd6: {  	v2 =	vld.idx.msk [tilespmem:v2+s3+$0x0], $0xffff  }
0xd7: {  	v3 =	vld.idx.msk [tilespmem:v4+s3+$0x0], $0xffff  }
0xd8: {  	v4 =	vld [tilespmem:s1+$0x6F90];
	_ =	sdelay $0x3  }
0xd9: {  	vm0 =	vlt.s32 v2, $0x1388;
	[tilespmem:s1+$0x9690] =	vst v2  }
0xda: {  	v2 =	vsel vm0, $0x3F800000, v0;
	[tilespmem:s1+$0xBDA0] =	vst v3  }
0xdb: {  	[tilespmem:s1+$0xE4B0] =	vst v2  }
0xdc: {  	v1 =	vld.idx.msk [tilespmem:v1+s3+$0x0], $0xffff  }
0xdd: {  	v2 =	vld.idx.msk [tilespmem:v4+s3+$0x0], $0xffff;
	_ =	sdelay $0x4  }
.Ltmp0:
0xde: {  	vm0 =	vlt.s32 v1, $0x1388;
	[tilespmem:s1+$0x96A0] =	vst v1;
	(pc) =	sbr.rel @p0 .LBB2_2-.Ltmp0, $4  }
0xdf: {  	s19 =	sadd.s32 $0xBD70, s1;
	s25 =	sadd.s32 $0xE480, s1;
	v1 =	vsel vm0, $0x3F800000, v0;
	[tilespmem:s1+$0xBDB0] =	vst v2  }
0xe0: {  	[tilespmem:s1+$0xE4C0] =	vst v1  }
0xe1: {  	[spmem:s2] =	stream.indirect.scatter.add.f32 [tilespmem:s25], [sflag:$0x2], $0x1, s19, s28, $0xb8;
	[tilespmem:$0x11090] =	vst v63  }
0xe2: {  	_ =	swait.ge [sflag:s20], $0x50  }
0xe3: {  	[sflag:s20] =	ssyncset.done $0x0  }
0xe4: {  	[sflag:s20] =	ssyncadd.s32 $0xFFFFFFB0  }
0xe5: {  	[hbm4b:s15+s3] =	stream.linear.scatter [tilespmem:s29], [sflag:$0x2], $0x2710, $0x38;
	[tilespmem:$0x11090] =	vst v63  }
0xe6: {  	_ =	swait.ge [sflag:s20], $0x2710  }
0xe7: {  	[sflag:s20] =	ssyncset.done $0x0  }
0xe8: {  	[sflag:s20] =	ssyncadd.s32 $0xFFFFD8F0  }
0xe9: {  	[hbm4b:s16+s3] =	stream.linear.scatter [tilespmem:s30], [sflag:$0x2], $0x2710, $0x38;
	[tilespmem:$0x11090] =	vst v63  }
0xea: {  	s0 =	stileid.u32;
	_ =	swait.ge [sflag:s20], $0x2710  }
0xeb: {  	s1 =	sshrl.u32 s7, $0x3;
	s31 =	sadd.s32 $0x1, s31;
	[sflag:s20] =	ssyncset.done $0x0  }
0xec: {  	s0 =	sshll.u32 s0, $0x6;
	p0 =	sne.s32 s31, s18;
	[sflag:s20] =	ssyncadd.s32 $0xFFFFD8F0  }
.Ltmp1:
0xed: {  	s0 =	sor.u32 $0x1C02, s0;
	[bflag:$0x0] =	sbarrier.arrive $0xFFFF;
	(pc) =	sbr.rel @p0 .LBB2_1-.Ltmp1, $4  }
0xee: {  	[hbm:s17], [sflag:s0] =	dma.local [spmem:s1], $0x50  }
0xef: {  	_ =	swait.ge [sflag:s20], $0x50  }
0xf0: {  	[sflag:s20] =	ssyncset.done $0x0  }
0xf1: {  	[sflag:s20] =	ssyncadd.s32 $0xFFFFFFB0  }
0xf2: {  	_ =	sfence.sel $0x180000  }
0xf3: {  	[bflag:$0x0] =	sbarrier.arrive $0xFFFF  }
0xf4: {  	_ =	strace $0x90000050  }
0xf5: {  	s0 =	stileid.u32;
	[bflag:$0x2] =	sbarrier.arrive $0xFFFF  }
0xf6: {  	p0 =	sne.s32 s0, $0x0;
	s0 =	rddreg [dreg:$0x3]  }
0xf7: {  	s0 =	sadd.s32 @!p0 $0x100000, s0  }
0xf8: {  	[sflag:s0] =	ssyncadd.tile.s32 @!p0 $0x1;
	_ =	shalt  }
.Lfunc_end2:
_tile_overlayer_lowered:
.L_overlay_start_2:
0xf9: {  	(tag) =	ssettag $0x2  }
0xfa: {  	s0 =	rddreg [dreg:$0x0];
	s2 =	stileid.u32  }
0xfb: {  	s1 =	rddreg [dreg:$0x1];
	p0 =	sne.s32 s2, $0x0  }
0xfc: {  	s3 =	rddreg [dreg:$0x2];
	[bflag:$0x3] =	sbarrier.arrive $0xFFFF;
	s2 =	simm.s32 @!p0 $0x1C02  }
0xfd: {  	[timem:s3], [sflag:s2] =	dma.local @!p0 [hbm:s0], s1  }
0xfe: {  	s0 =	simm.s32 @!p0 $0x2  }
0xff: {  	_ =	swait.ge @!p0 [sflag:s0], s1  }
0x100: {  	s1 =	ssub.s32 @!p0 $0x0, s1;
	[sflag:s0] =	ssyncset.done @!p0 $0x0  }
0x101: {  	[sflag:s0] =	ssyncadd.s32 @!p0 s1  }
0x102: {  	[bflag:$0x3] =	sbarrier.arrive $0xFFFF  }
0x103: {  	_ =	shalt  }

// kernel: kernel.28.cloned.1.call-start
scs
__scs_entry_jumppad:
0x0: {  	(pc) =	sbr.rel $0x88, $3  }
0x1: {  	(tag) =	ssettag $0x0;
	lr =	simm.s32 $0x1  }
0x2: {  	[smem:$0x3F99] =	sst lr;
	_ =	strace $0xD0000000  }
0x3: {  	_ = 	snop  }
0x4: {  	_ = 	snop  }
0x5: {  	_ = 	snop  }
0x6: {  	_ = 	snop  }
0x7: {  	_ = 	snop  }
__scs_overlays_trampoline_lowered:
0x8: {  	[smem:$0x3FA8] =	sst s0  }
0x9: {  	[smem:$0x3FA9] =	sst s1  }
0xa: {  	[smem:$0x3FAA] =	sst s2  }
0xb: {  	[smem:$0x3FAB] =	sst s3  }
0xc: {  	[smem:$0x3FAC] =	sst s4  }
0xd: {  	[smem:$0x3FAD] =	sst s5  }
0xe: {  	[smem:$0x3FAE] =	sst s6  }
0xf: {  	[smem:$0x3FAF] =	sst s7  }
0x10: {  	[smem:$0x3FB0] =	sst s8  }
0x11: {  	[smem:$0x3FB1] =	sst s9;
	s0 =	simm.s32 @!p0 $0x0  }
0x12: {  	s1 =	sld [smem:$0x3F97];
	s0 =	simm.s32 @p0 $0x1  }
0x13: {  	[smem:$0x3FB2] =	sst s0;
	s0 =	simm.s32 @!p1 $0x0  }
0x14: {  	s2 =	sld [smem:$0x3F96];
	s0 =	simm.s32 @p1 $0x1  }
0x15: {  	[smem:$0x3FB3] =	sst s0;
	s0 =	simm.s32 @!p2 $0x0  }
0x16: {  	s3 =	sld [smem:$0x3FDB];
	s0 =	simm.s32 @p2 $0x1  }
0x17: {  	s4 =	simm.s32 $0x1BF5;
	[smem:$0x3FB5] =	sst s0  }
0x18: {  	s0 =	sld [smem:$0x3F98];
	_ =	swait.ge [sflag:s4], $0x0  }
0x19: {  	s7 =	sld [smem:$0x3F99]  }
0x1a: {  	s8 =	sadd.s32 $0xFFFFE003, lr  }
0x1b: {  	s9 =	sadd.s32 $0xFFFFFEF7, lr;
	s5 =	simm.s32 $0xFFFFFFFF;
	p2 =	slt.u32 s8, $0xFFFFF086  }
0x1c: {  	p1 =	slt.u32 s9, $0xF7A;
	s5 =	simm.s32 @!p2 $0x0  }
0x1d: {  	s5 =	simm.s32 @p1 $0x1;
	p0 =	seq.s32 s7, s2  }
0x1e: {  	s7 =	smul.u32 @!p0 $0xF7A, s2;
	p2 =	seq.s32 @!p0 s5, $0x0  }
0x1f: {  	s9 =	smul.u32 $0xF7A, s1;
	s8 =	simm.s32 @!p0 $0x1BF5;
	p2 =	por !p2, p0  }
0x20: {  	[sflag:s8] =	ssyncset.s32 @!p0 $0xFFFFF086;
	s6 =	sadd.s32 @!p0 s3, s7;
	s7 =	simm.s32 @!p0 $0x108  }
0x21: {  	s3 =	sadd.s32 s3, s9;
	s6 =	sadd.s32 @!p0 $0x88, s6;
	s7 =	simm.s32 @p2 $0x1082  }
0x22: {  	[simem:s7], [sflag:s8] =	dma.local @!p0 [hbm:s6], $0xF7A  }
0x23: {  	s9 =	sor.u32 $0xD0000000, s2;
	s6 =	simm.s32 $0x108;
	_ =	swait.ge @!p0 [sflag:s8], $0x0  }
0x24: {  	s3 =	sadd.s32 $0x88, s3;
	s6 =	simm.s32 @!p1 $0x1082;
	[sflag:s4] =	ssyncset.s32 $0xFFFFF086  }
0x25: {  	[simem:s6], [sflag:s4] =	dma.local [hbm:s3], $0xF7A  }
0x26: {  	[smem:$0x3F99] =	sst s1;
	(tag) =	ssettag s2;
	_ =	strace s9  }
0x27: {  	s1 =	sld [smem:$0x3FA9]  }
0x28: {  	s2 =	sld [smem:$0x3FAA]  }
0x29: {  	s4 =	sld [smem:$0x3FAC]  }
0x2a: {  	p0 =	seq.s32 s5, $0x0;
	s5 =	sld [smem:$0x3FAD]  }
0x2b: {  	s6 =	sld [smem:$0x3FAE]  }
0x2c: {  	s7 =	sld [smem:$0x3FAF]  }
0x2d: {  	s3 =	simm.s32 $0x108;
	s8 =	sld [smem:$0x3FB0]  }
0x2e: {  	s3 =	simm.s32 @!p0 $0x1082;
	s9 =	sld [smem:$0x3FB1]  }
0x2f: {  	lr =	sadd.s32 s0, s3;
	s0 =	sld [smem:$0x3FA8]  }
0x30: {  	s3 =	sld [smem:$0x3FAB]  }
0x31: {  	[smem:$0x3FB4] =	sst s10  }
0x32: {  	s10 =	sld [smem:$0x3FB2];
	_ =	sdelay $0x3  }
0x33: {  	p0 =	seq.s32 s10, $0x1;
	s10 =	sld [smem:$0x3FB4];
	_ =	sdelay $0x3  }
0x34: {  	[smem:$0x3FB4] =	sst s10  }
0x35: {  	s10 =	sld [smem:$0x3FB3];
	_ =	sdelay $0x3  }
0x36: {  	p1 =	seq.s32 s10, $0x1;
	s10 =	sld [smem:$0x3FB4];
	_ =	sdelay $0x3  }
0x37: {  	[smem:$0x3FB4] =	sst s10  }
0x38: {  	s10 =	sld [smem:$0x3FB5]  }
0x39: {  	_ = 	snop;
	(pc) =	sbr.ind lr, $3  }
0x3a: {  	_ = 	snop  }
0x3b: {  	_ = 	snop  }
0x3c: {  	p2 =	seq.s32 s10, $0x1;
	s10 =	sld [smem:$0x3FB4]  }
0x3d: {  	_ =	shalt  }
0x3e: {  	_ =	shalt  }
0x3f: {  	_ =	shalt  }
0x40: {  	_ =	shalt  }
0x41: {  	_ =	shalt  }
0x42: {  	_ =	shalt  }
0x43: {  	_ =	shalt  }
0x44: {  	_ =	shalt  }
0x45: {  	_ =	shalt  }
0x46: {  	_ =	shalt  }
0x47: {  	_ =	shalt  }
0x48: {  	_ =	shalt  }
0x49: {  	_ =	shalt  }
0x4a: {  	_ =	shalt  }
0x4b: {  	_ =	shalt  }
0x4c: {  	_ =	shalt  }
0x4d: {  	_ =	shalt  }
0x4e: {  	_ =	shalt  }
0x4f: {  	_ =	shalt  }
0x50: {  	_ =	shalt  }
0x51: {  	_ =	shalt  }
0x52: {  	_ =	shalt  }
0x53: {  	_ =	shalt  }
0x54: {  	_ =	shalt  }
0x55: {  	_ =	shalt  }
0x56: {  	_ =	shalt  }
0x57: {  	_ =	shalt  }
0x58: {  	_ =	shalt  }
0x59: {  	_ =	shalt  }
0x5a: {  	_ =	shalt  }
0x5b: {  	_ =	shalt  }
0x5c: {  	_ =	shalt  }
0x5d: {  	_ =	shalt  }
0x5e: {  	_ =	shalt  }
0x5f: {  	_ =	shalt  }
0x60: {  	_ =	shalt  }
0x61: {  	_ =	shalt  }
0x62: {  	_ =	shalt  }
0x63: {  	_ =	shalt  }
0x64: {  	_ =	shalt  }
0x65: {  	_ =	shalt  }
0x66: {  	_ =	shalt  }
0x67: {  	_ =	shalt  }
0x68: {  	_ =	shalt  }
0x69: {  	_ =	shalt  }
0x6a: {  	_ =	shalt  }
0x6b: {  	_ =	shalt  }
0x6c: {  	_ =	shalt  }
0x6d: {  	_ =	shalt  }
0x6e: {  	_ =	shalt  }
0x6f: {  	_ =	shalt  }
0x70: {  	_ =	shalt  }
0x71: {  	_ =	shalt  }
0x72: {  	_ =	shalt  }
0x73: {  	_ =	shalt  }
0x74: {  	_ =	shalt  }
0x75: {  	_ =	shalt  }
0x76: {  	_ =	shalt  }
0x77: {  	_ =	shalt  }
0x78: {  	_ =	shalt  }
0x79: {  	_ =	shalt  }
0x7a: {  	_ =	shalt  }
0x7b: {  	_ =	shalt  }
0x7c: {  	_ =	shalt  }
0x7d: {  	_ =	shalt  }
0x7e: {  	_ =	shalt  }
0x7f: {  	_ =	shalt  }
0x80: {  	_ =	shalt  }
0x81: {  	_ =	shalt  }
0x82: {  	_ =	shalt  }
0x83: {  	_ =	shalt  }
0x84: {  	_ =	shalt  }
0x85: {  	_ =	shalt  }
0x86: {  	_ =	shalt  }
0x87: {  	_ =	shalt  }
.Lfunc_end0:
.L_simem_size_0:
called_computation.4_lowered:
.L_overlay_start_0:
0x88: {  	s2 =	sld [smem:$0x3FD9]  }
0x89: {  	s3 =	sld [smem:$0x3FFE];
	_ =	sdelay $0x1  }
0x8a: {  	s1 =	srdreg.scid  }
0x8b: {  	s0 =	sand.u32 $0x1, s1  }
0x8c: {  	s16 =	sshll.u32 s0, $0xA;
	s2 =	sadd.s32 s3, s2  }
0x8d: {  	s2 =	sadd.s32 s2, s16  }
0x8e: {  	[smem:$0x3FC0] =	sst s2  }
0x8f: {  	_ = 	snop  }
0x90: {  	(tm) =	ssettm $0x1  }
0x91: {  	s17 =	sld [smem:$0x3FFB];
	_ =	sdelay $0x3  }
0x92: {  	_ =	strace s17  }
0x93: {  	s2 =	sld [smem:$0x3FFC];
	_ =	sdelay $0x3  }
0x94: {  	_ =	strace s2  }
0x95: {  	s2 =	sld [smem:$0x3FFD];
	_ =	sdelay $0x3  }
0x96: {  	_ =	strace s2  }
0x97: {  	_ =	strace $0x8FFFFFFF  }
0x98: {  	s18 =	sld [smem:$0x3FDB];
	_ =	sdelay $0x1  }
0x99: {  	s19 =	simm.s32 $_scs_section_size  }
0x9a: {  	s4 =	simm.s32 $_size__tile_overlayer_lowered;
	s5 =	simm.s32 $_tile_overlayer_lowered  }
0x9b: {  	s22 =	simm.s32 $0x1BFF;
	s21 =	sshll.u32 s5, $0x1;
	s2 =	sadd.s32 s19, s18  }
0x9c: {  	s6 =	simm.s32 $0x0;
	s20 =	sshll.u32 s4, $0x1;
	s4 =	sadd.s32 s21, s2  }
0x9d: {  	[timem:s6], [sflag:s22] =	dma.local [hbm:s4], s20  }
0x9e: {  	_ =	swait.ge [sflag:s22], s20  }
0x9f: {  	s3 =	ssub.s32 $0x0, s20;
	[sflag:s22] =	ssyncset.done $0x0  }
0xa0: {  	[sflag:s22] =	ssyncadd.s32 s3;
	_ =	sdelay $0x1  }
0xa1: {  	s23 =	simm.s32 $0x1B8B  }
0xa2: {  	_ =	swait.ge [sflag:s23], $0x1  }
0xa3: {  	[sflag:s23] =	ssyncset.done $0x0  }
0xa4: {  	s25 =	simm.s32 $0x1B8E;
	s24 =	sld [smem:$0x3FFE];
	[sflag:s23] =	ssyncadd.s32 $0xFFFFFFFF  }
0xa5: {  	s26 =	simm.s32 $execute0_lowered;
	[smem:$0x3FD2] =	sst s25  }
0xa6: {  	s4 =	sshll.u32 s26, $0x1;
	_ =	strace $0x80000052;
	[dreg:$0x1] =	wrdreg $0xFFFFFFFF  }
0xa7: {  	s28 =	simm.s32 $_size_execute0_lowered;
	s2 =	sadd.s32 s2, s4;
	[dreg:$0x0] =	wrdreg $0x0  }
0xa8: {  	s4 =	sshll.u32 s28, $0x1;
	[dreg:$0x2] =	wrdreg s2  }
0xa9: {  	[dreg:$0x3] =	wrdreg s4  }
0xaa: {  	[dreg:$0x4] =	wrdreg $0xC0  }
0xab: {  	_ =	task [dreg:s6], $0x5FFFF  }
0xac: {  	[dreg:$0x1] =	wrdreg $0xFFFFFFFF  }
0xad: {  	[dreg:$0x0] =	wrdreg $0x60  }
0xae: {  	[dreg:$0x2] =	wrdreg s24  }
0xaf: {  	[dreg:$0x3] =	wrdreg $0xB2200  }
0xb0: {  	[dreg:$0x4] =	wrdreg $0x9  }
0xb1: {  	_ =	task.clear_ibuf [dreg:s6], $0x5FFFF;
	_ =	strace $0x90000052  }
0xb2: {  	s29 =	simm.s32 $0x9;
	_ =	strace $0x80000054  }
0xb3: {  	_ =	swait.ge [sflag:s29], $0x1  }
0xb4: {  	[sflag:s29] =	ssyncadd.s32 $0xFFFFFFFF  }
0xb5: {  	_ =	strace $0x90000054  }
0xb6: {  	_ =	sfence  }
0xb7: {  	s30 =	sld [smem:$0x0];
	_ =	sdelay $0x2  }
0xb8: {  	s31 =	sshll.u32 s1, $0xD;
	s1 =	sshrl.u32 s1, $0x2  }
0xb9: {  	s3 =	sand.u32 $0x4000, s31;
	s1 =	sadd.s32 s1, s30  }
0xba: {  	s0 =	sor.u32 s3, s0;
	s1 =	sshll.u32 s1, $0x11  }
0xbb: {  	s0 =	sor.u32 s1, s0  }
0xbc: {  	s0 =	sadd.s32 $0x8F2B, s0  }
0xbd: {  	[sflag:s0] =	ssyncadd.remote.s32 $0x1  }
0xbe: {  	_ =	sfence.sel $0xFFFF  }
0xbf: {  	[dreg:$0x0] =	wrdreg $0xFFFFFFFF;
	(pc) =	sbr.abs _section_cstart, $3  }
0xc0: {  	[dreg:$0x1] =	wrdreg $0xFFFFFFFF  }
0xc1: {  	_ =	task.clear_ibuf [dreg:s6], $0x2FFFF;
	_ =	strace $0x9FFFFFFF  }
0xc2: {  	(tm) =	ssettm $0x7FFFFFFF  }
0xc3: {  	_ =	shalt  }
tec
execute0_lowered:
.L_overlay_start_1:
0x0: {  	(tag) =	ssettag $0x1  }
0x1: {  	s0 =	srdreg.scid;
	s5 =	rddreg [dreg:$0x0]  }
0x2: {  	s4 =	stileid.u32;
	s2 =	rddreg [dreg:$0x1]  }
0x3: {  	s3 =	simm.s32 $0x0;
	s17 =	simm.s32 $0x4E20;
	s18 =	simm.s32 $0x5  }
0x4: {  	s20 =	simm.s32 $0x50;
	s21 =	simm.s32 $0x6220;
	s22 =	simm.s32 $0x7620  }
0x5: {  	s24 =	simm.s32 $0x8A20;
	s25 =	simm.s32 $0x1;
	s28 =	simm.s32 $0x2  }
0x6: {  	s29 =	simm.s32 $0x3;
	s30 =	simm.s32 $0x4;
	s31 =	simm.s32 $0x4D80  }
0x7: {  	s0 =	sand.u32 $0x1, s0;
	s1 =	sshll.u32 s4, $0x1;
	s6 =	smul.u32 $0xA000, s4  }
0x8: {  	[smem:$0x7FF] =	sst s3;
	s8 =	smul.u32 $0x28000, s4;
	s4 =	sadd.s32 $0x2E00, s5  }
0x9: {  	s1 =	sor.u32 s0, s1;
	s7 =	smul.u32 $0xA0000, s0;
	_ =	strace $0x80000053  }
0xa: {  	s0 =	ssub.s32 $0x2, s0;
	s1 =	smul.u32 $0x4E2, s1;
	s8 =	sshrl.u32 s8, $0x2  }
0xb: {  	s26 =	sshrl.u32 s0, $0x1;
	s7 =	sadd.s32 s6, s7;
	s12 =	sadd.s32 s8, s2  }
0xc: {  	s0 =	ssub.s32 s0, s26;
	s26 =	simm.s32 $0x9E20;
	s1 =	sadd.s32 s1, s5  }
0xd: {  	s7 =	sshrl.u32 s7, $0x3;
	s8 =	sadd.s32 $0x3C00, s12;
	s9 =	sadd.s32 $0x5000, s12  }
0xe: {  	s10 =	sadd.s32 $0x6400, s12;
	s11 =	sadd.s32 $0x7800, s12;
	s16 =	smax.u32 s0, $0x1  }
0xf: {  	s15 =	sadd.s32 s7, s5;
	s5 =	sadd.s32 s6, s2;
	s6 =	sadd.s32 $0x1400, s12  }
0x10: {  	s7 =	sadd.s32 $0x2800, s12;
	s12 =	sadd.s32 $0x8C00, s12;
	s13 =	sadd.s32 $0x67000, s1  }
0x11: {  	v0 =	vimm.f32 $0.0e+00;
	s14 =	sadd.s32 $0x70E00, s1;
	s1 =	simm.s32 $0x4DD0;
	s15 =	sadd.s32 $0x16E00, s15  }
.LBB2_1:
0x12: {  	s19 =	simm.s32 $0x100;
	s0 =	simm.s32 $0x0  }
.LBB2_2:
0x13: {  	p0 =	sne.s32 s19, $0x4F00;
	[tilespmem:s0+$0x4E50] =	vst v0;
	s23 =	smov.u32 s19;
	s19 =	sadd.s32 $0x100, s19  }
.Ltmp0:
0x14: {  	[tilespmem:s0+$0x4E40] =	vst v0;
	(pc) =	sbr.rel @p0 .LBB2_2-.Ltmp0, $3  }
0x15: {  	[tilespmem:s0+$0x4E20] =	vst v0  }
0x16: {  	[tilespmem:s0+$0x4E30] =	vst v0;
	_ =	sdelay $0x1  }
0x17: {  	s0 =	sshra.s32 s23, $0x2  }
0x18: {  	[tilespmem:s0+$0x4E50] =	vst v0  }
0x19: {  	[tilespmem:s0+$0x4E40] =	vst v0  }
0x1a: {  	[tilespmem:s0+$0x4E20] =	vst v0  }
0x1b: {  	[tilespmem:s0+$0x4E30] =	vst v0  }
0x1c: {  	[spmem:s5] =	stream.linear.scatter [tilespmem:s17], [sflag:$0x5], $0x1400, $0x38;
	[tilespmem:$0x15220] =	vst v63  }
0x1d: {  	_ =	swait.ge [sflag:s18], $0x1400  }
0x1e: {  	[sflag:s18] =	ssyncset.done $0x0  }
0x1f: {  	[sflag:s18] =	ssyncadd.s32 $0xFFFFEC00  }
0x20: {  	[spmem:s6] =	stream.linear.scatter [tilespmem:s17], [sflag:$0x5], $0x1400, $0x38;
	[tilespmem:$0x15220] =	vst v63  }
0x21: {  	_ =	swait.ge [sflag:s18], $0x1400  }
0x22: {  	[sflag:s18] =	ssyncset.done $0x0  }
0x23: {  	[sflag:s18] =	ssyncadd.s32 $0xFFFFEC00  }
0x24: {  	[spmem:s7] =	stream.linear.scatter [tilespmem:s17], [sflag:$0x5], $0x1400, $0x38;
	[tilespmem:$0x15220] =	vst v63  }
0x25: {  	_ =	swait.ge [sflag:s18], $0x1400  }
0x26: {  	[sflag:s18] =	ssyncset.done $0x0  }
0x27: {  	[sflag:s18] =	ssyncadd.s32 $0xFFFFEC00  }
0x28: {  	[spmem:s8] =	stream.linear.scatter [tilespmem:s17], [sflag:$0x5], $0x1400, $0x38;
	[tilespmem:$0x15220] =	vst v63  }
0x29: {  	_ =	swait.ge [sflag:s18], $0x1400  }
0x2a: {  	[sflag:s18] =	ssyncset.done $0x0  }
0x2b: {  	[sflag:s18] =	ssyncadd.s32 $0xFFFFEC00  }
0x2c: {  	[spmem:s9] =	stream.linear.scatter [tilespmem:s17], [sflag:$0x5], $0x1400, $0x38;
	[tilespmem:$0x15220] =	vst v63  }
0x2d: {  	_ =	swait.ge [sflag:s18], $0x1400  }
0x2e: {  	[sflag:s18] =	ssyncset.done $0x0  }
0x2f: {  	[sflag:s18] =	ssyncadd.s32 $0xFFFFEC00  }
0x30: {  	[spmem:s10] =	stream.linear.scatter [tilespmem:s17], [sflag:$0x5], $0x1400, $0x38;
	[tilespmem:$0x15220] =	vst v63  }
0x31: {  	_ =	swait.ge [sflag:s18], $0x1400  }
0x32: {  	[sflag:s18] =	ssyncset.done $0x0  }
0x33: {  	[sflag:s18] =	ssyncadd.s32 $0xFFFFEC00  }
0x34: {  	[spmem:s11] =	stream.linear.scatter [tilespmem:s17], [sflag:$0x5], $0x1400, $0x38;
	[tilespmem:$0x15220] =	vst v63  }
0x35: {  	_ =	swait.ge [sflag:s18], $0x1400  }
0x36: {  	[sflag:s18] =	ssyncset.done $0x0  }
0x37: {  	[sflag:s18] =	ssyncadd.s32 $0xFFFFEC00  }
0x38: {  	[spmem:s12] =	stream.linear.scatter [tilespmem:s17], [sflag:$0x5], $0x1400, $0x38;
	[tilespmem:$0x15220] =	vst v63  }
0x39: {  	_ =	swait.ge [sflag:s18], $0x1400  }
0x3a: {  	[sflag:s18] =	ssyncset.done $0x0  }
0x3b: {  	[sflag:s18] =	ssyncadd.s32 $0xFFFFEC00  }
0x3c: {  	s23 =	simm.s32 $0x0;
	[bflag:$0x0] =	sbarrier.arrive $0xFFFF  }
0x3d: {  	[tilespmem:s23], [sflag:$0x5] =	stream.linear.gather [hbm4b:s13+s23], $0x2710, $0x38;
	[tilespmem:$0x15220] =	vst v63  }
0x3e: {  	_ =	swait.ge [sflag:s18], $0x2710  }
0x3f: {  	[sflag:s18] =	ssyncset.done $0x0  }
0x40: {  	s19 =	simm.s32 $0x2710;
	[sflag:s18] =	ssyncadd.s32 $0xFFFFD8F0  }
0x41: {  	[tilespmem:s19], [sflag:$0x5] =	stream.linear.gather [hbm4b:s14+s23], $0x2710, $0x38;
	[tilespmem:$0x15220] =	vst v63  }
0x42: {  	_ =	swait.ge [sflag:s18], $0x2710  }
0x43: {  	[sflag:s18] =	ssyncset.done $0x0  }
0x44: {  	[sflag:s18] =	ssyncadd.s32 $0xFFFFD8F0  }
0x45: {  	[tilespmem:s21], [sflag:$0x1] =	stream.indirect.gather [hbm4b:s4+s20], $0x40, s23, s20, $0xb8;
	[tilespmem:$0x15220] =	vst v63  }
0x46: {  	_ = 	snop  }
0x47: {  	[tilespmem:s22], [sflag:$0x2] =	stream.indirect.gather [hbm4b:s4+s20], $0x40, s20, s20, $0xb8;
	[tilespmem:$0x15220] =	vst v63  }
0x48: {  	s23 =	simm.s32 $0xA0  }
0x49: {  	[tilespmem:s24], [sflag:$0x3] =	stream.indirect.gather [hbm4b:s4+s20], $0x40, s23, s20, $0xb8;
	[tilespmem:$0x15220] =	vst v63  }
0x4a: {  	_ =	swait.ge [sflag:s25], $0x1400  }
0x4b: {  	[sflag:s25] =	ssyncset.done $0x0  }
0x4c: {  	s19 =	simm.s32 $0xF0;
	[sflag:s25] =	ssyncadd.s32 $0xFFFFEC00  }
0x4d: {  	[tilespmem:s26], [sflag:$0x4] =	stream.indirect.gather [hbm4b:s4+s20], $0x40, s19, s20, $0xb8;
	[tilespmem:$0x15220] =	vst v63  }
0x4e: {  	s23 =	simm.s32 $0x2710  }
0x4f: {  	[spmem:s2] =	stream.indirect.scatter.add.f32 [tilespmem:s21], [sflag:$0x5], $0x40, s23, s20, $0xb8;
	[tilespmem:$0x15220] =	vst v63  }
0x50: {  	_ =	swait.ge [sflag:s18], $0x1400  }
0x51: {  	[sflag:s18] =	ssyncset.done $0x0  }
0x52: {  	[sflag:s18] =	ssyncadd.s32 $0xFFFFEC00  }
0x53: {  	_ =	swait.ge [sflag:s28], $0x1400  }
0x54: {  	[sflag:s28] =	ssyncset.done $0x0  }
0x55: {  	s19 =	simm.s32 $0x140;
	[sflag:s28] =	ssyncadd.s32 $0xFFFFEC00  }
0x56: {  	[tilespmem:s21], [sflag:$0x1] =	stream.indirect.gather [hbm4b:s4+s20], $0x40, s19, s20, $0xb8;
	[tilespmem:$0x15220] =	vst v63  }
0x57: {  	s23 =	simm.s32 $0x2760  }
0x58: {  	[spmem:s2] =	stream.indirect.scatter.add.f32 [tilespmem:s22], [sflag:$0x5], $0x40, s23, s20, $0xb8;
	[tilespmem:$0x15220] =	vst v63  }
0x59: {  	_ =	swait.ge [sflag:s18], $0x1400  }
0x5a: {  	[sflag:s18] =	ssyncset.done $0x0  }
0x5b: {  	[sflag:s18] =	ssyncadd.s32 $0xFFFFEC00  }
0x5c: {  	_ =	swait.ge [sflag:s29], $0x1400  }
0x5d: {  	[sflag:s29] =	ssyncset.done $0x0  }
0x5e: {  	s19 =	simm.s32 $0x190;
	[sflag:s29] =	ssyncadd.s32 $0xFFFFEC00  }
0x5f: {  	[tilespmem:s22], [sflag:$0x2] =	stream.indirect.gather [hbm4b:s4+s20], $0x40, s19, s20, $0xb8;
	[tilespmem:$0x15220] =	vst v63  }
0x60: {  	s23 =	simm.s32 $0x27B0  }
0x61: {  	[spmem:s2] =	stream.indirect.scatter.add.f32 [tilespmem:s24], [sflag:$0x5], $0x40, s23, s20, $0xb8;
	[tilespmem:$0x15220] =	vst v63  }
0x62: {  	_ =	swait.ge [sflag:s18], $0x1400  }
0x63: {  	[sflag:s18] =	ssyncset.done $0x0  }
0x64: {  	[sflag:s18] =	ssyncadd.s32 $0xFFFFEC00  }
0x65: {  	_ =	swait.ge [sflag:s30], $0x1400  }
0x66: {  	[sflag:s30] =	ssyncset.done $0x0  }
0x67: {  	s19 =	simm.s32 $0x1E0;
	[sflag:s30] =	ssyncadd.s32 $0xFFFFEC00  }
0x68: {  	[tilespmem:s24], [sflag:$0x3] =	stream.indirect.gather [hbm4b:s4+s20], $0x40, s19, s20, $0xb8;
	[tilespmem:$0x15220] =	vst v63  }
0x69: {  	s23 =	simm.s32 $0x2800  }
0x6a: {  	[spmem:s2] =	stream.indirect.scatter.add.f32 [tilespmem:s26], [sflag:$0x5], $0x40, s23, s20, $0xb8;
	[tilespmem:$0x15220] =	vst v63  }
0x6b: {  	_ =	swait.ge [sflag:s18], $0x1400  }
0x6c: {  	s0 =	simm.s32 $0x500;
	[sflag:s18] =	ssyncset.done $0x0  }
.LBB2_4:
0x6d: {  	p0 =	sne.s32 s0, $0x9100  }
0x6e: {  	[sflag:s18] =	ssyncadd.s32 $0xFFFFEC00;
	s19 =	smov.u32 s0;
	s0 =	sadd.s32 $0x500, s0  }
0x6f: {  	_ = 	snop  }
0x70: {  	_ =	swait.ge [sflag:s25], $0x1400  }
0x71: {  	s19 =	sshra.s32 s19, $0x2;
	[sflag:s25] =	ssyncset.done $0x0  }
0x72: {  	s23 =	sadd.s32 $0xF0, s19;
	[sflag:s25] =	ssyncadd.s32 $0xFFFFEC00  }
0x73: {  	[tilespmem:s26], [sflag:$0x4] =	stream.indirect.gather [hbm4b:s4+s20], $0x40, s23, s20, $0xb8;
	[tilespmem:$0x15220] =	vst v63  }
0x74: {  	s23 =	sadd.s32 $0x2710, s19  }
0x75: {  	[spmem:s2] =	stream.indirect.scatter.add.f32 [tilespmem:s21], [sflag:$0x5], $0x40, s23, s20, $0xb8;
	[tilespmem:$0x15220] =	vst v63  }
0x76: {  	_ =	swait.ge [sflag:s18], $0x1400  }
0x77: {  	[sflag:s18] =	ssyncset.done $0x0  }
0x78: {  	[sflag:s18] =	ssyncadd.s32 $0xFFFFEC00  }
0x79: {  	_ =	swait.ge [sflag:s28], $0x1400  }
0x7a: {  	[sflag:s28] =	ssyncset.done $0x0  }
0x7b: {  	s23 =	sadd.s32 $0x140, s19;
	[sflag:s28] =	ssyncadd.s32 $0xFFFFEC00  }
0x7c: {  	[tilespmem:s21], [sflag:$0x1] =	stream.indirect.gather [hbm4b:s4+s20], $0x40, s23, s20, $0xb8;
	[tilespmem:$0x15220] =	vst v63  }
0x7d: {  	s23 =	sadd.s32 $0x2760, s19  }
0x7e: {  	[spmem:s2] =	stream.indirect.scatter.add.f32 [tilespmem:s22], [sflag:$0x5], $0x40, s23, s20, $0xb8;
	[tilespmem:$0x15220] =	vst v63  }
0x7f: {  	_ =	swait.ge [sflag:s18], $0x1400  }
0x80: {  	[sflag:s18] =	ssyncset.done $0x0  }
0x81: {  	[sflag:s18] =	ssyncadd.s32 $0xFFFFEC00  }
0x82: {  	_ =	swait.ge [sflag:s29], $0x1400  }
0x83: {  	[sflag:s29] =	ssyncset.done $0x0  }
0x84: {  	s23 =	sadd.s32 $0x190, s19;
	[sflag:s29] =	ssyncadd.s32 $0xFFFFEC00  }
0x85: {  	[tilespmem:s22], [sflag:$0x2] =	stream.indirect.gather [hbm4b:s4+s20], $0x40, s23, s20, $0xb8;
	[tilespmem:$0x15220] =	vst v63  }
0x86: {  	s23 =	sadd.s32 $0x27B0, s19  }
0x87: {  	[spmem:s2] =	stream.indirect.scatter.add.f32 [tilespmem:s24], [sflag:$0x5], $0x40, s23, s20, $0xb8;
	[tilespmem:$0x15220] =	vst v63  }
0x88: {  	_ =	swait.ge [sflag:s18], $0x1400  }
0x89: {  	[sflag:s18] =	ssyncset.done $0x0  }
0x8a: {  	[sflag:s18] =	ssyncadd.s32 $0xFFFFEC00  }
0x8b: {  	_ =	swait.ge [sflag:s30], $0x1400  }
0x8c: {  	[sflag:s30] =	ssyncset.done $0x0  }
0x8d: {  	s23 =	sadd.s32 $0x1E0, s19;
	[sflag:s30] =	ssyncadd.s32 $0xFFFFEC00  }
0x8e: {  	[tilespmem:s24], [sflag:$0x3] =	stream.indirect.gather [hbm4b:s4+s20], $0x40, s23, s20, $0xb8;
	[tilespmem:$0x15220] =	vst v63  }
.Ltmp1:
0x8f: {  	_ = 	snop;
	(pc) =	sbr.rel @p0 .LBB2_4-.Ltmp1, $4  }
0x90: {  	s19 =	sadd.s32 $0x2800, s19  }
0x91: {  	[spmem:s2] =	stream.indirect.scatter.add.f32 [tilespmem:s26], [sflag:$0x5], $0x40, s19, s20, $0xb8;
	[tilespmem:$0x15220] =	vst v63  }
0x92: {  	_ =	swait.ge [sflag:s18], $0x1400  }
0x93: {  	[sflag:s18] =	ssyncset.done $0x0  }
0x94: {  	[sflag:s18] =	ssyncadd.s32 $0xFFFFEC00  }
0x95: {  	_ =	swait.ge [sflag:s25], $0x1400  }
0x96: {  	[sflag:s25] =	ssyncset.done $0x0  }
0x97: {  	s0 =	simm.s32 $0x2670;
	[sflag:s25] =	ssyncadd.s32 $0xFFFFEC00  }
0x98: {  	[tilespmem:s26], [sflag:$0x4] =	stream.indirect.gather [hbm4b:s4+s20], $0x40, s0, s20, $0xb8;
	[tilespmem:$0x15220] =	vst v63  }
0x99: {  	s23 =	simm.s32 $0x4C90  }
0x9a: {  	[spmem:s2] =	stream.indirect.scatter.add.f32 [tilespmem:s21], [sflag:$0x5], $0x40, s23, s20, $0xb8;
	[tilespmem:$0x15220] =	vst v63  }
0x9b: {  	_ =	swait.ge [sflag:s18], $0x1400  }
0x9c: {  	[sflag:s18] =	ssyncset.done $0x0  }
0x9d: {  	[sflag:s18] =	ssyncadd.s32 $0xFFFFEC00  }
0x9e: {  	_ =	swait.ge [sflag:s28], $0x1400  }
0x9f: {  	[sflag:s28] =	ssyncset.done $0x0  }
0xa0: {  	s19 =	simm.s32 $0x26C0;
	[sflag:s28] =	ssyncadd.s32 $0xFFFFEC00  }
0xa1: {  	[tilespmem:s21], [sflag:$0x1] =	stream.indirect.gather [hbm4b:s4+s20], $0x40, s19, s20, $0xb8;
	[tilespmem:$0x15220] =	vst v63  }
0xa2: {  	s23 =	simm.s32 $0x4CE0  }
0xa3: {  	[spmem:s2] =	stream.indirect.scatter.add.f32 [tilespmem:s22], [sflag:$0x5], $0x40, s23, s20, $0xb8;
	[tilespmem:$0x15220] =	vst v63  }
0xa4: {  	_ =	swait.ge [sflag:s18], $0x1400  }
0xa5: {  	[sflag:s18] =	ssyncset.done $0x0  }
0xa6: {  	[sflag:s18] =	ssyncadd.s32 $0xFFFFEC00  }
0xa7: {  	_ =	swait.ge [sflag:s29], $0x1400  }
0xa8: {  	[sflag:s29] =	ssyncset.done $0x0  }
0xa9: {  	s19 =	simm.s32 $0x4D30;
	[sflag:s29] =	ssyncadd.s32 $0xFFFFEC00  }
0xaa: {  	[spmem:s2] =	stream.indirect.scatter.add.f32 [tilespmem:s24], [sflag:$0x5], $0x40, s19, s20, $0xb8;
	[tilespmem:$0x15220] =	vst v63  }
0xab: {  	_ =	swait.ge [sflag:s18], $0x1400  }
0xac: {  	[sflag:s18] =	ssyncset.done $0x0  }
0xad: {  	[sflag:s18] =	ssyncadd.s32 $0xFFFFEC00  }
0xae: {  	_ =	swait.ge [sflag:s30], $0x1400  }
0xaf: {  	[sflag:s30] =	ssyncset.done $0x0  }
0xb0: {  	[sflag:s30] =	ssyncadd.s32 $0xFFFFEC00  }
0xb1: {  	[spmem:s2] =	stream.indirect.scatter.add.f32 [tilespmem:s26], [sflag:$0x5], $0x40, s31, s20, $0xb8;
	[tilespmem:$0x15220] =	vst v63  }
0xb2: {  	_ =	swait.ge [sflag:s18], $0x1400  }
0xb3: {  	[sflag:s18] =	ssyncset.done $0x0  }
0xb4: {  	[sflag:s18] =	ssyncadd.s32 $0xFFFFEC00  }
0xb5: {  	_ =	swait.ge [sflag:s25], $0x1400  }
0xb6: {  	[sflag:s25] =	ssyncset.done $0x0  }
0xb7: {  	[sflag:s25] =	ssyncadd.s32 $0xFFFFEC00  }
0xb8: {  	[spmem:s2] =	stream.indirect.scatter.add.f32 [tilespmem:s21], [sflag:$0x5], $0x40, s1, s20, $0xb8;
	[tilespmem:$0x15220] =	vst v63  }
0xb9: {  	s23 =	stileid.u32;
	_ =	swait.ge [sflag:s18], $0x1400  }
0xba: {  	s3 =	sadd.s32 $0x1, s3;
	s0 =	sshll.u32 s23, $0x6;
	[sflag:s18] =	ssyncset.done $0x0  }
0xbb: {  	p0 =	sne.s32 s3, s16;
	s0 =	sor.u32 $0x1C05, s0;
	[sflag:s18] =	ssyncadd.s32 $0xFFFFEC00  }
.Ltmp2:
0xbc: {  	s19 =	sshrl.u32 s5, $0x3;
	[bflag:$0x0] =	sbarrier.arrive $0xFFFF;
	(pc) =	sbr.rel @p0 .LBB2_1-.Ltmp2, $4  }
0xbd: {  	[hbm:s15], [sflag:s0] =	dma.local [spmem:s19], $0x1400  }
0xbe: {  	_ =	swait.ge [sflag:s18], $0x1400  }
0xbf: {  	[sflag:s18] =	ssyncset.done $0x0  }
0xc0: {  	[sflag:s18] =	ssyncadd.s32 $0xFFFFEC00  }
0xc1: {  	_ =	sfence.sel $0x180000  }
0xc2: {  	[bflag:$0x0] =	sbarrier.arrive $0xFFFF  }
0xc3: {  	_ =	strace $0x90000053  }
0xc4: {  	s0 =	stileid.u32;
	[bflag:$0x2] =	sbarrier.arrive $0xFFFF  }
0xc5: {  	p0 =	sne.s32 s0, $0x0;
	s0 =	rddreg [dreg:$0x2]  }
0xc6: {  	s0 =	sadd.s32 @!p0 $0x100000, s0  }
0xc7: {  	[sflag:s0] =	ssyncadd.tile.s32 @!p0 $0x1;
	_ =	shalt  }
.Lfunc_end2:
_tile_overlayer_lowered:
.L_overlay_start_2:
0xc8: {  	(tag) =	ssettag $0x2  }
0xc9: {  	s0 =	rddreg [dreg:$0x0];
	s2 =	stileid.u32  }
0xca: {  	s1 =	rddreg [dreg:$0x1];
	p0 =	sne.s32 s2, $0x0  }
0xcb: {  	s3 =	rddreg [dreg:$0x2];
	[bflag:$0x3] =	sbarrier.arrive $0xFFFF;
	s2 =	simm.s32 @!p0 $0x1C05  }
0xcc: {  	[timem:s3], [sflag:s2] =	dma.local @!p0 [hbm:s0], s1  }
0xcd: {  	s0 =	simm.s32 @!p0 $0x5  }
0xce: {  	_ =	swait.ge @!p0 [sflag:s0], s1  }
0xcf: {  	s1 =	ssub.s32 @!p0 $0x0, s1;
	[sflag:s0] =	ssyncset.done @!p0 $0x0  }
0xd0: {  	[sflag:s0] =	ssyncadd.s32 @!p0 s1  }
0xd1: {  	[bflag:$0x3] =	sbarrier.arrive $0xFFFF  }
0xd2: {  	_ =	shalt  }

// kernel: kernel.31.cloned.1.call-start
scs
__scs_entry_jumppad:
0x0: {  	(pc) =	sbr.rel $0x88, $3  }
0x1: {  	(tag) =	ssettag $0x0;
	lr =	simm.s32 $0x1  }
0x2: {  	[smem:$0x3F99] =	sst lr;
	_ =	strace $0xD0000000  }
0x3: {  	_ = 	snop  }
0x4: {  	_ = 	snop  }
0x5: {  	_ = 	snop  }
0x6: {  	_ = 	snop  }
0x7: {  	_ = 	snop  }
__scs_overlays_trampoline_lowered:
0x8: {  	[smem:$0x3FA8] =	sst s0  }
0x9: {  	[smem:$0x3FA9] =	sst s1  }
0xa: {  	[smem:$0x3FAA] =	sst s2  }
0xb: {  	[smem:$0x3FAB] =	sst s3  }
0xc: {  	[smem:$0x3FAC] =	sst s4  }
0xd: {  	[smem:$0x3FAD] =	sst s5  }
0xe: {  	[smem:$0x3FAE] =	sst s6  }
0xf: {  	[smem:$0x3FAF] =	sst s7  }
0x10: {  	[smem:$0x3FB0] =	sst s8  }
0x11: {  	[smem:$0x3FB1] =	sst s9;
	s0 =	simm.s32 @!p0 $0x0  }
0x12: {  	s1 =	sld [smem:$0x3F97];
	s0 =	simm.s32 @p0 $0x1  }
0x13: {  	[smem:$0x3FB2] =	sst s0;
	s0 =	simm.s32 @!p1 $0x0  }
0x14: {  	s2 =	sld [smem:$0x3F96];
	s0 =	simm.s32 @p1 $0x1  }
0x15: {  	[smem:$0x3FB3] =	sst s0;
	s0 =	simm.s32 @!p2 $0x0  }
0x16: {  	s3 =	sld [smem:$0x3FDB];
	s0 =	simm.s32 @p2 $0x1  }
0x17: {  	s4 =	simm.s32 $0x1BF5;
	[smem:$0x3FB5] =	sst s0  }
0x18: {  	s0 =	sld [smem:$0x3F98];
	_ =	swait.ge [sflag:s4], $0x0  }
0x19: {  	s7 =	sld [smem:$0x3F99]  }
0x1a: {  	s8 =	sadd.s32 $0xFFFFE003, lr  }
0x1b: {  	s9 =	sadd.s32 $0xFFFFFEF7, lr;
	s5 =	simm.s32 $0xFFFFFFFF;
	p2 =	slt.u32 s8, $0xFFFFF086  }
0x1c: {  	p1 =	slt.u32 s9, $0xF7A;
	s5 =	simm.s32 @!p2 $0x0  }
0x1d: {  	s5 =	simm.s32 @p1 $0x1;
	p0 =	seq.s32 s7, s2  }
0x1e: {  	s7 =	smul.u32 @!p0 $0xF7A, s2;
	p2 =	seq.s32 @!p0 s5, $0x0  }
0x1f: {  	s9 =	smul.u32 $0xF7A, s1;
	s8 =	simm.s32 @!p0 $0x1BF5;
	p2 =	por !p2, p0  }
0x20: {  	[sflag:s8] =	ssyncset.s32 @!p0 $0xFFFFF086;
	s6 =	sadd.s32 @!p0 s3, s7;
	s7 =	simm.s32 @!p0 $0x108  }
0x21: {  	s3 =	sadd.s32 s3, s9;
	s6 =	sadd.s32 @!p0 $0x88, s6;
	s7 =	simm.s32 @p2 $0x1082  }
0x22: {  	[simem:s7], [sflag:s8] =	dma.local @!p0 [hbm:s6], $0xF7A  }
0x23: {  	s9 =	sor.u32 $0xD0000000, s2;
	s6 =	simm.s32 $0x108;
	_ =	swait.ge @!p0 [sflag:s8], $0x0  }
0x24: {  	s3 =	sadd.s32 $0x88, s3;
	s6 =	simm.s32 @!p1 $0x1082;
	[sflag:s4] =	ssyncset.s32 $0xFFFFF086  }
0x25: {  	[simem:s6], [sflag:s4] =	dma.local [hbm:s3], $0xF7A  }
0x26: {  	[smem:$0x3F99] =	sst s1;
	(tag) =	ssettag s2;
	_ =	strace s9  }
0x27: {  	s1 =	sld [smem:$0x3FA9]  }
0x28: {  	s2 =	sld [smem:$0x3FAA]  }
0x29: {  	s4 =	sld [smem:$0x3FAC]  }
0x2a: {  	p0 =	seq.s32 s5, $0x0;
	s5 =	sld [smem:$0x3FAD]  }
0x2b: {  	s6 =	sld [smem:$0x3FAE]  }
0x2c: {  	s7 =	sld [smem:$0x3FAF]  }
0x2d: {  	s3 =	simm.s32 $0x108;
	s8 =	sld [smem:$0x3FB0]  }
0x2e: {  	s3 =	simm.s32 @!p0 $0x1082;
	s9 =	sld [smem:$0x3FB1]  }
0x2f: {  	lr =	sadd.s32 s0, s3;
	s0 =	sld [smem:$0x3FA8]  }
0x30: {  	s3 =	sld [smem:$0x3FAB]  }
0x31: {  	[smem:$0x3FB4] =	sst s10  }
0x32: {  	s10 =	sld [smem:$0x3FB2];
	_ =	sdelay $0x3  }
0x33: {  	p0 =	seq.s32 s10, $0x1;
	s10 =	sld [smem:$0x3FB4];
	_ =	sdelay $0x3  }
0x34: {  	[smem:$0x3FB4] =	sst s10  }
0x35: {  	s10 =	sld [smem:$0x3FB3];
	_ =	sdelay $0x3  }
0x36: {  	p1 =	seq.s32 s10, $0x1;
	s10 =	sld [smem:$0x3FB4];
	_ =	sdelay $0x3  }
0x37: {  	[smem:$0x3FB4] =	sst s10  }
0x38: {  	s10 =	sld [smem:$0x3FB5]  }
0x39: {  	_ = 	snop;
	(pc) =	sbr.ind lr, $3  }
0x3a: {  	_ = 	snop  }
0x3b: {  	_ = 	snop  }
0x3c: {  	p2 =	seq.s32 s10, $0x1;
	s10 =	sld [smem:$0x3FB4]  }
0x3d: {  	_ =	shalt  }
0x3e: {  	_ =	shalt  }
0x3f: {  	_ =	shalt  }
0x40: {  	_ =	shalt  }
0x41: {  	_ =	shalt  }
0x42: {  	_ =	shalt  }
0x43: {  	_ =	shalt  }
0x44: {  	_ =	shalt  }
0x45: {  	_ =	shalt  }
0x46: {  	_ =	shalt  }
0x47: {  	_ =	shalt  }
0x48: {  	_ =	shalt  }
0x49: {  	_ =	shalt  }
0x4a: {  	_ =	shalt  }
0x4b: {  	_ =	shalt  }
0x4c: {  	_ =	shalt  }
0x4d: {  	_ =	shalt  }
0x4e: {  	_ =	shalt  }
0x4f: {  	_ =	shalt  }
0x50: {  	_ =	shalt  }
0x51: {  	_ =	shalt  }
0x52: {  	_ =	shalt  }
0x53: {  	_ =	shalt  }
0x54: {  	_ =	shalt  }
0x55: {  	_ =	shalt  }
0x56: {  	_ =	shalt  }
0x57: {  	_ =	shalt  }
0x58: {  	_ =	shalt  }
0x59: {  	_ =	shalt  }
0x5a: {  	_ =	shalt  }
0x5b: {  	_ =	shalt  }
0x5c: {  	_ =	shalt  }
0x5d: {  	_ =	shalt  }
0x5e: {  	_ =	shalt  }
0x5f: {  	_ =	shalt  }
0x60: {  	_ =	shalt  }
0x61: {  	_ =	shalt  }
0x62: {  	_ =	shalt  }
0x63: {  	_ =	shalt  }
0x64: {  	_ =	shalt  }
0x65: {  	_ =	shalt  }
0x66: {  	_ =	shalt  }
0x67: {  	_ =	shalt  }
0x68: {  	_ =	shalt  }
0x69: {  	_ =	shalt  }
0x6a: {  	_ =	shalt  }
0x6b: {  	_ =	shalt  }
0x6c: {  	_ =	shalt  }
0x6d: {  	_ =	shalt  }
0x6e: {  	_ =	shalt  }
0x6f: {  	_ =	shalt  }
0x70: {  	_ =	shalt  }
0x71: {  	_ =	shalt  }
0x72: {  	_ =	shalt  }
0x73: {  	_ =	shalt  }
0x74: {  	_ =	shalt  }
0x75: {  	_ =	shalt  }
0x76: {  	_ =	shalt  }
0x77: {  	_ =	shalt  }
0x78: {  	_ =	shalt  }
0x79: {  	_ =	shalt  }
0x7a: {  	_ =	shalt  }
0x7b: {  	_ =	shalt  }
0x7c: {  	_ =	shalt  }
0x7d: {  	_ =	shalt  }
0x7e: {  	_ =	shalt  }
0x7f: {  	_ =	shalt  }
0x80: {  	_ =	shalt  }
0x81: {  	_ =	shalt  }
0x82: {  	_ =	shalt  }
0x83: {  	_ =	shalt  }
0x84: {  	_ =	shalt  }
0x85: {  	_ =	shalt  }
0x86: {  	_ =	shalt  }
0x87: {  	_ =	shalt  }
.Lfunc_end0:
.L_simem_size_0:
called_computation.5_lowered:
.L_overlay_start_0:
0x88: {  	s2 =	sld [smem:$0x3FD9]  }
0x89: {  	s3 =	sld [smem:$0x3FFE];
	_ =	sdelay $0x1  }
0x8a: {  	s1 =	srdreg.scid  }
0x8b: {  	s0 =	sand.u32 $0x1, s1  }
0x8c: {  	s17 =	sshll.u32 s0, $0xA;
	s2 =	sadd.s32 s3, s2  }
0x8d: {  	s2 =	sadd.s32 s2, s17  }
0x8e: {  	[smem:$0x3FC0] =	sst s2  }
0x8f: {  	_ = 	snop  }
0x90: {  	s2 =	sld [smem:$0x3FD0];
	(tm) =	ssettm $0x1  }
0x91: {  	s18 =	sld [smem:$0x3FFB];
	_ =	sdelay $0x3  }
0x92: {  	_ =	strace s18  }
0x93: {  	s3 =	sld [smem:$0x3FFC];
	_ =	sdelay $0x3  }
0x94: {  	_ =	strace s3  }
0x95: {  	s3 =	sld [smem:$0x3FFD];
	_ =	sdelay $0x3  }
0x96: {  	_ =	strace s3  }
0x97: {  	_ =	strace $0x8FFFFFFF  }
0x98: {  	s19 =	sld [smem:$0x3FDB];
	_ =	sdelay $0x1  }
0x99: {  	s4 =	simm.s32 $_scs_section_size  }
0x9a: {  	s5 =	simm.s32 $_size__tile_overlayer_lowered;
	s6 =	simm.s32 $_tile_overlayer_lowered  }
0x9b: {  	s22 =	simm.s32 $0x1BFF;
	s21 =	sshll.u32 s6, $0x1;
	s3 =	sadd.s32 s4, s19  }
0x9c: {  	s7 =	simm.s32 $0x0;
	s20 =	sshll.u32 s5, $0x1;
	s5 =	sadd.s32 s21, s3  }
0x9d: {  	[timem:s7], [sflag:s22] =	dma.local [hbm:s5], s20  }
0x9e: {  	_ =	swait.ge [sflag:s22], s20  }
0x9f: {  	s4 =	ssub.s32 $0x0, s20;
	[sflag:s22] =	ssyncset.done $0x0  }
0xa0: {  	[sflag:s22] =	ssyncadd.s32 s4;
	_ =	sdelay $0x1  }
0xa1: {  	s23 =	simm.s32 $0x1B8B  }
0xa2: {  	_ =	swait.ge [sflag:s23], $0x1  }
0xa3: {  	[sflag:s23] =	ssyncset.done $0x0  }
0xa4: {  	s25 =	simm.s32 $0x1B8E;
	s24 =	sld [smem:$0x3FFE];
	[sflag:s23] =	ssyncadd.s32 $0xFFFFFFFF  }
0xa5: {  	s26 =	simm.s32 $execute0_lowered;
	[smem:$0x3FD2] =	sst s25  }
0xa6: {  	s5 =	sshll.u32 s26, $0x1;
	_ =	strace $0x80000055;
	[dreg:$0x1] =	wrdreg $0xFFFFFFFF  }
0xa7: {  	s28 =	simm.s32 $_size_execute0_lowered;
	s3 =	sadd.s32 s3, s5;
	[dreg:$0x0] =	wrdreg $0x0  }
0xa8: {  	s5 =	sshll.u32 s28, $0x1;
	[dreg:$0x2] =	wrdreg s3  }
0xa9: {  	[dreg:$0x3] =	wrdreg s5  }
0xaa: {  	[dreg:$0x4] =	wrdreg $0xC0  }
0xab: {  	_ =	task [dreg:s7], $0x5FFFF  }
0xac: {  	[dreg:$0x1] =	wrdreg $0xFFFFFFFF  }
0xad: {  	[dreg:$0x0] =	wrdreg $0x60  }
0xae: {  	[dreg:$0x2] =	wrdreg s24  }
0xaf: {  	[dreg:$0x3] =	wrdreg s2  }
0xb0: {  	[dreg:$0x4] =	wrdreg $0x9  }
0xb1: {  	_ =	task.clear_ibuf [dreg:s7], $0x5FFFF;
	_ =	strace $0x90000055  }
0xb2: {  	s29 =	simm.s32 $0x9;
	_ =	strace $0x80000057  }
0xb3: {  	_ =	swait.ge [sflag:s29], $0x1  }
0xb4: {  	[sflag:s29] =	ssyncadd.s32 $0xFFFFFFFF  }
0xb5: {  	_ =	strace $0x90000057  }
0xb6: {  	_ =	sfence  }
0xb7: {  	s30 =	sld [smem:$0x0];
	_ =	sdelay $0x2  }
0xb8: {  	s31 =	sshll.u32 s1, $0xD;
	s1 =	sshrl.u32 s1, $0x2  }
0xb9: {  	s3 =	sand.u32 $0x4000, s31;
	s1 =	sadd.s32 s1, s30  }
0xba: {  	s0 =	sor.u32 s3, s0;
	s1 =	sshll.u32 s1, $0x11  }
0xbb: {  	s0 =	sor.u32 s1, s0  }
0xbc: {  	s0 =	sadd.s32 $0x8F2B, s0  }
0xbd: {  	[sflag:s0] =	ssyncadd.remote.s32 $0x1  }
0xbe: {  	_ =	sfence.sel $0xFFFF  }
0xbf: {  	[dreg:$0x0] =	wrdreg $0xFFFFFFFF;
	(pc) =	sbr.abs _section_cstart, $3  }
0xc0: {  	[dreg:$0x1] =	wrdreg $0xFFFFFFFF  }
0xc1: {  	_ =	task.clear_ibuf [dreg:s7], $0x2FFFF;
	_ =	strace $0x9FFFFFFF  }
0xc2: {  	(tm) =	ssettm $0x7FFFFFFF  }
0xc3: {  	_ =	shalt  }
tec
execute0_lowered:
.L_overlay_start_1:
0x0: {  	(tag) =	ssettag $0x1  }
0x1: {  	s1 =	srdreg.scid;
	s0 =	stileid.u32  }
0x2: {  	s8 =	rddreg [dreg:$0x0];
	s15 =	sand.u32 $0x1, s1;
	s4 =	sshll.u32 s0, $0x1  }
0x3: {  	s3 =	rddreg [dreg:$0x1];
	s9 =	sor.u32 s15, s4  }
0x4: {  	s2 =	simm.s32 $0x0;
	s1 =	rddreg [dreg:$0x2];
	s4 =	smul.u32 $0x14, s9  }
0x5: {  	[smem:$0x7FF] =	sst s2  }
0x6: {  	_ =	strace $0x80000056;
	s3 =	sadd.s32 s3, s4;
	s4 =	simm.s32 $0x2  }
0x7: {  	[tilespmem:s2], [sflag:$0x2] =	stream.linear.gather [hbm4b:s3+s2], $0xA0, $0x38;
	[tilespmem:$0x8A0] =	vst v63  }
0x8: {  	s5 =	smul.u32 $0x500, s9;
	_ =	swait.ge [sflag:s4], $0xA0  }
0x9: {  	s6 =	simm.s32 $0xA0;
	s10 =	sadd.s32 $0x2E00, s8;
	[sflag:s4] =	ssyncset.done $0x0  }
0xa: {  	s7 =	simm.s32 $0x1;
	s5 =	sadd.s32 s10, s5;
	[sflag:s4] =	ssyncadd.s32 $0xFFFFFF60  }
0xb: {  	[tilespmem:s6], [sflag:$0x1] =	stream.linear.gather [hbm4b:s5+s2], $0x800, $0x38;
	[tilespmem:$0x8A0] =	vst v63  }
0xc: {  	_ =	swait.ge [sflag:s7], $0x800  }
0xd: {  	s8 =	sadd.s32 $0xCE00, s8;
	[sflag:s7] =	ssyncset.done $0x0  }
0xe: {  	s11 =	smul.u32 $0x2800, s9;
	s9 =	simm.s32 $0x20;
	[sflag:s7] =	ssyncadd.s32 $0xFFFFF800  }
0xf: {  	[hbm4b:s8+s9] =	stream.indirect.scatter [tilespmem:s6], [sflag:$0x2], $0x40, s2, s9, $0xb8;
	[tilespmem:$0x8A0] =	vst v63  }
0x10: {  	s11 =	sshrl.u32 s11, $0x3;
	_ =	swait.ge [sflag:s4], $0x800  }
0x11: {  	s16 =	sadd.s32 s10, s11;
	[sflag:s4] =	ssyncset.done $0x0  }
0x12: {  	s10 =	sadd.s32 $0x100, s16;
	[sflag:s4] =	ssyncadd.s32 $0xFFFFF800  }
0x13: {  	[tilespmem:s6], [sflag:$0x1] =	stream.linear.gather [hbm4b:s10+s2], $0x800, $0x38;
	[tilespmem:$0x8A0] =	vst v63  }
0x14: {  	_ =	swait.ge [sflag:s7], $0x800  }
0x15: {  	[sflag:s7] =	ssyncset.done $0x0  }
0x16: {  	[sflag:s7] =	ssyncadd.s32 $0xFFFFF800  }
0x17: {  	[hbm4b:s8+s9] =	stream.indirect.scatter [tilespmem:s6], [sflag:$0x2], $0x40, s9, s9, $0xb8;
	[tilespmem:$0x8A0] =	vst v63  }
0x18: {  	_ =	swait.ge [sflag:s4], $0x800  }
0x19: {  	[sflag:s4] =	ssyncset.done $0x0  }
0x1a: {  	s11 =	sadd.s32 $0x200, s16;
	[sflag:s4] =	ssyncadd.s32 $0xFFFFF800  }
0x1b: {  	[tilespmem:s6], [sflag:$0x1] =	stream.linear.gather [hbm4b:s11+s2], $0x800, $0x38;
	[tilespmem:$0x8A0] =	vst v63  }
0x1c: {  	_ =	swait.ge [sflag:s7], $0x800  }
0x1d: {  	[sflag:s7] =	ssyncset.done $0x0  }
0x1e: {  	s12 =	simm.s32 $0x40;
	[sflag:s7] =	ssyncadd.s32 $0xFFFFF800  }
0x1f: {  	[hbm4b:s8+s9] =	stream.indirect.scatter [tilespmem:s6], [sflag:$0x2], $0x40, s12, s9, $0xb8;
	[tilespmem:$0x8A0] =	vst v63  }
0x20: {  	_ =	swait.ge [sflag:s4], $0x800  }
0x21: {  	[sflag:s4] =	ssyncset.done $0x0  }
0x22: {  	s13 =	sadd.s32 $0x300, s16;
	[sflag:s4] =	ssyncadd.s32 $0xFFFFF800  }
0x23: {  	[tilespmem:s6], [sflag:$0x1] =	stream.linear.gather [hbm4b:s13+s2], $0x800, $0x38;
	[tilespmem:$0x8A0] =	vst v63  }
0x24: {  	_ =	swait.ge [sflag:s7], $0x800  }
0x25: {  	[sflag:s7] =	ssyncset.done $0x0  }
0x26: {  	s14 =	simm.s32 $0x60;
	s17 =	ssub.s32 $0x2, s15;
	[sflag:s7] =	ssyncadd.s32 $0xFFFFF800  }
0x27: {  	[hbm4b:s8+s9] =	stream.indirect.scatter [tilespmem:s6], [sflag:$0x2], $0x40, s14, s9, $0xb8;
	[tilespmem:$0x8A0] =	vst v63  }
0x28: {  	s31 =	sshrl.u32 s17, $0x1;
	_ =	swait.ge [sflag:s4], $0x800  }
0x29: {  	s15 =	sadd.s32 $0x400, s16;
	s16 =	ssub.s32 s17, s31;
	[sflag:s4] =	ssyncset.done $0x0  }
0x2a: {  	s17 =	smax.u32 s16, $0x1;
	[sflag:s4] =	ssyncadd.s32 $0xFFFFF800  }
0x2b: {  	[tilespmem:s6], [sflag:$0x1] =	stream.linear.gather [hbm4b:s15+s2], $0x800, $0x38;
	[tilespmem:$0x8A0] =	vst v63  }
0x2c: {  	p0 =	sne.s32 s17, $0x1;
	_ =	swait.ge [sflag:s7], $0x800  }
.Ltmp0:
0x2d: {  	[sflag:s7] =	ssyncset.done $0x0;
	(pc) =	sbr.rel @!p0 .LBB2_2-.Ltmp0, $4  }
0x2e: {  	s16 =	simm.s32 $0x80;
	[sflag:s7] =	ssyncadd.s32 $0xFFFFF800  }
0x2f: {  	[hbm4b:s8+s9] =	stream.indirect.scatter [tilespmem:s6], [sflag:$0x2], $0x40, s16, s9, $0xb8;
	[tilespmem:$0x8A0] =	vst v63  }
0x30: {  	_ =	swait.ge [sflag:s4], $0x800  }
0x31: {  	s17 =	sadd.s32 $0xFFFFFFFF, s17;
	[sflag:s4] =	ssyncset.done $0x0  }
.LBB2_1:
0x32: {  	p0 =	sne.s32 s17, $0x1;
	s17 =	sadd.s32 $0xFFFFFFFF, s17;
	[sflag:s4] =	ssyncadd.s32 $0xFFFFF800  }
0x33: {  	[tilespmem:s2], [sflag:$0x2] =	stream.linear.gather [hbm4b:s3+s2], $0xA0, $0x38;
	[tilespmem:$0x8A0] =	vst v63  }
0x34: {  	_ =	swait.ge [sflag:s4], $0xA0  }
0x35: {  	[sflag:s4] =	ssyncset.done $0x0  }
0x36: {  	[sflag:s4] =	ssyncadd.s32 $0xFFFFFF60  }
0x37: {  	[tilespmem:s6], [sflag:$0x1] =	stream.linear.gather [hbm4b:s5+s2], $0x800, $0x38;
	[tilespmem:$0x8A0] =	vst v63  }
0x38: {  	_ =	swait.ge [sflag:s7], $0x800  }
0x39: {  	[sflag:s7] =	ssyncset.done $0x0  }
0x3a: {  	[sflag:s7] =	ssyncadd.s32 $0xFFFFF800  }
0x3b: {  	[hbm4b:s8+s9] =	stream.indirect.scatter [tilespmem:s6], [sflag:$0x2], $0x40, s2, s9, $0xb8;
	[tilespmem:$0x8A0] =	vst v63  }
0x3c: {  	_ =	swait.ge [sflag:s4], $0x800  }
0x3d: {  	[sflag:s4] =	ssyncset.done $0x0  }
0x3e: {  	[sflag:s4] =	ssyncadd.s32 $0xFFFFF800  }
0x3f: {  	[tilespmem:s6], [sflag:$0x1] =	stream.linear.gather [hbm4b:s10+s2], $0x800, $0x38;
	[tilespmem:$0x8A0] =	vst v63  }
0x40: {  	_ =	swait.ge [sflag:s7], $0x800  }
0x41: {  	[sflag:s7] =	ssyncset.done $0x0  }
0x42: {  	[sflag:s7] =	ssyncadd.s32 $0xFFFFF800  }
0x43: {  	[hbm4b:s8+s9] =	stream.indirect.scatter [tilespmem:s6], [sflag:$0x2], $0x40, s9, s9, $0xb8;
	[tilespmem:$0x8A0] =	vst v63  }
0x44: {  	_ =	swait.ge [sflag:s4], $0x800  }
0x45: {  	[sflag:s4] =	ssyncset.done $0x0  }
0x46: {  	[sflag:s4] =	ssyncadd.s32 $0xFFFFF800  }
0x47: {  	[tilespmem:s6], [sflag:$0x1] =	stream.linear.gather [hbm4b:s11+s2], $0x800, $0x38;
	[tilespmem:$0x8A0] =	vst v63  }
0x48: {  	_ =	swait.ge [sflag:s7], $0x800  }
0x49: {  	[sflag:s7] =	ssyncset.done $0x0  }
0x4a: {  	[sflag:s7] =	ssyncadd.s32 $0xFFFFF800  }
0x4b: {  	[hbm4b:s8+s9] =	stream.indirect.scatter [tilespmem:s6], [sflag:$0x2], $0x40, s12, s9, $0xb8;
	[tilespmem:$0x8A0] =	vst v63  }
0x4c: {  	_ =	swait.ge [sflag:s4], $0x800  }
0x4d: {  	[sflag:s4] =	ssyncset.done $0x0  }
0x4e: {  	[sflag:s4] =	ssyncadd.s32 $0xFFFFF800  }
0x4f: {  	[tilespmem:s6], [sflag:$0x1] =	stream.linear.gather [hbm4b:s13+s2], $0x800, $0x38;
	[tilespmem:$0x8A0] =	vst v63  }
0x50: {  	_ =	swait.ge [sflag:s7], $0x800  }
0x51: {  	[sflag:s7] =	ssyncset.done $0x0  }
0x52: {  	[sflag:s7] =	ssyncadd.s32 $0xFFFFF800  }
0x53: {  	[hbm4b:s8+s9] =	stream.indirect.scatter [tilespmem:s6], [sflag:$0x2], $0x40, s14, s9, $0xb8;
	[tilespmem:$0x8A0] =	vst v63  }
0x54: {  	_ =	swait.ge [sflag:s4], $0x800  }
0x55: {  	[sflag:s4] =	ssyncset.done $0x0  }
0x56: {  	[sflag:s4] =	ssyncadd.s32 $0xFFFFF800  }
0x57: {  	[tilespmem:s6], [sflag:$0x1] =	stream.linear.gather [hbm4b:s15+s2], $0x800, $0x38;
	[tilespmem:$0x8A0] =	vst v63  }
0x58: {  	_ =	swait.ge [sflag:s7], $0x800  }
.Ltmp1:
0x59: {  	[sflag:s7] =	ssyncset.done $0x0;
	(pc) =	sbr.rel @p0 .LBB2_1-.Ltmp1, $4  }
0x5a: {  	[sflag:s7] =	ssyncadd.s32 $0xFFFFF800  }
0x5b: {  	[hbm4b:s8+s9] =	stream.indirect.scatter [tilespmem:s6], [sflag:$0x2], $0x40, s16, s9, $0xb8;
	[tilespmem:$0x8A0] =	vst v63  }
0x5c: {  	_ =	swait.ge [sflag:s4], $0x800  }
0x5d: {  	[sflag:s4] =	ssyncset.done $0x0  }
.LBB2_2:
0x5e: {  	[sflag:s4] =	ssyncadd.s32 $0xFFFFF800  }
0x5f: {  	_ =	sfence.sel $0x180000  }
0x60: {  	[bflag:$0x0] =	sbarrier.arrive $0xFFFF  }
0x61: {  	p0 =	sne.s32 s0, $0x0;
	_ =	strace $0x90000056  }
0x62: {  	s0 =	sadd.s32 @!p0 $0x100000, s1;
	[bflag:$0x2] =	sbarrier.arrive $0xFFFF  }
0x63: {  	[sflag:s0] =	ssyncadd.tile.s32 @!p0 $0x1;
	_ =	shalt  }
.Lfunc_end2:
_tile_overlayer_lowered:
.L_overlay_start_2:
0x64: {  	(tag) =	ssettag $0x2  }
0x65: {  	s0 =	rddreg [dreg:$0x0];
	s2 =	stileid.u32  }
0x66: {  	s1 =	rddreg [dreg:$0x1];
	p0 =	sne.s32 s2, $0x0  }
0x67: {  	s3 =	rddreg [dreg:$0x2];
	[bflag:$0x3] =	sbarrier.arrive $0xFFFF;
	s2 =	simm.s32 @!p0 $0x1C02  }
0x68: {  	[timem:s3], [sflag:s2] =	dma.local @!p0 [hbm:s0], s1  }
0x69: {  	s0 =	simm.s32 @!p0 $0x2  }
0x6a: {  	_ =	swait.ge @!p0 [sflag:s0], s1  }
0x6b: {  	s1 =	ssub.s32 @!p0 $0x0, s1;
	[sflag:s0] =	ssyncset.done @!p0 $0x0  }
0x6c: {  	[sflag:s0] =	ssyncadd.s32 @!p0 s1  }
0x6d: {  	[bflag:$0x3] =	sbarrier.arrive $0xFFFF  }
0x6e: {  	_ =	shalt  }

</sc_bundles>
